<compile_context>
chip_gen: v7x
topology: tpu7x:2x2x1
jax: 0.10.2.dev20260603
libtpu: 0.0.44.dev20260713+nightly
codegen_flags: <defaults>
</compile_context>

<pallas_src>
import functools

import jax
import jax.numpy as jnp
from jax import lax
from jax.experimental import pallas as pl
from jax.experimental.pallas import tpu as pltpu
from jax.experimental.pallas import tpu_sc as plsc

F = 128
E = 160000
T = 480000


_BE = 1000


def _k1_body(f_ref, w1t_ref, b1_ref, w2t_ref, b2_ref, h_ref):
    x = f_ref[...]
    x = jax.nn.silu(jnp.dot(x, w1t_ref[...], preferred_element_type=jnp.float32)
                    + b1_ref[...])
    x = jax.nn.silu(jnp.dot(x, w2t_ref[...], preferred_element_type=jnp.float32)
                    + b2_ref[...])
    a = lax.bitcast_convert_type(x[:, :F].astype(jnp.bfloat16),
                                 jnp.int16).astype(jnp.int32) & 0xFFFF
    b = lax.bitcast_convert_type(x[:, F:].astype(jnp.bfloat16),
                                 jnp.int16).astype(jnp.int32)
    h_ref[...] = a | (b << 16)


def _k1(f, W1t, b1, W2t, b2):
    n = E // _BE
    return pl.pallas_call(
        _k1_body,
        grid=(n,),
        in_specs=[
            pl.BlockSpec((_BE, 2 * F), lambda i: (i, 0)),
            pl.BlockSpec((2 * F, 2 * F), lambda i: (0, 0)),
            pl.BlockSpec((1, 2 * F), lambda i: (0, 0)),
            pl.BlockSpec((2 * F, 2 * F), lambda i: (0, 0)),
            pl.BlockSpec((1, 2 * F), lambda i: (0, 0)),
        ],
        out_specs=pl.BlockSpec((_BE, F), lambda i: (i, 0)),
        out_shape=jax.ShapeDtypeStruct((E, F), jnp.int32),
    )(f, W1t, b1, W2t, b2)



_B2 = 40
_NB2 = T // (32 * _B2)


def _k2_body(h_hbm, ji_hbm, ki_hbm, gki_hbm, gji_hbm,
             ji0, ji1, ji2, ki0, ki1, ki2,
             hki0, hki1, hki2, hji0, hji1, hji2,
             sx0, sx1, sx2, si0, si1, si2, so0, so1, so2):
    wid = lax.axis_index("s") * 2 + lax.axis_index("c")
    base = wid * (T // 32)
    ji = (ji0, ji1, ji2)
    ki = (ki0, ki1, ki2)
    hki = (hki0, hki1, hki2)
    hji = (hji0, hji1, hji2)
    sx = (sx0, sx1, sx2)
    si = (si0, si1, si2)
    so = (so0, so1, so2)

    def issue_idx(k, s):
        rb = base + k * _B2
        pltpu.async_copy(ji_hbm.at[pl.ds(rb, _B2)], ji[s], sx[s])
        pltpu.async_copy(ki_hbm.at[pl.ds(rb, _B2)], ki[s], sx[s])

    def drain_idx(s):
        pltpu.make_async_copy(ji_hbm.at[pl.ds(0, _B2)], ji[s], sx[s]).wait()
        pltpu.make_async_copy(ki_hbm.at[pl.ds(0, _B2)], ki[s], sx[s]).wait()

    def issue_in(k, s):
        pltpu.async_copy(h_hbm.at[ki[s]], hki[s], si[s])
        pltpu.async_copy(h_hbm.at[ji[s]], hji[s], si[s])

    def drain_in(s):
        pltpu.make_async_copy(h_hbm.at[ki[s]], hki[s], si[s]).wait()
        pltpu.make_async_copy(h_hbm.at[ji[s]], hji[s], si[s]).wait()

    def issue_out(k, s):
        rb = base + k * _B2
        pltpu.async_copy(hki[s], gki_hbm.at[pl.ds(rb, _B2)], so[s])
        pltpu.async_copy(hji[s], gji_hbm.at[pl.ds(rb, _B2)], so[s])

    def drain_out(s):
        pltpu.make_async_copy(hki[s], gki_hbm.at[pl.ds(0, _B2)], so[s]).wait()
        pltpu.make_async_copy(hji[s], gji_hbm.at[pl.ds(0, _B2)], so[s]).wait()

    pltpu.sync_copy(ji_hbm.at[pl.ds(base, _B2)], ji[0])
    pltpu.sync_copy(ki_hbm.at[pl.ds(base, _B2)], ki[0])
    issue_in(0, 0)
    issue_idx(1, 1)
    issue_idx(2, 2)
    drain_idx(1)
    issue_in(1, 1)

    def step(k3, carry):
        for b in range(3):
            k = 3 * k3 + b
            s = b
            drain_in(s)
            issue_out(k, s)

            @pl.when(k + 2 < _NB2)
            def _():
                s2 = (b + 2) % 3
                drain_idx(s2)

                @pl.when(k >= 1)
                def _():
                    drain_out(s2)
                issue_in(k + 2, s2)

            @pl.when(k + 3 < _NB2)
            def _():
                issue_idx(k + 3, s)
        return carry

    lax.fori_loop(0, _NB2 // 3, step, 0)
    drain_out(0)
    drain_out(1)
    drain_out(2)


def _k2(h, ji, ki):
    mesh = plsc.VectorSubcoreMesh(core_axis_name="c", subcore_axis_name="s")
    idx_t = pltpu.VMEM((_B2,), jnp.int32)
    g_t = pltpu.VMEM((_B2, F), jnp.int32)
    sem = pltpu.SemaphoreType.DMA
    kern = functools.partial(
        pl.kernel,
        mesh=mesh,
        compiler_params=pltpu.CompilerParams(needs_layout_passes=False),
        out_type=[jax.ShapeDtypeStruct((T, F), jnp.int32),
                  jax.ShapeDtypeStruct((T, F), jnp.int32)],
        scratch_types=(
            [idx_t] * 6 + [g_t] * 6 + [sem] * 9
        ),
    )(_k2_body)
    return kern(h, ji, ki)



_BT = 1000


def _k3_body(gki_ref, gji_ref, m01_ref, m02_ref,
             ws01t, bs01, ws02t, bs02, wsat, wsbt, bs, woutt, c_ref):
    gki = gki_ref[...]
    gji = gji_ref[...]
    maskh = jnp.int32(-65536)
    aki = lax.bitcast_convert_type(gki << 16, jnp.float32)
    aji = lax.bitcast_convert_type(gji << 16, jnp.float32)
    bki = lax.bitcast_convert_type(gki & maskh, jnp.float32)
    bji = lax.bitcast_convert_type(gji & maskh, jnp.float32)
    p01 = aki * m01_ref[...] * aji
    p02 = bki * m02_ref[...] * bji
    s01 = jax.nn.silu(jnp.dot(p01, ws01t[...], preferred_element_type=jnp.float32)
                      + bs01[...])
    s02 = jax.nn.silu(jnp.dot(p02, ws02t[...], preferred_element_type=jnp.float32)
                      + bs02[...])
    s = (jnp.dot(s01, wsat[...], preferred_element_type=jnp.float32)
         + jnp.dot(s02, wsbt[...], preferred_element_type=jnp.float32)
         + bs[...])
    c_ref[...] = jnp.dot(jax.nn.silu(s), woutt[...],
                         preferred_element_type=jnp.float32)


def _k3(gki, gji, M01, M02, Ws01t, bs01, Ws02t, bs02, Wsat, Wsbt, bs, Woutt):
    n = T // _BT
    dspec = pl.BlockSpec((_BT, F), lambda i: (i, 0))
    wspec = pl.BlockSpec((F, F), lambda i: (0, 0))
    bspec = pl.BlockSpec((1, F), lambda i: (0, 0))
    return pl.pallas_call(
        _k3_body,
        grid=(n,),
        in_specs=[
            dspec, dspec, dspec, dspec,
            wspec, bspec, wspec, bspec, wspec, wspec, bspec, wspec,
        ],
        out_specs=pl.BlockSpec((_BT, F), lambda i: (i, 0)),
        out_shape=jax.ShapeDtypeStruct((T, F), jnp.float32),
    )(gki, gji, M01, M02, Ws01t, bs01, Ws02t, bs02, Wsat, Wsbt, bs, Woutt)



_CH = 6400
_NCH = (E + _CH - 1) // _CH
_CHL = E - (_NCH - 1) * _CH
_RPT = _CH // 16
_RPTL = _CHL // 16
_TSH = T // 16
_NV = _TSH // 16
_SENT = _CH + 1


def _k4_body(cp_hbm, ji_hbm, bout_hbm, out_hbm,
             idx_sh, flat_pk, rows0, rows1, pos0, pos1, lidx0, lidx1,
             bias_b, sg0, sg1, sa0, sa1, acc):
    cid = lax.axis_index("c")
    sid = lax.axis_index("s")
    rows = (rows0, rows1)
    posb = (pos0, pos1)
    lidxb = (lidx0, lidx1)
    sg = (sg0, sg1)
    sa = (sa0, sa1)

    pltpu.sync_copy(ji_hbm.at[pl.ds(sid * _TSH, _TSH)], idx_sh)
    pltpu.sync_copy(bout_hbm, bias_b.at[0])
    for c in range(8):
        bv = bias_b[0, pl.ds(c * 16, 16)]
        for r in range(1, 16):
            bias_b[r, pl.ds(c * 16, 16)] = bv

    iota = jnp.arange(16, dtype=jnp.int32)
    sent = jnp.full((16,), _SENT, dtype=jnp.int32)

    def chunk(ci, carry):
        chunk_id = 2 * ci + cid
        lo = chunk_id * _CH
        hi = jnp.minimum(lo + _CH, E)

        def init(k, c2):
            pltpu.sync_copy(bias_b, acc.at[pl.ds(sid * _RPT + k * 16, 16)])
            return c2
        lax.fori_loop(0, _RPT // 16, init, 0)
        if _RPT % 16:
            pltpu.sync_copy(
                bias_b.at[pl.ds(0, _RPT % 16)],
                acc.at[pl.ds(sid * _RPT + _RPT - _RPT % 16, _RPT % 16)])

        @pl.when(sid == 15)
        def _():
            pltpu.sync_copy(bias_b.at[pl.ds(0, 8)], acc.at[pl.ds(_CH, 8)])

        plsc.subcore_barrier()

        def filt2(v2, n):
            idxv1 = idx_sh[pl.ds(v2 * 32, 16)]
            idxv2 = idx_sh[pl.ds(v2 * 32 + 16, 16)]
            m1 = (idxv1 >= lo) & (idxv1 < hi)
            m2 = (idxv2 >= lo) & (idxv2 < hi)
            cum1 = plsc.cumsum(m1.astype(jnp.int32))
            cum2 = plsc.cumsum(m2.astype(jnp.int32))
            base_t = sid * _TSH + v2 * 32
            wpos1 = jnp.where(m1, n + cum1 - 1, _TSH + 64 + iota)
            pk1 = ((iota + base_t) << 13) | (idxv1 - lo)
            plsc.store_scatter(flat_pk, [wpos1], pk1)
            n1 = n + cum1[15]
            wpos2 = jnp.where(m2, n1 + cum2 - 1, _TSH + 64 + iota)
            pk2 = ((iota + (base_t + 16)) << 13) | (idxv2 - lo)
            plsc.store_scatter(flat_pk, [wpos2], pk2)
            return n1 + cum2[15]

        n = lax.fori_loop(0, _NV // 2, filt2, jnp.int32(0))
        idxv = idx_sh[pl.ds((_NV - 1) * 16, 16)]
        m = (idxv >= lo) & (idxv < hi)
        cum = plsc.cumsum(m.astype(jnp.int32))
        wpos = jnp.where(m, n + cum - 1, _TSH + 64 + iota)
        pk = ((iota + (sid * _TSH + (_NV - 1) * 16)) << 13) | (idxv - lo)
        plsc.store_scatter(flat_pk, [wpos], pk)
        n = n + cum[15]
        for t in range(4):
            plsc.store_scatter(flat_pk, [n + t * 16 + iota], sent)

        nb = (n + 63) // 64

        def unpack(j, b):
            for q in range(4):
                pk = flat_pk[pl.ds(j * 64 + q * 16, 16)]
                posb[b][pl.ds(q * 16, 16)] = lax.shift_right_logical(pk, 13)
                lidxb[b][pl.ds(q * 16, 16)] = pk & 8191

        @pl.when(nb > 0)
        def _():
            unpack(0, 0)
            pltpu.async_copy(cp_hbm.at[posb[0]], rows[0], sg[0])

        def batch2(j2, c2):
            for b in range(2):
                j = 2 * j2 + b

                @pl.when(j < nb)
                def _():
                    pltpu.make_async_copy(cp_hbm.at[posb[b]], rows[b],
                                          sg[b]).wait()

                    @pl.when(j >= 1)
                    def _():
                        pltpu.make_async_copy(rows[1 - b], acc.at[lidxb[1 - b]],
                                              sa[1 - b]).wait()

                    @pl.when(j + 1 < nb)
                    def _():
                        unpack(j + 1, 1 - b)
                        pltpu.async_copy(cp_hbm.at[posb[1 - b]], rows[1 - b],
                                         sg[1 - b])
                    pltpu.async_copy(rows[b], acc.at[lidxb[b]], sa[b],
                                     add=True)
            return c2

        lax.fori_loop(0, (nb + 1) // 2, batch2, 0)

        @pl.when((nb & 1) == 1)
        def _():
            pltpu.make_async_copy(rows[0], acc.at[lidxb[0]], sa[0]).wait()

        @pl.when((nb != 0) & ((nb & 1) == 0))
        def _():
            pltpu.make_async_copy(rows[1], acc.at[lidxb[1]], sa[1]).wait()

        plsc.subcore_barrier()

        @pl.when(chunk_id < _NCH - 1)
        def _():
            pltpu.sync_copy(acc.at[pl.ds(sid * _RPT, _RPT)],
                            out_hbm.at[pl.ds(lo + sid * _RPT, _RPT)])

        @pl.when(chunk_id == _NCH - 1)
        def _():
            pltpu.sync_copy(acc.at[pl.ds(sid * _RPTL, _RPTL)],
                            out_hbm.at[pl.ds(lo + sid * _RPTL, _RPTL)])

        plsc.subcore_barrier()
        return carry

    ntrip = jnp.where(cid == 0, (_NCH + 1) // 2, _NCH // 2)
    lax.fori_loop(0, ntrip, chunk, 0)


def _k4(cp, ji, bout):
    mesh = plsc.VectorSubcoreMesh(core_axis_name="c", subcore_axis_name="s")
    kern = functools.partial(
        pl.kernel,
        mesh=mesh,
        compiler_params=pltpu.CompilerParams(needs_layout_passes=False),
        out_type=jax.ShapeDtypeStruct((E, F), jnp.float32),
        scratch_types=[
            pltpu.VMEM((_TSH,), jnp.int32),
            pltpu.VMEM((_TSH + 80, ), jnp.int32),
            pltpu.VMEM((64, F), jnp.float32),
            pltpu.VMEM((64, F), jnp.float32),
            pltpu.VMEM((64,), jnp.int32),
            pltpu.VMEM((64,), jnp.int32),
            pltpu.VMEM((64,), jnp.int32),
            pltpu.VMEM((64,), jnp.int32),
            pltpu.VMEM((16, F), jnp.float32),
            pltpu.SemaphoreType.DMA, pltpu.SemaphoreType.DMA,
            pltpu.SemaphoreType.DMA, pltpu.SemaphoreType.DMA,
            pltpu.VMEM_SHARED((_CH + 8, F), jnp.float32),
        ],
    )(_k4_body)
    return kern(cp, ji, bout)



def kernel(f, M01, M02, num_edges, idx_ji, idx_ki,
           W1, b1, W2, b2, Ws01, bs01, Ws02, bs02, Ws, bs, Wout, bout):
    ji = idx_ji.astype(jnp.int32)
    ki = idx_ki.astype(jnp.int32)
    h = _k1(f, W1.T, b1.reshape(1, -1), W2.T, b2.reshape(1, -1))
    gki, gji = _k2(h, ji, ki)
    cp = _k3(gki, gji, M01, M02,
             Ws01.T, bs01.reshape(1, -1), Ws02.T, bs02.reshape(1, -1),
             Ws[:, :F].T, Ws[:, F:].T, bs.reshape(1, -1), Wout.T)
    return _k4(cp, ji, bout)

# --- scband reference (transcript-rebuilt; emitter-appended) ---
"""Pipeline reference for scband-moment-interaction-73821897883896 (READ-ONLY COPY).

The authoritative reference and input builder live on the scoring server;
editing this copy changes nothing except your own understanding.
"""

import jax, jax.numpy as jnp
import numpy as np

E = 160000
T = 480000
F = 128


def setup_inputs(seed: int = 0) -> dict:
    key = jax.random.key(seed)
    ks = jax.random.split(key, 20)
    f = jax.random.normal(ks[0], (E, 2 * F), dtype=jnp.float32)
    M01 = jax.random.normal(ks[1], (T, F), dtype=jnp.float32)
    M02 = jax.random.normal(ks[2], (T, F), dtype=jnp.float32)
    idx_ji = jax.random.randint(ks[3], (T,), 0, E, dtype=jnp.int64)
    idx_ki = jax.random.randint(ks[4], (T,), 0, E, dtype=jnp.int64)
    # split_net: MLP([2F, 2F, 2F]) -> two Linear layers, act after first only (plain_last)
    W1 = jax.random.normal(ks[5], (2 * F, 2 * F), dtype=jnp.float32) * 0.05
    b1 = jnp.zeros((2 * F,), dtype=jnp.float32)
    W2 = jax.random.normal(ks[6], (2 * F, 2 * F), dtype=jnp.float32) * 0.05
    b2 = jnp.zeros((2 * F,), dtype=jnp.float32)
    Ws01 = jax.random.normal(ks[7], (F, F), dtype=jnp.float32) * 0.05
    bs01 = jnp.zeros((F,), dtype=jnp.float32)
    Ws02 = jax.random.normal(ks[8], (F, F), dtype=jnp.float32) * 0.05
    bs02 = jnp.zeros((F,), dtype=jnp.float32)
    Ws = jax.random.normal(ks[9], (F, 2 * F), dtype=jnp.float32) * 0.05
    bs = jnp.zeros((F,), dtype=jnp.float32)
    Wout = jax.random.normal(ks[10], (F, F), dtype=jnp.float32) * 0.05
    bout = jnp.zeros((F,), dtype=jnp.float32)
    return {
        "f": f, "M01": M01, "M02": M02, "num_edges": E,
        "idx_ji": idx_ji, "idx_ki": idx_ki,
        "W1": W1, "b1": b1, "W2": W2, "b2": b2,
        "Ws01": Ws01, "bs01": bs01, "Ws02": Ws02, "bs02": bs02,
        "Ws": Ws, "bs": bs, "Wout": Wout, "bout": bout,
    }


def reference(f, M01, M02, num_edges, idx_ji, idx_ki,
              W1, b1, W2, b2, Ws01, bs01, Ws02, bs02, Ws, bs, Wout, bout):
    act = jax.nn.silu
    # split_net MLP: Linear -> silu -> Linear (plain last, no norm)
    h = act(f @ W1.T + b1)
    h = h @ W2.T + b2
    h = act(h)
    f01 = h[:, :F]
    f02 = h[:, F:]
    s01 = jnp.take(f01, idx_ki, axis=0) * M01 * jnp.take(f01, idx_ji, axis=0)
    s01 = act(s01 @ Ws01.T + bs01)
    s02 = jnp.take(f02, idx_ki, axis=0) * M02 * jnp.take(f02, idx_ji, axis=0)
    s02 = act(s02 @ Ws02.T + bs02)
    s = jnp.concatenate((s01, s02), axis=-1) @ Ws.T + bs
    out = jax.ops.segment_sum(act(s), idx_ji, num_segments=f.shape[0])
    return out @ Wout.T + (bout + jnp.zeros((), dtype=bout.dtype) * num_edges)

if __name__ == "__main__":
    import jax
    _d = setup_inputs()
    print(jax.jit(kernel)(*tuple(_d.values())))

</pallas_src>

<mosaic_0001>
#map = affine_map<(d0, d1) -> (0, 0)>
#map1 = affine_map<(d0, d1) -> (0)>
module attributes {stable_mosaic.version = 14 : i64} {
  func.func @_k4_body(%arg0: i32, %arg1: i32, %arg2: memref<480000x128xf32, #tpu.memory_space<hbm>>, %arg3: memref<480000xi32, #tpu.memory_space<hbm>>, %arg4: memref<128xf32, #tpu.memory_space<hbm>>, %arg5: memref<160000x128xf32, #tpu.memory_space<hbm>>, %arg6: memref<30000xi32, #tpu.memory_space<vmem>>, %arg7: memref<30080xi32, #tpu.memory_space<vmem>>, %arg8: memref<64x128xf32, #tpu.memory_space<vmem>>, %arg9: memref<64x128xf32, #tpu.memory_space<vmem>>, %arg10: memref<64xi32, #tpu.memory_space<vmem>>, %arg11: memref<64xi32, #tpu.memory_space<vmem>>, %arg12: memref<64xi32, #tpu.memory_space<vmem>>, %arg13: memref<64xi32, #tpu.memory_space<vmem>>, %arg14: memref<16x128xf32, #tpu.memory_space<vmem>>, %arg15: memref<!tpu.dma_semaphore, #tpu.memory_space<semaphore_mem>>, %arg16: memref<!tpu.dma_semaphore, #tpu.memory_space<semaphore_mem>>, %arg17: memref<!tpu.dma_semaphore, #tpu.memory_space<semaphore_mem>>, %arg18: memref<!tpu.dma_semaphore, #tpu.memory_space<semaphore_mem>>, %arg19: memref<6408x128xf32, #tpu.memory_space<vmem_shared>>) attributes {dimension_semantics = [#tpu.dimension_semantics<core_parallel>, #tpu.dimension_semantics<subcore_parallel>], iteration_bounds = array<i64: 2, 16>, scalar_prefetch = 0 : i64, scratch_operands = 14 : i64, tpu.core_type = #tpu.core_type<sc_vector_subcore>, window_params = [{transform_indices = #map}, {transform_indices = #map1}, {transform_indices = #map1}, {transform_indices = #map}]} {
    %mul3A = arith.constant 30000 : i32
    %mul3A_0 = arith.muli %arg1, %mul3A : i32
    "tpu.region"() ({
      %run_scoped3A_523 = tpu.sem_alloc : memref<!tpu.dma_semaphore, #tpu.memory_space<semaphore_mem>>
      %dma_start3A = tpu.memref_slice %arg3[%mul3A_0] : memref<480000xi32, #tpu.memory_space<hbm>> -> memref<30000xi32, #tpu.memory_space<hbm>>
      %dma_start3A_524 = tpu.memref_slice %arg3[%mul3A_0] : memref<480000xi32, #tpu.memory_space<hbm>> -> memref<30000xi32, #tpu.memory_space<hbm>>
      tpu.enqueue_dma source(%dma_start3A_524 : memref<30000xi32, #tpu.memory_space<hbm>>) target(%arg6 : memref<30000xi32, #tpu.memory_space<vmem>>) target_semaphore(%run_scoped3A_523 : memref<!tpu.dma_semaphore, #tpu.memory_space<semaphore_mem>>)
      %dma_wait3A = tpu.memref_slice %arg3[%mul3A_0] : memref<480000xi32, #tpu.memory_space<hbm>> -> memref<30000xi32, #tpu.memory_space<hbm>>
      %dma_wait3A_525 = tpu.memref_slice %arg3[%mul3A_0] : memref<480000xi32, #tpu.memory_space<hbm>> -> memref<30000xi32, #tpu.memory_space<hbm>>
      tpu.wait_dma2 semaphore(%run_scoped3A_523 : memref<!tpu.dma_semaphore, #tpu.memory_space<semaphore_mem>>) src(%dma_wait3A_525 : memref<30000xi32, #tpu.memory_space<hbm>>) dst(%arg6 : memref<30000xi32, #tpu.memory_space<vmem>>)
      tpu.yield
    }) : () -> ()
    %run_scoped3A = arith.constant 0 : i32
    "tpu.region"() ({
      %run_scoped3A_523 = tpu.sem_alloc : memref<!tpu.dma_semaphore, #tpu.memory_space<semaphore_mem>>
      %dma_start3A = arith.constant 0 : i32
      %dma_start3A_524 = tpu.memref_slice %arg14[%run_scoped3A, %dma_start3A] : memref<16x128xf32, #tpu.memory_space<vmem>> -> memref<1x128xf32, #tpu.memory_space<vmem>>
      %dma_start3A_525 = tpu.memref_squeeze %dma_start3A_524 : memref<1x128xf32, #tpu.memory_space<vmem>> -> memref<128xf32, #tpu.memory_space<vmem>>
      %dma_start3A_526 = arith.constant 0 : i32
      %dma_start3A_527 = tpu.memref_slice %arg14[%run_scoped3A, %dma_start3A_526] : memref<16x128xf32, #tpu.memory_space<vmem>> -> memref<1x128xf32, #tpu.memory_space<vmem>>
      %dma_start3A_528 = tpu.memref_squeeze %dma_start3A_527 : memref<1x128xf32, #tpu.memory_space<vmem>> -> memref<128xf32, #tpu.memory_space<vmem>>
      tpu.enqueue_dma source(%arg4 : memref<128xf32, #tpu.memory_space<hbm>>) target(%dma_start3A_528 : memref<128xf32, #tpu.memory_space<vmem>>) target_semaphore(%run_scoped3A_523 : memref<!tpu.dma_semaphore, #tpu.memory_space<semaphore_mem>>)
      %dma_wait3A = arith.constant 0 : i32
      %dma_wait3A_529 = tpu.memref_slice %arg14[%run_scoped3A, %dma_wait3A] : memref<16x128xf32, #tpu.memory_space<vmem>> -> memref<1x128xf32, #tpu.memory_space<vmem>>
      %dma_wait3A_530 = tpu.memref_squeeze %dma_wait3A_529 : memref<1x128xf32, #tpu.memory_space<vmem>> -> memref<128xf32, #tpu.memory_space<vmem>>
      %dma_wait3A_531 = arith.constant 0 : i32
      %dma_wait3A_532 = tpu.memref_slice %arg14[%run_scoped3A, %dma_wait3A_531] : memref<16x128xf32, #tpu.memory_space<vmem>> -> memref<1x128xf32, #tpu.memory_space<vmem>>
      %dma_wait3A_533 = tpu.memref_squeeze %dma_wait3A_532 : memref<1x128xf32, #tpu.memory_space<vmem>> -> memref<128xf32, #tpu.memory_space<vmem>>
      tpu.wait_dma2 semaphore(%run_scoped3A_523 : memref<!tpu.dma_semaphore, #tpu.memory_space<semaphore_mem>>) src(%arg4 : memref<128xf32, #tpu.memory_space<hbm>>) dst(%dma_wait3A_533 : memref<128xf32, #tpu.memory_space<vmem>>)
      tpu.yield
    }) : () -> ()
    %get3A = arith.constant 0 : i32
    %get3A_1 = arith.index_cast %get3A : i32 to index
    %get3A_2 = arith.constant 0 : index
    %get3A_3 = tpu.vector_load %arg14[%get3A_1, %get3A_2] {strides = array<i32>} : memref<16x128xf32, #tpu.memory_space<vmem>>, vector<16xf32>,
    %swap3A = arith.constant 1 : i32
    %swap3A_4 = arith.index_cast %swap3A : i32 to index
    %swap3A_5 = arith.constant 0 : index
    %swap3A_6 = tpu.vector_load %arg14[%swap3A_4, %swap3A_5] {strides = array<i32>} : memref<16x128xf32, #tpu.memory_space<vmem>>, vector<16xf32>,
    tpu.vector_store %arg14[%swap3A_4, %swap3A_5], %get3A_3 {strides = array<i32>} : memref<16x128xf32, #tpu.memory_space<vmem>>, vector<16xf32>,
    %swap3A_7 = arith.constant 2 : i32
    %swap3A_8 = arith.index_cast %swap3A_7 : i32 to index
    %swap3A_9 = arith.constant 0 : index
    %swap3A_10 = tpu.vector_load %arg14[%swap3A_8, %swap3A_9] {strides = array<i32>} : memref<16x128xf32, #tpu.memory_space<vmem>>, vector<16xf32>,
    tpu.vector_store %arg14[%swap3A_8, %swap3A_9], %get3A_3 {strides = array<i32>} : memref<16x128xf32, #tpu.memory_space<vmem>>, vector<16xf32>,
    %swap3A_11 = arith.constant 3 : i32
    %swap3A_12 = arith.index_cast %swap3A_11 : i32 to index
    %swap3A_13 = arith.constant 0 : index
    %swap3A_14 = tpu.vector_load %arg14[%swap3A_12, %swap3A_13] {strides = array<i32>} : memref<16x128xf32, #tpu.memory_space<vmem>>, vector<16xf32>,
    tpu.vector_store %arg14[%swap3A_12, %swap3A_13], %get3A_3 {strides = array<i32>} : memref<16x128xf32, #tpu.memory_space<vmem>>, vector<16xf32>,
    %swap3A_15 = arith.constant 4 : i32
    %swap3A_16 = arith.index_cast %swap3A_15 : i32 to index
    %swap3A_17 = arith.constant 0 : index
    %swap3A_18 = tpu.vector_load %arg14[%swap3A_16, %swap3A_17] {strides = array<i32>} : memref<16x128xf32, #tpu.memory_space<vmem>>, vector<16xf32>,
    tpu.vector_store %arg14[%swap3A_16, %swap3A_17], %get3A_3 {strides = array<i32>} : memref<16x128xf32, #tpu.memory_space<vmem>>, vector<16xf32>,
    %swap3A_19 = arith.constant 5 : i32
    %swap3A_20 = arith.index_cast %swap3A_19 : i32 to index
    %swap3A_21 = arith.constant 0 : index
    %swap3A_22 = tpu.vector_load %arg14[%swap3A_20, %swap3A_21] {strides = array<i32>} : memref<16x128xf32, #tpu.memory_space<vmem>>, vector<16xf32>,
    tpu.vector_store %arg14[%swap3A_20, %swap3A_21], %get3A_3 {strides = array<i32>} : memref<16x128xf32, #tpu.memory_space<vmem>>, vector<16xf32>,
    %swap3A_23 = arith.constant 6 : i32
    %swap3A_24 = arith.index_cast %swap3A_23 : i32 to index
    %swap3A_25 = arith.constant 0 : index
    %swap3A_26 = tpu.vector_load %arg14[%swap3A_24, %swap3A_25] {strides = array<i32>} : memref<16x128xf32, #tpu.memory_space<vmem>>, vector<16xf32>,
    tpu.vector_store %arg14[%swap3A_24, %swap3A_25], %get3A_3 {strides = array<i32>} : memref<16x128xf32, #tpu.memory_space<vmem>>, vector<16xf32>,
    %swap3A_27 = arith.constant 7 : i32
    %swap3A_28 = arith.index_cast %swap3A_27 : i32 to index
    %swap3A_29 = arith.constant 0 : index
    %swap3A_30 = tpu.vector_load %arg14[%swap3A_28, %swap3A_29] {strides = array<i32>} : memref<16x128xf32, #tpu.memory_space<vmem>>, vector<16xf32>,
    tpu.vector_store %arg14[%swap3A_28, %swap3A_29], %get3A_3 {strides = array<i32>} : memref<16x128xf32, #tpu.memory_space<vmem>>, vector<16xf32>,
    %swap3A_31 = arith.constant 8 : i32
    %swap3A_32 = arith.index_cast %swap3A_31 : i32 to index
    %swap3A_33 = arith.constant 0 : index
    %swap3A_34 = tpu.vector_load %arg14[%swap3A_32, %swap3A_33] {strides = array<i32>} : memref<16x128xf32, #tpu.memory_space<vmem>>, vector<16xf32>,
    tpu.vector_store %arg14[%swap3A_32, %swap3A_33], %get3A_3 {strides = array<i32>} : memref<16x128xf32, #tpu.memory_space<vmem>>, vector<16xf32>,
    %swap3A_35 = arith.constant 9 : i32
    %swap3A_36 = arith.index_cast %swap3A_35 : i32 to index
    %swap3A_37 = arith.constant 0 : index
    %swap3A_38 = tpu.vector_load %arg14[%swap3A_36, %swap3A_37] {strides = array<i32>} : memref<16x128xf32, #tpu.memory_space<vmem>>, vector<16xf32>,
    tpu.vector_store %arg14[%swap3A_36, %swap3A_37], %get3A_3 {strides = array<i32>} : memref<16x128xf32, #tpu.memory_space<vmem>>, vector<16xf32>,
    %swap3A_39 = arith.constant 10 : i32
    %swap3A_40 = arith.index_cast %swap3A_39 : i32 to index
    %swap3A_41 = arith.constant 0 : index
    %swap3A_42 = tpu.vector_load %arg14[%swap3A_40, %swap3A_41] {strides = array<i32>} : memref<16x128xf32, #tpu.memory_space<vmem>>, vector<16xf32>,
    tpu.vector_store %arg14[%swap3A_40, %swap3A_41], %get3A_3 {strides = array<i32>} : memref<16x128xf32, #tpu.memory_space<vmem>>, vector<16xf32>,
    %swap3A_43 = arith.constant 11 : i32
    %swap3A_44 = arith.index_cast %swap3A_43 : i32 to index
    %swap3A_45 = arith.constant 0 : index
    %swap3A_46 = tpu.vector_load %arg14[%swap3A_44, %swap3A_45] {strides = array<i32>} : memref<16x128xf32, #tpu.memory_space<vmem>>, vector<16xf32>,
    tpu.vector_store %arg14[%swap3A_44, %swap3A_45], %get3A_3 {strides = array<i32>} : memref<16x128xf32, #tpu.memory_space<vmem>>, vector<16xf32>,
    %swap3A_47 = arith.constant 12 : i32
    %swap3A_48 = arith.index_cast %swap3A_47 : i32 to index
    %swap3A_49 = arith.constant 0 : index
    %swap3A_50 = tpu.vector_load %arg14[%swap3A_48, %swap3A_49] {strides = array<i32>} : memref<16x128xf32, #tpu.memory_space<vmem>>, vector<16xf32>,
    tpu.vector_store %arg14[%swap3A_48, %swap3A_49], %get3A_3 {strides = array<i32>} : memref<16x128xf32, #tpu.memory_space<vmem>>, vector<16xf32>,
    %swap3A_51 = arith.constant 13 : i32
    %swap3A_52 = arith.index_cast %swap3A_51 : i32 to index
    %swap3A_53 = arith.constant 0 : index
    %swap3A_54 = tpu.vector_load %arg14[%swap3A_52, %swap3A_53] {strides = array<i32>} : memref<16x128xf32, #tpu.memory_space<vmem>>, vector<16xf32>,
    tpu.vector_store %arg14[%swap3A_52, %swap3A_53], %get3A_3 {strides = array<i32>} : memref<16x128xf32, #tpu.memory_space<vmem>>, vector<16xf32>,
    %swap3A_55 = arith.constant 14 : i32
    %swap3A_56 = arith.index_cast %swap3A_55 : i32 to index
    %swap3A_57 = arith.constant 0 : index
    %swap3A_58 = tpu.vector_load %arg14[%swap3A_56, %swap3A_57] {strides = array<i32>} : memref<16x128xf32, #tpu.memory_space<vmem>>, vector<16xf32>,
    tpu.vector_store %arg14[%swap3A_56, %swap3A_57], %get3A_3 {strides = array<i32>} : memref<16x128xf32, #tpu.memory_space<vmem>>, vector<16xf32>,
    %swap3A_59 = arith.constant 15 : i32
    %swap3A_60 = arith.index_cast %swap3A_59 : i32 to index
    %swap3A_61 = arith.constant 0 : index
    %swap3A_62 = tpu.vector_load %arg14[%swap3A_60, %swap3A_61] {strides = array<i32>} : memref<16x128xf32, #tpu.memory_space<vmem>>, vector<16xf32>,
    tpu.vector_store %arg14[%swap3A_60, %swap3A_61], %get3A_3 {strides = array<i32>} : memref<16x128xf32, #tpu.memory_space<vmem>>, vector<16xf32>,
    %get3A_63 = arith.constant 0 : i32
    %get3A_64 = arith.index_cast %get3A_63 : i32 to index
    %get3A_65 = arith.constant 16 : index
    %get3A_66 = tpu.vector_load %arg14[%get3A_64, %get3A_65] {strides = array<i32>} : memref<16x128xf32, #tpu.memory_space<vmem>>, vector<16xf32>,
    %swap3A_67 = arith.constant 1 : i32
    %swap3A_68 = arith.index_cast %swap3A_67 : i32 to index
    %swap3A_69 = arith.constant 16 : index
    %swap3A_70 = tpu.vector_load %arg14[%swap3A_68, %swap3A_69] {strides = array<i32>} : memref<16x128xf32, #tpu.memory_space<vmem>>, vector<16xf32>,
    tpu.vector_store %arg14[%swap3A_68, %swap3A_69], %get3A_66 {strides = array<i32>} : memref<16x128xf32, #tpu.memory_space<vmem>>, vector<16xf32>,
    %swap3A_71 = arith.constant 2 : i32
    %swap3A_72 = arith.index_cast %swap3A_71 : i32 to index
    %swap3A_73 = arith.constant 16 : index
    %swap3A_74 = tpu.vector_load %arg14[%swap3A_72, %swap3A_73] {strides = array<i32>} : memref<16x128xf32, #tpu.memory_space<vmem>>, vector<16xf32>,
    tpu.vector_store %arg14[%swap3A_72, %swap3A_73], %get3A_66 {strides = array<i32>} : memref<16x128xf32, #tpu.memory_space<vmem>>, vector<16xf32>,
    %swap3A_75 = arith.constant 3 : i32
    %swap3A_76 = arith.index_cast %swap3A_75 : i32 to index
    %swap3A_77 = arith.constant 16 : index
    %swap3A_78 = tpu.vector_load %arg14[%swap3A_76, %swap3A_77] {strides = array<i32>} : memref<16x128xf32, #tpu.memory_space<vmem>>, vector<16xf32>,
    tpu.vector_store %arg14[%swap3A_76, %swap3A_77], %get3A_66 {strides = array<i32>} : memref<16x128xf32, #tpu.memory_space<vmem>>, vector<16xf32>,
    %swap3A_79 = arith.constant 4 : i32
    %swap3A_80 = arith.index_cast %swap3A_79 : i32 to index
    %swap3A_81 = arith.constant 16 : index
    %swap3A_82 = tpu.vector_load %arg14[%swap3A_80, %swap3A_81] {strides = array<i32>} : memref<16x128xf32, #tpu.memory_space<vmem>>, vector<16xf32>,
    tpu.vector_store %arg14[%swap3A_80, %swap3A_81], %get3A_66 {strides = array<i32>} : memref<16x128xf32, #tpu.memory_space<vmem>>, vector<16xf32>,
    %swap3A_83 = arith.constant 5 : i32
    %swap3A_84 = arith.index_cast %swap3A_83 : i32 to index
    %swap3A_85 = arith.constant 16 : index
    %swap3A_86 = tpu.vector_load %arg14[%swap3A_84, %swap3A_85] {strides = array<i32>} : memref<16x128xf32, #tpu.memory_space<vmem>>, vector<16xf32>,
    tpu.vector_store %arg14[%swap3A_84, %swap3A_85], %get3A_66 {strides = array<i32>} : memref<16x128xf32, #tpu.memory_space<vmem>>, vector<16xf32>,
    %swap3A_87 = arith.constant 6 : i32
    %swap3A_88 = arith.index_cast %swap3A_87 : i32 to index
    %swap3A_89 = arith.constant 16 : index
    %swap3A_90 = tpu.vector_load %arg14[%swap3A_88, %swap3A_89] {strides = array<i32>} : memref<16x128xf32, #tpu.memory_space<vmem>>, vector<16xf32>,
    tpu.vector_store %arg14[%swap3A_88, %swap3A_89], %get3A_66 {strides = array<i32>} : memref<16x128xf32, #tpu.memory_space<vmem>>, vector<16xf32>,
    %swap3A_91 = arith.constant 7 : i32
    %swap3A_92 = arith.index_cast %swap3A_91 : i32 to index
    %swap3A_93 = arith.constant 16 : index
    %swap3A_94 = tpu.vector_load %arg14[%swap3A_92, %swap3A_93] {strides = array<i32>} : memref<16x128xf32, #tpu.memory_space<vmem>>, vector<16xf32>,
    tpu.vector_store %arg14[%swap3A_92, %swap3A_93], %get3A_66 {strides = array<i32>} : memref<16x128xf32, #tpu.memory_space<vmem>>, vector<16xf32>,
    %swap3A_95 = arith.constant 8 : i32
    %swap3A_96 = arith.index_cast %swap3A_95 : i32 to index
    %swap3A_97 = arith.constant 16 : index
    %swap3A_98 = tpu.vector_load %arg14[%swap3A_96, %swap3A_97] {strides = array<i32>} : memref<16x128xf32, #tpu.memory_space<vmem>>, vector<16xf32>,
    tpu.vector_store %arg14[%swap3A_96, %swap3A_97], %get3A_66 {strides = array<i32>} : memref<16x128xf32, #tpu.memory_space<vmem>>, vector<16xf32>,
    %swap3A_99 = arith.constant 9 : i32
    %swap3A_100 = arith.index_cast %swap3A_99 : i32 to index
    %swap3A_101 = arith.constant 16 : index
    %swap3A_102 = tpu.vector_load %arg14[%swap3A_100, %swap3A_101] {strides = array<i32>} : memref<16x128xf32, #tpu.memory_space<vmem>>, vector<16xf32>,
    tpu.vector_store %arg14[%swap3A_100, %swap3A_101], %get3A_66 {strides = array<i32>} : memref<16x128xf32, #tpu.memory_space<vmem>>, vector<16xf32>,
    %swap3A_103 = arith.constant 10 : i32
    %swap3A_104 = arith.index_cast %swap3A_103 : i32 to index
    %swap3A_105 = arith.constant 16 : index
    %swap3A_106 = tpu.vector_load %arg14[%swap3A_104, %swap3A_105] {strides = array<i32>} : memref<16x128xf32, #tpu.memory_space<vmem>>, vector<16xf32>,
    tpu.vector_store %arg14[%swap3A_104, %swap3A_105], %get3A_66 {strides = array<i32>} : memref<16x128xf32, #tpu.memory_space<vmem>>, vector<16xf32>,
    %swap3A_107 = arith.constant 11 : i32
    %swap3A_108 = arith.index_cast %swap3A_107 : i32 to index
    %swap3A_109 = arith.constant 16 : index
    %swap3A_110 = tpu.vector_load %arg14[%swap3A_108, %swap3A_109] {strides = array<i32>} : memref<16x128xf32, #tpu.memory_space<vmem>>, vector<16xf32>,
    tpu.vector_store %arg14[%swap3A_108, %swap3A_109], %get3A_66 {strides = array<i32>} : memref<16x128xf32, #tpu.memory_space<vmem>>, vector<16xf32>,
    %swap3A_111 = arith.constant 12 : i32
    %swap3A_112 = arith.index_cast %swap3A_111 : i32 to index
    %swap3A_113 = arith.constant 16 : index
    %swap3A_114 = tpu.vector_load %arg14[%swap3A_112, %swap3A_113] {strides = array<i32>} : memref<16x128xf32, #tpu.memory_space<vmem>>, vector<16xf32>,
    tpu.vector_store %arg14[%swap3A_112, %swap3A_113], %get3A_66 {strides = array<i32>} : memref<16x128xf32, #tpu.memory_space<vmem>>, vector<16xf32>,
    %swap3A_115 = arith.constant 13 : i32
    %swap3A_116 = arith.index_cast %swap3A_115 : i32 to index
    %swap3A_117 = arith.constant 16 : index
    %swap3A_118 = tpu.vector_load %arg14[%swap3A_116, %swap3A_117] {strides = array<i32>} : memref<16x128xf32, #tpu.memory_space<vmem>>, vector<16xf32>,
    tpu.vector_store %arg14[%swap3A_116, %swap3A_117], %get3A_66 {strides = array<i32>} : memref<16x128xf32, #tpu.memory_space<vmem>>, vector<16xf32>,
    %swap3A_119 = arith.constant 14 : i32
    %swap3A_120 = arith.index_cast %swap3A_119 : i32 to index
    %swap3A_121 = arith.constant 16 : index
    %swap3A_122 = tpu.vector_load %arg14[%swap3A_120, %swap3A_121] {strides = array<i32>} : memref<16x128xf32, #tpu.memory_space<vmem>>, vector<16xf32>,
    tpu.vector_store %arg14[%swap3A_120, %swap3A_121], %get3A_66 {strides = array<i32>} : memref<16x128xf32, #tpu.memory_space<vmem>>, vector<16xf32>,
    %swap3A_123 = arith.constant 15 : i32
    %swap3A_124 = arith.index_cast %swap3A_123 : i32 to index
    %swap3A_125 = arith.constant 16 : index
    %swap3A_126 = tpu.vector_load %arg14[%swap3A_124, %swap3A_125] {strides = array<i32>} : memref<16x128xf32, #tpu.memory_space<vmem>>, vector<16xf32>,
    tpu.vector_store %arg14[%swap3A_124, %swap3A_125], %get3A_66 {strides = array<i32>} : memref<16x128xf32, #tpu.memory_space<vmem>>, vector<16xf32>,
    %get3A_127 = arith.constant 0 : i32
    %get3A_128 = arith.index_cast %get3A_127 : i32 to index
    %get3A_129 = arith.constant 32 : index
    %get3A_130 = tpu.vector_load %arg14[%get3A_128, %get3A_129] {strides = array<i32>} : memref<16x128xf32, #tpu.memory_space<vmem>>, vector<16xf32>,
    %swap3A_131 = arith.constant 1 : i32
    %swap3A_132 = arith.index_cast %swap3A_131 : i32 to index
    %swap3A_133 = arith.constant 32 : index
    %swap3A_134 = tpu.vector_load %arg14[%swap3A_132, %swap3A_133] {strides = array<i32>} : memref<16x128xf32, #tpu.memory_space<vmem>>, vector<16xf32>,
    tpu.vector_store %arg14[%swap3A_132, %swap3A_133], %get3A_130 {strides = array<i32>} : memref<16x128xf32, #tpu.memory_space<vmem>>, vector<16xf32>,
    %swap3A_135 = arith.constant 2 : i32
    %swap3A_136 = arith.index_cast %swap3A_135 : i32 to index
    %swap3A_137 = arith.constant 32 : index
    %swap3A_138 = tpu.vector_load %arg14[%swap3A_136, %swap3A_137] {strides = array<i32>} : memref<16x128xf32, #tpu.memory_space<vmem>>, vector<16xf32>,
    tpu.vector_store %arg14[%swap3A_136, %swap3A_137], %get3A_130 {strides = array<i32>} : memref<16x128xf32, #tpu.memory_space<vmem>>, vector<16xf32>,
    %swap3A_139 = arith.constant 3 : i32
    %swap3A_140 = arith.index_cast %swap3A_139 : i32 to index
    %swap3A_141 = arith.constant 32 : index
    %swap3A_142 = tpu.vector_load %arg14[%swap3A_140, %swap3A_141] {strides = array<i32>} : memref<16x128xf32, #tpu.memory_space<vmem>>, vector<16xf32>,
    tpu.vector_store %arg14[%swap3A_140, %swap3A_141], %get3A_130 {strides = array<i32>} : memref<16x128xf32, #tpu.memory_space<vmem>>, vector<16xf32>,
    %swap3A_143 = arith.constant 4 : i32
    %swap3A_144 = arith.index_cast %swap3A_143 : i32 to index
    %swap3A_145 = arith.constant 32 : index
    %swap3A_146 = tpu.vector_load %arg14[%swap3A_144, %swap3A_145] {strides = array<i32>} : memref<16x128xf32, #tpu.memory_space<vmem>>, vector<16xf32>,
    tpu.vector_store %arg14[%swap3A_144, %swap3A_145], %get3A_130 {strides = array<i32>} : memref<16x128xf32, #tpu.memory_space<vmem>>, vector<16xf32>,
    %swap3A_147 = arith.constant 5 : i32
    %swap3A_148 = arith.index_cast %swap3A_147 : i32 to index
    %swap3A_149 = arith.constant 32 : index
    %swap3A_150 = tpu.vector_load %arg14[%swap3A_148, %swap3A_149] {strides = array<i32>} : memref<16x128xf32, #tpu.memory_space<vmem>>, vector<16xf32>,
    tpu.vector_store %arg14[%swap3A_148, %swap3A_149], %get3A_130 {strides = array<i32>} : memref<16x128xf32, #tpu.memory_space<vmem>>, vector<16xf32>,
    %swap3A_151 = arith.constant 6 : i32
    %swap3A_152 = arith.index_cast %swap3A_151 : i32 to index
    %swap3A_153 = arith.constant 32 : index
    %swap3A_154 = tpu.vector_load %arg14[%swap3A_152, %swap3A_153] {strides = array<i32>} : memref<16x128xf32, #tpu.memory_space<vmem>>, vector<16xf32>,
    tpu.vector_store %arg14[%swap3A_152, %swap3A_153], %get3A_130 {strides = array<i32>} : memref<16x128xf32, #tpu.memory_space<vmem>>, vector<16xf32>,
    %swap3A_155 = arith.constant 7 : i32
    %swap3A_156 = arith.index_cast %swap3A_155 : i32 to index
    %swap3A_157 = arith.constant 32 : index
    %swap3A_158 = tpu.vector_load %arg14[%swap3A_156, %swap3A_157] {strides = array<i32>} : memref<16x128xf32, #tpu.memory_space<vmem>>, vector<16xf32>,
    tpu.vector_store %arg14[%swap3A_156, %swap3A_157], %get3A_130 {strides = array<i32>} : memref<16x128xf32, #tpu.memory_space<vmem>>, vector<16xf32>,
    %swap3A_159 = arith.constant 8 : i32
    %swap3A_160 = arith.index_cast %swap3A_159 : i32 to index
    %swap3A_161 = arith.constant 32 : index
    %swap3A_162 = tpu.vector_load %arg14[%swap3A_160, %swap3A_161] {strides = array<i32>} : memref<16x128xf32, #tpu.memory_space<vmem>>, vector<16xf32>,
    tpu.vector_store %arg14[%swap3A_160, %swap3A_161], %get3A_130 {strides = array<i32>} : memref<16x128xf32, #tpu.memory_space<vmem>>, vector<16xf32>,
    %swap3A_163 = arith.constant 9 : i32
    %swap3A_164 = arith.index_cast %swap3A_163 : i32 to index
    %swap3A_165 = arith.constant 32 : index
    %swap3A_166 = tpu.vector_load %arg14[%swap3A_164, %swap3A_165] {strides = array<i32>} : memref<16x128xf32, #tpu.memory_space<vmem>>, vector<16xf32>,
    tpu.vector_store %arg14[%swap3A_164, %swap3A_165], %get3A_130 {strides = array<i32>} : memref<16x128xf32, #tpu.memory_space<vmem>>, vector<16xf32>,
    %swap3A_167 = arith.constant 10 : i32
    %swap3A_168 = arith.index_cast %swap3A_167 : i32 to index
    %swap3A_169 = arith.constant 32 : index
    %swap3A_170 = tpu.vector_load %arg14[%swap3A_168, %swap3A_169] {strides = array<i32>} : memref<16x128xf32, #tpu.memory_space<vmem>>, vector<16xf32>,
    tpu.vector_store %arg14[%swap3A_168, %swap3A_169], %get3A_130 {strides = array<i32>} : memref<16x128xf32, #tpu.memory_space<vmem>>, vector<16xf32>,
    %swap3A_171 = arith.constant 11 : i32
    %swap3A_172 = arith.index_cast %swap3A_171 : i32 to index
    %swap3A_173 = arith.constant 32 : index
    %swap3A_174 = tpu.vector_load %arg14[%swap3A_172, %swap3A_173] {strides = array<i32>} : memref<16x128xf32, #tpu.memory_space<vmem>>, vector<16xf32>,
    tpu.vector_store %arg14[%swap3A_172, %swap3A_173], %get3A_130 {strides = array<i32>} : memref<16x128xf32, #tpu.memory_space<vmem>>, vector<16xf32>,
    %swap3A_175 = arith.constant 12 : i32
    %swap3A_176 = arith.index_cast %swap3A_175 : i32 to index
    %swap3A_177 = arith.constant 32 : index
    %swap3A_178 = tpu.vector_load %arg14[%swap3A_176, %swap3A_177] {strides = array<i32>} : memref<16x128xf32, #tpu.memory_space<vmem>>, vector<16xf32>,
    tpu.vector_store %arg14[%swap3A_176, %swap3A_177], %get3A_130 {strides = array<i32>} : memref<16x128xf32, #tpu.memory_space<vmem>>, vector<16xf32>,
    %swap3A_179 = arith.constant 13 : i32
    %swap3A_180 = arith.index_cast %swap3A_179 : i32 to index
    %swap3A_181 = arith.constant 32 : index
    %swap3A_182 = tpu.vector_load %arg14[%swap3A_180, %swap3A_181] {strides = array<i32>} : memref<16x128xf32, #tpu.memory_space<vmem>>, vector<16xf32>,
    tpu.vector_store %arg14[%swap3A_180, %swap3A_181], %get3A_130 {strides = array<i32>} : memref<16x128xf32, #tpu.memory_space<vmem>>, vector<16xf32>,
    %swap3A_183 = arith.constant 14 : i32
    %swap3A_184 = arith.index_cast %swap3A_183 : i32 to index
    %swap3A_185 = arith.constant 32 : index
    %swap3A_186 = tpu.vector_load %arg14[%swap3A_184, %swap3A_185] {strides = array<i32>} : memref<16x128xf32, #tpu.memory_space<vmem>>, vector<16xf32>,
    tpu.vector_store %arg14[%swap3A_184, %swap3A_185], %get3A_130 {strides = array<i32>} : memref<16x128xf32, #tpu.memory_space<vmem>>, vector<16xf32>,
    %swap3A_187 = arith.constant 15 : i32
    %swap3A_188 = arith.index_cast %swap3A_187 : i32 to index
    %swap3A_189 = arith.constant 32 : index
    %swap3A_190 = tpu.vector_load %arg14[%swap3A_188, %swap3A_189] {strides = array<i32>} : memref<16x128xf32, #tpu.memory_space<vmem>>, vector<16xf32>,
    tpu.vector_store %arg14[%swap3A_188, %swap3A_189], %get3A_130 {strides = array<i32>} : memref<16x128xf32, #tpu.memory_space<vmem>>, vector<16xf32>,
    %get3A_191 = arith.constant 0 : i32
    %get3A_192 = arith.index_cast %get3A_191 : i32 to index
    %get3A_193 = arith.constant 48 : index
    %get3A_194 = tpu.vector_load %arg14[%get3A_192, %get3A_193] {strides = array<i32>} : memref<16x128xf32, #tpu.memory_space<vmem>>, vector<16xf32>,
    %swap3A_195 = arith.constant 1 : i32
    %swap3A_196 = arith.index_cast %swap3A_195 : i32 to index
    %swap3A_197 = arith.constant 48 : index
    %swap3A_198 = tpu.vector_load %arg14[%swap3A_196, %swap3A_197] {strides = array<i32>} : memref<16x128xf32, #tpu.memory_space<vmem>>, vector<16xf32>,
    tpu.vector_store %arg14[%swap3A_196, %swap3A_197], %get3A_194 {strides = array<i32>} : memref<16x128xf32, #tpu.memory_space<vmem>>, vector<16xf32>,
    %swap3A_199 = arith.constant 2 : i32
    %swap3A_200 = arith.index_cast %swap3A_199 : i32 to index
    %swap3A_201 = arith.constant 48 : index
    %swap3A_202 = tpu.vector_load %arg14[%swap3A_200, %swap3A_201] {strides = array<i32>} : memref<16x128xf32, #tpu.memory_space<vmem>>, vector<16xf32>,
    tpu.vector_store %arg14[%swap3A_200, %swap3A_201], %get3A_194 {strides = array<i32>} : memref<16x128xf32, #tpu.memory_space<vmem>>, vector<16xf32>,
    %swap3A_203 = arith.constant 3 : i32
    %swap3A_204 = arith.index_cast %swap3A_203 : i32 to index
    %swap3A_205 = arith.constant 48 : index
    %swap3A_206 = tpu.vector_load %arg14[%swap3A_204, %swap3A_205] {strides = array<i32>} : memref<16x128xf32, #tpu.memory_space<vmem>>, vector<16xf32>,
    tpu.vector_store %arg14[%swap3A_204, %swap3A_205], %get3A_194 {strides = array<i32>} : memref<16x128xf32, #tpu.memory_space<vmem>>, vector<16xf32>,
    %swap3A_207 = arith.constant 4 : i32
    %swap3A_208 = arith.index_cast %swap3A_207 : i32 to index
    %swap3A_209 = arith.constant 48 : index
    %swap3A_210 = tpu.vector_load %arg14[%swap3A_208, %swap3A_209] {strides = array<i32>} : memref<16x128xf32, #tpu.memory_space<vmem>>, vector<16xf32>,
    tpu.vector_store %arg14[%swap3A_208, %swap3A_209], %get3A_194 {strides = array<i32>} : memref<16x128xf32, #tpu.memory_space<vmem>>, vector<16xf32>,
    %swap3A_211 = arith.constant 5 : i32
    %swap3A_212 = arith.index_cast %swap3A_211 : i32 to index
    %swap3A_213 = arith.constant 48 : index
    %swap3A_214 = tpu.vector_load %arg14[%swap3A_212, %swap3A_213] {strides = array<i32>} : memref<16x128xf32, #tpu.memory_space<vmem>>, vector<16xf32>,
    tpu.vector_store %arg14[%swap3A_212, %swap3A_213], %get3A_194 {strides = array<i32>} : memref<16x128xf32, #tpu.memory_space<vmem>>, vector<16xf32>,
    %swap3A_215 = arith.constant 6 : i32
    %swap3A_216 = arith.index_cast %swap3A_215 : i32 to index
    %swap3A_217 = arith.constant 48 : index
    %swap3A_218 = tpu.vector_load %arg14[%swap3A_216, %swap3A_217] {strides = array<i32>} : memref<16x128xf32, #tpu.memory_space<vmem>>, vector<16xf32>,
    tpu.vector_store %arg14[%swap3A_216, %swap3A_217], %get3A_194 {strides = array<i32>} : memref<16x128xf32, #tpu.memory_space<vmem>>, vector<16xf32>,
    %swap3A_219 = arith.constant 7 : i32
    %swap3A_220 = arith.index_cast %swap3A_219 : i32 to index
    %swap3A_221 = arith.constant 48 : index
    %swap3A_222 = tpu.vector_load %arg14[%swap3A_220, %swap3A_221] {strides = array<i32>} : memref<16x128xf32, #tpu.memory_space<vmem>>, vector<16xf32>,
    tpu.vector_store %arg14[%swap3A_220, %swap3A_221], %get3A_194 {strides = array<i32>} : memref<16x128xf32, #tpu.memory_space<vmem>>, vector<16xf32>,
    %swap3A_223 = arith.constant 8 : i32
    %swap3A_224 = arith.index_cast %swap3A_223 : i32 to index
    %swap3A_225 = arith.constant 48 : index
    %swap3A_226 = tpu.vector_load %arg14[%swap3A_224, %swap3A_225] {strides = array<i32>} : memref<16x128xf32, #tpu.memory_space<vmem>>, vector<16xf32>,
    tpu.vector_store %arg14[%swap3A_224, %swap3A_225], %get3A_194 {strides = array<i32>} : memref<16x128xf32, #tpu.memory_space<vmem>>, vector<16xf32>,
    %swap3A_227 = arith.constant 9 : i32
    %swap3A_228 = arith.index_cast %swap3A_227 : i32 to index
    %swap3A_229 = arith.constant 48 : index
    %swap3A_230 = tpu.vector_load %arg14[%swap3A_228, %swap3A_229] {strides = array<i32>} : memref<16x128xf32, #tpu.memory_space<vmem>>, vector<16xf32>,
    tpu.vector_store %arg14[%swap3A_228, %swap3A_229], %get3A_194 {strides = array<i32>} : memref<16x128xf32, #tpu.memory_space<vmem>>, vector<16xf32>,
    %swap3A_231 = arith.constant 10 : i32
    %swap3A_232 = arith.index_cast %swap3A_231 : i32 to index
    %swap3A_233 = arith.constant 48 : index
    %swap3A_234 = tpu.vector_load %arg14[%swap3A_232, %swap3A_233] {strides = array<i32>} : memref<16x128xf32, #tpu.memory_space<vmem>>, vector<16xf32>,
    tpu.vector_store %arg14[%swap3A_232, %swap3A_233], %get3A_194 {strides = array<i32>} : memref<16x128xf32, #tpu.memory_space<vmem>>, vector<16xf32>,
    %swap3A_235 = arith.constant 11 : i32
    %swap3A_236 = arith.index_cast %swap3A_235 : i32 to index
    %swap3A_237 = arith.constant 48 : index
    %swap3A_238 = tpu.vector_load %arg14[%swap3A_236, %swap3A_237] {strides = array<i32>} : memref<16x128xf32, #tpu.memory_space<vmem>>, vector<16xf32>,
    tpu.vector_store %arg14[%swap3A_236, %swap3A_237], %get3A_194 {strides = array<i32>} : memref<16x128xf32, #tpu.memory_space<vmem>>, vector<16xf32>,
    %swap3A_239 = arith.constant 12 : i32
    %swap3A_240 = arith.index_cast %swap3A_239 : i32 to index
    %swap3A_241 = arith.constant 48 : index
    %swap3A_242 = tpu.vector_load %arg14[%swap3A_240, %swap3A_241] {strides = array<i32>} : memref<16x128xf32, #tpu.memory_space<vmem>>, vector<16xf32>,
    tpu.vector_store %arg14[%swap3A_240, %swap3A_241], %get3A_194 {strides = array<i32>} : memref<16x128xf32, #tpu.memory_space<vmem>>, vector<16xf32>,
    %swap3A_243 = arith.constant 13 : i32
    %swap3A_244 = arith.index_cast %swap3A_243 : i32 to index
    %swap3A_245 = arith.constant 48 : index
    %swap3A_246 = tpu.vector_load %arg14[%swap3A_244, %swap3A_245] {strides = array<i32>} : memref<16x128xf32, #tpu.memory_space<vmem>>, vector<16xf32>,
    tpu.vector_store %arg14[%swap3A_244, %swap3A_245], %get3A_194 {strides = array<i32>} : memref<16x128xf32, #tpu.memory_space<vmem>>, vector<16xf32>,
    %swap3A_247 = arith.constant 14 : i32
    %swap3A_248 = arith.index_cast %swap3A_247 : i32 to index
    %swap3A_249 = arith.constant 48 : index
    %swap3A_250 = tpu.vector_load %arg14[%swap3A_248, %swap3A_249] {strides = array<i32>} : memref<16x128xf32, #tpu.memory_space<vmem>>, vector<16xf32>,
    tpu.vector_store %arg14[%swap3A_248, %swap3A_249], %get3A_194 {strides = array<i32>} : memref<16x128xf32, #tpu.memory_space<vmem>>, vector<16xf32>,
    %swap3A_251 = arith.constant 15 : i32
    %swap3A_252 = arith.index_cast %swap3A_251 : i32 to index
    %swap3A_253 = arith.constant 48 : index
    %swap3A_254 = tpu.vector_load %arg14[%swap3A_252, %swap3A_253] {strides = array<i32>} : memref<16x128xf32, #tpu.memory_space<vmem>>, vector<16xf32>,
    tpu.vector_store %arg14[%swap3A_252, %swap3A_253], %get3A_194 {strides = array<i32>} : memref<16x128xf32, #tpu.memory_space<vmem>>, vector<16xf32>,
    %get3A_255 = arith.constant 0 : i32
    %get3A_256 = arith.index_cast %get3A_255 : i32 to index
    %get3A_257 = arith.constant 64 : index
    %get3A_258 = tpu.vector_load %arg14[%get3A_256, %get3A_257] {strides = array<i32>} : memref<16x128xf32, #tpu.memory_space<vmem>>, vector<16xf32>,
    %swap3A_259 = arith.constant 1 : i32
    %swap3A_260 = arith.index_cast %swap3A_259 : i32 to index
    %swap3A_261 = arith.constant 64 : index
    %swap3A_262 = tpu.vector_load %arg14[%swap3A_260, %swap3A_261] {strides = array<i32>} : memref<16x128xf32, #tpu.memory_space<vmem>>, vector<16xf32>,
    tpu.vector_store %arg14[%swap3A_260, %swap3A_261], %get3A_258 {strides = array<i32>} : memref<16x128xf32, #tpu.memory_space<vmem>>, vector<16xf32>,
    %swap3A_263 = arith.constant 2 : i32
    %swap3A_264 = arith.index_cast %swap3A_263 : i32 to index
    %swap3A_265 = arith.constant 64 : index
    %swap3A_266 = tpu.vector_load %arg14[%swap3A_264, %swap3A_265] {strides = array<i32>} : memref<16x128xf32, #tpu.memory_space<vmem>>, vector<16xf32>,
    tpu.vector_store %arg14[%swap3A_264, %swap3A_265], %get3A_258 {strides = array<i32>} : memref<16x128xf32, #tpu.memory_space<vmem>>, vector<16xf32>,
    %swap3A_267 = arith.constant 3 : i32
    %swap3A_268 = arith.index_cast %swap3A_267 : i32 to index
    %swap3A_269 = arith.constant 64 : index
    %swap3A_270 = tpu.vector_load %arg14[%swap3A_268, %swap3A_269] {strides = array<i32>} : memref<16x128xf32, #tpu.memory_space<vmem>>, vector<16xf32>,
    tpu.vector_store %arg14[%swap3A_268, %swap3A_269], %get3A_258 {strides = array<i32>} : memref<16x128xf32, #tpu.memory_space<vmem>>, vector<16xf32>,
    %swap3A_271 = arith.constant 4 : i32
    %swap3A_272 = arith.index_cast %swap3A_271 : i32 to index
    %swap3A_273 = arith.constant 64 : index
    %swap3A_274 = tpu.vector_load %arg14[%swap3A_272, %swap3A_273] {strides = array<i32>} : memref<16x128xf32, #tpu.memory_space<vmem>>, vector<16xf32>,
    tpu.vector_store %arg14[%swap3A_272, %swap3A_273], %get3A_258 {strides = array<i32>} : memref<16x128xf32, #tpu.memory_space<vmem>>, vector<16xf32>,
    %swap3A_275 = arith.constant 5 : i32
    %swap3A_276 = arith.index_cast %swap3A_275 : i32 to index
    %swap3A_277 = arith.constant 64 : index
    %swap3A_278 = tpu.vector_load %arg14[%swap3A_276, %swap3A_277] {strides = array<i32>} : memref<16x128xf32, #tpu.memory_space<vmem>>, vector<16xf32>,
    tpu.vector_store %arg14[%swap3A_276, %swap3A_277], %get3A_258 {strides = array<i32>} : memref<16x128xf32, #tpu.memory_space<vmem>>, vector<16xf32>,
    %swap3A_279 = arith.constant 6 : i32
    %swap3A_280 = arith.index_cast %swap3A_279 : i32 to index
    %swap3A_281 = arith.constant 64 : index
    %swap3A_282 = tpu.vector_load %arg14[%swap3A_280, %swap3A_281] {strides = array<i32>} : memref<16x128xf32, #tpu.memory_space<vmem>>, vector<16xf32>,
    tpu.vector_store %arg14[%swap3A_280, %swap3A_281], %get3A_258 {strides = array<i32>} : memref<16x128xf32, #tpu.memory_space<vmem>>, vector<16xf32>,
    %swap3A_283 = arith.constant 7 : i32
    %swap3A_284 = arith.index_cast %swap3A_283 : i32 to index
    %swap3A_285 = arith.constant 64 : index
    %swap3A_286 = tpu.vector_load %arg14[%swap3A_284, %swap3A_285] {strides = array<i32>} : memref<16x128xf32, #tpu.memory_space<vmem>>, vector<16xf32>,
    tpu.vector_store %arg14[%swap3A_284, %swap3A_285], %get3A_258 {strides = array<i32>} : memref<16x128xf32, #tpu.memory_space<vmem>>, vector<16xf32>,
    %swap3A_287 = arith.constant 8 : i32
    %swap3A_288 = arith.index_cast %swap3A_287 : i32 to index
    %swap3A_289 = arith.constant 64 : index
    %swap3A_290 = tpu.vector_load %arg14[%swap3A_288, %swap3A_289] {strides = array<i32>} : memref<16x128xf32, #tpu.memory_space<vmem>>, vector<16xf32>,
    tpu.vector_store %arg14[%swap3A_288, %swap3A_289], %get3A_258 {strides = array<i32>} : memref<16x128xf32, #tpu.memory_space<vmem>>, vector<16xf32>,
    %swap3A_291 = arith.constant 9 : i32
    %swap3A_292 = arith.index_cast %swap3A_291 : i32 to index
    %swap3A_293 = arith.constant 64 : index
    %swap3A_294 = tpu.vector_load %arg14[%swap3A_292, %swap3A_293] {strides = array<i32>} : memref<16x128xf32, #tpu.memory_space<vmem>>, vector<16xf32>,
    tpu.vector_store %arg14[%swap3A_292, %swap3A_293], %get3A_258 {strides = array<i32>} : memref<16x128xf32, #tpu.memory_space<vmem>>, vector<16xf32>,
    %swap3A_295 = arith.constant 10 : i32
    %swap3A_296 = arith.index_cast %swap3A_295 : i32 to index
    %swap3A_297 = arith.constant 64 : index
    %swap3A_298 = tpu.vector_load %arg14[%swap3A_296, %swap3A_297] {strides = array<i32>} : memref<16x128xf32, #tpu.memory_space<vmem>>, vector<16xf32>,
    tpu.vector_store %arg14[%swap3A_296, %swap3A_297], %get3A_258 {strides = array<i32>} : memref<16x128xf32, #tpu.memory_space<vmem>>, vector<16xf32>,
    %swap3A_299 = arith.constant 11 : i32
    %swap3A_300 = arith.index_cast %swap3A_299 : i32 to index
    %swap3A_301 = arith.constant 64 : index
    %swap3A_302 = tpu.vector_load %arg14[%swap3A_300, %swap3A_301] {strides = array<i32>} : memref<16x128xf32, #tpu.memory_space<vmem>>, vector<16xf32>,
    tpu.vector_store %arg14[%swap3A_300, %swap3A_301], %get3A_258 {strides = array<i32>} : memref<16x128xf32, #tpu.memory_space<vmem>>, vector<16xf32>,
    %swap3A_303 = arith.constant 12 : i32
    %swap3A_304 = arith.index_cast %swap3A_303 : i32 to index
    %swap3A_305 = arith.constant 64 : index
    %swap3A_306 = tpu.vector_load %arg14[%swap3A_304, %swap3A_305] {strides = array<i32>} : memref<16x128xf32, #tpu.memory_space<vmem>>, vector<16xf32>,
    tpu.vector_store %arg14[%swap3A_304, %swap3A_305], %get3A_258 {strides = array<i32>} : memref<16x128xf32, #tpu.memory_space<vmem>>, vector<16xf32>,
    %swap3A_307 = arith.constant 13 : i32
    %swap3A_308 = arith.index_cast %swap3A_307 : i32 to index
    %swap3A_309 = arith.constant 64 : index
    %swap3A_310 = tpu.vector_load %arg14[%swap3A_308, %swap3A_309] {strides = array<i32>} : memref<16x128xf32, #tpu.memory_space<vmem>>, vector<16xf32>,
    tpu.vector_store %arg14[%swap3A_308, %swap3A_309], %get3A_258 {strides = array<i32>} : memref<16x128xf32, #tpu.memory_space<vmem>>, vector<16xf32>,
    %swap3A_311 = arith.constant 14 : i32
    %swap3A_312 = arith.index_cast %swap3A_311 : i32 to index
    %swap3A_313 = arith.constant 64 : index
    %swap3A_314 = tpu.vector_load %arg14[%swap3A_312, %swap3A_313] {strides = array<i32>} : memref<16x128xf32, #tpu.memory_space<vmem>>, vector<16xf32>,
    tpu.vector_store %arg14[%swap3A_312, %swap3A_313], %get3A_258 {strides = array<i32>} : memref<16x128xf32, #tpu.memory_space<vmem>>, vector<16xf32>,
    %swap3A_315 = arith.constant 15 : i32
    %swap3A_316 = arith.index_cast %swap3A_315 : i32 to index
    %swap3A_317 = arith.constant 64 : index
    %swap3A_318 = tpu.vector_load %arg14[%swap3A_316, %swap3A_317] {strides = array<i32>} : memref<16x128xf32, #tpu.memory_space<vmem>>, vector<16xf32>,
    tpu.vector_store %arg14[%swap3A_316, %swap3A_317], %get3A_258 {strides = array<i32>} : memref<16x128xf32, #tpu.memory_space<vmem>>, vector<16xf32>,
    %get3A_319 = arith.constant 0 : i32
    %get3A_320 = arith.index_cast %get3A_319 : i32 to index
    %get3A_321 = arith.constant 80 : index
    %get3A_322 = tpu.vector_load %arg14[%get3A_320, %get3A_321] {strides = array<i32>} : memref<16x128xf32, #tpu.memory_space<vmem>>, vector<16xf32>,
    %swap3A_323 = arith.constant 1 : i32
    %swap3A_324 = arith.index_cast %swap3A_323 : i32 to index
    %swap3A_325 = arith.constant 80 : index
    %swap3A_326 = tpu.vector_load %arg14[%swap3A_324, %swap3A_325] {strides = array<i32>} : memref<16x128xf32, #tpu.memory_space<vmem>>, vector<16xf32>,
    tpu.vector_store %arg14[%swap3A_324, %swap3A_325], %get3A_322 {strides = array<i32>} : memref<16x128xf32, #tpu.memory_space<vmem>>, vector<16xf32>,
    %swap3A_327 = arith.constant 2 : i32
    %swap3A_328 = arith.index_cast %swap3A_327 : i32 to index
    %swap3A_329 = arith.constant 80 : index
    %swap3A_330 = tpu.vector_load %arg14[%swap3A_328, %swap3A_329] {strides = array<i32>} : memref<16x128xf32, #tpu.memory_space<vmem>>, vector<16xf32>,
    tpu.vector_store %arg14[%swap3A_328, %swap3A_329], %get3A_322 {strides = array<i32>} : memref<16x128xf32, #tpu.memory_space<vmem>>, vector<16xf32>,
    %swap3A_331 = arith.constant 3 : i32
    %swap3A_332 = arith.index_cast %swap3A_331 : i32 to index
    %swap3A_333 = arith.constant 80 : index
    %swap3A_334 = tpu.vector_load %arg14[%swap3A_332, %swap3A_333] {strides = array<i32>} : memref<16x128xf32, #tpu.memory_space<vmem>>, vector<16xf32>,
    tpu.vector_store %arg14[%swap3A_332, %swap3A_333], %get3A_322 {strides = array<i32>} : memref<16x128xf32, #tpu.memory_space<vmem>>, vector<16xf32>,
    %swap3A_335 = arith.constant 4 : i32
    %swap3A_336 = arith.index_cast %swap3A_335 : i32 to index
    %swap3A_337 = arith.constant 80 : index
    %swap3A_338 = tpu.vector_load %arg14[%swap3A_336, %swap3A_337] {strides = array<i32>} : memref<16x128xf32, #tpu.memory_space<vmem>>, vector<16xf32>,
    tpu.vector_store %arg14[%swap3A_336, %swap3A_337], %get3A_322 {strides = array<i32>} : memref<16x128xf32, #tpu.memory_space<vmem>>, vector<16xf32>,
    %swap3A_339 = arith.constant 5 : i32
    %swap3A_340 = arith.index_cast %swap3A_339 : i32 to index
    %swap3A_341 = arith.constant 80 : index
    %swap3A_342 = tpu.vector_load %arg14[%swap3A_340, %swap3A_341] {strides = array<i32>} : memref<16x128xf32, #tpu.memory_space<vmem>>, vector<16xf32>,
    tpu.vector_store %arg14[%swap3A_340, %swap3A_341], %get3A_322 {strides = array<i32>} : memref<16x128xf32, #tpu.memory_space<vmem>>, vector<16xf32>,
    %swap3A_343 = arith.constant 6 : i32
    %swap3A_344 = arith.index_cast %swap3A_343 : i32 to index
    %swap3A_345 = arith.constant 80 : index
    %swap3A_346 = tpu.vector_load %arg14[%swap3A_344, %swap3A_345] {strides = array<i32>} : memref<16x128xf32, #tpu.memory_space<vmem>>, vector<16xf32>,
    tpu.vector_store %arg14[%swap3A_344, %swap3A_345], %get3A_322 {strides = array<i32>} : memref<16x128xf32, #tpu.memory_space<vmem>>, vector<16xf32>,
    %swap3A_347 = arith.constant 7 : i32
    %swap3A_348 = arith.index_cast %swap3A_347 : i32 to index
    %swap3A_349 = arith.constant 80 : index
    %swap3A_350 = tpu.vector_load %arg14[%swap3A_348, %swap3A_349] {strides = array<i32>} : memref<16x128xf32, #tpu.memory_space<vmem>>, vector<16xf32>,
    tpu.vector_store %arg14[%swap3A_348, %swap3A_349], %get3A_322 {strides = array<i32>} : memref<16x128xf32, #tpu.memory_space<vmem>>, vector<16xf32>,
    %swap3A_351 = arith.constant 8 : i32
    %swap3A_352 = arith.index_cast %swap3A_351 : i32 to index
    %swap3A_353 = arith.constant 80 : index
    %swap3A_354 = tpu.vector_load %arg14[%swap3A_352, %swap3A_353] {strides = array<i32>} : memref<16x128xf32, #tpu.memory_space<vmem>>, vector<16xf32>,
    tpu.vector_store %arg14[%swap3A_352, %swap3A_353], %get3A_322 {strides = array<i32>} : memref<16x128xf32, #tpu.memory_space<vmem>>, vector<16xf32>,
    %swap3A_355 = arith.constant 9 : i32
    %swap3A_356 = arith.index_cast %swap3A_355 : i32 to index
    %swap3A_357 = arith.constant 80 : index
    %swap3A_358 = tpu.vector_load %arg14[%swap3A_356, %swap3A_357] {strides = array<i32>} : memref<16x128xf32, #tpu.memory_space<vmem>>, vector<16xf32>,
    tpu.vector_store %arg14[%swap3A_356, %swap3A_357], %get3A_322 {strides = array<i32>} : memref<16x128xf32, #tpu.memory_space<vmem>>, vector<16xf32>,
    %swap3A_359 = arith.constant 10 : i32
    %swap3A_360 = arith.index_cast %swap3A_359 : i32 to index
    %swap3A_361 = arith.constant 80 : index
    %swap3A_362 = tpu.vector_load %arg14[%swap3A_360, %swap3A_361] {strides = array<i32>} : memref<16x128xf32, #tpu.memory_space<vmem>>, vector<16xf32>,
    tpu.vector_store %arg14[%swap3A_360, %swap3A_361], %get3A_322 {strides = array<i32>} : memref<16x128xf32, #tpu.memory_space<vmem>>, vector<16xf32>,
    %swap3A_363 = arith.constant 11 : i32
    %swap3A_364 = arith.index_cast %swap3A_363 : i32 to index
    %swap3A_365 = arith.constant 80 : index
    %swap3A_366 = tpu.vector_load %arg14[%swap3A_364, %swap3A_365] {strides = array<i32>} : memref<16x128xf32, #tpu.memory_space<vmem>>, vector<16xf32>,
    tpu.vector_store %arg14[%swap3A_364, %swap3A_365], %get3A_322 {strides = array<i32>} : memref<16x128xf32, #tpu.memory_space<vmem>>, vector<16xf32>,
    %swap3A_367 = arith.constant 12 : i32
    %swap3A_368 = arith.index_cast %swap3A_367 : i32 to index
    %swap3A_369 = arith.constant 80 : index
    %swap3A_370 = tpu.vector_load %arg14[%swap3A_368, %swap3A_369] {strides = array<i32>} : memref<16x128xf32, #tpu.memory_space<vmem>>, vector<16xf32>,
    tpu.vector_store %arg14[%swap3A_368, %swap3A_369], %get3A_322 {strides = array<i32>} : memref<16x128xf32, #tpu.memory_space<vmem>>, vector<16xf32>,
    %swap3A_371 = arith.constant 13 : i32
    %swap3A_372 = arith.index_cast %swap3A_371 : i32 to index
    %swap3A_373 = arith.constant 80 : index
    %swap3A_374 = tpu.vector_load %arg14[%swap3A_372, %swap3A_373] {strides = array<i32>} : memref<16x128xf32, #tpu.memory_space<vmem>>, vector<16xf32>,
    tpu.vector_store %arg14[%swap3A_372, %swap3A_373], %get3A_322 {strides = array<i32>} : memref<16x128xf32, #tpu.memory_space<vmem>>, vector<16xf32>,
    %swap3A_375 = arith.constant 14 : i32
    %swap3A_376 = arith.index_cast %swap3A_375 : i32 to index
    %swap3A_377 = arith.constant 80 : index
    %swap3A_378 = tpu.vector_load %arg14[%swap3A_376, %swap3A_377] {strides = array<i32>} : memref<16x128xf32, #tpu.memory_space<vmem>>, vector<16xf32>,
    tpu.vector_store %arg14[%swap3A_376, %swap3A_377], %get3A_322 {strides = array<i32>} : memref<16x128xf32, #tpu.memory_space<vmem>>, vector<16xf32>,
    %swap3A_379 = arith.constant 15 : i32
    %swap3A_380 = arith.index_cast %swap3A_379 : i32 to index
    %swap3A_381 = arith.constant 80 : index
    %swap3A_382 = tpu.vector_load %arg14[%swap3A_380, %swap3A_381] {strides = array<i32>} : memref<16x128xf32, #tpu.memory_space<vmem>>, vector<16xf32>,
    tpu.vector_store %arg14[%swap3A_380, %swap3A_381], %get3A_322 {strides = array<i32>} : memref<16x128xf32, #tpu.memory_space<vmem>>, vector<16xf32>,
    %get3A_383 = arith.constant 0 : i32
    %get3A_384 = arith.index_cast %get3A_383 : i32 to index
    %get3A_385 = arith.constant 96 : index
    %get3A_386 = tpu.vector_load %arg14[%get3A_384, %get3A_385] {strides = array<i32>} : memref<16x128xf32, #tpu.memory_space<vmem>>, vector<16xf32>,
    %swap3A_387 = arith.constant 1 : i32
    %swap3A_388 = arith.index_cast %swap3A_387 : i32 to index
    %swap3A_389 = arith.constant 96 : index
    %swap3A_390 = tpu.vector_load %arg14[%swap3A_388, %swap3A_389] {strides = array<i32>} : memref<16x128xf32, #tpu.memory_space<vmem>>, vector<16xf32>,
    tpu.vector_store %arg14[%swap3A_388, %swap3A_389], %get3A_386 {strides = array<i32>} : memref<16x128xf32, #tpu.memory_space<vmem>>, vector<16xf32>,
    %swap3A_391 = arith.constant 2 : i32
    %swap3A_392 = arith.index_cast %swap3A_391 : i32 to index
    %swap3A_393 = arith.constant 96 : index
    %swap3A_394 = tpu.vector_load %arg14[%swap3A_392, %swap3A_393] {strides = array<i32>} : memref<16x128xf32, #tpu.memory_space<vmem>>, vector<16xf32>,
    tpu.vector_store %arg14[%swap3A_392, %swap3A_393], %get3A_386 {strides = array<i32>} : memref<16x128xf32, #tpu.memory_space<vmem>>, vector<16xf32>,
    %swap3A_395 = arith.constant 3 : i32
    %swap3A_396 = arith.index_cast %swap3A_395 : i32 to index
    %swap3A_397 = arith.constant 96 : index
    %swap3A_398 = tpu.vector_load %arg14[%swap3A_396, %swap3A_397] {strides = array<i32>} : memref<16x128xf32, #tpu.memory_space<vmem>>, vector<16xf32>,
    tpu.vector_store %arg14[%swap3A_396, %swap3A_397], %get3A_386 {strides = array<i32>} : memref<16x128xf32, #tpu.memory_space<vmem>>, vector<16xf32>,
    %swap3A_399 = arith.constant 4 : i32
    %swap3A_400 = arith.index_cast %swap3A_399 : i32 to index
    %swap3A_401 = arith.constant 96 : index
    %swap3A_402 = tpu.vector_load %arg14[%swap3A_400, %swap3A_401] {strides = array<i32>} : memref<16x128xf32, #tpu.memory_space<vmem>>, vector<16xf32>,
    tpu.vector_store %arg14[%swap3A_400, %swap3A_401], %get3A_386 {strides = array<i32>} : memref<16x128xf32, #tpu.memory_space<vmem>>, vector<16xf32>,
    %swap3A_403 = arith.constant 5 : i32
    %swap3A_404 = arith.index_cast %swap3A_403 : i32 to index
    %swap3A_405 = arith.constant 96 : index
    %swap3A_406 = tpu.vector_load %arg14[%swap3A_404, %swap3A_405] {strides = array<i32>} : memref<16x128xf32, #tpu.memory_space<vmem>>, vector<16xf32>,
    tpu.vector_store %arg14[%swap3A_404, %swap3A_405], %get3A_386 {strides = array<i32>} : memref<16x128xf32, #tpu.memory_space<vmem>>, vector<16xf32>,
    %swap3A_407 = arith.constant 6 : i32
    %swap3A_408 = arith.index_cast %swap3A_407 : i32 to index
    %swap3A_409 = arith.constant 96 : index
    %swap3A_410 = tpu.vector_load %arg14[%swap3A_408, %swap3A_409] {strides = array<i32>} : memref<16x128xf32, #tpu.memory_space<vmem>>, vector<16xf32>,
    tpu.vector_store %arg14[%swap3A_408, %swap3A_409], %get3A_386 {strides = array<i32>} : memref<16x128xf32, #tpu.memory_space<vmem>>, vector<16xf32>,
    %swap3A_411 = arith.constant 7 : i32
    %swap3A_412 = arith.index_cast %swap3A_411 : i32 to index
    %swap3A_413 = arith.constant 96 : index
    %swap3A_414 = tpu.vector_load %arg14[%swap3A_412, %swap3A_413] {strides = array<i32>} : memref<16x128xf32, #tpu.memory_space<vmem>>, vector<16xf32>,
    tpu.vector_store %arg14[%swap3A_412, %swap3A_413], %get3A_386 {strides = array<i32>} : memref<16x128xf32, #tpu.memory_space<vmem>>, vector<16xf32>,
    %swap3A_415 = arith.constant 8 : i32
    %swap3A_416 = arith.index_cast %swap3A_415 : i32 to index
    %swap3A_417 = arith.constant 96 : index
    %swap3A_418 = tpu.vector_load %arg14[%swap3A_416, %swap3A_417] {strides = array<i32>} : memref<16x128xf32, #tpu.memory_space<vmem>>, vector<16xf32>,
    tpu.vector_store %arg14[%swap3A_416, %swap3A_417], %get3A_386 {strides = array<i32>} : memref<16x128xf32, #tpu.memory_space<vmem>>, vector<16xf32>,
    %swap3A_419 = arith.constant 9 : i32
    %swap3A_420 = arith.index_cast %swap3A_419 : i32 to index
    %swap3A_421 = arith.constant 96 : index
    %swap3A_422 = tpu.vector_load %arg14[%swap3A_420, %swap3A_421] {strides = array<i32>} : memref<16x128xf32, #tpu.memory_space<vmem>>, vector<16xf32>,
    tpu.vector_store %arg14[%swap3A_420, %swap3A_421], %get3A_386 {strides = array<i32>} : memref<16x128xf32, #tpu.memory_space<vmem>>, vector<16xf32>,
    %swap3A_423 = arith.constant 10 : i32
    %swap3A_424 = arith.index_cast %swap3A_423 : i32 to index
    %swap3A_425 = arith.constant 96 : index
    %swap3A_426 = tpu.vector_load %arg14[%swap3A_424, %swap3A_425] {strides = array<i32>} : memref<16x128xf32, #tpu.memory_space<vmem>>, vector<16xf32>,
    tpu.vector_store %arg14[%swap3A_424, %swap3A_425], %get3A_386 {strides = array<i32>} : memref<16x128xf32, #tpu.memory_space<vmem>>, vector<16xf32>,
    %swap3A_427 = arith.constant 11 : i32
    %swap3A_428 = arith.index_cast %swap3A_427 : i32 to index
    %swap3A_429 = arith.constant 96 : index
    %swap3A_430 = tpu.vector_load %arg14[%swap3A_428, %swap3A_429] {strides = array<i32>} : memref<16x128xf32, #tpu.memory_space<vmem>>, vector<16xf32>,
    tpu.vector_store %arg14[%swap3A_428, %swap3A_429], %get3A_386 {strides = array<i32>} : memref<16x128xf32, #tpu.memory_space<vmem>>, vector<16xf32>,
    %swap3A_431 = arith.constant 12 : i32
    %swap3A_432 = arith.index_cast %swap3A_431 : i32 to index
    %swap3A_433 = arith.constant 96 : index
    %swap3A_434 = tpu.vector_load %arg14[%swap3A_432, %swap3A_433] {strides = array<i32>} : memref<16x128xf32, #tpu.memory_space<vmem>>, vector<16xf32>,
    tpu.vector_store %arg14[%swap3A_432, %swap3A_433], %get3A_386 {strides = array<i32>} : memref<16x128xf32, #tpu.memory_space<vmem>>, vector<16xf32>,
    %swap3A_435 = arith.constant 13 : i32
    %swap3A_436 = arith.index_cast %swap3A_435 : i32 to index
    %swap3A_437 = arith.constant 96 : index
    %swap3A_438 = tpu.vector_load %arg14[%swap3A_436, %swap3A_437] {strides = array<i32>} : memref<16x128xf32, #tpu.memory_space<vmem>>, vector<16xf32>,
    tpu.vector_store %arg14[%swap3A_436, %swap3A_437], %get3A_386 {strides = array<i32>} : memref<16x128xf32, #tpu.memory_space<vmem>>, vector<16xf32>,
    %swap3A_439 = arith.constant 14 : i32
    %swap3A_440 = arith.index_cast %swap3A_439 : i32 to index
    %swap3A_441 = arith.constant 96 : index
    %swap3A_442 = tpu.vector_load %arg14[%swap3A_440, %swap3A_441] {strides = array<i32>} : memref<16x128xf32, #tpu.memory_space<vmem>>, vector<16xf32>,
    tpu.vector_store %arg14[%swap3A_440, %swap3A_441], %get3A_386 {strides = array<i32>} : memref<16x128xf32, #tpu.memory_space<vmem>>, vector<16xf32>,
    %swap3A_443 = arith.constant 15 : i32
    %swap3A_444 = arith.index_cast %swap3A_443 : i32 to index
    %swap3A_445 = arith.constant 96 : index
    %swap3A_446 = tpu.vector_load %arg14[%swap3A_444, %swap3A_445] {strides = array<i32>} : memref<16x128xf32, #tpu.memory_space<vmem>>, vector<16xf32>,
    tpu.vector_store %arg14[%swap3A_444, %swap3A_445], %get3A_386 {strides = array<i32>} : memref<16x128xf32, #tpu.memory_space<vmem>>, vector<16xf32>,
    %get3A_447 = arith.constant 0 : i32
    %get3A_448 = arith.index_cast %get3A_447 : i32 to index
    %get3A_449 = arith.constant 112 : index
    %get3A_450 = tpu.vector_load %arg14[%get3A_448, %get3A_449] {strides = array<i32>} : memref<16x128xf32, #tpu.memory_space<vmem>>, vector<16xf32>,
    %swap3A_451 = arith.constant 1 : i32
    %swap3A_452 = arith.index_cast %swap3A_451 : i32 to index
    %swap3A_453 = arith.constant 112 : index
    %swap3A_454 = tpu.vector_load %arg14[%swap3A_452, %swap3A_453] {strides = array<i32>} : memref<16x128xf32, #tpu.memory_space<vmem>>, vector<16xf32>,
    tpu.vector_store %arg14[%swap3A_452, %swap3A_453], %get3A_450 {strides = array<i32>} : memref<16x128xf32, #tpu.memory_space<vmem>>, vector<16xf32>,
    %swap3A_455 = arith.constant 2 : i32
    %swap3A_456 = arith.index_cast %swap3A_455 : i32 to index
    %swap3A_457 = arith.constant 112 : index
    %swap3A_458 = tpu.vector_load %arg14[%swap3A_456, %swap3A_457] {strides = array<i32>} : memref<16x128xf32, #tpu.memory_space<vmem>>, vector<16xf32>,
    tpu.vector_store %arg14[%swap3A_456, %swap3A_457], %get3A_450 {strides = array<i32>} : memref<16x128xf32, #tpu.memory_space<vmem>>, vector<16xf32>,
    %swap3A_459 = arith.constant 3 : i32
    %swap3A_460 = arith.index_cast %swap3A_459 : i32 to index
    %swap3A_461 = arith.constant 112 : index
    %swap3A_462 = tpu.vector_load %arg14[%swap3A_460, %swap3A_461] {strides = array<i32>} : memref<16x128xf32, #tpu.memory_space<vmem>>, vector<16xf32>,
    tpu.vector_store %arg14[%swap3A_460, %swap3A_461], %get3A_450 {strides = array<i32>} : memref<16x128xf32, #tpu.memory_space<vmem>>, vector<16xf32>,
    %swap3A_463 = arith.constant 4 : i32
    %swap3A_464 = arith.index_cast %swap3A_463 : i32 to index
    %swap3A_465 = arith.constant 112 : index
    %swap3A_466 = tpu.vector_load %arg14[%swap3A_464, %swap3A_465] {strides = array<i32>} : memref<16x128xf32, #tpu.memory_space<vmem>>, vector<16xf32>,
    tpu.vector_store %arg14[%swap3A_464, %swap3A_465], %get3A_450 {strides = array<i32>} : memref<16x128xf32, #tpu.memory_space<vmem>>, vector<16xf32>,
    %swap3A_467 = arith.constant 5 : i32
    %swap3A_468 = arith.index_cast %swap3A_467 : i32 to index
    %swap3A_469 = arith.constant 112 : index
    %swap3A_470 = tpu.vector_load %arg14[%swap3A_468, %swap3A_469] {strides = array<i32>} : memref<16x128xf32, #tpu.memory_space<vmem>>, vector<16xf32>,
    tpu.vector_store %arg14[%swap3A_468, %swap3A_469], %get3A_450 {strides = array<i32>} : memref<16x128xf32, #tpu.memory_space<vmem>>, vector<16xf32>,
    %swap3A_471 = arith.constant 6 : i32
    %swap3A_472 = arith.index_cast %swap3A_471 : i32 to index
    %swap3A_473 = arith.constant 112 : index
    %swap3A_474 = tpu.vector_load %arg14[%swap3A_472, %swap3A_473] {strides = array<i32>} : memref<16x128xf32, #tpu.memory_space<vmem>>, vector<16xf32>,
    tpu.vector_store %arg14[%swap3A_472, %swap3A_473], %get3A_450 {strides = array<i32>} : memref<16x128xf32, #tpu.memory_space<vmem>>, vector<16xf32>,
    %swap3A_475 = arith.constant 7 : i32
    %swap3A_476 = arith.index_cast %swap3A_475 : i32 to index
    %swap3A_477 = arith.constant 112 : index
    %swap3A_478 = tpu.vector_load %arg14[%swap3A_476, %swap3A_477] {strides = array<i32>} : memref<16x128xf32, #tpu.memory_space<vmem>>, vector<16xf32>,
    tpu.vector_store %arg14[%swap3A_476, %swap3A_477], %get3A_450 {strides = array<i32>} : memref<16x128xf32, #tpu.memory_space<vmem>>, vector<16xf32>,
    %swap3A_479 = arith.constant 8 : i32
    %swap3A_480 = arith.index_cast %swap3A_479 : i32 to index
    %swap3A_481 = arith.constant 112 : index
    %swap3A_482 = tpu.vector_load %arg14[%swap3A_480, %swap3A_481] {strides = array<i32>} : memref<16x128xf32, #tpu.memory_space<vmem>>, vector<16xf32>,
    tpu.vector_store %arg14[%swap3A_480, %swap3A_481], %get3A_450 {strides = array<i32>} : memref<16x128xf32, #tpu.memory_space<vmem>>, vector<16xf32>,
    %swap3A_483 = arith.constant 9 : i32
    %swap3A_484 = arith.index_cast %swap3A_483 : i32 to index
    %swap3A_485 = arith.constant 112 : index
    %swap3A_486 = tpu.vector_load %arg14[%swap3A_484, %swap3A_485] {strides = array<i32>} : memref<16x128xf32, #tpu.memory_space<vmem>>, vector<16xf32>,
    tpu.vector_store %arg14[%swap3A_484, %swap3A_485], %get3A_450 {strides = array<i32>} : memref<16x128xf32, #tpu.memory_space<vmem>>, vector<16xf32>,
    %swap3A_487 = arith.constant 10 : i32
    %swap3A_488 = arith.index_cast %swap3A_487 : i32 to index
    %swap3A_489 = arith.constant 112 : index
    %swap3A_490 = tpu.vector_load %arg14[%swap3A_488, %swap3A_489] {strides = array<i32>} : memref<16x128xf32, #tpu.memory_space<vmem>>, vector<16xf32>,
    tpu.vector_store %arg14[%swap3A_488, %swap3A_489], %get3A_450 {strides = array<i32>} : memref<16x128xf32, #tpu.memory_space<vmem>>, vector<16xf32>,
    %swap3A_491 = arith.constant 11 : i32
    %swap3A_492 = arith.index_cast %swap3A_491 : i32 to index
    %swap3A_493 = arith.constant 112 : index
    %swap3A_494 = tpu.vector_load %arg14[%swap3A_492, %swap3A_493] {strides = array<i32>} : memref<16x128xf32, #tpu.memory_space<vmem>>, vector<16xf32>,
    tpu.vector_store %arg14[%swap3A_492, %swap3A_493], %get3A_450 {strides = array<i32>} : memref<16x128xf32, #tpu.memory_space<vmem>>, vector<16xf32>,
    %swap3A_495 = arith.constant 12 : i32
    %swap3A_496 = arith.index_cast %swap3A_495 : i32 to index
    %swap3A_497 = arith.constant 112 : index
    %swap3A_498 = tpu.vector_load %arg14[%swap3A_496, %swap3A_497] {strides = array<i32>} : memref<16x128xf32, #tpu.memory_space<vmem>>, vector<16xf32>,
    tpu.vector_store %arg14[%swap3A_496, %swap3A_497], %get3A_450 {strides = array<i32>} : memref<16x128xf32, #tpu.memory_space<vmem>>, vector<16xf32>,
    %swap3A_499 = arith.constant 13 : i32
    %swap3A_500 = arith.index_cast %swap3A_499 : i32 to index
    %swap3A_501 = arith.constant 112 : index
    %swap3A_502 = tpu.vector_load %arg14[%swap3A_500, %swap3A_501] {strides = array<i32>} : memref<16x128xf32, #tpu.memory_space<vmem>>, vector<16xf32>,
    tpu.vector_store %arg14[%swap3A_500, %swap3A_501], %get3A_450 {strides = array<i32>} : memref<16x128xf32, #tpu.memory_space<vmem>>, vector<16xf32>,
    %swap3A_503 = arith.constant 14 : i32
    %swap3A_504 = arith.index_cast %swap3A_503 : i32 to index
    %swap3A_505 = arith.constant 112 : index
    %swap3A_506 = tpu.vector_load %arg14[%swap3A_504, %swap3A_505] {strides = array<i32>} : memref<16x128xf32, #tpu.memory_space<vmem>>, vector<16xf32>,
    tpu.vector_store %arg14[%swap3A_504, %swap3A_505], %get3A_450 {strides = array<i32>} : memref<16x128xf32, #tpu.memory_space<vmem>>, vector<16xf32>,
    %swap3A_507 = arith.constant 15 : i32
    %swap3A_508 = arith.index_cast %swap3A_507 : i32 to index
    %swap3A_509 = arith.constant 112 : index
    %swap3A_510 = tpu.vector_load %arg14[%swap3A_508, %swap3A_509] {strides = array<i32>} : memref<16x128xf32, #tpu.memory_space<vmem>>, vector<16xf32>,
    tpu.vector_store %arg14[%swap3A_508, %swap3A_509], %get3A_450 {strides = array<i32>} : memref<16x128xf32, #tpu.memory_space<vmem>>, vector<16xf32>,
    %iota3A = tpu.iota {dimensions = array<i32: 0>} : vector<16xi32>
    %broadcast_in_dim3A = arith.constant 6401 : i32
    %broadcast_in_dim3A_511 = vector.broadcast %broadcast_in_dim3A : i32 to vector<16xi32>
    %eq3A = arith.constant 0 : i32
    %eq3A_512 = arith.cmpi eq, %arg0, %eq3A : i32
    %jit3A = arith.constant 13 : i32
    %jit3A_513 = arith.constant 12 : i32
    %select_n3A = arith.select %eq3A_512, %jit3A, %jit3A_513 : i32
    %while3A = arith.constant 0 : i32
    %while3A_514 = arith.constant 0 : i32
    %while3A_515 = arith.subi %select_n3A, %while3A_514 : i32
    %while3A_516 = arith.addi %while3A_514, %while3A_515 : i32
    %while3A_517 = arith.constant 1 : i32
    %while3A_518 = arith.divsi %while3A_515, %while3A_517 : i32
    %while3A_519 = arith.muli %while3A_518, %while3A_517 : i32
    %while3A_520 = arith.addi %while3A_514, %while3A_519 : i32
    %while3A_521 = arith.constant 1 : i32
    scf.for %while3A_523 = %while3A_514 to %while3A_520 step %while3A_521  : i32 {
      %mul3A_524 = arith.constant 2 : i32
      %mul3A_525 = arith.muli %mul3A_524, %while3A_523 : i32
      %add3A = arith.addi %mul3A_525, %arg0 : i32
      %mul3A_526 = arith.constant 6400 : i32
      %mul3A_527 = arith.muli %add3A, %mul3A_526 : i32
      %add3A_528 = arith.constant 6400 : i32
      %add3A_529 = arith.addi %mul3A_527, %add3A_528 : i32
      %min3A = arith.constant 160000 : i32
      %min3A_530 = arith.minsi %add3A_529, %min3A : i32
      %scan3A = arith.constant 0 : i32
      %scan3A_531 = arith.constant 0 : i32
      %scan3A_532 = arith.constant 25 : i32
      %scan3A_533 = arith.addi %scan3A_531, %scan3A_532 : i32
      %scan3A_534 = arith.constant 1 : i32
      scf.for %scan3A_679 = %scan3A_531 to %scan3A_533 step %scan3A_534  : i32 {
        %mul3A_680 = arith.constant 400 : i32
        %mul3A_681 = arith.muli %arg1, %mul3A_680 : i32
        %mul3A_682 = arith.constant 16 : i32
        %mul3A_683 = arith.muli %scan3A_679, %mul3A_682 : i32
        %add3A_684 = arith.addi %mul3A_681, %mul3A_683 : i32
        "tpu.region"() ({
          %run_scoped3A_685 = tpu.sem_alloc : memref<!tpu.dma_semaphore, #tpu.memory_space<semaphore_mem>>
          %dma_start3A = arith.constant 0 : i32
          %dma_start3A_686 = tpu.memref_slice %arg19[%add3A_684, %dma_start3A] : memref<6408x128xf32, #tpu.memory_space<vmem_shared>> -> memref<16x128xf32, #tpu.memory_space<vmem_shared>>
          %dma_start3A_687 = arith.constant 0 : i32
          %dma_start3A_688 = tpu.memref_slice %arg19[%add3A_684, %dma_start3A_687] : memref<6408x128xf32, #tpu.memory_space<vmem_shared>> -> memref<16x128xf32, #tpu.memory_space<vmem_shared>>
          tpu.enqueue_dma source(%arg14 : memref<16x128xf32, #tpu.memory_space<vmem>>) target(%dma_start3A_688 : memref<16x128xf32, #tpu.memory_space<vmem_shared>>) target_semaphore(%run_scoped3A_685 : memref<!tpu.dma_semaphore, #tpu.memory_space<semaphore_mem>>)
          %dma_wait3A = arith.constant 0 : i32
          %dma_wait3A_689 = tpu.memref_slice %arg19[%add3A_684, %dma_wait3A] : memref<6408x128xf32, #tpu.memory_space<vmem_shared>> -> memref<16x128xf32, #tpu.memory_space<vmem_shared>>
          %dma_wait3A_690 = arith.constant 0 : i32
          %dma_wait3A_691 = tpu.memref_slice %arg19[%add3A_684, %dma_wait3A_690] : memref<6408x128xf32, #tpu.memory_space<vmem_shared>> -> memref<16x128xf32, #tpu.memory_space<vmem_shared>>
          tpu.wait_dma2 semaphore(%run_scoped3A_685 : memref<!tpu.dma_semaphore, #tpu.memory_space<semaphore_mem>>) src(%arg14 : memref<16x128xf32, #tpu.memory_space<vmem>>) dst(%dma_wait3A_691 : memref<16x128xf32, #tpu.memory_space<vmem_shared>>)
          tpu.yield
        }) : () -> ()
      }
      %scan3A_535 = arith.constant 25 : i32
      %eq3A_536 = arith.constant 15 : i32
      %eq3A_537 = arith.cmpi eq, %arg1, %eq3A_536 : i32
      %convert_element_type3A = arith.extui %eq3A_537 : i1 to i32
      %cond3A = arith.constant 0 : i32
      %cond3A_538 = arith.cmpi ne, %convert_element_type3A, %cond3A : i32
      scf.if %cond3A_538 {
        "tpu.region"() ({
          %run_scoped3A_679 = tpu.sem_alloc : memref<!tpu.dma_semaphore, #tpu.memory_space<semaphore_mem>>
          %dma_start3A = arith.constant 0 : i32
          %dma_start3A_680 = arith.constant 0 : i32
          %dma_start3A_681 = tpu.memref_slice %arg14[%dma_start3A, %dma_start3A_680] : memref<16x128xf32, #tpu.memory_space<vmem>> -> memref<8x128xf32, #tpu.memory_space<vmem>>
          %dma_start3A_682 = arith.constant 6400 : i32
          %dma_start3A_683 = arith.constant 0 : i32
          %dma_start3A_684 = tpu.memref_slice %arg19[%dma_start3A_682, %dma_start3A_683] : memref<6408x128xf32, #tpu.memory_space<vmem_shared>> -> memref<8x128xf32, #tpu.memory_space<vmem_shared>>
          %dma_start3A_685 = arith.constant 6400 : i32
          %dma_start3A_686 = arith.constant 0 : i32
          %dma_start3A_687 = tpu.memref_slice %arg19[%dma_start3A_685, %dma_start3A_686] : memref<6408x128xf32, #tpu.memory_space<vmem_shared>> -> memref<8x128xf32, #tpu.memory_space<vmem_shared>>
          %dma_start3A_688 = arith.constant 0 : i32
          %dma_start3A_689 = arith.constant 0 : i32
          %dma_start3A_690 = tpu.memref_slice %arg14[%dma_start3A_688, %dma_start3A_689] : memref<16x128xf32, #tpu.memory_space<vmem>> -> memref<8x128xf32, #tpu.memory_space<vmem>>
          tpu.enqueue_dma source(%dma_start3A_690 : memref<8x128xf32, #tpu.memory_space<vmem>>) target(%dma_start3A_687 : memref<8x128xf32, #tpu.memory_space<vmem_shared>>) target_semaphore(%run_scoped3A_679 : memref<!tpu.dma_semaphore, #tpu.memory_space<semaphore_mem>>)
          %dma_wait3A = arith.constant 0 : i32
          %dma_wait3A_691 = arith.constant 0 : i32
          %dma_wait3A_692 = tpu.memref_slice %arg14[%dma_wait3A, %dma_wait3A_691] : memref<16x128xf32, #tpu.memory_space<vmem>> -> memref<8x128xf32, #tpu.memory_space<vmem>>
          %dma_wait3A_693 = arith.constant 6400 : i32
          %dma_wait3A_694 = arith.constant 0 : i32
          %dma_wait3A_695 = tpu.memref_slice %arg19[%dma_wait3A_693, %dma_wait3A_694] : memref<6408x128xf32, #tpu.memory_space<vmem_shared>> -> memref<8x128xf32, #tpu.memory_space<vmem_shared>>
          %dma_wait3A_696 = arith.constant 6400 : i32
          %dma_wait3A_697 = arith.constant 0 : i32
          %dma_wait3A_698 = tpu.memref_slice %arg19[%dma_wait3A_696, %dma_wait3A_697] : memref<6408x128xf32, #tpu.memory_space<vmem_shared>> -> memref<8x128xf32, #tpu.memory_space<vmem_shared>>
          %dma_wait3A_699 = arith.constant 0 : i32
          %dma_wait3A_700 = arith.constant 0 : i32
          %dma_wait3A_701 = tpu.memref_slice %arg14[%dma_wait3A_699, %dma_wait3A_700] : memref<16x128xf32, #tpu.memory_space<vmem>> -> memref<8x128xf32, #tpu.memory_space<vmem>>
          tpu.wait_dma2 semaphore(%run_scoped3A_679 : memref<!tpu.dma_semaphore, #tpu.memory_space<semaphore_mem>>) src(%dma_wait3A_701 : memref<8x128xf32, #tpu.memory_space<vmem>>) dst(%dma_wait3A_698 : memref<8x128xf32, #tpu.memory_space<vmem_shared>>)
          tpu.yield
        }) : () -> ()
      } else {
      }
      %barrier3A = arith.constant 0 : index
      tpu.barrier barrier_id(%barrier3A)
      %scan3A_539 = arith.constant 0 : i32
      %scan3A_540 = arith.constant 0 : i32
      %scan3A_541 = arith.constant 937 : i32
      %scan3A_542 = arith.addi %scan3A_540, %scan3A_541 : i32
      %scan3A_543 = arith.constant 1 : i32
      %scan3A_544 = scf.for %scan3A_679 = %scan3A_540 to %scan3A_542 step %scan3A_543 iter_args(%scan3A_680 = %scan3A_539) -> (i32)  : i32 {
        %mul3A_681 = arith.constant 32 : i32
        %mul3A_682 = arith.muli %scan3A_679, %mul3A_681 : i32
        %get3A_683 = arith.index_cast %mul3A_682 : i32 to index
        %get3A_684 = tpu.vector_load %arg6[%get3A_683] {strides = array<i32>} : memref<30000xi32, #tpu.memory_space<vmem>>, vector<16xi32>,
        %mul3A_685 = arith.constant 32 : i32
        %mul3A_686 = arith.muli %scan3A_679, %mul3A_685 : i32
        %add3A_687 = arith.constant 16 : i32
        %add3A_688 = arith.addi %mul3A_686, %add3A_687 : i32
        %get3A_689 = arith.index_cast %add3A_688 : i32 to index
        %get3A_690 = tpu.vector_load %arg6[%get3A_689] {strides = array<i32>} : memref<30000xi32, #tpu.memory_space<vmem>>, vector<16xi32>,
        %ge3A_691 = vector.broadcast %mul3A_527 : i32 to vector<16xi32>
        %ge3A_692 = arith.cmpi sge, %get3A_684, %ge3A_691 : vector<16xi32>
        %lt3A_693 = vector.broadcast %min3A_530 : i32 to vector<16xi32>
        %lt3A_694 = arith.cmpi slt, %get3A_684, %lt3A_693 : vector<16xi32>
        %and3A_695 = arith.andi %ge3A_692, %lt3A_694 : vector<16xi1>
        %ge3A_696 = vector.broadcast %mul3A_527 : i32 to vector<16xi32>
        %ge3A_697 = arith.cmpi sge, %get3A_690, %ge3A_696 : vector<16xi32>
        %lt3A_698 = vector.broadcast %min3A_530 : i32 to vector<16xi32>
        %lt3A_699 = arith.cmpi slt, %get3A_690, %lt3A_698 : vector<16xi32>
        %and3A_700 = arith.andi %ge3A_697, %lt3A_699 : vector<16xi1>
        %convert_element_type3A_701 = arith.extui %and3A_695 : vector<16xi1> to vector<16xi32>
        %broadcast_in_dim3A_702 = arith.constant true
        %broadcast_in_dim3A_703 = vector.broadcast %broadcast_in_dim3A_702 : i1 to vector<16xi1>
        %masked_cumsum3A_704 = tpu.scan <sum>, %convert_element_type3A_701 masked %broadcast_in_dim3A_703 : vector<16xi32>, vector<16xi1> -> vector<16xi32>
        %convert_element_type3A_705 = arith.extui %and3A_700 : vector<16xi1> to vector<16xi32>
        %broadcast_in_dim3A_706 = arith.constant true
        %broadcast_in_dim3A_707 = vector.broadcast %broadcast_in_dim3A_706 : i1 to vector<16xi1>
        %masked_cumsum3A_708 = tpu.scan <sum>, %convert_element_type3A_705 masked %broadcast_in_dim3A_707 : vector<16xi32>, vector<16xi1> -> vector<16xi32>
        %mul3A_709 = arith.constant 30000 : i32
        %mul3A_710 = arith.muli %arg1, %mul3A_709 : i32
        %mul3A_711 = arith.constant 32 : i32
        %mul3A_712 = arith.muli %scan3A_679, %mul3A_711 : i32
        %add3A_713 = arith.addi %mul3A_710, %mul3A_712 : i32
        %add3A_714 = vector.broadcast %scan3A_680 : i32 to vector<16xi32>
        %add3A_715 = arith.addi %add3A_714, %masked_cumsum3A_704 : vector<16xi32>
        %sub3A_716 = arith.constant 1 : i32
        %sub3A_717 = vector.broadcast %sub3A_716 : i32 to vector<16xi32>
        %sub3A_718 = arith.subi %add3A_715, %sub3A_717 : vector<16xi32>
        %add3A_719 = arith.constant 30064 : i32
        %add3A_720 = vector.broadcast %add3A_719 : i32 to vector<16xi32>
        %add3A_721 = arith.addi %add3A_720, %iota3A : vector<16xi32>
        %select_n3A_722 = arith.select %and3A_695, %sub3A_718, %add3A_721 : vector<16xi1>, vector<16xi32>
        %add3A_723 = vector.broadcast %add3A_713 : i32 to vector<16xi32>
        %add3A_724 = arith.addi %iota3A, %add3A_723 : vector<16xi32>
        %shift_left3A_725 = arith.constant 13 : i32
        %shift_left3A_726 = vector.broadcast %shift_left3A_725 : i32 to vector<16xi32>
        %shift_left3A_727 = arith.shli %add3A_724, %shift_left3A_726 : vector<16xi32>
        %sub3A_728 = vector.broadcast %mul3A_527 : i32 to vector<16xi32>
        %sub3A_729 = arith.subi %get3A_684, %sub3A_728 : vector<16xi32>
        %or3A_730 = arith.ori %shift_left3A_727, %sub3A_729 : vector<16xi32>
        tpu.vector_store_idx %arg7[%select_n3A_722], %or3A_730 : memref<30080xi32, #tpu.memory_space<vmem>>[vector<16xi32>], vector<16xi32>,
        %slice3A_731 = vector.extract_strided_slice %masked_cumsum3A_704 {offsets = [15], sizes = [1], strides = [1]} : vector<16xi32> to vector<1xi32>
        %squeeze3A_732 = vector.extract %slice3A_731[0] : i32 from vector<1xi32>
        %add3A_733 = arith.addi %scan3A_680, %squeeze3A_732 : i32
        %add3A_734 = vector.broadcast %add3A_733 : i32 to vector<16xi32>
        %add3A_735 = arith.addi %add3A_734, %masked_cumsum3A_708 : vector<16xi32>
        %sub3A_736 = arith.constant 1 : i32
        %sub3A_737 = vector.broadcast %sub3A_736 : i32 to vector<16xi32>
        %sub3A_738 = arith.subi %add3A_735, %sub3A_737 : vector<16xi32>
        %add3A_739 = arith.constant 30064 : i32
        %add3A_740 = vector.broadcast %add3A_739 : i32 to vector<16xi32>
        %add3A_741 = arith.addi %add3A_740, %iota3A : vector<16xi32>
        %select_n3A_742 = arith.select %and3A_700, %sub3A_738, %add3A_741 : vector<16xi1>, vector<16xi32>
        %add3A_743 = arith.constant 16 : i32
        %add3A_744 = arith.addi %add3A_713, %add3A_743 : i32
        %add3A_745 = vector.broadcast %add3A_744 : i32 to vector<16xi32>
        %add3A_746 = arith.addi %iota3A, %add3A_745 : vector<16xi32>
        %shift_left3A_747 = arith.constant 13 : i32
        %shift_left3A_748 = vector.broadcast %shift_left3A_747 : i32 to vector<16xi32>
        %shift_left3A_749 = arith.shli %add3A_746, %shift_left3A_748 : vector<16xi32>
        %sub3A_750 = vector.broadcast %mul3A_527 : i32 to vector<16xi32>
        %sub3A_751 = arith.subi %get3A_690, %sub3A_750 : vector<16xi32>
        %or3A_752 = arith.ori %shift_left3A_749, %sub3A_751 : vector<16xi32>
        tpu.vector_store_idx %arg7[%select_n3A_742], %or3A_752 : memref<30080xi32, #tpu.memory_space<vmem>>[vector<16xi32>], vector<16xi32>,
        %slice3A_753 = vector.extract_strided_slice %masked_cumsum3A_708 {offsets = [15], sizes = [1], strides = [1]} : vector<16xi32> to vector<1xi32>
        %squeeze3A_754 = vector.extract %slice3A_753[0] : i32 from vector<1xi32>
        %add3A_755 = arith.addi %add3A_733, %squeeze3A_754 : i32
        scf.yield %add3A_755 : i32
      }
      %scan3A_545 = arith.constant 937 : i32
      %get3A_546 = arith.constant 29984 : index
      %get3A_547 = tpu.vector_load %arg6[%get3A_546] {strides = array<i32>} : memref<30000xi32, #tpu.memory_space<vmem>>, vector<16xi32>,
      %ge3A = vector.broadcast %mul3A_527 : i32 to vector<16xi32>
      %ge3A_548 = arith.cmpi sge, %get3A_547, %ge3A : vector<16xi32>
      %lt3A = vector.broadcast %min3A_530 : i32 to vector<16xi32>
      %lt3A_549 = arith.cmpi slt, %get3A_547, %lt3A : vector<16xi32>
      %and3A = arith.andi %ge3A_548, %lt3A_549 : vector<16xi1>
      %convert_element_type3A_550 = arith.extui %and3A : vector<16xi1> to vector<16xi32>
      %broadcast_in_dim3A_551 = arith.constant true
      %broadcast_in_dim3A_552 = vector.broadcast %broadcast_in_dim3A_551 : i1 to vector<16xi1>
      %masked_cumsum3A = tpu.scan <sum>, %convert_element_type3A_550 masked %broadcast_in_dim3A_552 : vector<16xi32>, vector<16xi1> -> vector<16xi32>
      %add3A_553 = vector.broadcast %scan3A_544 : i32 to vector<16xi32>
      %add3A_554 = arith.addi %add3A_553, %masked_cumsum3A : vector<16xi32>
      %sub3A = arith.constant 1 : i32
      %sub3A_555 = vector.broadcast %sub3A : i32 to vector<16xi32>
      %sub3A_556 = arith.subi %add3A_554, %sub3A_555 : vector<16xi32>
      %add3A_557 = arith.constant 30064 : i32
      %add3A_558 = vector.broadcast %add3A_557 : i32 to vector<16xi32>
      %add3A_559 = arith.addi %add3A_558, %iota3A : vector<16xi32>
      %select_n3A_560 = arith.select %and3A, %sub3A_556, %add3A_559 : vector<16xi1>, vector<16xi32>
      %mul3A_561 = arith.constant 30000 : i32
      %mul3A_562 = arith.muli %arg1, %mul3A_561 : i32
      %add3A_563 = arith.constant 29984 : i32
      %add3A_564 = arith.addi %mul3A_562, %add3A_563 : i32
      %add3A_565 = vector.broadcast %add3A_564 : i32 to vector<16xi32>
      %add3A_566 = arith.addi %iota3A, %add3A_565 : vector<16xi32>
      %shift_left3A = arith.constant 13 : i32
      %shift_left3A_567 = vector.broadcast %shift_left3A : i32 to vector<16xi32>
      %shift_left3A_568 = arith.shli %add3A_566, %shift_left3A_567 : vector<16xi32>
      %sub3A_569 = vector.broadcast %mul3A_527 : i32 to vector<16xi32>
      %sub3A_570 = arith.subi %get3A_547, %sub3A_569 : vector<16xi32>
      %or3A = arith.ori %shift_left3A_568, %sub3A_570 : vector<16xi32>
      tpu.vector_store_idx %arg7[%select_n3A_560], %or3A : memref<30080xi32, #tpu.memory_space<vmem>>[vector<16xi32>], vector<16xi32>,
      %slice3A = vector.extract_strided_slice %masked_cumsum3A {offsets = [15], sizes = [1], strides = [1]} : vector<16xi32> to vector<1xi32>
      %squeeze3A = vector.extract %slice3A[0] : i32 from vector<1xi32>
      %add3A_571 = arith.addi %scan3A_544, %squeeze3A : i32
      %add3A_572 = arith.constant 0 : i32
      %add3A_573 = arith.addi %add3A_571, %add3A_572 : i32
      %add3A_574 = vector.broadcast %add3A_573 : i32 to vector<16xi32>
      %add3A_575 = arith.addi %add3A_574, %iota3A : vector<16xi32>
      tpu.vector_store_idx %arg7[%add3A_575], %broadcast_in_dim3A_511 : memref<30080xi32, #tpu.memory_space<vmem>>[vector<16xi32>], vector<16xi32>,
      %add3A_576 = arith.constant 16 : i32
      %add3A_577 = arith.addi %add3A_571, %add3A_576 : i32
      %add3A_578 = vector.broadcast %add3A_577 : i32 to vector<16xi32>
      %add3A_579 = arith.addi %add3A_578, %iota3A : vector<16xi32>
      tpu.vector_store_idx %arg7[%add3A_579], %broadcast_in_dim3A_511 : memref<30080xi32, #tpu.memory_space<vmem>>[vector<16xi32>], vector<16xi32>,
      %add3A_580 = arith.constant 32 : i32
      %add3A_581 = arith.addi %add3A_571, %add3A_580 : i32
      %add3A_582 = vector.broadcast %add3A_581 : i32 to vector<16xi32>
      %add3A_583 = arith.addi %add3A_582, %iota3A : vector<16xi32>
      tpu.vector_store_idx %arg7[%add3A_583], %broadcast_in_dim3A_511 : memref<30080xi32, #tpu.memory_space<vmem>>[vector<16xi32>], vector<16xi32>,
      %add3A_584 = arith.constant 48 : i32
      %add3A_585 = arith.addi %add3A_571, %add3A_584 : i32
      %add3A_586 = vector.broadcast %add3A_585 : i32 to vector<16xi32>
      %add3A_587 = arith.addi %add3A_586, %iota3A : vector<16xi32>
      tpu.vector_store_idx %arg7[%add3A_587], %broadcast_in_dim3A_511 : memref<30080xi32, #tpu.memory_space<vmem>>[vector<16xi32>], vector<16xi32>,
      %add3A_588 = arith.constant 63 : i32
      %add3A_589 = arith.addi %add3A_571, %add3A_588 : i32
      %jit3A_590 = arith.constant 64 : i32
      %div3A = arith.divsi %add3A_589, %jit3A_590 : i32
      %sign3A = arith.constant 0 : i32
      %sign3A_591 = arith.cmpi sgt, %add3A_589, %sign3A : i32
      %sign3A_592 = arith.extui %sign3A_591 : i1 to i32
      %sign3A_593 = arith.constant 0 : i32
      %sign3A_594 = arith.cmpi slt, %add3A_589, %sign3A_593 : i32
      %sign3A_595 = arith.extui %sign3A_594 : i1 to i32
      %sign3A_596 = arith.subi %sign3A_592, %sign3A_595 : i32
      %sign3A_597 = arith.constant 0 : i32
      %sign3A_598 = arith.cmpi sgt, %jit3A_590, %sign3A_597 : i32
      %sign3A_599 = arith.extui %sign3A_598 : i1 to i32
      %sign3A_600 = arith.constant 0 : i32
      %sign3A_601 = arith.cmpi slt, %jit3A_590, %sign3A_600 : i32
      %sign3A_602 = arith.extui %sign3A_601 : i1 to i32
      %sign3A_603 = arith.subi %sign3A_599, %sign3A_602 : i32
      %ne3A = arith.cmpi ne, %sign3A_596, %sign3A_603 : i32
      %rem3A = arith.remsi %add3A_589, %jit3A_590 : i32
      %ne3A_604 = arith.constant 0 : i32
      %ne3A_605 = arith.cmpi ne, %rem3A, %ne3A_604 : i32
      %and3A_606 = arith.andi %ne3A, %ne3A_605 : i1
      %sub3A_607 = arith.constant 1 : i32
      %sub3A_608 = arith.subi %div3A, %sub3A_607 : i32
      %select_n3A_609 = arith.select %and3A_606, %sub3A_608, %div3A : i32
      %gt3A = arith.constant 0 : i32
      %gt3A_610 = arith.cmpi sgt, %select_n3A_609, %gt3A : i32
      %convert_element_type3A_611 = arith.extui %gt3A_610 : i1 to i32
      %cond3A_612 = arith.constant 0 : i32
      %cond3A_613 = arith.cmpi ne, %convert_element_type3A_611, %cond3A_612 : i32
      scf.if %cond3A_613 {
        %get3A_679 = arith.constant 0 : index
        %get3A_680 = tpu.vector_load %arg7[%get3A_679] {strides = array<i32>} : memref<30080xi32, #tpu.memory_space<vmem>>, vector<16xi32>,
        %shift_right_logical3A = arith.constant 13 : i32
        %shift_right_logical3A_681 = vector.broadcast %shift_right_logical3A : i32 to vector<16xi32>
        %shift_right_logical3A_682 = arith.shrui %get3A_680, %shift_right_logical3A_681 : vector<16xi32>
        %swap3A_683 = arith.constant 0 : index
        %swap3A_684 = tpu.vector_load %arg10[%swap3A_683] {strides = array<i32>} : memref<64xi32, #tpu.memory_space<vmem>>, vector<16xi32>,
        tpu.vector_store %arg10[%swap3A_683], %shift_right_logical3A_682 {strides = array<i32>} : memref<64xi32, #tpu.memory_space<vmem>>, vector<16xi32>,
        %and3A_685 = arith.constant 8191 : i32
        %and3A_686 = vector.broadcast %and3A_685 : i32 to vector<16xi32>
        %and3A_687 = arith.andi %get3A_680, %and3A_686 : vector<16xi32>
        %swap3A_688 = arith.constant 0 : index
        %swap3A_689 = tpu.vector_load %arg12[%swap3A_688] {strides = array<i32>} : memref<64xi32, #tpu.memory_space<vmem>>, vector<16xi32>,
        tpu.vector_store %arg12[%swap3A_688], %and3A_687 {strides = array<i32>} : memref<64xi32, #tpu.memory_space<vmem>>, vector<16xi32>,
        %get3A_690 = arith.constant 16 : index
        %get3A_691 = tpu.vector_load %arg7[%get3A_690] {strides = array<i32>} : memref<30080xi32, #tpu.memory_space<vmem>>, vector<16xi32>,
        %shift_right_logical3A_692 = arith.constant 13 : i32
        %shift_right_logical3A_693 = vector.broadcast %shift_right_logical3A_692 : i32 to vector<16xi32>
        %shift_right_logical3A_694 = arith.shrui %get3A_691, %shift_right_logical3A_693 : vector<16xi32>
        %swap3A_695 = arith.constant 16 : index
        %swap3A_696 = tpu.vector_load %arg10[%swap3A_695] {strides = array<i32>} : memref<64xi32, #tpu.memory_space<vmem>>, vector<16xi32>,
        tpu.vector_store %arg10[%swap3A_695], %shift_right_logical3A_694 {strides = array<i32>} : memref<64xi32, #tpu.memory_space<vmem>>, vector<16xi32>,
        %and3A_697 = arith.constant 8191 : i32
        %and3A_698 = vector.broadcast %and3A_697 : i32 to vector<16xi32>
        %and3A_699 = arith.andi %get3A_691, %and3A_698 : vector<16xi32>
        %swap3A_700 = arith.constant 16 : index
        %swap3A_701 = tpu.vector_load %arg12[%swap3A_700] {strides = array<i32>} : memref<64xi32, #tpu.memory_space<vmem>>, vector<16xi32>,
        tpu.vector_store %arg12[%swap3A_700], %and3A_699 {strides = array<i32>} : memref<64xi32, #tpu.memory_space<vmem>>, vector<16xi32>,
        %get3A_702 = arith.constant 32 : index
        %get3A_703 = tpu.vector_load %arg7[%get3A_702] {strides = array<i32>} : memref<30080xi32, #tpu.memory_space<vmem>>, vector<16xi32>,
        %shift_right_logical3A_704 = arith.constant 13 : i32
        %shift_right_logical3A_705 = vector.broadcast %shift_right_logical3A_704 : i32 to vector<16xi32>
        %shift_right_logical3A_706 = arith.shrui %get3A_703, %shift_right_logical3A_705 : vector<16xi32>
        %swap3A_707 = arith.constant 32 : index
        %swap3A_708 = tpu.vector_load %arg10[%swap3A_707] {strides = array<i32>} : memref<64xi32, #tpu.memory_space<vmem>>, vector<16xi32>,
        tpu.vector_store %arg10[%swap3A_707], %shift_right_logical3A_706 {strides = array<i32>} : memref<64xi32, #tpu.memory_space<vmem>>, vector<16xi32>,
        %and3A_709 = arith.constant 8191 : i32
        %and3A_710 = vector.broadcast %and3A_709 : i32 to vector<16xi32>
        %and3A_711 = arith.andi %get3A_703, %and3A_710 : vector<16xi32>
        %swap3A_712 = arith.constant 32 : index
        %swap3A_713 = tpu.vector_load %arg12[%swap3A_712] {strides = array<i32>} : memref<64xi32, #tpu.memory_space<vmem>>, vector<16xi32>,
        tpu.vector_store %arg12[%swap3A_712], %and3A_711 {strides = array<i32>} : memref<64xi32, #tpu.memory_space<vmem>>, vector<16xi32>,
        %get3A_714 = arith.constant 48 : index
        %get3A_715 = tpu.vector_load %arg7[%get3A_714] {strides = array<i32>} : memref<30080xi32, #tpu.memory_space<vmem>>, vector<16xi32>,
        %shift_right_logical3A_716 = arith.constant 13 : i32
        %shift_right_logical3A_717 = vector.broadcast %shift_right_logical3A_716 : i32 to vector<16xi32>
        %shift_right_logical3A_718 = arith.shrui %get3A_715, %shift_right_logical3A_717 : vector<16xi32>
        %swap3A_719 = arith.constant 48 : index
        %swap3A_720 = tpu.vector_load %arg10[%swap3A_719] {strides = array<i32>} : memref<64xi32, #tpu.memory_space<vmem>>, vector<16xi32>,
        tpu.vector_store %arg10[%swap3A_719], %shift_right_logical3A_718 {strides = array<i32>} : memref<64xi32, #tpu.memory_space<vmem>>, vector<16xi32>,
        %and3A_721 = arith.constant 8191 : i32
        %and3A_722 = vector.broadcast %and3A_721 : i32 to vector<16xi32>
        %and3A_723 = arith.andi %get3A_715, %and3A_722 : vector<16xi32>
        %swap3A_724 = arith.constant 48 : index
        %swap3A_725 = tpu.vector_load %arg12[%swap3A_724] {strides = array<i32>} : memref<64xi32, #tpu.memory_space<vmem>>, vector<16xi32>,
        tpu.vector_store %arg12[%swap3A_724], %and3A_723 {strides = array<i32>} : memref<64xi32, #tpu.memory_space<vmem>>, vector<16xi32>,
        %dma_start3A = arith.constant 0 : i32
        %dma_start3A_726 = arith.constant 0 : i32
        %dma_start3A_727 = tpu.memref_slice %arg2[%dma_start3A, %dma_start3A_726] : memref<480000x128xf32, #tpu.memory_space<hbm>> -> memref<480000x128xf32, #tpu.memory_space<hbm>>
        tpu.enqueue_indirect_dma source(%dma_start3A_727 : memref<480000x128xf32, #tpu.memory_space<hbm>>) target(%arg8 : memref<64x128xf32, #tpu.memory_space<vmem>>) offsets(%arg10 : memref<64xi32, #tpu.memory_space<vmem>>) semaphore(%arg15 : memref<!tpu.dma_semaphore, #tpu.memory_space<semaphore_mem>>)
      } else {
      }
      %add3A_614 = arith.constant 1 : i32
      %add3A_615 = arith.addi %select_n3A_609, %add3A_614 : i32
      %jit3A_616 = arith.constant 2 : i32
      %div3A_617 = arith.divsi %add3A_615, %jit3A_616 : i32
      %sign3A_618 = arith.constant 0 : i32
      %sign3A_619 = arith.cmpi sgt, %add3A_615, %sign3A_618 : i32
      %sign3A_620 = arith.extui %sign3A_619 : i1 to i32
      %sign3A_621 = arith.constant 0 : i32
      %sign3A_622 = arith.cmpi slt, %add3A_615, %sign3A_621 : i32
      %sign3A_623 = arith.extui %sign3A_622 : i1 to i32
      %sign3A_624 = arith.subi %sign3A_620, %sign3A_623 : i32
      %sign3A_625 = arith.constant 0 : i32
      %sign3A_626 = arith.cmpi sgt, %jit3A_616, %sign3A_625 : i32
      %sign3A_627 = arith.extui %sign3A_626 : i1 to i32
      %sign3A_628 = arith.constant 0 : i32
      %sign3A_629 = arith.cmpi slt, %jit3A_616, %sign3A_628 : i32
      %sign3A_630 = arith.extui %sign3A_629 : i1 to i32
      %sign3A_631 = arith.subi %sign3A_627, %sign3A_630 : i32
      %ne3A_632 = arith.cmpi ne, %sign3A_624, %sign3A_631 : i32
      %rem3A_633 = arith.remsi %add3A_615, %jit3A_616 : i32
      %ne3A_634 = arith.constant 0 : i32
      %ne3A_635 = arith.cmpi ne, %rem3A_633, %ne3A_634 : i32
      %and3A_636 = arith.andi %ne3A_632, %ne3A_635 : i1
      %sub3A_637 = arith.constant 1 : i32
      %sub3A_638 = arith.subi %div3A_617, %sub3A_637 : i32
      %select_n3A_639 = arith.select %and3A_636, %sub3A_638, %div3A_617 : i32
      %while3A_640 = arith.constant 0 : i32
      %while3A_641 = arith.constant 0 : i32
      %while3A_642 = arith.subi %select_n3A_639, %while3A_641 : i32
      %while3A_643 = arith.addi %while3A_641, %while3A_642 : i32
      %while3A_644 = arith.constant 1 : i32
      %while3A_645 = arith.divsi %while3A_642, %while3A_644 : i32
      %while3A_646 = arith.muli %while3A_645, %while3A_644 : i32
      %while3A_647 = arith.addi %while3A_641, %while3A_646 : i32
      %while3A_648 = arith.constant 1 : i32
      scf.for %while3A_679 = %while3A_641 to %while3A_647 step %while3A_648  : i32 {
        %mul3A_680 = arith.constant 2 : i32
        %mul3A_681 = arith.muli %mul3A_680, %while3A_679 : i32
        %add3A_682 = arith.constant 0 : i32
        %add3A_683 = arith.addi %mul3A_681, %add3A_682 : i32
        %lt3A_684 = arith.cmpi slt, %add3A_683, %select_n3A_609 : i32
        %convert_element_type3A_685 = arith.extui %lt3A_684 : i1 to i32
        %cond3A_686 = arith.constant 0 : i32
        %cond3A_687 = arith.cmpi ne, %convert_element_type3A_685, %cond3A_686 : i32
        scf.if %cond3A_687 {
          %dma_wait3A = arith.constant 0 : i32
          %dma_wait3A_696 = arith.constant 0 : i32
          %dma_wait3A_697 = tpu.memref_slice %arg2[%dma_wait3A, %dma_wait3A_696] : memref<480000x128xf32, #tpu.memory_space<hbm>> -> memref<480000x128xf32, #tpu.memory_space<hbm>>
          tpu.wait_indirect_dma semaphore(%arg15 : memref<!tpu.dma_semaphore, #tpu.memory_space<semaphore_mem>>) src(%dma_wait3A_697 : memref<480000x128xf32, #tpu.memory_space<hbm>>) dst(%arg8 : memref<64x128xf32, #tpu.memory_space<vmem>>)
          %ge3A_698 = arith.constant 1 : i32
          %ge3A_699 = arith.cmpi sge, %add3A_683, %ge3A_698 : i32
          %convert_element_type3A_700 = arith.extui %ge3A_699 : i1 to i32
          %cond3A_701 = arith.constant 0 : i32
          %cond3A_702 = arith.cmpi ne, %convert_element_type3A_700, %cond3A_701 : i32
          scf.if %cond3A_702 {
            %dma_wait3A_711 = arith.constant 0 : i32
            %dma_wait3A_712 = arith.constant 0 : i32
            %dma_wait3A_713 = tpu.memref_slice %arg19[%dma_wait3A_711, %dma_wait3A_712] : memref<6408x128xf32, #tpu.memory_space<vmem_shared>> -> memref<6408x128xf32, #tpu.memory_space<vmem_shared>>
            tpu.wait_indirect_dma semaphore(%arg18 : memref<!tpu.dma_semaphore, #tpu.memory_space<semaphore_mem>>) src(%arg9 : memref<64x128xf32, #tpu.memory_space<vmem>>) dst(%dma_wait3A_713 : memref<6408x128xf32, #tpu.memory_space<vmem_shared>>)
          } else {
          }
          %add3A_703 = arith.constant 1 : i32
          %add3A_704 = arith.addi %add3A_683, %add3A_703 : i32
          %lt3A_705 = arith.cmpi slt, %add3A_704, %select_n3A_609 : i32
          %convert_element_type3A_706 = arith.extui %lt3A_705 : i1 to i32
          %cond3A_707 = arith.constant 0 : i32
          %cond3A_708 = arith.cmpi ne, %convert_element_type3A_706, %cond3A_707 : i32
          scf.if %cond3A_708 {
            %add3A_711 = arith.constant 1 : i32
            %add3A_712 = arith.addi %add3A_683, %add3A_711 : i32
            %mul3A_713 = arith.constant 64 : i32
            %mul3A_714 = arith.muli %add3A_712, %mul3A_713 : i32
            %add3A_715 = arith.constant 0 : i32
            %add3A_716 = arith.addi %mul3A_714, %add3A_715 : i32
            %get3A_717 = arith.index_cast %add3A_716 : i32 to index
            %get3A_718 = tpu.vector_load %arg7[%get3A_717] {strides = array<i32>} : memref<30080xi32, #tpu.memory_space<vmem>>, vector<16xi32>,
            %shift_right_logical3A = arith.constant 13 : i32
            %shift_right_logical3A_719 = vector.broadcast %shift_right_logical3A : i32 to vector<16xi32>
            %shift_right_logical3A_720 = arith.shrui %get3A_718, %shift_right_logical3A_719 : vector<16xi32>
            %swap3A_721 = arith.constant 0 : index
            %swap3A_722 = tpu.vector_load %arg11[%swap3A_721] {strides = array<i32>} : memref<64xi32, #tpu.memory_space<vmem>>, vector<16xi32>,
            tpu.vector_store %arg11[%swap3A_721], %shift_right_logical3A_720 {strides = array<i32>} : memref<64xi32, #tpu.memory_space<vmem>>, vector<16xi32>,
            %and3A_723 = arith.constant 8191 : i32
            %and3A_724 = vector.broadcast %and3A_723 : i32 to vector<16xi32>
            %and3A_725 = arith.andi %get3A_718, %and3A_724 : vector<16xi32>
            %swap3A_726 = arith.constant 0 : index
            %swap3A_727 = tpu.vector_load %arg13[%swap3A_726] {strides = array<i32>} : memref<64xi32, #tpu.memory_space<vmem>>, vector<16xi32>,
            tpu.vector_store %arg13[%swap3A_726], %and3A_725 {strides = array<i32>} : memref<64xi32, #tpu.memory_space<vmem>>, vector<16xi32>,
            %mul3A_728 = arith.constant 64 : i32
            %mul3A_729 = arith.muli %add3A_712, %mul3A_728 : i32
            %add3A_730 = arith.constant 16 : i32
            %add3A_731 = arith.addi %mul3A_729, %add3A_730 : i32
            %get3A_732 = arith.index_cast %add3A_731 : i32 to index
            %get3A_733 = tpu.vector_load %arg7[%get3A_732] {strides = array<i32>} : memref<30080xi32, #tpu.memory_space<vmem>>, vector<16xi32>,
            %shift_right_logical3A_734 = arith.constant 13 : i32
            %shift_right_logical3A_735 = vector.broadcast %shift_right_logical3A_734 : i32 to vector<16xi32>
            %shift_right_logical3A_736 = arith.shrui %get3A_733, %shift_right_logical3A_735 : vector<16xi32>
            %swap3A_737 = arith.constant 16 : index
            %swap3A_738 = tpu.vector_load %arg11[%swap3A_737] {strides = array<i32>} : memref<64xi32, #tpu.memory_space<vmem>>, vector<16xi32>,
            tpu.vector_store %arg11[%swap3A_737], %shift_right_logical3A_736 {strides = array<i32>} : memref<64xi32, #tpu.memory_space<vmem>>, vector<16xi32>,
            %and3A_739 = arith.constant 8191 : i32
            %and3A_740 = vector.broadcast %and3A_739 : i32 to vector<16xi32>
            %and3A_741 = arith.andi %get3A_733, %and3A_740 : vector<16xi32>
            %swap3A_742 = arith.constant 16 : index
            %swap3A_743 = tpu.vector_load %arg13[%swap3A_742] {strides = array<i32>} : memref<64xi32, #tpu.memory_space<vmem>>, vector<16xi32>,
            tpu.vector_store %arg13[%swap3A_742], %and3A_741 {strides = array<i32>} : memref<64xi32, #tpu.memory_space<vmem>>, vector<16xi32>,
            %mul3A_744 = arith.constant 64 : i32
            %mul3A_745 = arith.muli %add3A_712, %mul3A_744 : i32
            %add3A_746 = arith.constant 32 : i32
            %add3A_747 = arith.addi %mul3A_745, %add3A_746 : i32
            %get3A_748 = arith.index_cast %add3A_747 : i32 to index
            %get3A_749 = tpu.vector_load %arg7[%get3A_748] {strides = array<i32>} : memref<30080xi32, #tpu.memory_space<vmem>>, vector<16xi32>,
            %shift_right_logical3A_750 = arith.constant 13 : i32
            %shift_right_logical3A_751 = vector.broadcast %shift_right_logical3A_750 : i32 to vector<16xi32>
            %shift_right_logical3A_752 = arith.shrui %get3A_749, %shift_right_logical3A_751 : vector<16xi32>
            %swap3A_753 = arith.constant 32 : index
            %swap3A_754 = tpu.vector_load %arg11[%swap3A_753] {strides = array<i32>} : memref<64xi32, #tpu.memory_space<vmem>>, vector<16xi32>,
            tpu.vector_store %arg11[%swap3A_753], %shift_right_logical3A_752 {strides = array<i32>} : memref<64xi32, #tpu.memory_space<vmem>>, vector<16xi32>,
            %and3A_755 = arith.constant 8191 : i32
            %and3A_756 = vector.broadcast %and3A_755 : i32 to vector<16xi32>
            %and3A_757 = arith.andi %get3A_749, %and3A_756 : vector<16xi32>
            %swap3A_758 = arith.constant 32 : index
            %swap3A_759 = tpu.vector_load %arg13[%swap3A_758] {strides = array<i32>} : memref<64xi32, #tpu.memory_space<vmem>>, vector<16xi32>,
            tpu.vector_store %arg13[%swap3A_758], %and3A_757 {strides = array<i32>} : memref<64xi32, #tpu.memory_space<vmem>>, vector<16xi32>,
            %mul3A_760 = arith.constant 64 : i32
            %mul3A_761 = arith.muli %add3A_712, %mul3A_760 : i32
            %add3A_762 = arith.constant 48 : i32
            %add3A_763 = arith.addi %mul3A_761, %add3A_762 : i32
            %get3A_764 = arith.index_cast %add3A_763 : i32 to index
            %get3A_765 = tpu.vector_load %arg7[%get3A_764] {strides = array<i32>} : memref<30080xi32, #tpu.memory_space<vmem>>, vector<16xi32>,
            %shift_right_logical3A_766 = arith.constant 13 : i32
            %shift_right_logical3A_767 = vector.broadcast %shift_right_logical3A_766 : i32 to vector<16xi32>
            %shift_right_logical3A_768 = arith.shrui %get3A_765, %shift_right_logical3A_767 : vector<16xi32>
            %swap3A_769 = arith.constant 48 : index
            %swap3A_770 = tpu.vector_load %arg11[%swap3A_769] {strides = array<i32>} : memref<64xi32, #tpu.memory_space<vmem>>, vector<16xi32>,
            tpu.vector_store %arg11[%swap3A_769], %shift_right_logical3A_768 {strides = array<i32>} : memref<64xi32, #tpu.memory_space<vmem>>, vector<16xi32>,
            %and3A_771 = arith.constant 8191 : i32
            %and3A_772 = vector.broadcast %and3A_771 : i32 to vector<16xi32>
            %and3A_773 = arith.andi %get3A_765, %and3A_772 : vector<16xi32>
            %swap3A_774 = arith.constant 48 : index
            %swap3A_775 = tpu.vector_load %arg13[%swap3A_774] {strides = array<i32>} : memref<64xi32, #tpu.memory_space<vmem>>, vector<16xi32>,
            tpu.vector_store %arg13[%swap3A_774], %and3A_773 {strides = array<i32>} : memref<64xi32, #tpu.memory_space<vmem>>, vector<16xi32>,
            %dma_start3A_776 = arith.constant 0 : i32
            %dma_start3A_777 = arith.constant 0 : i32
            %dma_start3A_778 = tpu.memref_slice %arg2[%dma_start3A_776, %dma_start3A_777] : memref<480000x128xf32, #tpu.memory_space<hbm>> -> memref<480000x128xf32, #tpu.memory_space<hbm>>
            tpu.enqueue_indirect_dma source(%dma_start3A_778 : memref<480000x128xf32, #tpu.memory_space<hbm>>) target(%arg9 : memref<64x128xf32, #tpu.memory_space<vmem>>) offsets(%arg11 : memref<64xi32, #tpu.memory_space<vmem>>) semaphore(%arg16 : memref<!tpu.dma_semaphore, #tpu.memory_space<semaphore_mem>>)
          } else {
          }
          %dma_start3A = arith.constant 0 : i32
          %dma_start3A_709 = arith.constant 0 : i32
          %dma_start3A_710 = tpu.memref_slice %arg19[%dma_start3A, %dma_start3A_709] : memref<6408x128xf32, #tpu.memory_space<vmem_shared>> -> memref<6408x128xf32, #tpu.memory_space<vmem_shared>>
          tpu.enqueue_indirect_dma source(%arg8 : memref<64x128xf32, #tpu.memory_space<vmem>>) target(%dma_start3A_710 : memref<6408x128xf32, #tpu.memory_space<vmem_shared>>) offsets(%arg12 : memref<64xi32, #tpu.memory_space<vmem>>) semaphore(%arg17 : memref<!tpu.dma_semaphore, #tpu.memory_space<semaphore_mem>>) {add = true}
        } else {
        }
        %mul3A_688 = arith.constant 2 : i32
        %mul3A_689 = arith.muli %mul3A_688, %while3A_679 : i32
        %add3A_690 = arith.constant 1 : i32
        %add3A_691 = arith.addi %mul3A_689, %add3A_690 : i32
        %lt3A_692 = arith.cmpi slt, %add3A_691, %select_n3A_609 : i32
        %convert_element_type3A_693 = arith.extui %lt3A_692 : i1 to i32
        %cond3A_694 = arith.constant 0 : i32
        %cond3A_695 = arith.cmpi ne, %convert_element_type3A_693, %cond3A_694 : i32
        scf.if %cond3A_695 {
          %dma_wait3A = arith.constant 0 : i32
          %dma_wait3A_696 = arith.constant 0 : i32
          %dma_wait3A_697 = tpu.memref_slice %arg2[%dma_wait3A, %dma_wait3A_696] : memref<480000x128xf32, #tpu.memory_space<hbm>> -> memref<480000x128xf32, #tpu.memory_space<hbm>>
          tpu.wait_indirect_dma semaphore(%arg16 : memref<!tpu.dma_semaphore, #tpu.memory_space<semaphore_mem>>) src(%dma_wait3A_697 : memref<480000x128xf32, #tpu.memory_space<hbm>>) dst(%arg9 : memref<64x128xf32, #tpu.memory_space<vmem>>)
          %ge3A_698 = arith.constant 1 : i32
          %ge3A_699 = arith.cmpi sge, %add3A_691, %ge3A_698 : i32
          %convert_element_type3A_700 = arith.extui %ge3A_699 : i1 to i32
          %cond3A_701 = arith.constant 0 : i32
          %cond3A_702 = arith.cmpi ne, %convert_element_type3A_700, %cond3A_701 : i32
          scf.if %cond3A_702 {
            %dma_wait3A_711 = arith.constant 0 : i32
            %dma_wait3A_712 = arith.constant 0 : i32
            %dma_wait3A_713 = tpu.memref_slice %arg19[%dma_wait3A_711, %dma_wait3A_712] : memref<6408x128xf32, #tpu.memory_space<vmem_shared>> -> memref<6408x128xf32, #tpu.memory_space<vmem_shared>>
            tpu.wait_indirect_dma semaphore(%arg17 : memref<!tpu.dma_semaphore, #tpu.memory_space<semaphore_mem>>) src(%arg8 : memref<64x128xf32, #tpu.memory_space<vmem>>) dst(%dma_wait3A_713 : memref<6408x128xf32, #tpu.memory_space<vmem_shared>>)
          } else {
          }
          %add3A_703 = arith.constant 1 : i32
          %add3A_704 = arith.addi %add3A_691, %add3A_703 : i32
          %lt3A_705 = arith.cmpi slt, %add3A_704, %select_n3A_609 : i32
          %convert_element_type3A_706 = arith.extui %lt3A_705 : i1 to i32
          %cond3A_707 = arith.constant 0 : i32
          %cond3A_708 = arith.cmpi ne, %convert_element_type3A_706, %cond3A_707 : i32
          scf.if %cond3A_708 {
            %add3A_711 = arith.constant 1 : i32
            %add3A_712 = arith.addi %add3A_691, %add3A_711 : i32
            %mul3A_713 = arith.constant 64 : i32
            %mul3A_714 = arith.muli %add3A_712, %mul3A_713 : i32
            %add3A_715 = arith.constant 0 : i32
            %add3A_716 = arith.addi %mul3A_714, %add3A_715 : i32
            %get3A_717 = arith.index_cast %add3A_716 : i32 to index
            %get3A_718 = tpu.vector_load %arg7[%get3A_717] {strides = array<i32>} : memref<30080xi32, #tpu.memory_space<vmem>>, vector<16xi32>,
            %shift_right_logical3A = arith.constant 13 : i32
            %shift_right_logical3A_719 = vector.broadcast %shift_right_logical3A : i32 to vector<16xi32>
            %shift_right_logical3A_720 = arith.shrui %get3A_718, %shift_right_logical3A_719 : vector<16xi32>
            %swap3A_721 = arith.constant 0 : index
            %swap3A_722 = tpu.vector_load %arg10[%swap3A_721] {strides = array<i32>} : memref<64xi32, #tpu.memory_space<vmem>>, vector<16xi32>,
            tpu.vector_store %arg10[%swap3A_721], %shift_right_logical3A_720 {strides = array<i32>} : memref<64xi32, #tpu.memory_space<vmem>>, vector<16xi32>,
            %and3A_723 = arith.constant 8191 : i32
            %and3A_724 = vector.broadcast %and3A_723 : i32 to vector<16xi32>
            %and3A_725 = arith.andi %get3A_718, %and3A_724 : vector<16xi32>
            %swap3A_726 = arith.constant 0 : index
            %swap3A_727 = tpu.vector_load %arg12[%swap3A_726] {strides = array<i32>} : memref<64xi32, #tpu.memory_space<vmem>>, vector<16xi32>,
            tpu.vector_store %arg12[%swap3A_726], %and3A_725 {strides = array<i32>} : memref<64xi32, #tpu.memory_space<vmem>>, vector<16xi32>,
            %mul3A_728 = arith.constant 64 : i32
            %mul3A_729 = arith.muli %add3A_712, %mul3A_728 : i32
            %add3A_730 = arith.constant 16 : i32
            %add3A_731 = arith.addi %mul3A_729, %add3A_730 : i32
            %get3A_732 = arith.index_cast %add3A_731 : i32 to index
            %get3A_733 = tpu.vector_load %arg7[%get3A_732] {strides = array<i32>} : memref<30080xi32, #tpu.memory_space<vmem>>, vector<16xi32>,
            %shift_right_logical3A_734 = arith.constant 13 : i32
            %shift_right_logical3A_735 = vector.broadcast %shift_right_logical3A_734 : i32 to vector<16xi32>
            %shift_right_logical3A_736 = arith.shrui %get3A_733, %shift_right_logical3A_735 : vector<16xi32>
            %swap3A_737 = arith.constant 16 : index
            %swap3A_738 = tpu.vector_load %arg10[%swap3A_737] {strides = array<i32>} : memref<64xi32, #tpu.memory_space<vmem>>, vector<16xi32>,
            tpu.vector_store %arg10[%swap3A_737], %shift_right_logical3A_736 {strides = array<i32>} : memref<64xi32, #tpu.memory_space<vmem>>, vector<16xi32>,
            %and3A_739 = arith.constant 8191 : i32
            %and3A_740 = vector.broadcast %and3A_739 : i32 to vector<16xi32>
            %and3A_741 = arith.andi %get3A_733, %and3A_740 : vector<16xi32>
            %swap3A_742 = arith.constant 16 : index
            %swap3A_743 = tpu.vector_load %arg12[%swap3A_742] {strides = array<i32>} : memref<64xi32, #tpu.memory_space<vmem>>, vector<16xi32>,
            tpu.vector_store %arg12[%swap3A_742], %and3A_741 {strides = array<i32>} : memref<64xi32, #tpu.memory_space<vmem>>, vector<16xi32>,
            %mul3A_744 = arith.constant 64 : i32
            %mul3A_745 = arith.muli %add3A_712, %mul3A_744 : i32
            %add3A_746 = arith.constant 32 : i32
            %add3A_747 = arith.addi %mul3A_745, %add3A_746 : i32
            %get3A_748 = arith.index_cast %add3A_747 : i32 to index
            %get3A_749 = tpu.vector_load %arg7[%get3A_748] {strides = array<i32>} : memref<30080xi32, #tpu.memory_space<vmem>>, vector<16xi32>,
            %shift_right_logical3A_750 = arith.constant 13 : i32
            %shift_right_logical3A_751 = vector.broadcast %shift_right_logical3A_750 : i32 to vector<16xi32>
            %shift_right_logical3A_752 = arith.shrui %get3A_749, %shift_right_logical3A_751 : vector<16xi32>
            %swap3A_753 = arith.constant 32 : index
            %swap3A_754 = tpu.vector_load %arg10[%swap3A_753] {strides = array<i32>} : memref<64xi32, #tpu.memory_space<vmem>>, vector<16xi32>,
            tpu.vector_store %arg10[%swap3A_753], %shift_right_logical3A_752 {strides = array<i32>} : memref<64xi32, #tpu.memory_space<vmem>>, vector<16xi32>,
            %and3A_755 = arith.constant 8191 : i32
            %and3A_756 = vector.broadcast %and3A_755 : i32 to vector<16xi32>
            %and3A_757 = arith.andi %get3A_749, %and3A_756 : vector<16xi32>
            %swap3A_758 = arith.constant 32 : index
            %swap3A_759 = tpu.vector_load %arg12[%swap3A_758] {strides = array<i32>} : memref<64xi32, #tpu.memory_space<vmem>>, vector<16xi32>,
            tpu.vector_store %arg12[%swap3A_758], %and3A_757 {strides = array<i32>} : memref<64xi32, #tpu.memory_space<vmem>>, vector<16xi32>,
            %mul3A_760 = arith.constant 64 : i32
            %mul3A_761 = arith.muli %add3A_712, %mul3A_760 : i32
            %add3A_762 = arith.constant 48 : i32
            %add3A_763 = arith.addi %mul3A_761, %add3A_762 : i32
            %get3A_764 = arith.index_cast %add3A_763 : i32 to index
            %get3A_765 = tpu.vector_load %arg7[%get3A_764] {strides = array<i32>} : memref<30080xi32, #tpu.memory_space<vmem>>, vector<16xi32>,
            %shift_right_logical3A_766 = arith.constant 13 : i32
            %shift_right_logical3A_767 = vector.broadcast %shift_right_logical3A_766 : i32 to vector<16xi32>
            %shift_right_logical3A_768 = arith.shrui %get3A_765, %shift_right_logical3A_767 : vector<16xi32>
            %swap3A_769 = arith.constant 48 : index
            %swap3A_770 = tpu.vector_load %arg10[%swap3A_769] {strides = array<i32>} : memref<64xi32, #tpu.memory_space<vmem>>, vector<16xi32>,
            tpu.vector_store %arg10[%swap3A_769], %shift_right_logical3A_768 {strides = array<i32>} : memref<64xi32, #tpu.memory_space<vmem>>, vector<16xi32>,
            %and3A_771 = arith.constant 8191 : i32
            %and3A_772 = vector.broadcast %and3A_771 : i32 to vector<16xi32>
            %and3A_773 = arith.andi %get3A_765, %and3A_772 : vector<16xi32>
            %swap3A_774 = arith.constant 48 : index
            %swap3A_775 = tpu.vector_load %arg12[%swap3A_774] {strides = array<i32>} : memref<64xi32, #tpu.memory_space<vmem>>, vector<16xi32>,
            tpu.vector_store %arg12[%swap3A_774], %and3A_773 {strides = array<i32>} : memref<64xi32, #tpu.memory_space<vmem>>, vector<16xi32>,
            %dma_start3A_776 = arith.constant 0 : i32
            %dma_start3A_777 = arith.constant 0 : i32
            %dma_start3A_778 = tpu.memref_slice %arg2[%dma_start3A_776, %dma_start3A_777] : memref<480000x128xf32, #tpu.memory_space<hbm>> -> memref<480000x128xf32, #tpu.memory_space<hbm>>
            tpu.enqueue_indirect_dma source(%dma_start3A_778 : memref<480000x128xf32, #tpu.memory_space<hbm>>) target(%arg8 : memref<64x128xf32, #tpu.memory_space<vmem>>) offsets(%arg10 : memref<64xi32, #tpu.memory_space<vmem>>) semaphore(%arg15 : memref<!tpu.dma_semaphore, #tpu.memory_space<semaphore_mem>>)
          } else {
          }
          %dma_start3A = arith.constant 0 : i32
          %dma_start3A_709 = arith.constant 0 : i32
          %dma_start3A_710 = tpu.memref_slice %arg19[%dma_start3A, %dma_start3A_709] : memref<6408x128xf32, #tpu.memory_space<vmem_shared>> -> memref<6408x128xf32, #tpu.memory_space<vmem_shared>>
          tpu.enqueue_indirect_dma source(%arg9 : memref<64x128xf32, #tpu.memory_space<vmem>>) target(%dma_start3A_710 : memref<6408x128xf32, #tpu.memory_space<vmem_shared>>) offsets(%arg13 : memref<64xi32, #tpu.memory_space<vmem>>) semaphore(%arg18 : memref<!tpu.dma_semaphore, #tpu.memory_space<semaphore_mem>>) {add = true}
        } else {
        }
      }
      %while3A_649 = arith.constant 1 : i32
      scf.for %while3A_679 = %while3A_647 to %while3A_643 step %while3A_649  : i32 {
        %mul3A_680 = arith.constant 2 : i32
        %mul3A_681 = arith.muli %mul3A_680, %while3A_679 : i32
        %add3A_682 = arith.constant 0 : i32
        %add3A_683 = arith.addi %mul3A_681, %add3A_682 : i32
        %lt3A_684 = arith.cmpi slt, %add3A_683, %select_n3A_609 : i32
        %convert_element_type3A_685 = arith.extui %lt3A_684 : i1 to i32
        %cond3A_686 = arith.constant 0 : i32
        %cond3A_687 = arith.cmpi ne, %convert_element_type3A_685, %cond3A_686 : i32
        scf.if %cond3A_687 {
          %dma_wait3A = arith.constant 0 : i32
          %dma_wait3A_696 = arith.constant 0 : i32
          %dma_wait3A_697 = tpu.memref_slice %arg2[%dma_wait3A, %dma_wait3A_696] : memref<480000x128xf32, #tpu.memory_space<hbm>> -> memref<480000x128xf32, #tpu.memory_space<hbm>>
          tpu.wait_indirect_dma semaphore(%arg15 : memref<!tpu.dma_semaphore, #tpu.memory_space<semaphore_mem>>) src(%dma_wait3A_697 : memref<480000x128xf32, #tpu.memory_space<hbm>>) dst(%arg8 : memref<64x128xf32, #tpu.memory_space<vmem>>)
          %ge3A_698 = arith.constant 1 : i32
          %ge3A_699 = arith.cmpi sge, %add3A_683, %ge3A_698 : i32
          %convert_element_type3A_700 = arith.extui %ge3A_699 : i1 to i32
          %cond3A_701 = arith.constant 0 : i32
          %cond3A_702 = arith.cmpi ne, %convert_element_type3A_700, %cond3A_701 : i32
          scf.if %cond3A_702 {
            %dma_wait3A_711 = arith.constant 0 : i32
            %dma_wait3A_712 = arith.constant 0 : i32
            %dma_wait3A_713 = tpu.memref_slice %arg19[%dma_wait3A_711, %dma_wait3A_712] : memref<6408x128xf32, #tpu.memory_space<vmem_shared>> -> memref<6408x128xf32, #tpu.memory_space<vmem_shared>>
            tpu.wait_indirect_dma semaphore(%arg18 : memref<!tpu.dma_semaphore, #tpu.memory_space<semaphore_mem>>) src(%arg9 : memref<64x128xf32, #tpu.memory_space<vmem>>) dst(%dma_wait3A_713 : memref<6408x128xf32, #tpu.memory_space<vmem_shared>>)
          } else {
          }
          %add3A_703 = arith.constant 1 : i32
          %add3A_704 = arith.addi %add3A_683, %add3A_703 : i32
          %lt3A_705 = arith.cmpi slt, %add3A_704, %select_n3A_609 : i32
          %convert_element_type3A_706 = arith.extui %lt3A_705 : i1 to i32
          %cond3A_707 = arith.constant 0 : i32
          %cond3A_708 = arith.cmpi ne, %convert_element_type3A_706, %cond3A_707 : i32
          scf.if %cond3A_708 {
            %add3A_711 = arith.constant 1 : i32
            %add3A_712 = arith.addi %add3A_683, %add3A_711 : i32
            %mul3A_713 = arith.constant 64 : i32
            %mul3A_714 = arith.muli %add3A_712, %mul3A_713 : i32
            %add3A_715 = arith.constant 0 : i32
            %add3A_716 = arith.addi %mul3A_714, %add3A_715 : i32
            %get3A_717 = arith.index_cast %add3A_716 : i32 to index
            %get3A_718 = tpu.vector_load %arg7[%get3A_717] {strides = array<i32>} : memref<30080xi32, #tpu.memory_space<vmem>>, vector<16xi32>,
            %shift_right_logical3A = arith.constant 13 : i32
            %shift_right_logical3A_719 = vector.broadcast %shift_right_logical3A : i32 to vector<16xi32>
            %shift_right_logical3A_720 = arith.shrui %get3A_718, %shift_right_logical3A_719 : vector<16xi32>
            %swap3A_721 = arith.constant 0 : index
            %swap3A_722 = tpu.vector_load %arg11[%swap3A_721] {strides = array<i32>} : memref<64xi32, #tpu.memory_space<vmem>>, vector<16xi32>,
            tpu.vector_store %arg11[%swap3A_721], %shift_right_logical3A_720 {strides = array<i32>} : memref<64xi32, #tpu.memory_space<vmem>>, vector<16xi32>,
            %and3A_723 = arith.constant 8191 : i32
            %and3A_724 = vector.broadcast %and3A_723 : i32 to vector<16xi32>
            %and3A_725 = arith.andi %get3A_718, %and3A_724 : vector<16xi32>
            %swap3A_726 = arith.constant 0 : index
            %swap3A_727 = tpu.vector_load %arg13[%swap3A_726] {strides = array<i32>} : memref<64xi32, #tpu.memory_space<vmem>>, vector<16xi32>,
            tpu.vector_store %arg13[%swap3A_726], %and3A_725 {strides = array<i32>} : memref<64xi32, #tpu.memory_space<vmem>>, vector<16xi32>,
            %mul3A_728 = arith.constant 64 : i32
            %mul3A_729 = arith.muli %add3A_712, %mul3A_728 : i32
            %add3A_730 = arith.constant 16 : i32
            %add3A_731 = arith.addi %mul3A_729, %add3A_730 : i32
            %get3A_732 = arith.index_cast %add3A_731 : i32 to index
            %get3A_733 = tpu.vector_load %arg7[%get3A_732] {strides = array<i32>} : memref<30080xi32, #tpu.memory_space<vmem>>, vector<16xi32>,
            %shift_right_logical3A_734 = arith.constant 13 : i32
            %shift_right_logical3A_735 = vector.broadcast %shift_right_logical3A_734 : i32 to vector<16xi32>
            %shift_right_logical3A_736 = arith.shrui %get3A_733, %shift_right_logical3A_735 : vector<16xi32>
            %swap3A_737 = arith.constant 16 : index
            %swap3A_738 = tpu.vector_load %arg11[%swap3A_737] {strides = array<i32>} : memref<64xi32, #tpu.memory_space<vmem>>, vector<16xi32>,
            tpu.vector_store %arg11[%swap3A_737], %shift_right_logical3A_736 {strides = array<i32>} : memref<64xi32, #tpu.memory_space<vmem>>, vector<16xi32>,
            %and3A_739 = arith.constant 8191 : i32
            %and3A_740 = vector.broadcast %and3A_739 : i32 to vector<16xi32>
            %and3A_741 = arith.andi %get3A_733, %and3A_740 : vector<16xi32>
            %swap3A_742 = arith.constant 16 : index
            %swap3A_743 = tpu.vector_load %arg13[%swap3A_742] {strides = array<i32>} : memref<64xi32, #tpu.memory_space<vmem>>, vector<16xi32>,
            tpu.vector_store %arg13[%swap3A_742], %and3A_741 {strides = array<i32>} : memref<64xi32, #tpu.memory_space<vmem>>, vector<16xi32>,
            %mul3A_744 = arith.constant 64 : i32
            %mul3A_745 = arith.muli %add3A_712, %mul3A_744 : i32
            %add3A_746 = arith.constant 32 : i32
            %add3A_747 = arith.addi %mul3A_745, %add3A_746 : i32
            %get3A_748 = arith.index_cast %add3A_747 : i32 to index
            %get3A_749 = tpu.vector_load %arg7[%get3A_748] {strides = array<i32>} : memref<30080xi32, #tpu.memory_space<vmem>>, vector<16xi32>,
            %shift_right_logical3A_750 = arith.constant 13 : i32
            %shift_right_logical3A_751 = vector.broadcast %shift_right_logical3A_750 : i32 to vector<16xi32>
            %shift_right_logical3A_752 = arith.shrui %get3A_749, %shift_right_logical3A_751 : vector<16xi32>
            %swap3A_753 = arith.constant 32 : index
            %swap3A_754 = tpu.vector_load %arg11[%swap3A_753] {strides = array<i32>} : memref<64xi32, #tpu.memory_space<vmem>>, vector<16xi32>,
            tpu.vector_store %arg11[%swap3A_753], %shift_right_logical3A_752 {strides = array<i32>} : memref<64xi32, #tpu.memory_space<vmem>>, vector<16xi32>,
            %and3A_755 = arith.constant 8191 : i32
            %and3A_756 = vector.broadcast %and3A_755 : i32 to vector<16xi32>
            %and3A_757 = arith.andi %get3A_749, %and3A_756 : vector<16xi32>
            %swap3A_758 = arith.constant 32 : index
            %swap3A_759 = tpu.vector_load %arg13[%swap3A_758] {strides = array<i32>} : memref<64xi32, #tpu.memory_space<vmem>>, vector<16xi32>,
            tpu.vector_store %arg13[%swap3A_758], %and3A_757 {strides = array<i32>} : memref<64xi32, #tpu.memory_space<vmem>>, vector<16xi32>,
            %mul3A_760 = arith.constant 64 : i32
            %mul3A_761 = arith.muli %add3A_712, %mul3A_760 : i32
            %add3A_762 = arith.constant 48 : i32
            %add3A_763 = arith.addi %mul3A_761, %add3A_762 : i32
            %get3A_764 = arith.index_cast %add3A_763 : i32 to index
            %get3A_765 = tpu.vector_load %arg7[%get3A_764] {strides = array<i32>} : memref<30080xi32, #tpu.memory_space<vmem>>, vector<16xi32>,
            %shift_right_logical3A_766 = arith.constant 13 : i32
            %shift_right_logical3A_767 = vector.broadcast %shift_right_logical3A_766 : i32 to vector<16xi32>
            %shift_right_logical3A_768 = arith.shrui %get3A_765, %shift_right_logical3A_767 : vector<16xi32>
            %swap3A_769 = arith.constant 48 : index
            %swap3A_770 = tpu.vector_load %arg11[%swap3A_769] {strides = array<i32>} : memref<64xi32, #tpu.memory_space<vmem>>, vector<16xi32>,
            tpu.vector_store %arg11[%swap3A_769], %shift_right_logical3A_768 {strides = array<i32>} : memref<64xi32, #tpu.memory_space<vmem>>, vector<16xi32>,
            %and3A_771 = arith.constant 8191 : i32
            %and3A_772 = vector.broadcast %and3A_771 : i32 to vector<16xi32>
            %and3A_773 = arith.andi %get3A_765, %and3A_772 : vector<16xi32>
            %swap3A_774 = arith.constant 48 : index
            %swap3A_775 = tpu.vector_load %arg13[%swap3A_774] {strides = array<i32>} : memref<64xi32, #tpu.memory_space<vmem>>, vector<16xi32>,
            tpu.vector_store %arg13[%swap3A_774], %and3A_773 {strides = array<i32>} : memref<64xi32, #tpu.memory_space<vmem>>, vector<16xi32>,
            %dma_start3A_776 = arith.constant 0 : i32
            %dma_start3A_777 = arith.constant 0 : i32
            %dma_start3A_778 = tpu.memref_slice %arg2[%dma_start3A_776, %dma_start3A_777] : memref<480000x128xf32, #tpu.memory_space<hbm>> -> memref<480000x128xf32, #tpu.memory_space<hbm>>
            tpu.enqueue_indirect_dma source(%dma_start3A_778 : memref<480000x128xf32, #tpu.memory_space<hbm>>) target(%arg9 : memref<64x128xf32, #tpu.memory_space<vmem>>) offsets(%arg11 : memref<64xi32, #tpu.memory_space<vmem>>) semaphore(%arg16 : memref<!tpu.dma_semaphore, #tpu.memory_space<semaphore_mem>>)
          } else {
          }
          %dma_start3A = arith.constant 0 : i32
          %dma_start3A_709 = arith.constant 0 : i32
          %dma_start3A_710 = tpu.memref_slice %arg19[%dma_start3A, %dma_start3A_709] : memref<6408x128xf32, #tpu.memory_space<vmem_shared>> -> memref<6408x128xf32, #tpu.memory_space<vmem_shared>>
          tpu.enqueue_indirect_dma source(%arg8 : memref<64x128xf32, #tpu.memory_space<vmem>>) target(%dma_start3A_710 : memref<6408x128xf32, #tpu.memory_space<vmem_shared>>) offsets(%arg12 : memref<64xi32, #tpu.memory_space<vmem>>) semaphore(%arg17 : memref<!tpu.dma_semaphore, #tpu.memory_space<semaphore_mem>>) {add = true}
        } else {
        }
        %mul3A_688 = arith.constant 2 : i32
        %mul3A_689 = arith.muli %mul3A_688, %while3A_679 : i32
        %add3A_690 = arith.constant 1 : i32
        %add3A_691 = arith.addi %mul3A_689, %add3A_690 : i32
        %lt3A_692 = arith.cmpi slt, %add3A_691, %select_n3A_609 : i32
        %convert_element_type3A_693 = arith.extui %lt3A_692 : i1 to i32
        %cond3A_694 = arith.constant 0 : i32
        %cond3A_695 = arith.cmpi ne, %convert_element_type3A_693, %cond3A_694 : i32
        scf.if %cond3A_695 {
          %dma_wait3A = arith.constant 0 : i32
          %dma_wait3A_696 = arith.constant 0 : i32
          %dma_wait3A_697 = tpu.memref_slice %arg2[%dma_wait3A, %dma_wait3A_696] : memref<480000x128xf32, #tpu.memory_space<hbm>> -> memref<480000x128xf32, #tpu.memory_space<hbm>>
          tpu.wait_indirect_dma semaphore(%arg16 : memref<!tpu.dma_semaphore, #tpu.memory_space<semaphore_mem>>) src(%dma_wait3A_697 : memref<480000x128xf32, #tpu.memory_space<hbm>>) dst(%arg9 : memref<64x128xf32, #tpu.memory_space<vmem>>)
          %ge3A_698 = arith.constant 1 : i32
          %ge3A_699 = arith.cmpi sge, %add3A_691, %ge3A_698 : i32
          %convert_element_type3A_700 = arith.extui %ge3A_699 : i1 to i32
          %cond3A_701 = arith.constant 0 : i32
          %cond3A_702 = arith.cmpi ne, %convert_element_type3A_700, %cond3A_701 : i32
          scf.if %cond3A_702 {
            %dma_wait3A_711 = arith.constant 0 : i32
            %dma_wait3A_712 = arith.constant 0 : i32
            %dma_wait3A_713 = tpu.memref_slice %arg19[%dma_wait3A_711, %dma_wait3A_712] : memref<6408x128xf32, #tpu.memory_space<vmem_shared>> -> memref<6408x128xf32, #tpu.memory_space<vmem_shared>>
            tpu.wait_indirect_dma semaphore(%arg17 : memref<!tpu.dma_semaphore, #tpu.memory_space<semaphore_mem>>) src(%arg8 : memref<64x128xf32, #tpu.memory_space<vmem>>) dst(%dma_wait3A_713 : memref<6408x128xf32, #tpu.memory_space<vmem_shared>>)
          } else {
          }
          %add3A_703 = arith.constant 1 : i32
          %add3A_704 = arith.addi %add3A_691, %add3A_703 : i32
          %lt3A_705 = arith.cmpi slt, %add3A_704, %select_n3A_609 : i32
          %convert_element_type3A_706 = arith.extui %lt3A_705 : i1 to i32
          %cond3A_707 = arith.constant 0 : i32
          %cond3A_708 = arith.cmpi ne, %convert_element_type3A_706, %cond3A_707 : i32
          scf.if %cond3A_708 {
            %add3A_711 = arith.constant 1 : i32
            %add3A_712 = arith.addi %add3A_691, %add3A_711 : i32
            %mul3A_713 = arith.constant 64 : i32
            %mul3A_714 = arith.muli %add3A_712, %mul3A_713 : i32
            %add3A_715 = arith.constant 0 : i32
            %add3A_716 = arith.addi %mul3A_714, %add3A_715 : i32
            %get3A_717 = arith.index_cast %add3A_716 : i32 to index
            %get3A_718 = tpu.vector_load %arg7[%get3A_717] {strides = array<i32>} : memref<30080xi32, #tpu.memory_space<vmem>>, vector<16xi32>,
            %shift_right_logical3A = arith.constant 13 : i32
            %shift_right_logical3A_719 = vector.broadcast %shift_right_logical3A : i32 to vector<16xi32>
            %shift_right_logical3A_720 = arith.shrui %get3A_718, %shift_right_logical3A_719 : vector<16xi32>
            %swap3A_721 = arith.constant 0 : index
            %swap3A_722 = tpu.vector_load %arg10[%swap3A_721] {strides = array<i32>} : memref<64xi32, #tpu.memory_space<vmem>>, vector<16xi32>,
            tpu.vector_store %arg10[%swap3A_721], %shift_right_logical3A_720 {strides = array<i32>} : memref<64xi32, #tpu.memory_space<vmem>>, vector<16xi32>,
            %and3A_723 = arith.constant 8191 : i32
            %and3A_724 = vector.broadcast %and3A_723 : i32 to vector<16xi32>
            %and3A_725 = arith.andi %get3A_718, %and3A_724 : vector<16xi32>
            %swap3A_726 = arith.constant 0 : index
            %swap3A_727 = tpu.vector_load %arg12[%swap3A_726] {strides = array<i32>} : memref<64xi32, #tpu.memory_space<vmem>>, vector<16xi32>,
            tpu.vector_store %arg12[%swap3A_726], %and3A_725 {strides = array<i32>} : memref<64xi32, #tpu.memory_space<vmem>>, vector<16xi32>,
            %mul3A_728 = arith.constant 64 : i32
            %mul3A_729 = arith.muli %add3A_712, %mul3A_728 : i32
            %add3A_730 = arith.constant 16 : i32
            %add3A_731 = arith.addi %mul3A_729, %add3A_730 : i32
            %get3A_732 = arith.index_cast %add3A_731 : i32 to index
            %get3A_733 = tpu.vector_load %arg7[%get3A_732] {strides = array<i32>} : memref<30080xi32, #tpu.memory_space<vmem>>, vector<16xi32>,
            %shift_right_logical3A_734 = arith.constant 13 : i32
            %shift_right_logical3A_735 = vector.broadcast %shift_right_logical3A_734 : i32 to vector<16xi32>
            %shift_right_logical3A_736 = arith.shrui %get3A_733, %shift_right_logical3A_735 : vector<16xi32>
            %swap3A_737 = arith.constant 16 : index
            %swap3A_738 = tpu.vector_load %arg10[%swap3A_737] {strides = array<i32>} : memref<64xi32, #tpu.memory_space<vmem>>, vector<16xi32>,
            tpu.vector_store %arg10[%swap3A_737], %shift_right_logical3A_736 {strides = array<i32>} : memref<64xi32, #tpu.memory_space<vmem>>, vector<16xi32>,
            %and3A_739 = arith.constant 8191 : i32
            %and3A_740 = vector.broadcast %and3A_739 : i32 to vector<16xi32>
            %and3A_741 = arith.andi %get3A_733, %and3A_740 : vector<16xi32>
            %swap3A_742 = arith.constant 16 : index
            %swap3A_743 = tpu.vector_load %arg12[%swap3A_742] {strides = array<i32>} : memref<64xi32, #tpu.memory_space<vmem>>, vector<16xi32>,
            tpu.vector_store %arg12[%swap3A_742], %and3A_741 {strides = array<i32>} : memref<64xi32, #tpu.memory_space<vmem>>, vector<16xi32>,
            %mul3A_744 = arith.constant 64 : i32
            %mul3A_745 = arith.muli %add3A_712, %mul3A_744 : i32
            %add3A_746 = arith.constant 32 : i32
            %add3A_747 = arith.addi %mul3A_745, %add3A_746 : i32
            %get3A_748 = arith.index_cast %add3A_747 : i32 to index
            %get3A_749 = tpu.vector_load %arg7[%get3A_748] {strides = array<i32>} : memref<30080xi32, #tpu.memory_space<vmem>>, vector<16xi32>,
            %shift_right_logical3A_750 = arith.constant 13 : i32
            %shift_right_logical3A_751 = vector.broadcast %shift_right_logical3A_750 : i32 to vector<16xi32>
            %shift_right_logical3A_752 = arith.shrui %get3A_749, %shift_right_logical3A_751 : vector<16xi32>
            %swap3A_753 = arith.constant 32 : index
            %swap3A_754 = tpu.vector_load %arg10[%swap3A_753] {strides = array<i32>} : memref<64xi32, #tpu.memory_space<vmem>>, vector<16xi32>,
            tpu.vector_store %arg10[%swap3A_753], %shift_right_logical3A_752 {strides = array<i32>} : memref<64xi32, #tpu.memory_space<vmem>>, vector<16xi32>,
            %and3A_755 = arith.constant 8191 : i32
            %and3A_756 = vector.broadcast %and3A_755 : i32 to vector<16xi32>
            %and3A_757 = arith.andi %get3A_749, %and3A_756 : vector<16xi32>
            %swap3A_758 = arith.constant 32 : index
            %swap3A_759 = tpu.vector_load %arg12[%swap3A_758] {strides = array<i32>} : memref<64xi32, #tpu.memory_space<vmem>>, vector<16xi32>,
            tpu.vector_store %arg12[%swap3A_758], %and3A_757 {strides = array<i32>} : memref<64xi32, #tpu.memory_space<vmem>>, vector<16xi32>,
            %mul3A_760 = arith.constant 64 : i32
            %mul3A_761 = arith.muli %add3A_712, %mul3A_760 : i32
            %add3A_762 = arith.constant 48 : i32
            %add3A_763 = arith.addi %mul3A_761, %add3A_762 : i32
            %get3A_764 = arith.index_cast %add3A_763 : i32 to index
            %get3A_765 = tpu.vector_load %arg7[%get3A_764] {strides = array<i32>} : memref<30080xi32, #tpu.memory_space<vmem>>, vector<16xi32>,
            %shift_right_logical3A_766 = arith.constant 13 : i32
            %shift_right_logical3A_767 = vector.broadcast %shift_right_logical3A_766 : i32 to vector<16xi32>
            %shift_right_logical3A_768 = arith.shrui %get3A_765, %shift_right_logical3A_767 : vector<16xi32>
            %swap3A_769 = arith.constant 48 : index
            %swap3A_770 = tpu.vector_load %arg10[%swap3A_769] {strides = array<i32>} : memref<64xi32, #tpu.memory_space<vmem>>, vector<16xi32>,
            tpu.vector_store %arg10[%swap3A_769], %shift_right_logical3A_768 {strides = array<i32>} : memref<64xi32, #tpu.memory_space<vmem>>, vector<16xi32>,
            %and3A_771 = arith.constant 8191 : i32
            %and3A_772 = vector.broadcast %and3A_771 : i32 to vector<16xi32>
            %and3A_773 = arith.andi %get3A_765, %and3A_772 : vector<16xi32>
            %swap3A_774 = arith.constant 48 : index
            %swap3A_775 = tpu.vector_load %arg12[%swap3A_774] {strides = array<i32>} : memref<64xi32, #tpu.memory_space<vmem>>, vector<16xi32>,
            tpu.vector_store %arg12[%swap3A_774], %and3A_773 {strides = array<i32>} : memref<64xi32, #tpu.memory_space<vmem>>, vector<16xi32>,
            %dma_start3A_776 = arith.constant 0 : i32
            %dma_start3A_777 = arith.constant 0 : i32
            %dma_start3A_778 = tpu.memref_slice %arg2[%dma_start3A_776, %dma_start3A_777] : memref<480000x128xf32, #tpu.memory_space<hbm>> -> memref<480000x128xf32, #tpu.memory_space<hbm>>
            tpu.enqueue_indirect_dma source(%dma_start3A_778 : memref<480000x128xf32, #tpu.memory_space<hbm>>) target(%arg8 : memref<64x128xf32, #tpu.memory_space<vmem>>) offsets(%arg10 : memref<64xi32, #tpu.memory_space<vmem>>) semaphore(%arg15 : memref<!tpu.dma_semaphore, #tpu.memory_space<semaphore_mem>>)
          } else {
          }
          %dma_start3A = arith.constant 0 : i32
          %dma_start3A_709 = arith.constant 0 : i32
          %dma_start3A_710 = tpu.memref_slice %arg19[%dma_start3A, %dma_start3A_709] : memref<6408x128xf32, #tpu.memory_space<vmem_shared>> -> memref<6408x128xf32, #tpu.memory_space<vmem_shared>>
          tpu.enqueue_indirect_dma source(%arg9 : memref<64x128xf32, #tpu.memory_space<vmem>>) target(%dma_start3A_710 : memref<6408x128xf32, #tpu.memory_space<vmem_shared>>) offsets(%arg13 : memref<64xi32, #tpu.memory_space<vmem>>) semaphore(%arg18 : memref<!tpu.dma_semaphore, #tpu.memory_space<semaphore_mem>>) {add = true}
        } else {
        }
      }
      %and3A_650 = arith.constant 1 : i32
      %and3A_651 = arith.andi %select_n3A_609, %and3A_650 : i32
      %eq3A_652 = arith.constant 1 : i32
      %eq3A_653 = arith.cmpi eq, %and3A_651, %eq3A_652 : i32
      %convert_element_type3A_654 = arith.extui %eq3A_653 : i1 to i32
      %cond3A_655 = arith.constant 0 : i32
      %cond3A_656 = arith.cmpi ne, %convert_element_type3A_654, %cond3A_655 : i32
      scf.if %cond3A_656 {
        %dma_wait3A = arith.constant 0 : i32
        %dma_wait3A_679 = arith.constant 0 : i32
        %dma_wait3A_680 = tpu.memref_slice %arg19[%dma_wait3A, %dma_wait3A_679] : memref<6408x128xf32, #tpu.memory_space<vmem_shared>> -> memref<6408x128xf32, #tpu.memory_space<vmem_shared>>
        tpu.wait_indirect_dma semaphore(%arg17 : memref<!tpu.dma_semaphore, #tpu.memory_space<semaphore_mem>>) src(%arg8 : memref<64x128xf32, #tpu.memory_space<vmem>>) dst(%dma_wait3A_680 : memref<6408x128xf32, #tpu.memory_space<vmem_shared>>)
      } else {
      }
      %ne3A_657 = arith.constant 0 : i32
      %ne3A_658 = arith.cmpi ne, %select_n3A_609, %ne3A_657 : i32
      %and3A_659 = arith.constant 1 : i32
      %and3A_660 = arith.andi %select_n3A_609, %and3A_659 : i32
      %eq3A_661 = arith.constant 0 : i32
      %eq3A_662 = arith.cmpi eq, %and3A_660, %eq3A_661 : i32
      %and3A_663 = arith.andi %ne3A_658, %eq3A_662 : i1
      %convert_element_type3A_664 = arith.extui %and3A_663 : i1 to i32
      %cond3A_665 = arith.constant 0 : i32
      %cond3A_666 = arith.cmpi ne, %convert_element_type3A_664, %cond3A_665 : i32
      scf.if %cond3A_666 {
        %dma_wait3A = arith.constant 0 : i32
        %dma_wait3A_679 = arith.constant 0 : i32
        %dma_wait3A_680 = tpu.memref_slice %arg19[%dma_wait3A, %dma_wait3A_679] : memref<6408x128xf32, #tpu.memory_space<vmem_shared>> -> memref<6408x128xf32, #tpu.memory_space<vmem_shared>>
        tpu.wait_indirect_dma semaphore(%arg18 : memref<!tpu.dma_semaphore, #tpu.memory_space<semaphore_mem>>) src(%arg9 : memref<64x128xf32, #tpu.memory_space<vmem>>) dst(%dma_wait3A_680 : memref<6408x128xf32, #tpu.memory_space<vmem_shared>>)
      } else {
      }
      %barrier3A_667 = arith.constant 0 : index
      tpu.barrier barrier_id(%barrier3A_667)
      %lt3A_668 = arith.constant 24 : i32
      %lt3A_669 = arith.cmpi slt, %add3A, %lt3A_668 : i32
      %convert_element_type3A_670 = arith.extui %lt3A_669 : i1 to i32
      %cond3A_671 = arith.constant 0 : i32
      %cond3A_672 = arith.cmpi ne, %convert_element_type3A_670, %cond3A_671 : i32
      scf.if %cond3A_672 {
        %mul3A_679 = arith.constant 400 : i32
        %mul3A_680 = arith.muli %arg1, %mul3A_679 : i32
        %mul3A_681 = arith.constant 400 : i32
        %mul3A_682 = arith.muli %arg1, %mul3A_681 : i32
        %add3A_683 = arith.addi %mul3A_527, %mul3A_682 : i32
        "tpu.region"() ({
          %run_scoped3A_684 = tpu.sem_alloc : memref<!tpu.dma_semaphore, #tpu.memory_space<semaphore_mem>>
          %dma_start3A = arith.constant 0 : i32
          %dma_start3A_685 = tpu.memref_slice %arg5[%add3A_683, %dma_start3A] : memref<160000x128xf32, #tpu.memory_space<hbm>> -> memref<400x128xf32, #tpu.memory_space<hbm>>
          %dma_start3A_686 = arith.constant 0 : i32
          %dma_start3A_687 = tpu.memref_slice %arg19[%mul3A_680, %dma_start3A_686] : memref<6408x128xf32, #tpu.memory_space<vmem_shared>> -> memref<400x128xf32, #tpu.memory_space<vmem_shared>>
          tpu.enqueue_dma source(%dma_start3A_687 : memref<400x128xf32, #tpu.memory_space<vmem_shared>>) target(%dma_start3A_685 : memref<400x128xf32, #tpu.memory_space<hbm>>) target_semaphore(%run_scoped3A_684 : memref<!tpu.dma_semaphore, #tpu.memory_space<semaphore_mem>>)
          %dma_wait3A = arith.constant 0 : i32
          %dma_wait3A_688 = tpu.memref_slice %arg5[%add3A_683, %dma_wait3A] : memref<160000x128xf32, #tpu.memory_space<hbm>> -> memref<400x128xf32, #tpu.memory_space<hbm>>
          %dma_wait3A_689 = arith.constant 0 : i32
          %dma_wait3A_690 = tpu.memref_slice %arg19[%mul3A_680, %dma_wait3A_689] : memref<6408x128xf32, #tpu.memory_space<vmem_shared>> -> memref<400x128xf32, #tpu.memory_space<vmem_shared>>
          tpu.wait_dma2 semaphore(%run_scoped3A_684 : memref<!tpu.dma_semaphore, #tpu.memory_space<semaphore_mem>>) src(%dma_wait3A_690 : memref<400x128xf32, #tpu.memory_space<vmem_shared>>) dst(%dma_wait3A_688 : memref<400x128xf32, #tpu.memory_space<hbm>>)
          tpu.yield
        }) : () -> ()
      } else {
      }
      %eq3A_673 = arith.constant 24 : i32
      %eq3A_674 = arith.cmpi eq, %add3A, %eq3A_673 : i32
      %convert_element_type3A_675 = arith.extui %eq3A_674 : i1 to i32
      %cond3A_676 = arith.constant 0 : i32
      %cond3A_677 = arith.cmpi ne, %convert_element_type3A_675, %cond3A_676 : i32
      scf.if %cond3A_677 {
        %mul3A_679 = arith.constant 400 : i32
        %mul3A_680 = arith.muli %arg1, %mul3A_679 : i32
        %mul3A_681 = arith.constant 400 : i32
        %mul3A_682 = arith.muli %arg1, %mul3A_681 : i32
        %add3A_683 = arith.addi %mul3A_527, %mul3A_682 : i32
        "tpu.region"() ({
          %run_scoped3A_684 = tpu.sem_alloc : memref<!tpu.dma_semaphore, #tpu.memory_space<semaphore_mem>>
          %dma_start3A = arith.constant 0 : i32
          %dma_start3A_685 = tpu.memref_slice %arg5[%add3A_683, %dma_start3A] : memref<160000x128xf32, #tpu.memory_space<hbm>> -> memref<400x128xf32, #tpu.memory_space<hbm>>
          %dma_start3A_686 = arith.constant 0 : i32
          %dma_start3A_687 = tpu.memref_slice %arg19[%mul3A_680, %dma_start3A_686] : memref<6408x128xf32, #tpu.memory_space<vmem_shared>> -> memref<400x128xf32, #tpu.memory_space<vmem_shared>>
          tpu.enqueue_dma source(%dma_start3A_687 : memref<400x128xf32, #tpu.memory_space<vmem_shared>>) target(%dma_start3A_685 : memref<400x128xf32, #tpu.memory_space<hbm>>) target_semaphore(%run_scoped3A_684 : memref<!tpu.dma_semaphore, #tpu.memory_space<semaphore_mem>>)
          %dma_wait3A = arith.constant 0 : i32
          %dma_wait3A_688 = tpu.memref_slice %arg5[%add3A_683, %dma_wait3A] : memref<160000x128xf32, #tpu.memory_space<hbm>> -> memref<400x128xf32, #tpu.memory_space<hbm>>
          %dma_wait3A_689 = arith.constant 0 : i32
          %dma_wait3A_690 = tpu.memref_slice %arg19[%mul3A_680, %dma_wait3A_689] : memref<6408x128xf32, #tpu.memory_space<vmem_shared>> -> memref<400x128xf32, #tpu.memory_space<vmem_shared>>
          tpu.wait_dma2 semaphore(%run_scoped3A_684 : memref<!tpu.dma_semaphore, #tpu.memory_space<semaphore_mem>>) src(%dma_wait3A_690 : memref<400x128xf32, #tpu.memory_space<vmem_shared>>) dst(%dma_wait3A_688 : memref<400x128xf32, #tpu.memory_space<hbm>>)
          tpu.yield
        }) : () -> ()
      } else {
      }
      %barrier3A_678 = arith.constant 0 : index
      tpu.barrier barrier_id(%barrier3A_678)
    }
    %while3A_522 = arith.constant 1 : i32
    scf.for %while3A_523 = %while3A_520 to %while3A_516 step %while3A_522  : i32 {
      %mul3A_524 = arith.constant 2 : i32
      %mul3A_525 = arith.muli %mul3A_524, %while3A_523 : i32
      %add3A = arith.addi %mul3A_525, %arg0 : i32
      %mul3A_526 = arith.constant 6400 : i32
      %mul3A_527 = arith.muli %add3A, %mul3A_526 : i32
      %add3A_528 = arith.constant 6400 : i32
      %add3A_529 = arith.addi %mul3A_527, %add3A_528 : i32
      %min3A = arith.constant 160000 : i32
      %min3A_530 = arith.minsi %add3A_529, %min3A : i32
      %scan3A = arith.constant 0 : i32
      %scan3A_531 = arith.constant 0 : i32
      %scan3A_532 = arith.constant 25 : i32
      %scan3A_533 = arith.addi %scan3A_531, %scan3A_532 : i32
      %scan3A_534 = arith.constant 1 : i32
      scf.for %scan3A_679 = %scan3A_531 to %scan3A_533 step %scan3A_534  : i32 {
        %mul3A_680 = arith.constant 400 : i32
        %mul3A_681 = arith.muli %arg1, %mul3A_680 : i32
        %mul3A_682 = arith.constant 16 : i32
        %mul3A_683 = arith.muli %scan3A_679, %mul3A_682 : i32
        %add3A_684 = arith.addi %mul3A_681, %mul3A_683 : i32
        "tpu.region"() ({
          %run_scoped3A_685 = tpu.sem_alloc : memref<!tpu.dma_semaphore, #tpu.memory_space<semaphore_mem>>
          %dma_start3A = arith.constant 0 : i32
          %dma_start3A_686 = tpu.memref_slice %arg19[%add3A_684, %dma_start3A] : memref<6408x128xf32, #tpu.memory_space<vmem_shared>> -> memref<16x128xf32, #tpu.memory_space<vmem_shared>>
          %dma_start3A_687 = arith.constant 0 : i32
          %dma_start3A_688 = tpu.memref_slice %arg19[%add3A_684, %dma_start3A_687] : memref<6408x128xf32, #tpu.memory_space<vmem_shared>> -> memref<16x128xf32, #tpu.memory_space<vmem_shared>>
          tpu.enqueue_dma source(%arg14 : memref<16x128xf32, #tpu.memory_space<vmem>>) target(%dma_start3A_688 : memref<16x128xf32, #tpu.memory_space<vmem_shared>>) target_semaphore(%run_scoped3A_685 : memref<!tpu.dma_semaphore, #tpu.memory_space<semaphore_mem>>)
          %dma_wait3A = arith.constant 0 : i32
          %dma_wait3A_689 = tpu.memref_slice %arg19[%add3A_684, %dma_wait3A] : memref<6408x128xf32, #tpu.memory_space<vmem_shared>> -> memref<16x128xf32, #tpu.memory_space<vmem_shared>>
          %dma_wait3A_690 = arith.constant 0 : i32
          %dma_wait3A_691 = tpu.memref_slice %arg19[%add3A_684, %dma_wait3A_690] : memref<6408x128xf32, #tpu.memory_space<vmem_shared>> -> memref<16x128xf32, #tpu.memory_space<vmem_shared>>
          tpu.wait_dma2 semaphore(%run_scoped3A_685 : memref<!tpu.dma_semaphore, #tpu.memory_space<semaphore_mem>>) src(%arg14 : memref<16x128xf32, #tpu.memory_space<vmem>>) dst(%dma_wait3A_691 : memref<16x128xf32, #tpu.memory_space<vmem_shared>>)
          tpu.yield
        }) : () -> ()
      }
      %scan3A_535 = arith.constant 25 : i32
      %eq3A_536 = arith.constant 15 : i32
      %eq3A_537 = arith.cmpi eq, %arg1, %eq3A_536 : i32
      %convert_element_type3A = arith.extui %eq3A_537 : i1 to i32
      %cond3A = arith.constant 0 : i32
      %cond3A_538 = arith.cmpi ne, %convert_element_type3A, %cond3A : i32
      scf.if %cond3A_538 {
        "tpu.region"() ({
          %run_scoped3A_679 = tpu.sem_alloc : memref<!tpu.dma_semaphore, #tpu.memory_space<semaphore_mem>>
          %dma_start3A = arith.constant 0 : i32
          %dma_start3A_680 = arith.constant 0 : i32
          %dma_start3A_681 = tpu.memref_slice %arg14[%dma_start3A, %dma_start3A_680] : memref<16x128xf32, #tpu.memory_space<vmem>> -> memref<8x128xf32, #tpu.memory_space<vmem>>
          %dma_start3A_682 = arith.constant 6400 : i32
          %dma_start3A_683 = arith.constant 0 : i32
          %dma_start3A_684 = tpu.memref_slice %arg19[%dma_start3A_682, %dma_start3A_683] : memref<6408x128xf32, #tpu.memory_space<vmem_shared>> -> memref<8x128xf32, #tpu.memory_space<vmem_shared>>
          %dma_start3A_685 = arith.constant 6400 : i32
          %dma_start3A_686 = arith.constant 0 : i32
          %dma_start3A_687 = tpu.memref_slice %arg19[%dma_start3A_685, %dma_start3A_686] : memref<6408x128xf32, #tpu.memory_space<vmem_shared>> -> memref<8x128xf32, #tpu.memory_space<vmem_shared>>
          %dma_start3A_688 = arith.constant 0 : i32
          %dma_start3A_689 = arith.constant 0 : i32
          %dma_start3A_690 = tpu.memref_slice %arg14[%dma_start3A_688, %dma_start3A_689] : memref<16x128xf32, #tpu.memory_space<vmem>> -> memref<8x128xf32, #tpu.memory_space<vmem>>
          tpu.enqueue_dma source(%dma_start3A_690 : memref<8x128xf32, #tpu.memory_space<vmem>>) target(%dma_start3A_687 : memref<8x128xf32, #tpu.memory_space<vmem_shared>>) target_semaphore(%run_scoped3A_679 : memref<!tpu.dma_semaphore, #tpu.memory_space<semaphore_mem>>)
          %dma_wait3A = arith.constant 0 : i32
          %dma_wait3A_691 = arith.constant 0 : i32
          %dma_wait3A_692 = tpu.memref_slice %arg14[%dma_wait3A, %dma_wait3A_691] : memref<16x128xf32, #tpu.memory_space<vmem>> -> memref<8x128xf32, #tpu.memory_space<vmem>>
          %dma_wait3A_693 = arith.constant 6400 : i32
          %dma_wait3A_694 = arith.constant 0 : i32
          %dma_wait3A_695 = tpu.memref_slice %arg19[%dma_wait3A_693, %dma_wait3A_694] : memref<6408x128xf32, #tpu.memory_space<vmem_shared>> -> memref<8x128xf32, #tpu.memory_space<vmem_shared>>
          %dma_wait3A_696 = arith.constant 6400 : i32
          %dma_wait3A_697 = arith.constant 0 : i32
          %dma_wait3A_698 = tpu.memref_slice %arg19[%dma_wait3A_696, %dma_wait3A_697] : memref<6408x128xf32, #tpu.memory_space<vmem_shared>> -> memref<8x128xf32, #tpu.memory_space<vmem_shared>>
          %dma_wait3A_699 = arith.constant 0 : i32
          %dma_wait3A_700 = arith.constant 0 : i32
          %dma_wait3A_701 = tpu.memref_slice %arg14[%dma_wait3A_699, %dma_wait3A_700] : memref<16x128xf32, #tpu.memory_space<vmem>> -> memref<8x128xf32, #tpu.memory_space<vmem>>
          tpu.wait_dma2 semaphore(%run_scoped3A_679 : memref<!tpu.dma_semaphore, #tpu.memory_space<semaphore_mem>>) src(%dma_wait3A_701 : memref<8x128xf32, #tpu.memory_space<vmem>>) dst(%dma_wait3A_698 : memref<8x128xf32, #tpu.memory_space<vmem_shared>>)
          tpu.yield
        }) : () -> ()
      } else {
      }
      %barrier3A = arith.constant 0 : index
      tpu.barrier barrier_id(%barrier3A)
      %scan3A_539 = arith.constant 0 : i32
      %scan3A_540 = arith.constant 0 : i32
      %scan3A_541 = arith.constant 937 : i32
      %scan3A_542 = arith.addi %scan3A_540, %scan3A_541 : i32
      %scan3A_543 = arith.constant 1 : i32
      %scan3A_544 = scf.for %scan3A_679 = %scan3A_540 to %scan3A_542 step %scan3A_543 iter_args(%scan3A_680 = %scan3A_539) -> (i32)  : i32 {
        %mul3A_681 = arith.constant 32 : i32
        %mul3A_682 = arith.muli %scan3A_679, %mul3A_681 : i32
        %get3A_683 = arith.index_cast %mul3A_682 : i32 to index
        %get3A_684 = tpu.vector_load %arg6[%get3A_683] {strides = array<i32>} : memref<30000xi32, #tpu.memory_space<vmem>>, vector<16xi32>,
        %mul3A_685 = arith.constant 32 : i32
        %mul3A_686 = arith.muli %scan3A_679, %mul3A_685 : i32
        %add3A_687 = arith.constant 16 : i32
        %add3A_688 = arith.addi %mul3A_686, %add3A_687 : i32
        %get3A_689 = arith.index_cast %add3A_688 : i32 to index
        %get3A_690 = tpu.vector_load %arg6[%get3A_689] {strides = array<i32>} : memref<30000xi32, #tpu.memory_space<vmem>>, vector<16xi32>,
        %ge3A_691 = vector.broadcast %mul3A_527 : i32 to vector<16xi32>
        %ge3A_692 = arith.cmpi sge, %get3A_684, %ge3A_691 : vector<16xi32>
        %lt3A_693 = vector.broadcast %min3A_530 : i32 to vector<16xi32>
        %lt3A_694 = arith.cmpi slt, %get3A_684, %lt3A_693 : vector<16xi32>
        %and3A_695 = arith.andi %ge3A_692, %lt3A_694 : vector<16xi1>
        %ge3A_696 = vector.broadcast %mul3A_527 : i32 to vector<16xi32>
        %ge3A_697 = arith.cmpi sge, %get3A_690, %ge3A_696 : vector<16xi32>
        %lt3A_698 = vector.broadcast %min3A_530 : i32 to vector<16xi32>
        %lt3A_699 = arith.cmpi slt, %get3A_690, %lt3A_698 : vector<16xi32>
        %and3A_700 = arith.andi %ge3A_697, %lt3A_699 : vector<16xi1>
        %convert_element_type3A_701 = arith.extui %and3A_695 : vector<16xi1> to vector<16xi32>
        %broadcast_in_dim3A_702 = arith.constant true
        %broadcast_in_dim3A_703 = vector.broadcast %broadcast_in_dim3A_702 : i1 to vector<16xi1>
        %masked_cumsum3A_704 = tpu.scan <sum>, %convert_element_type3A_701 masked %broadcast_in_dim3A_703 : vector<16xi32>, vector<16xi1> -> vector<16xi32>
        %convert_element_type3A_705 = arith.extui %and3A_700 : vector<16xi1> to vector<16xi32>
        %broadcast_in_dim3A_706 = arith.constant true
        %broadcast_in_dim3A_707 = vector.broadcast %broadcast_in_dim3A_706 : i1 to vector<16xi1>
        %masked_cumsum3A_708 = tpu.scan <sum>, %convert_element_type3A_705 masked %broadcast_in_dim3A_707 : vector<16xi32>, vector<16xi1> -> vector<16xi32>
        %mul3A_709 = arith.constant 30000 : i32
        %mul3A_710 = arith.muli %arg1, %mul3A_709 : i32
        %mul3A_711 = arith.constant 32 : i32
        %mul3A_712 = arith.muli %scan3A_679, %mul3A_711 : i32
        %add3A_713 = arith.addi %mul3A_710, %mul3A_712 : i32
        %add3A_714 = vector.broadcast %scan3A_680 : i32 to vector<16xi32>
        %add3A_715 = arith.addi %add3A_714, %masked_cumsum3A_704 : vector<16xi32>
        %sub3A_716 = arith.constant 1 : i32
        %sub3A_717 = vector.broadcast %sub3A_716 : i32 to vector<16xi32>
        %sub3A_718 = arith.subi %add3A_715, %sub3A_717 : vector<16xi32>
        %add3A_719 = arith.constant 30064 : i32
        %add3A_720 = vector.broadcast %add3A_719 : i32 to vector<16xi32>
        %add3A_721 = arith.addi %add3A_720, %iota3A : vector<16xi32>
        %select_n3A_722 = arith.select %and3A_695, %sub3A_718, %add3A_721 : vector<16xi1>, vector<16xi32>
        %add3A_723 = vector.broadcast %add3A_713 : i32 to vector<16xi32>
        %add3A_724 = arith.addi %iota3A, %add3A_723 : vector<16xi32>
        %shift_left3A_725 = arith.constant 13 : i32
        %shift_left3A_726 = vector.broadcast %shift_left3A_725 : i32 to vector<16xi32>
        %shift_left3A_727 = arith.shli %add3A_724, %shift_left3A_726 : vector<16xi32>
        %sub3A_728 = vector.broadcast %mul3A_527 : i32 to vector<16xi32>
        %sub3A_729 = arith.subi %get3A_684, %sub3A_728 : vector<16xi32>
        %or3A_730 = arith.ori %shift_left3A_727, %sub3A_729 : vector<16xi32>
        tpu.vector_store_idx %arg7[%select_n3A_722], %or3A_730 : memref<30080xi32, #tpu.memory_space<vmem>>[vector<16xi32>], vector<16xi32>,
        %slice3A_731 = vector.extract_strided_slice %masked_cumsum3A_704 {offsets = [15], sizes = [1], strides = [1]} : vector<16xi32> to vector<1xi32>
        %squeeze3A_732 = vector.extract %slice3A_731[0] : i32 from vector<1xi32>
        %add3A_733 = arith.addi %scan3A_680, %squeeze3A_732 : i32
        %add3A_734 = vector.broadcast %add3A_733 : i32 to vector<16xi32>
        %add3A_735 = arith.addi %add3A_734, %masked_cumsum3A_708 : vector<16xi32>
        %sub3A_736 = arith.constant 1 : i32
        %sub3A_737 = vector.broadcast %sub3A_736 : i32 to vector<16xi32>
        %sub3A_738 = arith.subi %add3A_735, %sub3A_737 : vector<16xi32>
        %add3A_739 = arith.constant 30064 : i32
        %add3A_740 = vector.broadcast %add3A_739 : i32 to vector<16xi32>
        %add3A_741 = arith.addi %add3A_740, %iota3A : vector<16xi32>
        %select_n3A_742 = arith.select %and3A_700, %sub3A_738, %add3A_741 : vector<16xi1>, vector<16xi32>
        %add3A_743 = arith.constant 16 : i32
        %add3A_744 = arith.addi %add3A_713, %add3A_743 : i32
        %add3A_745 = vector.broadcast %add3A_744 : i32 to vector<16xi32>
        %add3A_746 = arith.addi %iota3A, %add3A_745 : vector<16xi32>
        %shift_left3A_747 = arith.constant 13 : i32
        %shift_left3A_748 = vector.broadcast %shift_left3A_747 : i32 to vector<16xi32>
        %shift_left3A_749 = arith.shli %add3A_746, %shift_left3A_748 : vector<16xi32>
        %sub3A_750 = vector.broadcast %mul3A_527 : i32 to vector<16xi32>
        %sub3A_751 = arith.subi %get3A_690, %sub3A_750 : vector<16xi32>
        %or3A_752 = arith.ori %shift_left3A_749, %sub3A_751 : vector<16xi32>
        tpu.vector_store_idx %arg7[%select_n3A_742], %or3A_752 : memref<30080xi32, #tpu.memory_space<vmem>>[vector<16xi32>], vector<16xi32>,
        %slice3A_753 = vector.extract_strided_slice %masked_cumsum3A_708 {offsets = [15], sizes = [1], strides = [1]} : vector<16xi32> to vector<1xi32>
        %squeeze3A_754 = vector.extract %slice3A_753[0] : i32 from vector<1xi32>
        %add3A_755 = arith.addi %add3A_733, %squeeze3A_754 : i32
        scf.yield %add3A_755 : i32
      }
      %scan3A_545 = arith.constant 937 : i32
      %get3A_546 = arith.constant 29984 : index
      %get3A_547 = tpu.vector_load %arg6[%get3A_546] {strides = array<i32>} : memref<30000xi32, #tpu.memory_space<vmem>>, vector<16xi32>,
      %ge3A = vector.broadcast %mul3A_527 : i32 to vector<16xi32>
      %ge3A_548 = arith.cmpi sge, %get3A_547, %ge3A : vector<16xi32>
      %lt3A = vector.broadcast %min3A_530 : i32 to vector<16xi32>
      %lt3A_549 = arith.cmpi slt, %get3A_547, %lt3A : vector<16xi32>
      %and3A = arith.andi %ge3A_548, %lt3A_549 : vector<16xi1>
      %convert_element_type3A_550 = arith.extui %and3A : vector<16xi1> to vector<16xi32>
      %broadcast_in_dim3A_551 = arith.constant true
      %broadcast_in_dim3A_552 = vector.broadcast %broadcast_in_dim3A_551 : i1 to vector<16xi1>
      %masked_cumsum3A = tpu.scan <sum>, %convert_element_type3A_550 masked %broadcast_in_dim3A_552 : vector<16xi32>, vector<16xi1> -> vector<16xi32>
      %add3A_553 = vector.broadcast %scan3A_544 : i32 to vector<16xi32>
      %add3A_554 = arith.addi %add3A_553, %masked_cumsum3A : vector<16xi32>
      %sub3A = arith.constant 1 : i32
      %sub3A_555 = vector.broadcast %sub3A : i32 to vector<16xi32>
      %sub3A_556 = arith.subi %add3A_554, %sub3A_555 : vector<16xi32>
      %add3A_557 = arith.constant 30064 : i32
      %add3A_558 = vector.broadcast %add3A_557 : i32 to vector<16xi32>
      %add3A_559 = arith.addi %add3A_558, %iota3A : vector<16xi32>
      %select_n3A_560 = arith.select %and3A, %sub3A_556, %add3A_559 : vector<16xi1>, vector<16xi32>
      %mul3A_561 = arith.constant 30000 : i32
      %mul3A_562 = arith.muli %arg1, %mul3A_561 : i32
      %add3A_563 = arith.constant 29984 : i32
      %add3A_564 = arith.addi %mul3A_562, %add3A_563 : i32
      %add3A_565 = vector.broadcast %add3A_564 : i32 to vector<16xi32>
      %add3A_566 = arith.addi %iota3A, %add3A_565 : vector<16xi32>
      %shift_left3A = arith.constant 13 : i32
      %shift_left3A_567 = vector.broadcast %shift_left3A : i32 to vector<16xi32>
      %shift_left3A_568 = arith.shli %add3A_566, %shift_left3A_567 : vector<16xi32>
      %sub3A_569 = vector.broadcast %mul3A_527 : i32 to vector<16xi32>
      %sub3A_570 = arith.subi %get3A_547, %sub3A_569 : vector<16xi32>
      %or3A = arith.ori %shift_left3A_568, %sub3A_570 : vector<16xi32>
      tpu.vector_store_idx %arg7[%select_n3A_560], %or3A : memref<30080xi32, #tpu.memory_space<vmem>>[vector<16xi32>], vector<16xi32>,
      %slice3A = vector.extract_strided_slice %masked_cumsum3A {offsets = [15], sizes = [1], strides = [1]} : vector<16xi32> to vector<1xi32>
      %squeeze3A = vector.extract %slice3A[0] : i32 from vector<1xi32>
      %add3A_571 = arith.addi %scan3A_544, %squeeze3A : i32
      %add3A_572 = arith.constant 0 : i32
      %add3A_573 = arith.addi %add3A_571, %add3A_572 : i32
      %add3A_574 = vector.broadcast %add3A_573 : i32 to vector<16xi32>
      %add3A_575 = arith.addi %add3A_574, %iota3A : vector<16xi32>
      tpu.vector_store_idx %arg7[%add3A_575], %broadcast_in_dim3A_511 : memref<30080xi32, #tpu.memory_space<vmem>>[vector<16xi32>], vector<16xi32>,
      %add3A_576 = arith.constant 16 : i32
      %add3A_577 = arith.addi %add3A_571, %add3A_576 : i32
      %add3A_578 = vector.broadcast %add3A_577 : i32 to vector<16xi32>
      %add3A_579 = arith.addi %add3A_578, %iota3A : vector<16xi32>
      tpu.vector_store_idx %arg7[%add3A_579], %broadcast_in_dim3A_511 : memref<30080xi32, #tpu.memory_space<vmem>>[vector<16xi32>], vector<16xi32>,
      %add3A_580 = arith.constant 32 : i32
      %add3A_581 = arith.addi %add3A_571, %add3A_580 : i32
      %add3A_582 = vector.broadcast %add3A_581 : i32 to vector<16xi32>
      %add3A_583 = arith.addi %add3A_582, %iota3A : vector<16xi32>
      tpu.vector_store_idx %arg7[%add3A_583], %broadcast_in_dim3A_511 : memref<30080xi32, #tpu.memory_space<vmem>>[vector<16xi32>], vector<16xi32>,
      %add3A_584 = arith.constant 48 : i32
      %add3A_585 = arith.addi %add3A_571, %add3A_584 : i32
      %add3A_586 = vector.broadcast %add3A_585 : i32 to vector<16xi32>
      %add3A_587 = arith.addi %add3A_586, %iota3A : vector<16xi32>
      tpu.vector_store_idx %arg7[%add3A_587], %broadcast_in_dim3A_511 : memref<30080xi32, #tpu.memory_space<vmem>>[vector<16xi32>], vector<16xi32>,
      %add3A_588 = arith.constant 63 : i32
      %add3A_589 = arith.addi %add3A_571, %add3A_588 : i32
      %jit3A_590 = arith.constant 64 : i32
      %div3A = arith.divsi %add3A_589, %jit3A_590 : i32
      %sign3A = arith.constant 0 : i32
      %sign3A_591 = arith.cmpi sgt, %add3A_589, %sign3A : i32
      %sign3A_592 = arith.extui %sign3A_591 : i1 to i32
      %sign3A_593 = arith.constant 0 : i32
      %sign3A_594 = arith.cmpi slt, %add3A_589, %sign3A_593 : i32
      %sign3A_595 = arith.extui %sign3A_594 : i1 to i32
      %sign3A_596 = arith.subi %sign3A_592, %sign3A_595 : i32
      %sign3A_597 = arith.constant 0 : i32
      %sign3A_598 = arith.cmpi sgt, %jit3A_590, %sign3A_597 : i32
      %sign3A_599 = arith.extui %sign3A_598 : i1 to i32
      %sign3A_600 = arith.constant 0 : i32
      %sign3A_601 = arith.cmpi slt, %jit3A_590, %sign3A_600 : i32
      %sign3A_602 = arith.extui %sign3A_601 : i1 to i32
      %sign3A_603 = arith.subi %sign3A_599, %sign3A_602 : i32
      %ne3A = arith.cmpi ne, %sign3A_596, %sign3A_603 : i32
      %rem3A = arith.remsi %add3A_589, %jit3A_590 : i32
      %ne3A_604 = arith.constant 0 : i32
      %ne3A_605 = arith.cmpi ne, %rem3A, %ne3A_604 : i32
      %and3A_606 = arith.andi %ne3A, %ne3A_605 : i1
      %sub3A_607 = arith.constant 1 : i32
      %sub3A_608 = arith.subi %div3A, %sub3A_607 : i32
      %select_n3A_609 = arith.select %and3A_606, %sub3A_608, %div3A : i32
      %gt3A = arith.constant 0 : i32
      %gt3A_610 = arith.cmpi sgt, %select_n3A_609, %gt3A : i32
      %convert_element_type3A_611 = arith.extui %gt3A_610 : i1 to i32
      %cond3A_612 = arith.constant 0 : i32
      %cond3A_613 = arith.cmpi ne, %convert_element_type3A_611, %cond3A_612 : i32
      scf.if %cond3A_613 {
        %get3A_679 = arith.constant 0 : index
        %get3A_680 = tpu.vector_load %arg7[%get3A_679] {strides = array<i32>} : memref<30080xi32, #tpu.memory_space<vmem>>, vector<16xi32>,
        %shift_right_logical3A = arith.constant 13 : i32
        %shift_right_logical3A_681 = vector.broadcast %shift_right_logical3A : i32 to vector<16xi32>
        %shift_right_logical3A_682 = arith.shrui %get3A_680, %shift_right_logical3A_681 : vector<16xi32>
        %swap3A_683 = arith.constant 0 : index
        %swap3A_684 = tpu.vector_load %arg10[%swap3A_683] {strides = array<i32>} : memref<64xi32, #tpu.memory_space<vmem>>, vector<16xi32>,
        tpu.vector_store %arg10[%swap3A_683], %shift_right_logical3A_682 {strides = array<i32>} : memref<64xi32, #tpu.memory_space<vmem>>, vector<16xi32>,
        %and3A_685 = arith.constant 8191 : i32
        %and3A_686 = vector.broadcast %and3A_685 : i32 to vector<16xi32>
        %and3A_687 = arith.andi %get3A_680, %and3A_686 : vector<16xi32>
        %swap3A_688 = arith.constant 0 : index
        %swap3A_689 = tpu.vector_load %arg12[%swap3A_688] {strides = array<i32>} : memref<64xi32, #tpu.memory_space<vmem>>, vector<16xi32>,
        tpu.vector_store %arg12[%swap3A_688], %and3A_687 {strides = array<i32>} : memref<64xi32, #tpu.memory_space<vmem>>, vector<16xi32>,
        %get3A_690 = arith.constant 16 : index
        %get3A_691 = tpu.vector_load %arg7[%get3A_690] {strides = array<i32>} : memref<30080xi32, #tpu.memory_space<vmem>>, vector<16xi32>,
        %shift_right_logical3A_692 = arith.constant 13 : i32
        %shift_right_logical3A_693 = vector.broadcast %shift_right_logical3A_692 : i32 to vector<16xi32>
        %shift_right_logical3A_694 = arith.shrui %get3A_691, %shift_right_logical3A_693 : vector<16xi32>
        %swap3A_695 = arith.constant 16 : index
        %swap3A_696 = tpu.vector_load %arg10[%swap3A_695] {strides = array<i32>} : memref<64xi32, #tpu.memory_space<vmem>>, vector<16xi32>,
        tpu.vector_store %arg10[%swap3A_695], %shift_right_logical3A_694 {strides = array<i32>} : memref<64xi32, #tpu.memory_space<vmem>>, vector<16xi32>,
        %and3A_697 = arith.constant 8191 : i32
        %and3A_698 = vector.broadcast %and3A_697 : i32 to vector<16xi32>
        %and3A_699 = arith.andi %get3A_691, %and3A_698 : vector<16xi32>
        %swap3A_700 = arith.constant 16 : index
        %swap3A_701 = tpu.vector_load %arg12[%swap3A_700] {strides = array<i32>} : memref<64xi32, #tpu.memory_space<vmem>>, vector<16xi32>,
        tpu.vector_store %arg12[%swap3A_700], %and3A_699 {strides = array<i32>} : memref<64xi32, #tpu.memory_space<vmem>>, vector<16xi32>,
        %get3A_702 = arith.constant 32 : index
        %get3A_703 = tpu.vector_load %arg7[%get3A_702] {strides = array<i32>} : memref<30080xi32, #tpu.memory_space<vmem>>, vector<16xi32>,
        %shift_right_logical3A_704 = arith.constant 13 : i32
        %shift_right_logical3A_705 = vector.broadcast %shift_right_logical3A_704 : i32 to vector<16xi32>
        %shift_right_logical3A_706 = arith.shrui %get3A_703, %shift_right_logical3A_705 : vector<16xi32>
        %swap3A_707 = arith.constant 32 : index
        %swap3A_708 = tpu.vector_load %arg10[%swap3A_707] {strides = array<i32>} : memref<64xi32, #tpu.memory_space<vmem>>, vector<16xi32>,
        tpu.vector_store %arg10[%swap3A_707], %shift_right_logical3A_706 {strides = array<i32>} : memref<64xi32, #tpu.memory_space<vmem>>, vector<16xi32>,
        %and3A_709 = arith.constant 8191 : i32
        %and3A_710 = vector.broadcast %and3A_709 : i32 to vector<16xi32>
        %and3A_711 = arith.andi %get3A_703, %and3A_710 : vector<16xi32>
        %swap3A_712 = arith.constant 32 : index
        %swap3A_713 = tpu.vector_load %arg12[%swap3A_712] {strides = array<i32>} : memref<64xi32, #tpu.memory_space<vmem>>, vector<16xi32>,
        tpu.vector_store %arg12[%swap3A_712], %and3A_711 {strides = array<i32>} : memref<64xi32, #tpu.memory_space<vmem>>, vector<16xi32>,
        %get3A_714 = arith.constant 48 : index
        %get3A_715 = tpu.vector_load %arg7[%get3A_714] {strides = array<i32>} : memref<30080xi32, #tpu.memory_space<vmem>>, vector<16xi32>,
        %shift_right_logical3A_716 = arith.constant 13 : i32
        %shift_right_logical3A_717 = vector.broadcast %shift_right_logical3A_716 : i32 to vector<16xi32>
        %shift_right_logical3A_718 = arith.shrui %get3A_715, %shift_right_logical3A_717 : vector<16xi32>
        %swap3A_719 = arith.constant 48 : index
        %swap3A_720 = tpu.vector_load %arg10[%swap3A_719] {strides = array<i32>} : memref<64xi32, #tpu.memory_space<vmem>>, vector<16xi32>,
        tpu.vector_store %arg10[%swap3A_719], %shift_right_logical3A_718 {strides = array<i32>} : memref<64xi32, #tpu.memory_space<vmem>>, vector<16xi32>,
        %and3A_721 = arith.constant 8191 : i32
        %and3A_722 = vector.broadcast %and3A_721 : i32 to vector<16xi32>
        %and3A_723 = arith.andi %get3A_715, %and3A_722 : vector<16xi32>
        %swap3A_724 = arith.constant 48 : index
        %swap3A_725 = tpu.vector_load %arg12[%swap3A_724] {strides = array<i32>} : memref<64xi32, #tpu.memory_space<vmem>>, vector<16xi32>,
        tpu.vector_store %arg12[%swap3A_724], %and3A_723 {strides = array<i32>} : memref<64xi32, #tpu.memory_space<vmem>>, vector<16xi32>,
        %dma_start3A = arith.constant 0 : i32
        %dma_start3A_726 = arith.constant 0 : i32
        %dma_start3A_727 = tpu.memref_slice %arg2[%dma_start3A, %dma_start3A_726] : memref<480000x128xf32, #tpu.memory_space<hbm>> -> memref<480000x128xf32, #tpu.memory_space<hbm>>
        tpu.enqueue_indirect_dma source(%dma_start3A_727 : memref<480000x128xf32, #tpu.memory_space<hbm>>) target(%arg8 : memref<64x128xf32, #tpu.memory_space<vmem>>) offsets(%arg10 : memref<64xi32, #tpu.memory_space<vmem>>) semaphore(%arg15 : memref<!tpu.dma_semaphore, #tpu.memory_space<semaphore_mem>>)
      } else {
      }
      %add3A_614 = arith.constant 1 : i32
      %add3A_615 = arith.addi %select_n3A_609, %add3A_614 : i32
      %jit3A_616 = arith.constant 2 : i32
      %div3A_617 = arith.divsi %add3A_615, %jit3A_616 : i32
      %sign3A_618 = arith.constant 0 : i32
      %sign3A_619 = arith.cmpi sgt, %add3A_615, %sign3A_618 : i32
      %sign3A_620 = arith.extui %sign3A_619 : i1 to i32
      %sign3A_621 = arith.constant 0 : i32
      %sign3A_622 = arith.cmpi slt, %add3A_615, %sign3A_621 : i32
      %sign3A_623 = arith.extui %sign3A_622 : i1 to i32
      %sign3A_624 = arith.subi %sign3A_620, %sign3A_623 : i32
      %sign3A_625 = arith.constant 0 : i32
      %sign3A_626 = arith.cmpi sgt, %jit3A_616, %sign3A_625 : i32
      %sign3A_627 = arith.extui %sign3A_626 : i1 to i32
      %sign3A_628 = arith.constant 0 : i32
      %sign3A_629 = arith.cmpi slt, %jit3A_616, %sign3A_628 : i32
      %sign3A_630 = arith.extui %sign3A_629 : i1 to i32
      %sign3A_631 = arith.subi %sign3A_627, %sign3A_630 : i32
      %ne3A_632 = arith.cmpi ne, %sign3A_624, %sign3A_631 : i32
      %rem3A_633 = arith.remsi %add3A_615, %jit3A_616 : i32
      %ne3A_634 = arith.constant 0 : i32
      %ne3A_635 = arith.cmpi ne, %rem3A_633, %ne3A_634 : i32
      %and3A_636 = arith.andi %ne3A_632, %ne3A_635 : i1
      %sub3A_637 = arith.constant 1 : i32
      %sub3A_638 = arith.subi %div3A_617, %sub3A_637 : i32
      %select_n3A_639 = arith.select %and3A_636, %sub3A_638, %div3A_617 : i32
      %while3A_640 = arith.constant 0 : i32
      %while3A_641 = arith.constant 0 : i32
      %while3A_642 = arith.subi %select_n3A_639, %while3A_641 : i32
      %while3A_643 = arith.addi %while3A_641, %while3A_642 : i32
      %while3A_644 = arith.constant 1 : i32
      %while3A_645 = arith.divsi %while3A_642, %while3A_644 : i32
      %while3A_646 = arith.muli %while3A_645, %while3A_644 : i32
      %while3A_647 = arith.addi %while3A_641, %while3A_646 : i32
      %while3A_648 = arith.constant 1 : i32
      scf.for %while3A_679 = %while3A_641 to %while3A_647 step %while3A_648  : i32 {
        %mul3A_680 = arith.constant 2 : i32
        %mul3A_681 = arith.muli %mul3A_680, %while3A_679 : i32
        %add3A_682 = arith.constant 0 : i32
        %add3A_683 = arith.addi %mul3A_681, %add3A_682 : i32
        %lt3A_684 = arith.cmpi slt, %add3A_683, %select_n3A_609 : i32
        %convert_element_type3A_685 = arith.extui %lt3A_684 : i1 to i32
        %cond3A_686 = arith.constant 0 : i32
        %cond3A_687 = arith.cmpi ne, %convert_element_type3A_685, %cond3A_686 : i32
        scf.if %cond3A_687 {
          %dma_wait3A = arith.constant 0 : i32
          %dma_wait3A_696 = arith.constant 0 : i32
          %dma_wait3A_697 = tpu.memref_slice %arg2[%dma_wait3A, %dma_wait3A_696] : memref<480000x128xf32, #tpu.memory_space<hbm>> -> memref<480000x128xf32, #tpu.memory_space<hbm>>
          tpu.wait_indirect_dma semaphore(%arg15 : memref<!tpu.dma_semaphore, #tpu.memory_space<semaphore_mem>>) src(%dma_wait3A_697 : memref<480000x128xf32, #tpu.memory_space<hbm>>) dst(%arg8 : memref<64x128xf32, #tpu.memory_space<vmem>>)
          %ge3A_698 = arith.constant 1 : i32
          %ge3A_699 = arith.cmpi sge, %add3A_683, %ge3A_698 : i32
          %convert_element_type3A_700 = arith.extui %ge3A_699 : i1 to i32
          %cond3A_701 = arith.constant 0 : i32
          %cond3A_702 = arith.cmpi ne, %convert_element_type3A_700, %cond3A_701 : i32
          scf.if %cond3A_702 {
            %dma_wait3A_711 = arith.constant 0 : i32
            %dma_wait3A_712 = arith.constant 0 : i32
            %dma_wait3A_713 = tpu.memref_slice %arg19[%dma_wait3A_711, %dma_wait3A_712] : memref<6408x128xf32, #tpu.memory_space<vmem_shared>> -> memref<6408x128xf32, #tpu.memory_space<vmem_shared>>
            tpu.wait_indirect_dma semaphore(%arg18 : memref<!tpu.dma_semaphore, #tpu.memory_space<semaphore_mem>>) src(%arg9 : memref<64x128xf32, #tpu.memory_space<vmem>>) dst(%dma_wait3A_713 : memref<6408x128xf32, #tpu.memory_space<vmem_shared>>)
          } else {
          }
          %add3A_703 = arith.constant 1 : i32
          %add3A_704 = arith.addi %add3A_683, %add3A_703 : i32
          %lt3A_705 = arith.cmpi slt, %add3A_704, %select_n3A_609 : i32
          %convert_element_type3A_706 = arith.extui %lt3A_705 : i1 to i32
          %cond3A_707 = arith.constant 0 : i32
          %cond3A_708 = arith.cmpi ne, %convert_element_type3A_706, %cond3A_707 : i32
          scf.if %cond3A_708 {
            %add3A_711 = arith.constant 1 : i32
            %add3A_712 = arith.addi %add3A_683, %add3A_711 : i32
            %mul3A_713 = arith.constant 64 : i32
            %mul3A_714 = arith.muli %add3A_712, %mul3A_713 : i32
            %add3A_715 = arith.constant 0 : i32
            %add3A_716 = arith.addi %mul3A_714, %add3A_715 : i32
            %get3A_717 = arith.index_cast %add3A_716 : i32 to index
            %get3A_718 = tpu.vector_load %arg7[%get3A_717] {strides = array<i32>} : memref<30080xi32, #tpu.memory_space<vmem>>, vector<16xi32>,
            %shift_right_logical3A = arith.constant 13 : i32
            %shift_right_logical3A_719 = vector.broadcast %shift_right_logical3A : i32 to vector<16xi32>
            %shift_right_logical3A_720 = arith.shrui %get3A_718, %shift_right_logical3A_719 : vector<16xi32>
            %swap3A_721 = arith.constant 0 : index
            %swap3A_722 = tpu.vector_load %arg11[%swap3A_721] {strides = array<i32>} : memref<64xi32, #tpu.memory_space<vmem>>, vector<16xi32>,
            tpu.vector_store %arg11[%swap3A_721], %shift_right_logical3A_720 {strides = array<i32>} : memref<64xi32, #tpu.memory_space<vmem>>, vector<16xi32>,
            %and3A_723 = arith.constant 8191 : i32
            %and3A_724 = vector.broadcast %and3A_723 : i32 to vector<16xi32>
            %and3A_725 = arith.andi %get3A_718, %and3A_724 : vector<16xi32>
            %swap3A_726 = arith.constant 0 : index
            %swap3A_727 = tpu.vector_load %arg13[%swap3A_726] {strides = array<i32>} : memref<64xi32, #tpu.memory_space<vmem>>, vector<16xi32>,
            tpu.vector_store %arg13[%swap3A_726], %and3A_725 {strides = array<i32>} : memref<64xi32, #tpu.memory_space<vmem>>, vector<16xi32>,
            %mul3A_728 = arith.constant 64 : i32
            %mul3A_729 = arith.muli %add3A_712, %mul3A_728 : i32
            %add3A_730 = arith.constant 16 : i32
            %add3A_731 = arith.addi %mul3A_729, %add3A_730 : i32
            %get3A_732 = arith.index_cast %add3A_731 : i32 to index
            %get3A_733 = tpu.vector_load %arg7[%get3A_732] {strides = array<i32>} : memref<30080xi32, #tpu.memory_space<vmem>>, vector<16xi32>,
            %shift_right_logical3A_734 = arith.constant 13 : i32
            %shift_right_logical3A_735 = vector.broadcast %shift_right_logical3A_734 : i32 to vector<16xi32>
            %shift_right_logical3A_736 = arith.shrui %get3A_733, %shift_right_logical3A_735 : vector<16xi32>
            %swap3A_737 = arith.constant 16 : index
            %swap3A_738 = tpu.vector_load %arg11[%swap3A_737] {strides = array<i32>} : memref<64xi32, #tpu.memory_space<vmem>>, vector<16xi32>,
            tpu.vector_store %arg11[%swap3A_737], %shift_right_logical3A_736 {strides = array<i32>} : memref<64xi32, #tpu.memory_space<vmem>>, vector<16xi32>,
            %and3A_739 = arith.constant 8191 : i32
            %and3A_740 = vector.broadcast %and3A_739 : i32 to vector<16xi32>
            %and3A_741 = arith.andi %get3A_733, %and3A_740 : vector<16xi32>
            %swap3A_742 = arith.constant 16 : index
            %swap3A_743 = tpu.vector_load %arg13[%swap3A_742] {strides = array<i32>} : memref<64xi32, #tpu.memory_space<vmem>>, vector<16xi32>,
            tpu.vector_store %arg13[%swap3A_742], %and3A_741 {strides = array<i32>} : memref<64xi32, #tpu.memory_space<vmem>>, vector<16xi32>,
            %mul3A_744 = arith.constant 64 : i32
            %mul3A_745 = arith.muli %add3A_712, %mul3A_744 : i32
            %add3A_746 = arith.constant 32 : i32
            %add3A_747 = arith.addi %mul3A_745, %add3A_746 : i32
            %get3A_748 = arith.index_cast %add3A_747 : i32 to index
            %get3A_749 = tpu.vector_load %arg7[%get3A_748] {strides = array<i32>} : memref<30080xi32, #tpu.memory_space<vmem>>, vector<16xi32>,
            %shift_right_logical3A_750 = arith.constant 13 : i32
            %shift_right_logical3A_751 = vector.broadcast %shift_right_logical3A_750 : i32 to vector<16xi32>
            %shift_right_logical3A_752 = arith.shrui %get3A_749, %shift_right_logical3A_751 : vector<16xi32>
            %swap3A_753 = arith.constant 32 : index
            %swap3A_754 = tpu.vector_load %arg11[%swap3A_753] {strides = array<i32>} : memref<64xi32, #tpu.memory_space<vmem>>, vector<16xi32>,
            tpu.vector_store %arg11[%swap3A_753], %shift_right_logical3A_752 {strides = array<i32>} : memref<64xi32, #tpu.memory_space<vmem>>, vector<16xi32>,
            %and3A_755 = arith.constant 8191 : i32
            %and3A_756 = vector.broadcast %and3A_755 : i32 to vector<16xi32>
            %and3A_757 = arith.andi %get3A_749, %and3A_756 : vector<16xi32>
            %swap3A_758 = arith.constant 32 : index
            %swap3A_759 = tpu.vector_load %arg13[%swap3A_758] {strides = array<i32>} : memref<64xi32, #tpu.memory_space<vmem>>, vector<16xi32>,
            tpu.vector_store %arg13[%swap3A_758], %and3A_757 {strides = array<i32>} : memref<64xi32, #tpu.memory_space<vmem>>, vector<16xi32>,
            %mul3A_760 = arith.constant 64 : i32
            %mul3A_761 = arith.muli %add3A_712, %mul3A_760 : i32
            %add3A_762 = arith.constant 48 : i32
            %add3A_763 = arith.addi %mul3A_761, %add3A_762 : i32
            %get3A_764 = arith.index_cast %add3A_763 : i32 to index
            %get3A_765 = tpu.vector_load %arg7[%get3A_764] {strides = array<i32>} : memref<30080xi32, #tpu.memory_space<vmem>>, vector<16xi32>,
            %shift_right_logical3A_766 = arith.constant 13 : i32
            %shift_right_logical3A_767 = vector.broadcast %shift_right_logical3A_766 : i32 to vector<16xi32>
            %shift_right_logical3A_768 = arith.shrui %get3A_765, %shift_right_logical3A_767 : vector<16xi32>
            %swap3A_769 = arith.constant 48 : index
            %swap3A_770 = tpu.vector_load %arg11[%swap3A_769] {strides = array<i32>} : memref<64xi32, #tpu.memory_space<vmem>>, vector<16xi32>,
            tpu.vector_store %arg11[%swap3A_769], %shift_right_logical3A_768 {strides = array<i32>} : memref<64xi32, #tpu.memory_space<vmem>>, vector<16xi32>,
            %and3A_771 = arith.constant 8191 : i32
            %and3A_772 = vector.broadcast %and3A_771 : i32 to vector<16xi32>
            %and3A_773 = arith.andi %get3A_765, %and3A_772 : vector<16xi32>
            %swap3A_774 = arith.constant 48 : index
            %swap3A_775 = tpu.vector_load %arg13[%swap3A_774] {strides = array<i32>} : memref<64xi32, #tpu.memory_space<vmem>>, vector<16xi32>,
            tpu.vector_store %arg13[%swap3A_774], %and3A_773 {strides = array<i32>} : memref<64xi32, #tpu.memory_space<vmem>>, vector<16xi32>,
            %dma_start3A_776 = arith.constant 0 : i32
            %dma_start3A_777 = arith.constant 0 : i32
            %dma_start3A_778 = tpu.memref_slice %arg2[%dma_start3A_776, %dma_start3A_777] : memref<480000x128xf32, #tpu.memory_space<hbm>> -> memref<480000x128xf32, #tpu.memory_space<hbm>>
            tpu.enqueue_indirect_dma source(%dma_start3A_778 : memref<480000x128xf32, #tpu.memory_space<hbm>>) target(%arg9 : memref<64x128xf32, #tpu.memory_space<vmem>>) offsets(%arg11 : memref<64xi32, #tpu.memory_space<vmem>>) semaphore(%arg16 : memref<!tpu.dma_semaphore, #tpu.memory_space<semaphore_mem>>)
          } else {
          }
          %dma_start3A = arith.constant 0 : i32
          %dma_start3A_709 = arith.constant 0 : i32
          %dma_start3A_710 = tpu.memref_slice %arg19[%dma_start3A, %dma_start3A_709] : memref<6408x128xf32, #tpu.memory_space<vmem_shared>> -> memref<6408x128xf32, #tpu.memory_space<vmem_shared>>
          tpu.enqueue_indirect_dma source(%arg8 : memref<64x128xf32, #tpu.memory_space<vmem>>) target(%dma_start3A_710 : memref<6408x128xf32, #tpu.memory_space<vmem_shared>>) offsets(%arg12 : memref<64xi32, #tpu.memory_space<vmem>>) semaphore(%arg17 : memref<!tpu.dma_semaphore, #tpu.memory_space<semaphore_mem>>) {add = true}
        } else {
        }
        %mul3A_688 = arith.constant 2 : i32
        %mul3A_689 = arith.muli %mul3A_688, %while3A_679 : i32
        %add3A_690 = arith.constant 1 : i32
        %add3A_691 = arith.addi %mul3A_689, %add3A_690 : i32
        %lt3A_692 = arith.cmpi slt, %add3A_691, %select_n3A_609 : i32
        %convert_element_type3A_693 = arith.extui %lt3A_692 : i1 to i32
        %cond3A_694 = arith.constant 0 : i32
        %cond3A_695 = arith.cmpi ne, %convert_element_type3A_693, %cond3A_694 : i32
        scf.if %cond3A_695 {
          %dma_wait3A = arith.constant 0 : i32
          %dma_wait3A_696 = arith.constant 0 : i32
          %dma_wait3A_697 = tpu.memref_slice %arg2[%dma_wait3A, %dma_wait3A_696] : memref<480000x128xf32, #tpu.memory_space<hbm>> -> memref<480000x128xf32, #tpu.memory_space<hbm>>
          tpu.wait_indirect_dma semaphore(%arg16 : memref<!tpu.dma_semaphore, #tpu.memory_space<semaphore_mem>>) src(%dma_wait3A_697 : memref<480000x128xf32, #tpu.memory_space<hbm>>) dst(%arg9 : memref<64x128xf32, #tpu.memory_space<vmem>>)
          %ge3A_698 = arith.constant 1 : i32
          %ge3A_699 = arith.cmpi sge, %add3A_691, %ge3A_698 : i32
          %convert_element_type3A_700 = arith.extui %ge3A_699 : i1 to i32
          %cond3A_701 = arith.constant 0 : i32
          %cond3A_702 = arith.cmpi ne, %convert_element_type3A_700, %cond3A_701 : i32
          scf.if %cond3A_702 {
            %dma_wait3A_711 = arith.constant 0 : i32
            %dma_wait3A_712 = arith.constant 0 : i32
            %dma_wait3A_713 = tpu.memref_slice %arg19[%dma_wait3A_711, %dma_wait3A_712] : memref<6408x128xf32, #tpu.memory_space<vmem_shared>> -> memref<6408x128xf32, #tpu.memory_space<vmem_shared>>
            tpu.wait_indirect_dma semaphore(%arg17 : memref<!tpu.dma_semaphore, #tpu.memory_space<semaphore_mem>>) src(%arg8 : memref<64x128xf32, #tpu.memory_space<vmem>>) dst(%dma_wait3A_713 : memref<6408x128xf32, #tpu.memory_space<vmem_shared>>)
          } else {
          }
          %add3A_703 = arith.constant 1 : i32
          %add3A_704 = arith.addi %add3A_691, %add3A_703 : i32
          %lt3A_705 = arith.cmpi slt, %add3A_704, %select_n3A_609 : i32
          %convert_element_type3A_706 = arith.extui %lt3A_705 : i1 to i32
          %cond3A_707 = arith.constant 0 : i32
          %cond3A_708 = arith.cmpi ne, %convert_element_type3A_706, %cond3A_707 : i32
          scf.if %cond3A_708 {
            %add3A_711 = arith.constant 1 : i32
            %add3A_712 = arith.addi %add3A_691, %add3A_711 : i32
            %mul3A_713 = arith.constant 64 : i32
            %mul3A_714 = arith.muli %add3A_712, %mul3A_713 : i32
            %add3A_715 = arith.constant 0 : i32
            %add3A_716 = arith.addi %mul3A_714, %add3A_715 : i32
            %get3A_717 = arith.index_cast %add3A_716 : i32 to index
            %get3A_718 = tpu.vector_load %arg7[%get3A_717] {strides = array<i32>} : memref<30080xi32, #tpu.memory_space<vmem>>, vector<16xi32>,
            %shift_right_logical3A = arith.constant 13 : i32
            %shift_right_logical3A_719 = vector.broadcast %shift_right_logical3A : i32 to vector<16xi32>
            %shift_right_logical3A_720 = arith.shrui %get3A_718, %shift_right_logical3A_719 : vector<16xi32>
            %swap3A_721 = arith.constant 0 : index
            %swap3A_722 = tpu.vector_load %arg10[%swap3A_721] {strides = array<i32>} : memref<64xi32, #tpu.memory_space<vmem>>, vector<16xi32>,
            tpu.vector_store %arg10[%swap3A_721], %shift_right_logical3A_720 {strides = array<i32>} : memref<64xi32, #tpu.memory_space<vmem>>, vector<16xi32>,
            %and3A_723 = arith.constant 8191 : i32
            %and3A_724 = vector.broadcast %and3A_723 : i32 to vector<16xi32>
            %and3A_725 = arith.andi %get3A_718, %and3A_724 : vector<16xi32>
            %swap3A_726 = arith.constant 0 : index
            %swap3A_727 = tpu.vector_load %arg12[%swap3A_726] {strides = array<i32>} : memref<64xi32, #tpu.memory_space<vmem>>, vector<16xi32>,
            tpu.vector_store %arg12[%swap3A_726], %and3A_725 {strides = array<i32>} : memref<64xi32, #tpu.memory_space<vmem>>, vector<16xi32>,
            %mul3A_728 = arith.constant 64 : i32
            %mul3A_729 = arith.muli %add3A_712, %mul3A_728 : i32
            %add3A_730 = arith.constant 16 : i32
            %add3A_731 = arith.addi %mul3A_729, %add3A_730 : i32
            %get3A_732 = arith.index_cast %add3A_731 : i32 to index
            %get3A_733 = tpu.vector_load %arg7[%get3A_732] {strides = array<i32>} : memref<30080xi32, #tpu.memory_space<vmem>>, vector<16xi32>,
            %shift_right_logical3A_734 = arith.constant 13 : i32
            %shift_right_logical3A_735 = vector.broadcast %shift_right_logical3A_734 : i32 to vector<16xi32>
            %shift_right_logical3A_736 = arith.shrui %get3A_733, %shift_right_logical3A_735 : vector<16xi32>
            %swap3A_737 = arith.constant 16 : index
            %swap3A_738 = tpu.vector_load %arg10[%swap3A_737] {strides = array<i32>} : memref<64xi32, #tpu.memory_space<vmem>>, vector<16xi32>,
            tpu.vector_store %arg10[%swap3A_737], %shift_right_logical3A_736 {strides = array<i32>} : memref<64xi32, #tpu.memory_space<vmem>>, vector<16xi32>,
            %and3A_739 = arith.constant 8191 : i32
            %and3A_740 = vector.broadcast %and3A_739 : i32 to vector<16xi32>
            %and3A_741 = arith.andi %get3A_733, %and3A_740 : vector<16xi32>
            %swap3A_742 = arith.constant 16 : index
            %swap3A_743 = tpu.vector_load %arg12[%swap3A_742] {strides = array<i32>} : memref<64xi32, #tpu.memory_space<vmem>>, vector<16xi32>,
            tpu.vector_store %arg12[%swap3A_742], %and3A_741 {strides = array<i32>} : memref<64xi32, #tpu.memory_space<vmem>>, vector<16xi32>,
            %mul3A_744 = arith.constant 64 : i32
            %mul3A_745 = arith.muli %add3A_712, %mul3A_744 : i32
            %add3A_746 = arith.constant 32 : i32
            %add3A_747 = arith.addi %mul3A_745, %add3A_746 : i32
            %get3A_748 = arith.index_cast %add3A_747 : i32 to index
            %get3A_749 = tpu.vector_load %arg7[%get3A_748] {strides = array<i32>} : memref<30080xi32, #tpu.memory_space<vmem>>, vector<16xi32>,
            %shift_right_logical3A_750 = arith.constant 13 : i32
            %shift_right_logical3A_751 = vector.broadcast %shift_right_logical3A_750 : i32 to vector<16xi32>
            %shift_right_logical3A_752 = arith.shrui %get3A_749, %shift_right_logical3A_751 : vector<16xi32>
            %swap3A_753 = arith.constant 32 : index
            %swap3A_754 = tpu.vector_load %arg10[%swap3A_753] {strides = array<i32>} : memref<64xi32, #tpu.memory_space<vmem>>, vector<16xi32>,
            tpu.vector_store %arg10[%swap3A_753], %shift_right_logical3A_752 {strides = array<i32>} : memref<64xi32, #tpu.memory_space<vmem>>, vector<16xi32>,
            %and3A_755 = arith.constant 8191 : i32
            %and3A_756 = vector.broadcast %and3A_755 : i32 to vector<16xi32>
            %and3A_757 = arith.andi %get3A_749, %and3A_756 : vector<16xi32>
            %swap3A_758 = arith.constant 32 : index
            %swap3A_759 = tpu.vector_load %arg12[%swap3A_758] {strides = array<i32>} : memref<64xi32, #tpu.memory_space<vmem>>, vector<16xi32>,
            tpu.vector_store %arg12[%swap3A_758], %and3A_757 {strides = array<i32>} : memref<64xi32, #tpu.memory_space<vmem>>, vector<16xi32>,
            %mul3A_760 = arith.constant 64 : i32
            %mul3A_761 = arith.muli %add3A_712, %mul3A_760 : i32
            %add3A_762 = arith.constant 48 : i32
            %add3A_763 = arith.addi %mul3A_761, %add3A_762 : i32
            %get3A_764 = arith.index_cast %add3A_763 : i32 to index
            %get3A_765 = tpu.vector_load %arg7[%get3A_764] {strides = array<i32>} : memref<30080xi32, #tpu.memory_space<vmem>>, vector<16xi32>,
            %shift_right_logical3A_766 = arith.constant 13 : i32
            %shift_right_logical3A_767 = vector.broadcast %shift_right_logical3A_766 : i32 to vector<16xi32>
            %shift_right_logical3A_768 = arith.shrui %get3A_765, %shift_right_logical3A_767 : vector<16xi32>
            %swap3A_769 = arith.constant 48 : index
            %swap3A_770 = tpu.vector_load %arg10[%swap3A_769] {strides = array<i32>} : memref<64xi32, #tpu.memory_space<vmem>>, vector<16xi32>,
            tpu.vector_store %arg10[%swap3A_769], %shift_right_logical3A_768 {strides = array<i32>} : memref<64xi32, #tpu.memory_space<vmem>>, vector<16xi32>,
            %and3A_771 = arith.constant 8191 : i32
            %and3A_772 = vector.broadcast %and3A_771 : i32 to vector<16xi32>
            %and3A_773 = arith.andi %get3A_765, %and3A_772 : vector<16xi32>
            %swap3A_774 = arith.constant 48 : index
            %swap3A_775 = tpu.vector_load %arg12[%swap3A_774] {strides = array<i32>} : memref<64xi32, #tpu.memory_space<vmem>>, vector<16xi32>,
            tpu.vector_store %arg12[%swap3A_774], %and3A_773 {strides = array<i32>} : memref<64xi32, #tpu.memory_space<vmem>>, vector<16xi32>,
            %dma_start3A_776 = arith.constant 0 : i32
            %dma_start3A_777 = arith.constant 0 : i32
            %dma_start3A_778 = tpu.memref_slice %arg2[%dma_start3A_776, %dma_start3A_777] : memref<480000x128xf32, #tpu.memory_space<hbm>> -> memref<480000x128xf32, #tpu.memory_space<hbm>>
            tpu.enqueue_indirect_dma source(%dma_start3A_778 : memref<480000x128xf32, #tpu.memory_space<hbm>>) target(%arg8 : memref<64x128xf32, #tpu.memory_space<vmem>>) offsets(%arg10 : memref<64xi32, #tpu.memory_space<vmem>>) semaphore(%arg15 : memref<!tpu.dma_semaphore, #tpu.memory_space<semaphore_mem>>)
          } else {
          }
          %dma_start3A = arith.constant 0 : i32
          %dma_start3A_709 = arith.constant 0 : i32
          %dma_start3A_710 = tpu.memref_slice %arg19[%dma_start3A, %dma_start3A_709] : memref<6408x128xf32, #tpu.memory_space<vmem_shared>> -> memref<6408x128xf32, #tpu.memory_space<vmem_shared>>
          tpu.enqueue_indirect_dma source(%arg9 : memref<64x128xf32, #tpu.memory_space<vmem>>) target(%dma_start3A_710 : memref<6408x128xf32, #tpu.memory_space<vmem_shared>>) offsets(%arg13 : memref<64xi32, #tpu.memory_space<vmem>>) semaphore(%arg18 : memref<!tpu.dma_semaphore, #tpu.memory_space<semaphore_mem>>) {add = true}
        } else {
        }
      }
      %while3A_649 = arith.constant 1 : i32
      scf.for %while3A_679 = %while3A_647 to %while3A_643 step %while3A_649  : i32 {
        %mul3A_680 = arith.constant 2 : i32
        %mul3A_681 = arith.muli %mul3A_680, %while3A_679 : i32
        %add3A_682 = arith.constant 0 : i32
        %add3A_683 = arith.addi %mul3A_681, %add3A_682 : i32
        %lt3A_684 = arith.cmpi slt, %add3A_683, %select_n3A_609 : i32
        %convert_element_type3A_685 = arith.extui %lt3A_684 : i1 to i32
        %cond3A_686 = arith.constant 0 : i32
        %cond3A_687 = arith.cmpi ne, %convert_element_type3A_685, %cond3A_686 : i32
        scf.if %cond3A_687 {
          %dma_wait3A = arith.constant 0 : i32
          %dma_wait3A_696 = arith.constant 0 : i32
          %dma_wait3A_697 = tpu.memref_slice %arg2[%dma_wait3A, %dma_wait3A_696] : memref<480000x128xf32, #tpu.memory_space<hbm>> -> memref<480000x128xf32, #tpu.memory_space<hbm>>
          tpu.wait_indirect_dma semaphore(%arg15 : memref<!tpu.dma_semaphore, #tpu.memory_space<semaphore_mem>>) src(%dma_wait3A_697 : memref<480000x128xf32, #tpu.memory_space<hbm>>) dst(%arg8 : memref<64x128xf32, #tpu.memory_space<vmem>>)
          %ge3A_698 = arith.constant 1 : i32
          %ge3A_699 = arith.cmpi sge, %add3A_683, %ge3A_698 : i32
          %convert_element_type3A_700 = arith.extui %ge3A_699 : i1 to i32
          %cond3A_701 = arith.constant 0 : i32
          %cond3A_702 = arith.cmpi ne, %convert_element_type3A_700, %cond3A_701 : i32
          scf.if %cond3A_702 {
            %dma_wait3A_711 = arith.constant 0 : i32
            %dma_wait3A_712 = arith.constant 0 : i32
            %dma_wait3A_713 = tpu.memref_slice %arg19[%dma_wait3A_711, %dma_wait3A_712] : memref<6408x128xf32, #tpu.memory_space<vmem_shared>> -> memref<6408x128xf32, #tpu.memory_space<vmem_shared>>
            tpu.wait_indirect_dma semaphore(%arg18 : memref<!tpu.dma_semaphore, #tpu.memory_space<semaphore_mem>>) src(%arg9 : memref<64x128xf32, #tpu.memory_space<vmem>>) dst(%dma_wait3A_713 : memref<6408x128xf32, #tpu.memory_space<vmem_shared>>)
          } else {
          }
          %add3A_703 = arith.constant 1 : i32
          %add3A_704 = arith.addi %add3A_683, %add3A_703 : i32
          %lt3A_705 = arith.cmpi slt, %add3A_704, %select_n3A_609 : i32
          %convert_element_type3A_706 = arith.extui %lt3A_705 : i1 to i32
          %cond3A_707 = arith.constant 0 : i32
          %cond3A_708 = arith.cmpi ne, %convert_element_type3A_706, %cond3A_707 : i32
          scf.if %cond3A_708 {
            %add3A_711 = arith.constant 1 : i32
            %add3A_712 = arith.addi %add3A_683, %add3A_711 : i32
            %mul3A_713 = arith.constant 64 : i32
            %mul3A_714 = arith.muli %add3A_712, %mul3A_713 : i32
            %add3A_715 = arith.constant 0 : i32
            %add3A_716 = arith.addi %mul3A_714, %add3A_715 : i32
            %get3A_717 = arith.index_cast %add3A_716 : i32 to index
            %get3A_718 = tpu.vector_load %arg7[%get3A_717] {strides = array<i32>} : memref<30080xi32, #tpu.memory_space<vmem>>, vector<16xi32>,
            %shift_right_logical3A = arith.constant 13 : i32
            %shift_right_logical3A_719 = vector.broadcast %shift_right_logical3A : i32 to vector<16xi32>
            %shift_right_logical3A_720 = arith.shrui %get3A_718, %shift_right_logical3A_719 : vector<16xi32>
            %swap3A_721 = arith.constant 0 : index
            %swap3A_722 = tpu.vector_load %arg11[%swap3A_721] {strides = array<i32>} : memref<64xi32, #tpu.memory_space<vmem>>, vector<16xi32>,
            tpu.vector_store %arg11[%swap3A_721], %shift_right_logical3A_720 {strides = array<i32>} : memref<64xi32, #tpu.memory_space<vmem>>, vector<16xi32>,
            %and3A_723 = arith.constant 8191 : i32
            %and3A_724 = vector.broadcast %and3A_723 : i32 to vector<16xi32>
            %and3A_725 = arith.andi %get3A_718, %and3A_724 : vector<16xi32>
            %swap3A_726 = arith.constant 0 : index
            %swap3A_727 = tpu.vector_load %arg13[%swap3A_726] {strides = array<i32>} : memref<64xi32, #tpu.memory_space<vmem>>, vector<16xi32>,
            tpu.vector_store %arg13[%swap3A_726], %and3A_725 {strides = array<i32>} : memref<64xi32, #tpu.memory_space<vmem>>, vector<16xi32>,
            %mul3A_728 = arith.constant 64 : i32
            %mul3A_729 = arith.muli %add3A_712, %mul3A_728 : i32
            %add3A_730 = arith.constant 16 : i32
            %add3A_731 = arith.addi %mul3A_729, %add3A_730 : i32
            %get3A_732 = arith.index_cast %add3A_731 : i32 to index
            %get3A_733 = tpu.vector_load %arg7[%get3A_732] {strides = array<i32>} : memref<30080xi32, #tpu.memory_space<vmem>>, vector<16xi32>,
            %shift_right_logical3A_734 = arith.constant 13 : i32
            %shift_right_logical3A_735 = vector.broadcast %shift_right_logical3A_734 : i32 to vector<16xi32>
            %shift_right_logical3A_736 = arith.shrui %get3A_733, %shift_right_logical3A_735 : vector<16xi32>
            %swap3A_737 = arith.constant 16 : index
            %swap3A_738 = tpu.vector_load %arg11[%swap3A_737] {strides = array<i32>} : memref<64xi32, #tpu.memory_space<vmem>>, vector<16xi32>,
            tpu.vector_store %arg11[%swap3A_737], %shift_right_logical3A_736 {strides = array<i32>} : memref<64xi32, #tpu.memory_space<vmem>>, vector<16xi32>,
            %and3A_739 = arith.constant 8191 : i32
            %and3A_740 = vector.broadcast %and3A_739 : i32 to vector<16xi32>
            %and3A_741 = arith.andi %get3A_733, %and3A_740 : vector<16xi32>
            %swap3A_742 = arith.constant 16 : index
            %swap3A_743 = tpu.vector_load %arg13[%swap3A_742] {strides = array<i32>} : memref<64xi32, #tpu.memory_space<vmem>>, vector<16xi32>,
            tpu.vector_store %arg13[%swap3A_742], %and3A_741 {strides = array<i32>} : memref<64xi32, #tpu.memory_space<vmem>>, vector<16xi32>,
            %mul3A_744 = arith.constant 64 : i32
            %mul3A_745 = arith.muli %add3A_712, %mul3A_744 : i32
            %add3A_746 = arith.constant 32 : i32
            %add3A_747 = arith.addi %mul3A_745, %add3A_746 : i32
            %get3A_748 = arith.index_cast %add3A_747 : i32 to index
            %get3A_749 = tpu.vector_load %arg7[%get3A_748] {strides = array<i32>} : memref<30080xi32, #tpu.memory_space<vmem>>, vector<16xi32>,
            %shift_right_logical3A_750 = arith.constant 13 : i32
            %shift_right_logical3A_751 = vector.broadcast %shift_right_logical3A_750 : i32 to vector<16xi32>
            %shift_right_logical3A_752 = arith.shrui %get3A_749, %shift_right_logical3A_751 : vector<16xi32>
            %swap3A_753 = arith.constant 32 : index
            %swap3A_754 = tpu.vector_load %arg11[%swap3A_753] {strides = array<i32>} : memref<64xi32, #tpu.memory_space<vmem>>, vector<16xi32>,
            tpu.vector_store %arg11[%swap3A_753], %shift_right_logical3A_752 {strides = array<i32>} : memref<64xi32, #tpu.memory_space<vmem>>, vector<16xi32>,
            %and3A_755 = arith.constant 8191 : i32
            %and3A_756 = vector.broadcast %and3A_755 : i32 to vector<16xi32>
            %and3A_757 = arith.andi %get3A_749, %and3A_756 : vector<16xi32>
            %swap3A_758 = arith.constant 32 : index
            %swap3A_759 = tpu.vector_load %arg13[%swap3A_758] {strides = array<i32>} : memref<64xi32, #tpu.memory_space<vmem>>, vector<16xi32>,
            tpu.vector_store %arg13[%swap3A_758], %and3A_757 {strides = array<i32>} : memref<64xi32, #tpu.memory_space<vmem>>, vector<16xi32>,
            %mul3A_760 = arith.constant 64 : i32
            %mul3A_761 = arith.muli %add3A_712, %mul3A_760 : i32
            %add3A_762 = arith.constant 48 : i32
            %add3A_763 = arith.addi %mul3A_761, %add3A_762 : i32
            %get3A_764 = arith.index_cast %add3A_763 : i32 to index
            %get3A_765 = tpu.vector_load %arg7[%get3A_764] {strides = array<i32>} : memref<30080xi32, #tpu.memory_space<vmem>>, vector<16xi32>,
            %shift_right_logical3A_766 = arith.constant 13 : i32
            %shift_right_logical3A_767 = vector.broadcast %shift_right_logical3A_766 : i32 to vector<16xi32>
            %shift_right_logical3A_768 = arith.shrui %get3A_765, %shift_right_logical3A_767 : vector<16xi32>
            %swap3A_769 = arith.constant 48 : index
            %swap3A_770 = tpu.vector_load %arg11[%swap3A_769] {strides = array<i32>} : memref<64xi32, #tpu.memory_space<vmem>>, vector<16xi32>,
            tpu.vector_store %arg11[%swap3A_769], %shift_right_logical3A_768 {strides = array<i32>} : memref<64xi32, #tpu.memory_space<vmem>>, vector<16xi32>,
            %and3A_771 = arith.constant 8191 : i32
            %and3A_772 = vector.broadcast %and3A_771 : i32 to vector<16xi32>
            %and3A_773 = arith.andi %get3A_765, %and3A_772 : vector<16xi32>
            %swap3A_774 = arith.constant 48 : index
            %swap3A_775 = tpu.vector_load %arg13[%swap3A_774] {strides = array<i32>} : memref<64xi32, #tpu.memory_space<vmem>>, vector<16xi32>,
            tpu.vector_store %arg13[%swap3A_774], %and3A_773 {strides = array<i32>} : memref<64xi32, #tpu.memory_space<vmem>>, vector<16xi32>,
            %dma_start3A_776 = arith.constant 0 : i32
            %dma_start3A_777 = arith.constant 0 : i32
            %dma_start3A_778 = tpu.memref_slice %arg2[%dma_start3A_776, %dma_start3A_777] : memref<480000x128xf32, #tpu.memory_space<hbm>> -> memref<480000x128xf32, #tpu.memory_space<hbm>>
            tpu.enqueue_indirect_dma source(%dma_start3A_778 : memref<480000x128xf32, #tpu.memory_space<hbm>>) target(%arg9 : memref<64x128xf32, #tpu.memory_space<vmem>>) offsets(%arg11 : memref<64xi32, #tpu.memory_space<vmem>>) semaphore(%arg16 : memref<!tpu.dma_semaphore, #tpu.memory_space<semaphore_mem>>)
          } else {
          }
          %dma_start3A = arith.constant 0 : i32
          %dma_start3A_709 = arith.constant 0 : i32
          %dma_start3A_710 = tpu.memref_slice %arg19[%dma_start3A, %dma_start3A_709] : memref<6408x128xf32, #tpu.memory_space<vmem_shared>> -> memref<6408x128xf32, #tpu.memory_space<vmem_shared>>
          tpu.enqueue_indirect_dma source(%arg8 : memref<64x128xf32, #tpu.memory_space<vmem>>) target(%dma_start3A_710 : memref<6408x128xf32, #tpu.memory_space<vmem_shared>>) offsets(%arg12 : memref<64xi32, #tpu.memory_space<vmem>>) semaphore(%arg17 : memref<!tpu.dma_semaphore, #tpu.memory_space<semaphore_mem>>) {add = true}
        } else {
        }
        %mul3A_688 = arith.constant 2 : i32
        %mul3A_689 = arith.muli %mul3A_688, %while3A_679 : i32
        %add3A_690 = arith.constant 1 : i32
        %add3A_691 = arith.addi %mul3A_689, %add3A_690 : i32
        %lt3A_692 = arith.cmpi slt, %add3A_691, %select_n3A_609 : i32
        %convert_element_type3A_693 = arith.extui %lt3A_692 : i1 to i32
        %cond3A_694 = arith.constant 0 : i32
        %cond3A_695 = arith.cmpi ne, %convert_element_type3A_693, %cond3A_694 : i32
        scf.if %cond3A_695 {
          %dma_wait3A = arith.constant 0 : i32
          %dma_wait3A_696 = arith.constant 0 : i32
          %dma_wait3A_697 = tpu.memref_slice %arg2[%dma_wait3A, %dma_wait3A_696] : memref<480000x128xf32, #tpu.memory_space<hbm>> -> memref<480000x128xf32, #tpu.memory_space<hbm>>
          tpu.wait_indirect_dma semaphore(%arg16 : memref<!tpu.dma_semaphore, #tpu.memory_space<semaphore_mem>>) src(%dma_wait3A_697 : memref<480000x128xf32, #tpu.memory_space<hbm>>) dst(%arg9 : memref<64x128xf32, #tpu.memory_space<vmem>>)
          %ge3A_698 = arith.constant 1 : i32
          %ge3A_699 = arith.cmpi sge, %add3A_691, %ge3A_698 : i32
          %convert_element_type3A_700 = arith.extui %ge3A_699 : i1 to i32
          %cond3A_701 = arith.constant 0 : i32
          %cond3A_702 = arith.cmpi ne, %convert_element_type3A_700, %cond3A_701 : i32
          scf.if %cond3A_702 {
            %dma_wait3A_711 = arith.constant 0 : i32
            %dma_wait3A_712 = arith.constant 0 : i32
            %dma_wait3A_713 = tpu.memref_slice %arg19[%dma_wait3A_711, %dma_wait3A_712] : memref<6408x128xf32, #tpu.memory_space<vmem_shared>> -> memref<6408x128xf32, #tpu.memory_space<vmem_shared>>
            tpu.wait_indirect_dma semaphore(%arg17 : memref<!tpu.dma_semaphore, #tpu.memory_space<semaphore_mem>>) src(%arg8 : memref<64x128xf32, #tpu.memory_space<vmem>>) dst(%dma_wait3A_713 : memref<6408x128xf32, #tpu.memory_space<vmem_shared>>)
          } else {
          }
          %add3A_703 = arith.constant 1 : i32
          %add3A_704 = arith.addi %add3A_691, %add3A_703 : i32
          %lt3A_705 = arith.cmpi slt, %add3A_704, %select_n3A_609 : i32
          %convert_element_type3A_706 = arith.extui %lt3A_705 : i1 to i32
          %cond3A_707 = arith.constant 0 : i32
          %cond3A_708 = arith.cmpi ne, %convert_element_type3A_706, %cond3A_707 : i32
          scf.if %cond3A_708 {
            %add3A_711 = arith.constant 1 : i32
            %add3A_712 = arith.addi %add3A_691, %add3A_711 : i32
            %mul3A_713 = arith.constant 64 : i32
            %mul3A_714 = arith.muli %add3A_712, %mul3A_713 : i32
            %add3A_715 = arith.constant 0 : i32
            %add3A_716 = arith.addi %mul3A_714, %add3A_715 : i32
            %get3A_717 = arith.index_cast %add3A_716 : i32 to index
            %get3A_718 = tpu.vector_load %arg7[%get3A_717] {strides = array<i32>} : memref<30080xi32, #tpu.memory_space<vmem>>, vector<16xi32>,
            %shift_right_logical3A = arith.constant 13 : i32
            %shift_right_logical3A_719 = vector.broadcast %shift_right_logical3A : i32 to vector<16xi32>
            %shift_right_logical3A_720 = arith.shrui %get3A_718, %shift_right_logical3A_719 : vector<16xi32>
            %swap3A_721 = arith.constant 0 : index
            %swap3A_722 = tpu.vector_load %arg10[%swap3A_721] {strides = array<i32>} : memref<64xi32, #tpu.memory_space<vmem>>, vector<16xi32>,
            tpu.vector_store %arg10[%swap3A_721], %shift_right_logical3A_720 {strides = array<i32>} : memref<64xi32, #tpu.memory_space<vmem>>, vector<16xi32>,
            %and3A_723 = arith.constant 8191 : i32
            %and3A_724 = vector.broadcast %and3A_723 : i32 to vector<16xi32>
            %and3A_725 = arith.andi %get3A_718, %and3A_724 : vector<16xi32>
            %swap3A_726 = arith.constant 0 : index
            %swap3A_727 = tpu.vector_load %arg12[%swap3A_726] {strides = array<i32>} : memref<64xi32, #tpu.memory_space<vmem>>, vector<16xi32>,
            tpu.vector_store %arg12[%swap3A_726], %and3A_725 {strides = array<i32>} : memref<64xi32, #tpu.memory_space<vmem>>, vector<16xi32>,
            %mul3A_728 = arith.constant 64 : i32
            %mul3A_729 = arith.muli %add3A_712, %mul3A_728 : i32
            %add3A_730 = arith.constant 16 : i32
            %add3A_731 = arith.addi %mul3A_729, %add3A_730 : i32
            %get3A_732 = arith.index_cast %add3A_731 : i32 to index
            %get3A_733 = tpu.vector_load %arg7[%get3A_732] {strides = array<i32>} : memref<30080xi32, #tpu.memory_space<vmem>>, vector<16xi32>,
            %shift_right_logical3A_734 = arith.constant 13 : i32
            %shift_right_logical3A_735 = vector.broadcast %shift_right_logical3A_734 : i32 to vector<16xi32>
            %shift_right_logical3A_736 = arith.shrui %get3A_733, %shift_right_logical3A_735 : vector<16xi32>
            %swap3A_737 = arith.constant 16 : index
            %swap3A_738 = tpu.vector_load %arg10[%swap3A_737] {strides = array<i32>} : memref<64xi32, #tpu.memory_space<vmem>>, vector<16xi32>,
            tpu.vector_store %arg10[%swap3A_737], %shift_right_logical3A_736 {strides = array<i32>} : memref<64xi32, #tpu.memory_space<vmem>>, vector<16xi32>,
            %and3A_739 = arith.constant 8191 : i32
            %and3A_740 = vector.broadcast %and3A_739 : i32 to vector<16xi32>
            %and3A_741 = arith.andi %get3A_733, %and3A_740 : vector<16xi32>
            %swap3A_742 = arith.constant 16 : index
            %swap3A_743 = tpu.vector_load %arg12[%swap3A_742] {strides = array<i32>} : memref<64xi32, #tpu.memory_space<vmem>>, vector<16xi32>,
            tpu.vector_store %arg12[%swap3A_742], %and3A_741 {strides = array<i32>} : memref<64xi32, #tpu.memory_space<vmem>>, vector<16xi32>,
            %mul3A_744 = arith.constant 64 : i32
            %mul3A_745 = arith.muli %add3A_712, %mul3A_744 : i32
            %add3A_746 = arith.constant 32 : i32
            %add3A_747 = arith.addi %mul3A_745, %add3A_746 : i32
            %get3A_748 = arith.index_cast %add3A_747 : i32 to index
            %get3A_749 = tpu.vector_load %arg7[%get3A_748] {strides = array<i32>} : memref<30080xi32, #tpu.memory_space<vmem>>, vector<16xi32>,
            %shift_right_logical3A_750 = arith.constant 13 : i32
            %shift_right_logical3A_751 = vector.broadcast %shift_right_logical3A_750 : i32 to vector<16xi32>
            %shift_right_logical3A_752 = arith.shrui %get3A_749, %shift_right_logical3A_751 : vector<16xi32>
            %swap3A_753 = arith.constant 32 : index
            %swap3A_754 = tpu.vector_load %arg10[%swap3A_753] {strides = array<i32>} : memref<64xi32, #tpu.memory_space<vmem>>, vector<16xi32>,
            tpu.vector_store %arg10[%swap3A_753], %shift_right_logical3A_752 {strides = array<i32>} : memref<64xi32, #tpu.memory_space<vmem>>, vector<16xi32>,
            %and3A_755 = arith.constant 8191 : i32
            %and3A_756 = vector.broadcast %and3A_755 : i32 to vector<16xi32>
            %and3A_757 = arith.andi %get3A_749, %and3A_756 : vector<16xi32>
            %swap3A_758 = arith.constant 32 : index
            %swap3A_759 = tpu.vector_load %arg12[%swap3A_758] {strides = array<i32>} : memref<64xi32, #tpu.memory_space<vmem>>, vector<16xi32>,
            tpu.vector_store %arg12[%swap3A_758], %and3A_757 {strides = array<i32>} : memref<64xi32, #tpu.memory_space<vmem>>, vector<16xi32>,
            %mul3A_760 = arith.constant 64 : i32
            %mul3A_761 = arith.muli %add3A_712, %mul3A_760 : i32
            %add3A_762 = arith.constant 48 : i32
            %add3A_763 = arith.addi %mul3A_761, %add3A_762 : i32
            %get3A_764 = arith.index_cast %add3A_763 : i32 to index
            %get3A_765 = tpu.vector_load %arg7[%get3A_764] {strides = array<i32>} : memref<30080xi32, #tpu.memory_space<vmem>>, vector<16xi32>,
            %shift_right_logical3A_766 = arith.constant 13 : i32
            %shift_right_logical3A_767 = vector.broadcast %shift_right_logical3A_766 : i32 to vector<16xi32>
            %shift_right_logical3A_768 = arith.shrui %get3A_765, %shift_right_logical3A_767 : vector<16xi32>
            %swap3A_769 = arith.constant 48 : index
            %swap3A_770 = tpu.vector_load %arg10[%swap3A_769] {strides = array<i32>} : memref<64xi32, #tpu.memory_space<vmem>>, vector<16xi32>,
            tpu.vector_store %arg10[%swap3A_769], %shift_right_logical3A_768 {strides = array<i32>} : memref<64xi32, #tpu.memory_space<vmem>>, vector<16xi32>,
            %and3A_771 = arith.constant 8191 : i32
            %and3A_772 = vector.broadcast %and3A_771 : i32 to vector<16xi32>
            %and3A_773 = arith.andi %get3A_765, %and3A_772 : vector<16xi32>
            %swap3A_774 = arith.constant 48 : index
            %swap3A_775 = tpu.vector_load %arg12[%swap3A_774] {strides = array<i32>} : memref<64xi32, #tpu.memory_space<vmem>>, vector<16xi32>,
            tpu.vector_store %arg12[%swap3A_774], %and3A_773 {strides = array<i32>} : memref<64xi32, #tpu.memory_space<vmem>>, vector<16xi32>,
            %dma_start3A_776 = arith.constant 0 : i32
            %dma_start3A_777 = arith.constant 0 : i32
            %dma_start3A_778 = tpu.memref_slice %arg2[%dma_start3A_776, %dma_start3A_777] : memref<480000x128xf32, #tpu.memory_space<hbm>> -> memref<480000x128xf32, #tpu.memory_space<hbm>>
            tpu.enqueue_indirect_dma source(%dma_start3A_778 : memref<480000x128xf32, #tpu.memory_space<hbm>>) target(%arg8 : memref<64x128xf32, #tpu.memory_space<vmem>>) offsets(%arg10 : memref<64xi32, #tpu.memory_space<vmem>>) semaphore(%arg15 : memref<!tpu.dma_semaphore, #tpu.memory_space<semaphore_mem>>)
          } else {
          }
          %dma_start3A = arith.constant 0 : i32
          %dma_start3A_709 = arith.constant 0 : i32
          %dma_start3A_710 = tpu.memref_slice %arg19[%dma_start3A, %dma_start3A_709] : memref<6408x128xf32, #tpu.memory_space<vmem_shared>> -> memref<6408x128xf32, #tpu.memory_space<vmem_shared>>
          tpu.enqueue_indirect_dma source(%arg9 : memref<64x128xf32, #tpu.memory_space<vmem>>) target(%dma_start3A_710 : memref<6408x128xf32, #tpu.memory_space<vmem_shared>>) offsets(%arg13 : memref<64xi32, #tpu.memory_space<vmem>>) semaphore(%arg18 : memref<!tpu.dma_semaphore, #tpu.memory_space<semaphore_mem>>) {add = true}
        } else {
        }
      }
      %and3A_650 = arith.constant 1 : i32
      %and3A_651 = arith.andi %select_n3A_609, %and3A_650 : i32
      %eq3A_652 = arith.constant 1 : i32
      %eq3A_653 = arith.cmpi eq, %and3A_651, %eq3A_652 : i32
      %convert_element_type3A_654 = arith.extui %eq3A_653 : i1 to i32
      %cond3A_655 = arith.constant 0 : i32
      %cond3A_656 = arith.cmpi ne, %convert_element_type3A_654, %cond3A_655 : i32
      scf.if %cond3A_656 {
        %dma_wait3A = arith.constant 0 : i32
        %dma_wait3A_679 = arith.constant 0 : i32
        %dma_wait3A_680 = tpu.memref_slice %arg19[%dma_wait3A, %dma_wait3A_679] : memref<6408x128xf32, #tpu.memory_space<vmem_shared>> -> memref<6408x128xf32, #tpu.memory_space<vmem_shared>>
        tpu.wait_indirect_dma semaphore(%arg17 : memref<!tpu.dma_semaphore, #tpu.memory_space<semaphore_mem>>) src(%arg8 : memref<64x128xf32, #tpu.memory_space<vmem>>) dst(%dma_wait3A_680 : memref<6408x128xf32, #tpu.memory_space<vmem_shared>>)
      } else {
      }
      %ne3A_657 = arith.constant 0 : i32
      %ne3A_658 = arith.cmpi ne, %select_n3A_609, %ne3A_657 : i32
      %and3A_659 = arith.constant 1 : i32
      %and3A_660 = arith.andi %select_n3A_609, %and3A_659 : i32
      %eq3A_661 = arith.constant 0 : i32
      %eq3A_662 = arith.cmpi eq, %and3A_660, %eq3A_661 : i32
      %and3A_663 = arith.andi %ne3A_658, %eq3A_662 : i1
      %convert_element_type3A_664 = arith.extui %and3A_663 : i1 to i32
      %cond3A_665 = arith.constant 0 : i32
      %cond3A_666 = arith.cmpi ne, %convert_element_type3A_664, %cond3A_665 : i32
      scf.if %cond3A_666 {
        %dma_wait3A = arith.constant 0 : i32
        %dma_wait3A_679 = arith.constant 0 : i32
        %dma_wait3A_680 = tpu.memref_slice %arg19[%dma_wait3A, %dma_wait3A_679] : memref<6408x128xf32, #tpu.memory_space<vmem_shared>> -> memref<6408x128xf32, #tpu.memory_space<vmem_shared>>
        tpu.wait_indirect_dma semaphore(%arg18 : memref<!tpu.dma_semaphore, #tpu.memory_space<semaphore_mem>>) src(%arg9 : memref<64x128xf32, #tpu.memory_space<vmem>>) dst(%dma_wait3A_680 : memref<6408x128xf32, #tpu.memory_space<vmem_shared>>)
      } else {
      }
      %barrier3A_667 = arith.constant 0 : index
      tpu.barrier barrier_id(%barrier3A_667)
      %lt3A_668 = arith.constant 24 : i32
      %lt3A_669 = arith.cmpi slt, %add3A, %lt3A_668 : i32
      %convert_element_type3A_670 = arith.extui %lt3A_669 : i1 to i32
      %cond3A_671 = arith.constant 0 : i32
      %cond3A_672 = arith.cmpi ne, %convert_element_type3A_670, %cond3A_671 : i32
      scf.if %cond3A_672 {
        %mul3A_679 = arith.constant 400 : i32
        %mul3A_680 = arith.muli %arg1, %mul3A_679 : i32
        %mul3A_681 = arith.constant 400 : i32
        %mul3A_682 = arith.muli %arg1, %mul3A_681 : i32
        %add3A_683 = arith.addi %mul3A_527, %mul3A_682 : i32
        "tpu.region"() ({
          %run_scoped3A_684 = tpu.sem_alloc : memref<!tpu.dma_semaphore, #tpu.memory_space<semaphore_mem>>
          %dma_start3A = arith.constant 0 : i32
          %dma_start3A_685 = tpu.memref_slice %arg5[%add3A_683, %dma_start3A] : memref<160000x128xf32, #tpu.memory_space<hbm>> -> memref<400x128xf32, #tpu.memory_space<hbm>>
          %dma_start3A_686 = arith.constant 0 : i32
          %dma_start3A_687 = tpu.memref_slice %arg19[%mul3A_680, %dma_start3A_686] : memref<6408x128xf32, #tpu.memory_space<vmem_shared>> -> memref<400x128xf32, #tpu.memory_space<vmem_shared>>
          tpu.enqueue_dma source(%dma_start3A_687 : memref<400x128xf32, #tpu.memory_space<vmem_shared>>) target(%dma_start3A_685 : memref<400x128xf32, #tpu.memory_space<hbm>>) target_semaphore(%run_scoped3A_684 : memref<!tpu.dma_semaphore, #tpu.memory_space<semaphore_mem>>)
          %dma_wait3A = arith.constant 0 : i32
          %dma_wait3A_688 = tpu.memref_slice %arg5[%add3A_683, %dma_wait3A] : memref<160000x128xf32, #tpu.memory_space<hbm>> -> memref<400x128xf32, #tpu.memory_space<hbm>>
          %dma_wait3A_689 = arith.constant 0 : i32
          %dma_wait3A_690 = tpu.memref_slice %arg19[%mul3A_680, %dma_wait3A_689] : memref<6408x128xf32, #tpu.memory_space<vmem_shared>> -> memref<400x128xf32, #tpu.memory_space<vmem_shared>>
          tpu.wait_dma2 semaphore(%run_scoped3A_684 : memref<!tpu.dma_semaphore, #tpu.memory_space<semaphore_mem>>) src(%dma_wait3A_690 : memref<400x128xf32, #tpu.memory_space<vmem_shared>>) dst(%dma_wait3A_688 : memref<400x128xf32, #tpu.memory_space<hbm>>)
          tpu.yield
        }) : () -> ()
      } else {
      }
      %eq3A_673 = arith.constant 24 : i32
      %eq3A_674 = arith.cmpi eq, %add3A, %eq3A_673 : i32
      %convert_element_type3A_675 = arith.extui %eq3A_674 : i1 to i32
      %cond3A_676 = arith.constant 0 : i32
      %cond3A_677 = arith.cmpi ne, %convert_element_type3A_675, %cond3A_676 : i32
      scf.if %cond3A_677 {
        %mul3A_679 = arith.constant 400 : i32
        %mul3A_680 = arith.muli %arg1, %mul3A_679 : i32
        %mul3A_681 = arith.constant 400 : i32
        %mul3A_682 = arith.muli %arg1, %mul3A_681 : i32
        %add3A_683 = arith.addi %mul3A_527, %mul3A_682 : i32
        "tpu.region"() ({
          %run_scoped3A_684 = tpu.sem_alloc : memref<!tpu.dma_semaphore, #tpu.memory_space<semaphore_mem>>
          %dma_start3A = arith.constant 0 : i32
          %dma_start3A_685 = tpu.memref_slice %arg5[%add3A_683, %dma_start3A] : memref<160000x128xf32, #tpu.memory_space<hbm>> -> memref<400x128xf32, #tpu.memory_space<hbm>>
          %dma_start3A_686 = arith.constant 0 : i32
          %dma_start3A_687 = tpu.memref_slice %arg19[%mul3A_680, %dma_start3A_686] : memref<6408x128xf32, #tpu.memory_space<vmem_shared>> -> memref<400x128xf32, #tpu.memory_space<vmem_shared>>
          tpu.enqueue_dma source(%dma_start3A_687 : memref<400x128xf32, #tpu.memory_space<vmem_shared>>) target(%dma_start3A_685 : memref<400x128xf32, #tpu.memory_space<hbm>>) target_semaphore(%run_scoped3A_684 : memref<!tpu.dma_semaphore, #tpu.memory_space<semaphore_mem>>)
          %dma_wait3A = arith.constant 0 : i32
          %dma_wait3A_688 = tpu.memref_slice %arg5[%add3A_683, %dma_wait3A] : memref<160000x128xf32, #tpu.memory_space<hbm>> -> memref<400x128xf32, #tpu.memory_space<hbm>>
          %dma_wait3A_689 = arith.constant 0 : i32
          %dma_wait3A_690 = tpu.memref_slice %arg19[%mul3A_680, %dma_wait3A_689] : memref<6408x128xf32, #tpu.memory_space<vmem_shared>> -> memref<400x128xf32, #tpu.memory_space<vmem_shared>>
          tpu.wait_dma2 semaphore(%run_scoped3A_684 : memref<!tpu.dma_semaphore, #tpu.memory_space<semaphore_mem>>) src(%dma_wait3A_690 : memref<400x128xf32, #tpu.memory_space<vmem_shared>>) dst(%dma_wait3A_688 : memref<400x128xf32, #tpu.memory_space<hbm>>)
          tpu.yield
        }) : () -> ()
      } else {
      }
      %barrier3A_678 = arith.constant 0 : index
      tpu.barrier barrier_id(%barrier3A_678)
    }
    return
  }
}

#map = affine_map<(d0, d1) -> (0, 0)>
#map1 = affine_map<(d0, d1) -> (0)>
module attributes {stable_mosaic.version = 14 : i64} {
  func.func @_k2_body(%arg0: i32, %arg1: i32, %arg2: memref<160000x128xi32, #tpu.memory_space<hbm>>, %arg3: memref<480000xi32, #tpu.memory_space<hbm>>, %arg4: memref<480000xi32, #tpu.memory_space<hbm>>, %arg5: memref<480000x128xi32, #tpu.memory_space<hbm>>, %arg6: memref<480000x128xi32, #tpu.memory_space<hbm>>, %arg7: memref<40xi32, #tpu.memory_space<vmem>>, %arg8: memref<40xi32, #tpu.memory_space<vmem>>, %arg9: memref<40xi32, #tpu.memory_space<vmem>>, %arg10: memref<40xi32, #tpu.memory_space<vmem>>, %arg11: memref<40xi32, #tpu.memory_space<vmem>>, %arg12: memref<40xi32, #tpu.memory_space<vmem>>, %arg13: memref<40x128xi32, #tpu.memory_space<vmem>>, %arg14: memref<40x128xi32, #tpu.memory_space<vmem>>, %arg15: memref<40x128xi32, #tpu.memory_space<vmem>>, %arg16: memref<40x128xi32, #tpu.memory_space<vmem>>, %arg17: memref<40x128xi32, #tpu.memory_space<vmem>>, %arg18: memref<40x128xi32, #tpu.memory_space<vmem>>, %arg19: memref<!tpu.dma_semaphore, #tpu.memory_space<semaphore_mem>>, %arg20: memref<!tpu.dma_semaphore, #tpu.memory_space<semaphore_mem>>, %arg21: memref<!tpu.dma_semaphore, #tpu.memory_space<semaphore_mem>>, %arg22: memref<!tpu.dma_semaphore, #tpu.memory_space<semaphore_mem>>, %arg23: memref<!tpu.dma_semaphore, #tpu.memory_space<semaphore_mem>>, %arg24: memref<!tpu.dma_semaphore, #tpu.memory_space<semaphore_mem>>, %arg25: memref<!tpu.dma_semaphore, #tpu.memory_space<semaphore_mem>>, %arg26: memref<!tpu.dma_semaphore, #tpu.memory_space<semaphore_mem>>, %arg27: memref<!tpu.dma_semaphore, #tpu.memory_space<semaphore_mem>>) attributes {dimension_semantics = [#tpu.dimension_semantics<core_parallel>, #tpu.dimension_semantics<subcore_parallel>], iteration_bounds = array<i64: 2, 16>, scalar_prefetch = 0 : i64, scratch_operands = 21 : i64, tpu.core_type = #tpu.core_type<sc_vector_subcore>, window_params = [{transform_indices = #map}, {transform_indices = #map1}, {transform_indices = #map1}, {transform_indices = #map}, {transform_indices = #map}]} {
    %mul3A = arith.constant 2 : i32
    %mul3A_0 = arith.muli %arg1, %mul3A : i32
    %add3A = arith.addi %mul3A_0, %arg0 : i32
    %mul3A_1 = arith.constant 15000 : i32
    %mul3A_2 = arith.muli %add3A, %mul3A_1 : i32
    "tpu.region"() ({
      %run_scoped3A = tpu.sem_alloc : memref<!tpu.dma_semaphore, #tpu.memory_space<semaphore_mem>>
      %dma_start3A_74 = tpu.memref_slice %arg3[%mul3A_2] : memref<480000xi32, #tpu.memory_space<hbm>> -> memref<40xi32, #tpu.memory_space<hbm>>
      %dma_start3A_75 = tpu.memref_slice %arg3[%mul3A_2] : memref<480000xi32, #tpu.memory_space<hbm>> -> memref<40xi32, #tpu.memory_space<hbm>>
      tpu.enqueue_dma source(%dma_start3A_75 : memref<40xi32, #tpu.memory_space<hbm>>) target(%arg7 : memref<40xi32, #tpu.memory_space<vmem>>) target_semaphore(%run_scoped3A : memref<!tpu.dma_semaphore, #tpu.memory_space<semaphore_mem>>)
      %dma_wait3A_76 = tpu.memref_slice %arg3[%mul3A_2] : memref<480000xi32, #tpu.memory_space<hbm>> -> memref<40xi32, #tpu.memory_space<hbm>>
      %dma_wait3A_77 = tpu.memref_slice %arg3[%mul3A_2] : memref<480000xi32, #tpu.memory_space<hbm>> -> memref<40xi32, #tpu.memory_space<hbm>>
      tpu.wait_dma2 semaphore(%run_scoped3A : memref<!tpu.dma_semaphore, #tpu.memory_space<semaphore_mem>>) src(%dma_wait3A_77 : memref<40xi32, #tpu.memory_space<hbm>>) dst(%arg7 : memref<40xi32, #tpu.memory_space<vmem>>)
      tpu.yield
    }) : () -> ()
    "tpu.region"() ({
      %run_scoped3A = tpu.sem_alloc : memref<!tpu.dma_semaphore, #tpu.memory_space<semaphore_mem>>
      %dma_start3A_74 = tpu.memref_slice %arg4[%mul3A_2] : memref<480000xi32, #tpu.memory_space<hbm>> -> memref<40xi32, #tpu.memory_space<hbm>>
      %dma_start3A_75 = tpu.memref_slice %arg4[%mul3A_2] : memref<480000xi32, #tpu.memory_space<hbm>> -> memref<40xi32, #tpu.memory_space<hbm>>
      tpu.enqueue_dma source(%dma_start3A_75 : memref<40xi32, #tpu.memory_space<hbm>>) target(%arg10 : memref<40xi32, #tpu.memory_space<vmem>>) target_semaphore(%run_scoped3A : memref<!tpu.dma_semaphore, #tpu.memory_space<semaphore_mem>>)
      %dma_wait3A_76 = tpu.memref_slice %arg4[%mul3A_2] : memref<480000xi32, #tpu.memory_space<hbm>> -> memref<40xi32, #tpu.memory_space<hbm>>
      %dma_wait3A_77 = tpu.memref_slice %arg4[%mul3A_2] : memref<480000xi32, #tpu.memory_space<hbm>> -> memref<40xi32, #tpu.memory_space<hbm>>
      tpu.wait_dma2 semaphore(%run_scoped3A : memref<!tpu.dma_semaphore, #tpu.memory_space<semaphore_mem>>) src(%dma_wait3A_77 : memref<40xi32, #tpu.memory_space<hbm>>) dst(%arg10 : memref<40xi32, #tpu.memory_space<vmem>>)
      tpu.yield
    }) : () -> ()
    %dma_start3A = arith.constant 0 : i32
    %dma_start3A_3 = arith.constant 0 : i32
    %dma_start3A_4 = tpu.memref_slice %arg2[%dma_start3A, %dma_start3A_3] : memref<160000x128xi32, #tpu.memory_space<hbm>> -> memref<160000x128xi32, #tpu.memory_space<hbm>>
    tpu.enqueue_indirect_dma source(%dma_start3A_4 : memref<160000x128xi32, #tpu.memory_space<hbm>>) target(%arg13 : memref<40x128xi32, #tpu.memory_space<vmem>>) offsets(%arg10 : memref<40xi32, #tpu.memory_space<vmem>>) semaphore(%arg22 : memref<!tpu.dma_semaphore, #tpu.memory_space<semaphore_mem>>)
    %dma_start3A_5 = arith.constant 0 : i32
    %dma_start3A_6 = arith.constant 0 : i32
    %dma_start3A_7 = tpu.memref_slice %arg2[%dma_start3A_5, %dma_start3A_6] : memref<160000x128xi32, #tpu.memory_space<hbm>> -> memref<160000x128xi32, #tpu.memory_space<hbm>>
    tpu.enqueue_indirect_dma source(%dma_start3A_7 : memref<160000x128xi32, #tpu.memory_space<hbm>>) target(%arg16 : memref<40x128xi32, #tpu.memory_space<vmem>>) offsets(%arg7 : memref<40xi32, #tpu.memory_space<vmem>>) semaphore(%arg22 : memref<!tpu.dma_semaphore, #tpu.memory_space<semaphore_mem>>)
    %add3A_8 = arith.constant 40 : i32
    %add3A_9 = arith.addi %mul3A_2, %add3A_8 : i32
    %dma_start3A_10 = tpu.memref_slice %arg3[%add3A_9] : memref<480000xi32, #tpu.memory_space<hbm>> -> memref<40xi32, #tpu.memory_space<hbm>>
    %dma_start3A_11 = tpu.memref_slice %arg3[%add3A_9] : memref<480000xi32, #tpu.memory_space<hbm>> -> memref<40xi32, #tpu.memory_space<hbm>>
    tpu.enqueue_dma source(%dma_start3A_11 : memref<40xi32, #tpu.memory_space<hbm>>) target(%arg8 : memref<40xi32, #tpu.memory_space<vmem>>) target_semaphore(%arg20 : memref<!tpu.dma_semaphore, #tpu.memory_space<semaphore_mem>>)
    %dma_start3A_12 = tpu.memref_slice %arg4[%add3A_9] : memref<480000xi32, #tpu.memory_space<hbm>> -> memref<40xi32, #tpu.memory_space<hbm>>
    %dma_start3A_13 = tpu.memref_slice %arg4[%add3A_9] : memref<480000xi32, #tpu.memory_space<hbm>> -> memref<40xi32, #tpu.memory_space<hbm>>
    tpu.enqueue_dma source(%dma_start3A_13 : memref<40xi32, #tpu.memory_space<hbm>>) target(%arg11 : memref<40xi32, #tpu.memory_space<vmem>>) target_semaphore(%arg20 : memref<!tpu.dma_semaphore, #tpu.memory_space<semaphore_mem>>)
    %add3A_14 = arith.constant 80 : i32
    %add3A_15 = arith.addi %mul3A_2, %add3A_14 : i32
    %dma_start3A_16 = tpu.memref_slice %arg3[%add3A_15] : memref<480000xi32, #tpu.memory_space<hbm>> -> memref<40xi32, #tpu.memory_space<hbm>>
    %dma_start3A_17 = tpu.memref_slice %arg3[%add3A_15] : memref<480000xi32, #tpu.memory_space<hbm>> -> memref<40xi32, #tpu.memory_space<hbm>>
    tpu.enqueue_dma source(%dma_start3A_17 : memref<40xi32, #tpu.memory_space<hbm>>) target(%arg9 : memref<40xi32, #tpu.memory_space<vmem>>) target_semaphore(%arg21 : memref<!tpu.dma_semaphore, #tpu.memory_space<semaphore_mem>>)
    %dma_start3A_18 = tpu.memref_slice %arg4[%add3A_15] : memref<480000xi32, #tpu.memory_space<hbm>> -> memref<40xi32, #tpu.memory_space<hbm>>
    %dma_start3A_19 = tpu.memref_slice %arg4[%add3A_15] : memref<480000xi32, #tpu.memory_space<hbm>> -> memref<40xi32, #tpu.memory_space<hbm>>
    tpu.enqueue_dma source(%dma_start3A_19 : memref<40xi32, #tpu.memory_space<hbm>>) target(%arg12 : memref<40xi32, #tpu.memory_space<vmem>>) target_semaphore(%arg21 : memref<!tpu.dma_semaphore, #tpu.memory_space<semaphore_mem>>)
    %dma_wait3A = arith.constant 0 : i32
    %dma_wait3A_20 = tpu.memref_slice %arg3[%dma_wait3A] : memref<480000xi32, #tpu.memory_space<hbm>> -> memref<40xi32, #tpu.memory_space<hbm>>
    %dma_wait3A_21 = arith.constant 0 : i32
    %dma_wait3A_22 = tpu.memref_slice %arg3[%dma_wait3A_21] : memref<480000xi32, #tpu.memory_space<hbm>> -> memref<40xi32, #tpu.memory_space<hbm>>
    tpu.wait_dma2 semaphore(%arg20 : memref<!tpu.dma_semaphore, #tpu.memory_space<semaphore_mem>>) src(%dma_wait3A_22 : memref<40xi32, #tpu.memory_space<hbm>>) dst(%arg8 : memref<40xi32, #tpu.memory_space<vmem>>)
    %dma_wait3A_23 = arith.constant 0 : i32
    %dma_wait3A_24 = tpu.memref_slice %arg4[%dma_wait3A_23] : memref<480000xi32, #tpu.memory_space<hbm>> -> memref<40xi32, #tpu.memory_space<hbm>>
    %dma_wait3A_25 = arith.constant 0 : i32
    %dma_wait3A_26 = tpu.memref_slice %arg4[%dma_wait3A_25] : memref<480000xi32, #tpu.memory_space<hbm>> -> memref<40xi32, #tpu.memory_space<hbm>>
    tpu.wait_dma2 semaphore(%arg20 : memref<!tpu.dma_semaphore, #tpu.memory_space<semaphore_mem>>) src(%dma_wait3A_26 : memref<40xi32, #tpu.memory_space<hbm>>) dst(%arg11 : memref<40xi32, #tpu.memory_space<vmem>>)
    %dma_start3A_27 = arith.constant 0 : i32
    %dma_start3A_28 = arith.constant 0 : i32
    %dma_start3A_29 = tpu.memref_slice %arg2[%dma_start3A_27, %dma_start3A_28] : memref<160000x128xi32, #tpu.memory_space<hbm>> -> memref<160000x128xi32, #tpu.memory_space<hbm>>
    tpu.enqueue_indirect_dma source(%dma_start3A_29 : memref<160000x128xi32, #tpu.memory_space<hbm>>) target(%arg14 : memref<40x128xi32, #tpu.memory_space<vmem>>) offsets(%arg11 : memref<40xi32, #tpu.memory_space<vmem>>) semaphore(%arg23 : memref<!tpu.dma_semaphore, #tpu.memory_space<semaphore_mem>>)
    %dma_start3A_30 = arith.constant 0 : i32
    %dma_start3A_31 = arith.constant 0 : i32
    %dma_start3A_32 = tpu.memref_slice %arg2[%dma_start3A_30, %dma_start3A_31] : memref<160000x128xi32, #tpu.memory_space<hbm>> -> memref<160000x128xi32, #tpu.memory_space<hbm>>
    tpu.enqueue_indirect_dma source(%dma_start3A_32 : memref<160000x128xi32, #tpu.memory_space<hbm>>) target(%arg17 : memref<40x128xi32, #tpu.memory_space<vmem>>) offsets(%arg8 : memref<40xi32, #tpu.memory_space<vmem>>) semaphore(%arg23 : memref<!tpu.dma_semaphore, #tpu.memory_space<semaphore_mem>>)
    %scan3A = arith.constant 0 : i32
    %scan3A_33 = arith.constant 0 : i32
    %scan3A_34 = arith.constant 125 : i32
    %scan3A_35 = arith.addi %scan3A_33, %scan3A_34 : i32
    %scan3A_36 = arith.constant 1 : i32
    scf.for %scan3A_74 = %scan3A_33 to %scan3A_35 step %scan3A_36  : i32 {
      %mul3A_75 = arith.constant 3 : i32
      %mul3A_76 = arith.muli %mul3A_75, %scan3A_74 : i32
      %add3A_77 = arith.constant 0 : i32
      %add3A_78 = arith.addi %mul3A_76, %add3A_77 : i32
      %dma_wait3A_79 = arith.constant 0 : i32
      %dma_wait3A_80 = arith.constant 0 : i32
      %dma_wait3A_81 = tpu.memref_slice %arg2[%dma_wait3A_79, %dma_wait3A_80] : memref<160000x128xi32, #tpu.memory_space<hbm>> -> memref<160000x128xi32, #tpu.memory_space<hbm>>
      tpu.wait_indirect_dma semaphore(%arg22 : memref<!tpu.dma_semaphore, #tpu.memory_space<semaphore_mem>>) src(%dma_wait3A_81 : memref<160000x128xi32, #tpu.memory_space<hbm>>) dst(%arg13 : memref<40x128xi32, #tpu.memory_space<vmem>>)
      %dma_wait3A_82 = arith.constant 0 : i32
      %dma_wait3A_83 = arith.constant 0 : i32
      %dma_wait3A_84 = tpu.memref_slice %arg2[%dma_wait3A_82, %dma_wait3A_83] : memref<160000x128xi32, #tpu.memory_space<hbm>> -> memref<160000x128xi32, #tpu.memory_space<hbm>>
      tpu.wait_indirect_dma semaphore(%arg22 : memref<!tpu.dma_semaphore, #tpu.memory_space<semaphore_mem>>) src(%dma_wait3A_84 : memref<160000x128xi32, #tpu.memory_space<hbm>>) dst(%arg16 : memref<40x128xi32, #tpu.memory_space<vmem>>)
      %mul3A_85 = arith.constant 40 : i32
      %mul3A_86 = arith.muli %add3A_78, %mul3A_85 : i32
      %add3A_87 = arith.addi %mul3A_2, %mul3A_86 : i32
      %dma_start3A_88 = arith.constant 0 : i32
      %dma_start3A_89 = tpu.memref_slice %arg5[%add3A_87, %dma_start3A_88] : memref<480000x128xi32, #tpu.memory_space<hbm>> -> memref<40x128xi32, #tpu.memory_space<hbm>>
      %dma_start3A_90 = arith.constant 0 : i32
      %dma_start3A_91 = tpu.memref_slice %arg5[%add3A_87, %dma_start3A_90] : memref<480000x128xi32, #tpu.memory_space<hbm>> -> memref<40x128xi32, #tpu.memory_space<hbm>>
      tpu.enqueue_dma source(%arg13 : memref<40x128xi32, #tpu.memory_space<vmem>>) target(%dma_start3A_91 : memref<40x128xi32, #tpu.memory_space<hbm>>) target_semaphore(%arg25 : memref<!tpu.dma_semaphore, #tpu.memory_space<semaphore_mem>>)
      %dma_start3A_92 = arith.constant 0 : i32
      %dma_start3A_93 = tpu.memref_slice %arg6[%add3A_87, %dma_start3A_92] : memref<480000x128xi32, #tpu.memory_space<hbm>> -> memref<40x128xi32, #tpu.memory_space<hbm>>
      %dma_start3A_94 = arith.constant 0 : i32
      %dma_start3A_95 = tpu.memref_slice %arg6[%add3A_87, %dma_start3A_94] : memref<480000x128xi32, #tpu.memory_space<hbm>> -> memref<40x128xi32, #tpu.memory_space<hbm>>
      tpu.enqueue_dma source(%arg16 : memref<40x128xi32, #tpu.memory_space<vmem>>) target(%dma_start3A_95 : memref<40x128xi32, #tpu.memory_space<hbm>>) target_semaphore(%arg25 : memref<!tpu.dma_semaphore, #tpu.memory_space<semaphore_mem>>)
      %add3A_96 = arith.constant 2 : i32
      %add3A_97 = arith.addi %add3A_78, %add3A_96 : i32
      %lt3A = arith.constant 375 : i32
      %lt3A_98 = arith.cmpi slt, %add3A_97, %lt3A : i32
      %convert_element_type3A = arith.extui %lt3A_98 : i1 to i32
      %cond3A = arith.constant 0 : i32
      %cond3A_99 = arith.cmpi ne, %convert_element_type3A, %cond3A : i32
      scf.if %cond3A_99 {
        %dma_wait3A_177 = arith.constant 0 : i32
        %dma_wait3A_178 = tpu.memref_slice %arg3[%dma_wait3A_177] : memref<480000xi32, #tpu.memory_space<hbm>> -> memref<40xi32, #tpu.memory_space<hbm>>
        %dma_wait3A_179 = arith.constant 0 : i32
        %dma_wait3A_180 = tpu.memref_slice %arg3[%dma_wait3A_179] : memref<480000xi32, #tpu.memory_space<hbm>> -> memref<40xi32, #tpu.memory_space<hbm>>
        tpu.wait_dma2 semaphore(%arg21 : memref<!tpu.dma_semaphore, #tpu.memory_space<semaphore_mem>>) src(%dma_wait3A_180 : memref<40xi32, #tpu.memory_space<hbm>>) dst(%arg9 : memref<40xi32, #tpu.memory_space<vmem>>)
        %dma_wait3A_181 = arith.constant 0 : i32
        %dma_wait3A_182 = tpu.memref_slice %arg4[%dma_wait3A_181] : memref<480000xi32, #tpu.memory_space<hbm>> -> memref<40xi32, #tpu.memory_space<hbm>>
        %dma_wait3A_183 = arith.constant 0 : i32
        %dma_wait3A_184 = tpu.memref_slice %arg4[%dma_wait3A_183] : memref<480000xi32, #tpu.memory_space<hbm>> -> memref<40xi32, #tpu.memory_space<hbm>>
        tpu.wait_dma2 semaphore(%arg21 : memref<!tpu.dma_semaphore, #tpu.memory_space<semaphore_mem>>) src(%dma_wait3A_184 : memref<40xi32, #tpu.memory_space<hbm>>) dst(%arg12 : memref<40xi32, #tpu.memory_space<vmem>>)
        %ge3A = arith.constant 1 : i32
        %ge3A_185 = arith.cmpi sge, %add3A_78, %ge3A : i32
        %convert_element_type3A_186 = arith.extui %ge3A_185 : i1 to i32
        %cond3A_187 = arith.constant 0 : i32
        %cond3A_188 = arith.cmpi ne, %convert_element_type3A_186, %cond3A_187 : i32
        scf.if %cond3A_188 {
          %dma_wait3A_197 = arith.constant 0 : i32
          %dma_wait3A_198 = arith.constant 0 : i32
          %dma_wait3A_199 = tpu.memref_slice %arg5[%dma_wait3A_197, %dma_wait3A_198] : memref<480000x128xi32, #tpu.memory_space<hbm>> -> memref<40x128xi32, #tpu.memory_space<hbm>>
          %dma_wait3A_200 = arith.constant 0 : i32
          %dma_wait3A_201 = arith.constant 0 : i32
          %dma_wait3A_202 = tpu.memref_slice %arg5[%dma_wait3A_200, %dma_wait3A_201] : memref<480000x128xi32, #tpu.memory_space<hbm>> -> memref<40x128xi32, #tpu.memory_space<hbm>>
          tpu.wait_dma2 semaphore(%arg27 : memref<!tpu.dma_semaphore, #tpu.memory_space<semaphore_mem>>) src(%arg15 : memref<40x128xi32, #tpu.memory_space<vmem>>) dst(%dma_wait3A_202 : memref<40x128xi32, #tpu.memory_space<hbm>>)
          %dma_wait3A_203 = arith.constant 0 : i32
          %dma_wait3A_204 = arith.constant 0 : i32
          %dma_wait3A_205 = tpu.memref_slice %arg6[%dma_wait3A_203, %dma_wait3A_204] : memref<480000x128xi32, #tpu.memory_space<hbm>> -> memref<40x128xi32, #tpu.memory_space<hbm>>
          %dma_wait3A_206 = arith.constant 0 : i32
          %dma_wait3A_207 = arith.constant 0 : i32
          %dma_wait3A_208 = tpu.memref_slice %arg6[%dma_wait3A_206, %dma_wait3A_207] : memref<480000x128xi32, #tpu.memory_space<hbm>> -> memref<40x128xi32, #tpu.memory_space<hbm>>
          tpu.wait_dma2 semaphore(%arg27 : memref<!tpu.dma_semaphore, #tpu.memory_space<semaphore_mem>>) src(%arg18 : memref<40x128xi32, #tpu.memory_space<vmem>>) dst(%dma_wait3A_208 : memref<40x128xi32, #tpu.memory_space<hbm>>)
        } else {
        }
        %add3A_189 = arith.constant 2 : i32
        %add3A_190 = arith.addi %add3A_78, %add3A_189 : i32
        %dma_start3A_191 = arith.constant 0 : i32
        %dma_start3A_192 = arith.constant 0 : i32
        %dma_start3A_193 = tpu.memref_slice %arg2[%dma_start3A_191, %dma_start3A_192] : memref<160000x128xi32, #tpu.memory_space<hbm>> -> memref<160000x128xi32, #tpu.memory_space<hbm>>
        tpu.enqueue_indirect_dma source(%dma_start3A_193 : memref<160000x128xi32, #tpu.memory_space<hbm>>) target(%arg15 : memref<40x128xi32, #tpu.memory_space<vmem>>) offsets(%arg12 : memref<40xi32, #tpu.memory_space<vmem>>) semaphore(%arg24 : memref<!tpu.dma_semaphore, #tpu.memory_space<semaphore_mem>>)
        %dma_start3A_194 = arith.constant 0 : i32
        %dma_start3A_195 = arith.constant 0 : i32
        %dma_start3A_196 = tpu.memref_slice %arg2[%dma_start3A_194, %dma_start3A_195] : memref<160000x128xi32, #tpu.memory_space<hbm>> -> memref<160000x128xi32, #tpu.memory_space<hbm>>
        tpu.enqueue_indirect_dma source(%dma_start3A_196 : memref<160000x128xi32, #tpu.memory_space<hbm>>) target(%arg18 : memref<40x128xi32, #tpu.memory_space<vmem>>) offsets(%arg9 : memref<40xi32, #tpu.memory_space<vmem>>) semaphore(%arg24 : memref<!tpu.dma_semaphore, #tpu.memory_space<semaphore_mem>>)
      } else {
      }
      %add3A_100 = arith.constant 3 : i32
      %add3A_101 = arith.addi %add3A_78, %add3A_100 : i32
      %lt3A_102 = arith.constant 375 : i32
      %lt3A_103 = arith.cmpi slt, %add3A_101, %lt3A_102 : i32
      %convert_element_type3A_104 = arith.extui %lt3A_103 : i1 to i32
      %cond3A_105 = arith.constant 0 : i32
      %cond3A_106 = arith.cmpi ne, %convert_element_type3A_104, %cond3A_105 : i32
      scf.if %cond3A_106 {
        %add3A_177 = arith.constant 3 : i32
        %add3A_178 = arith.addi %add3A_78, %add3A_177 : i32
        %mul3A_179 = arith.constant 40 : i32
        %mul3A_180 = arith.muli %add3A_178, %mul3A_179 : i32
        %add3A_181 = arith.addi %mul3A_2, %mul3A_180 : i32
        %dma_start3A_182 = tpu.memref_slice %arg3[%add3A_181] : memref<480000xi32, #tpu.memory_space<hbm>> -> memref<40xi32, #tpu.memory_space<hbm>>
        %dma_start3A_183 = tpu.memref_slice %arg3[%add3A_181] : memref<480000xi32, #tpu.memory_space<hbm>> -> memref<40xi32, #tpu.memory_space<hbm>>
        tpu.enqueue_dma source(%dma_start3A_183 : memref<40xi32, #tpu.memory_space<hbm>>) target(%arg7 : memref<40xi32, #tpu.memory_space<vmem>>) target_semaphore(%arg19 : memref<!tpu.dma_semaphore, #tpu.memory_space<semaphore_mem>>)
        %dma_start3A_184 = tpu.memref_slice %arg4[%add3A_181] : memref<480000xi32, #tpu.memory_space<hbm>> -> memref<40xi32, #tpu.memory_space<hbm>>
        %dma_start3A_185 = tpu.memref_slice %arg4[%add3A_181] : memref<480000xi32, #tpu.memory_space<hbm>> -> memref<40xi32, #tpu.memory_space<hbm>>
        tpu.enqueue_dma source(%dma_start3A_185 : memref<40xi32, #tpu.memory_space<hbm>>) target(%arg10 : memref<40xi32, #tpu.memory_space<vmem>>) target_semaphore(%arg19 : memref<!tpu.dma_semaphore, #tpu.memory_space<semaphore_mem>>)
      } else {
      }
      %mul3A_107 = arith.constant 3 : i32
      %mul3A_108 = arith.muli %mul3A_107, %scan3A_74 : i32
      %add3A_109 = arith.constant 1 : i32
      %add3A_110 = arith.addi %mul3A_108, %add3A_109 : i32
      %dma_wait3A_111 = arith.constant 0 : i32
      %dma_wait3A_112 = arith.constant 0 : i32
      %dma_wait3A_113 = tpu.memref_slice %arg2[%dma_wait3A_111, %dma_wait3A_112] : memref<160000x128xi32, #tpu.memory_space<hbm>> -> memref<160000x128xi32, #tpu.memory_space<hbm>>
      tpu.wait_indirect_dma semaphore(%arg23 : memref<!tpu.dma_semaphore, #tpu.memory_space<semaphore_mem>>) src(%dma_wait3A_113 : memref<160000x128xi32, #tpu.memory_space<hbm>>) dst(%arg14 : memref<40x128xi32, #tpu.memory_space<vmem>>)
      %dma_wait3A_114 = arith.constant 0 : i32
      %dma_wait3A_115 = arith.constant 0 : i32
      %dma_wait3A_116 = tpu.memref_slice %arg2[%dma_wait3A_114, %dma_wait3A_115] : memref<160000x128xi32, #tpu.memory_space<hbm>> -> memref<160000x128xi32, #tpu.memory_space<hbm>>
      tpu.wait_indirect_dma semaphore(%arg23 : memref<!tpu.dma_semaphore, #tpu.memory_space<semaphore_mem>>) src(%dma_wait3A_116 : memref<160000x128xi32, #tpu.memory_space<hbm>>) dst(%arg17 : memref<40x128xi32, #tpu.memory_space<vmem>>)
      %mul3A_117 = arith.constant 40 : i32
      %mul3A_118 = arith.muli %add3A_110, %mul3A_117 : i32
      %add3A_119 = arith.addi %mul3A_2, %mul3A_118 : i32
      %dma_start3A_120 = arith.constant 0 : i32
      %dma_start3A_121 = tpu.memref_slice %arg5[%add3A_119, %dma_start3A_120] : memref<480000x128xi32, #tpu.memory_space<hbm>> -> memref<40x128xi32, #tpu.memory_space<hbm>>
      %dma_start3A_122 = arith.constant 0 : i32
      %dma_start3A_123 = tpu.memref_slice %arg5[%add3A_119, %dma_start3A_122] : memref<480000x128xi32, #tpu.memory_space<hbm>> -> memref<40x128xi32, #tpu.memory_space<hbm>>
      tpu.enqueue_dma source(%arg14 : memref<40x128xi32, #tpu.memory_space<vmem>>) target(%dma_start3A_123 : memref<40x128xi32, #tpu.memory_space<hbm>>) target_semaphore(%arg26 : memref<!tpu.dma_semaphore, #tpu.memory_space<semaphore_mem>>)
      %dma_start3A_124 = arith.constant 0 : i32
      %dma_start3A_125 = tpu.memref_slice %arg6[%add3A_119, %dma_start3A_124] : memref<480000x128xi32, #tpu.memory_space<hbm>> -> memref<40x128xi32, #tpu.memory_space<hbm>>
      %dma_start3A_126 = arith.constant 0 : i32
      %dma_start3A_127 = tpu.memref_slice %arg6[%add3A_119, %dma_start3A_126] : memref<480000x128xi32, #tpu.memory_space<hbm>> -> memref<40x128xi32, #tpu.memory_space<hbm>>
      tpu.enqueue_dma source(%arg17 : memref<40x128xi32, #tpu.memory_space<vmem>>) target(%dma_start3A_127 : memref<40x128xi32, #tpu.memory_space<hbm>>) target_semaphore(%arg26 : memref<!tpu.dma_semaphore, #tpu.memory_space<semaphore_mem>>)
      %add3A_128 = arith.constant 2 : i32
      %add3A_129 = arith.addi %add3A_110, %add3A_128 : i32
      %lt3A_130 = arith.constant 375 : i32
      %lt3A_131 = arith.cmpi slt, %add3A_129, %lt3A_130 : i32
      %convert_element_type3A_132 = arith.extui %lt3A_131 : i1 to i32
      %cond3A_133 = arith.constant 0 : i32
      %cond3A_134 = arith.cmpi ne, %convert_element_type3A_132, %cond3A_133 : i32
      scf.if %cond3A_134 {
        %dma_wait3A_177 = arith.constant 0 : i32
        %dma_wait3A_178 = tpu.memref_slice %arg3[%dma_wait3A_177] : memref<480000xi32, #tpu.memory_space<hbm>> -> memref<40xi32, #tpu.memory_space<hbm>>
        %dma_wait3A_179 = arith.constant 0 : i32
        %dma_wait3A_180 = tpu.memref_slice %arg3[%dma_wait3A_179] : memref<480000xi32, #tpu.memory_space<hbm>> -> memref<40xi32, #tpu.memory_space<hbm>>
        tpu.wait_dma2 semaphore(%arg19 : memref<!tpu.dma_semaphore, #tpu.memory_space<semaphore_mem>>) src(%dma_wait3A_180 : memref<40xi32, #tpu.memory_space<hbm>>) dst(%arg7 : memref<40xi32, #tpu.memory_space<vmem>>)
        %dma_wait3A_181 = arith.constant 0 : i32
        %dma_wait3A_182 = tpu.memref_slice %arg4[%dma_wait3A_181] : memref<480000xi32, #tpu.memory_space<hbm>> -> memref<40xi32, #tpu.memory_space<hbm>>
        %dma_wait3A_183 = arith.constant 0 : i32
        %dma_wait3A_184 = tpu.memref_slice %arg4[%dma_wait3A_183] : memref<480000xi32, #tpu.memory_space<hbm>> -> memref<40xi32, #tpu.memory_space<hbm>>
        tpu.wait_dma2 semaphore(%arg19 : memref<!tpu.dma_semaphore, #tpu.memory_space<semaphore_mem>>) src(%dma_wait3A_184 : memref<40xi32, #tpu.memory_space<hbm>>) dst(%arg10 : memref<40xi32, #tpu.memory_space<vmem>>)
        %ge3A = arith.constant 1 : i32
        %ge3A_185 = arith.cmpi sge, %add3A_110, %ge3A : i32
        %convert_element_type3A_186 = arith.extui %ge3A_185 : i1 to i32
        %cond3A_187 = arith.constant 0 : i32
        %cond3A_188 = arith.cmpi ne, %convert_element_type3A_186, %cond3A_187 : i32
        scf.if %cond3A_188 {
          %dma_wait3A_197 = arith.constant 0 : i32
          %dma_wait3A_198 = arith.constant 0 : i32
          %dma_wait3A_199 = tpu.memref_slice %arg5[%dma_wait3A_197, %dma_wait3A_198] : memref<480000x128xi32, #tpu.memory_space<hbm>> -> memref<40x128xi32, #tpu.memory_space<hbm>>
          %dma_wait3A_200 = arith.constant 0 : i32
          %dma_wait3A_201 = arith.constant 0 : i32
          %dma_wait3A_202 = tpu.memref_slice %arg5[%dma_wait3A_200, %dma_wait3A_201] : memref<480000x128xi32, #tpu.memory_space<hbm>> -> memref<40x128xi32, #tpu.memory_space<hbm>>
          tpu.wait_dma2 semaphore(%arg25 : memref<!tpu.dma_semaphore, #tpu.memory_space<semaphore_mem>>) src(%arg13 : memref<40x128xi32, #tpu.memory_space<vmem>>) dst(%dma_wait3A_202 : memref<40x128xi32, #tpu.memory_space<hbm>>)
          %dma_wait3A_203 = arith.constant 0 : i32
          %dma_wait3A_204 = arith.constant 0 : i32
          %dma_wait3A_205 = tpu.memref_slice %arg6[%dma_wait3A_203, %dma_wait3A_204] : memref<480000x128xi32, #tpu.memory_space<hbm>> -> memref<40x128xi32, #tpu.memory_space<hbm>>
          %dma_wait3A_206 = arith.constant 0 : i32
          %dma_wait3A_207 = arith.constant 0 : i32
          %dma_wait3A_208 = tpu.memref_slice %arg6[%dma_wait3A_206, %dma_wait3A_207] : memref<480000x128xi32, #tpu.memory_space<hbm>> -> memref<40x128xi32, #tpu.memory_space<hbm>>
          tpu.wait_dma2 semaphore(%arg25 : memref<!tpu.dma_semaphore, #tpu.memory_space<semaphore_mem>>) src(%arg16 : memref<40x128xi32, #tpu.memory_space<vmem>>) dst(%dma_wait3A_208 : memref<40x128xi32, #tpu.memory_space<hbm>>)
        } else {
        }
        %add3A_189 = arith.constant 2 : i32
        %add3A_190 = arith.addi %add3A_110, %add3A_189 : i32
        %dma_start3A_191 = arith.constant 0 : i32
        %dma_start3A_192 = arith.constant 0 : i32
        %dma_start3A_193 = tpu.memref_slice %arg2[%dma_start3A_191, %dma_start3A_192] : memref<160000x128xi32, #tpu.memory_space<hbm>> -> memref<160000x128xi32, #tpu.memory_space<hbm>>
        tpu.enqueue_indirect_dma source(%dma_start3A_193 : memref<160000x128xi32, #tpu.memory_space<hbm>>) target(%arg13 : memref<40x128xi32, #tpu.memory_space<vmem>>) offsets(%arg10 : memref<40xi32, #tpu.memory_space<vmem>>) semaphore(%arg22 : memref<!tpu.dma_semaphore, #tpu.memory_space<semaphore_mem>>)
        %dma_start3A_194 = arith.constant 0 : i32
        %dma_start3A_195 = arith.constant 0 : i32
        %dma_start3A_196 = tpu.memref_slice %arg2[%dma_start3A_194, %dma_start3A_195] : memref<160000x128xi32, #tpu.memory_space<hbm>> -> memref<160000x128xi32, #tpu.memory_space<hbm>>
        tpu.enqueue_indirect_dma source(%dma_start3A_196 : memref<160000x128xi32, #tpu.memory_space<hbm>>) target(%arg16 : memref<40x128xi32, #tpu.memory_space<vmem>>) offsets(%arg7 : memref<40xi32, #tpu.memory_space<vmem>>) semaphore(%arg22 : memref<!tpu.dma_semaphore, #tpu.memory_space<semaphore_mem>>)
      } else {
      }
      %add3A_135 = arith.constant 3 : i32
      %add3A_136 = arith.addi %add3A_110, %add3A_135 : i32
      %lt3A_137 = arith.constant 375 : i32
      %lt3A_138 = arith.cmpi slt, %add3A_136, %lt3A_137 : i32
      %convert_element_type3A_139 = arith.extui %lt3A_138 : i1 to i32
      %cond3A_140 = arith.constant 0 : i32
      %cond3A_141 = arith.cmpi ne, %convert_element_type3A_139, %cond3A_140 : i32
      scf.if %cond3A_141 {
        %add3A_177 = arith.constant 3 : i32
        %add3A_178 = arith.addi %add3A_110, %add3A_177 : i32
        %mul3A_179 = arith.constant 40 : i32
        %mul3A_180 = arith.muli %add3A_178, %mul3A_179 : i32
        %add3A_181 = arith.addi %mul3A_2, %mul3A_180 : i32
        %dma_start3A_182 = tpu.memref_slice %arg3[%add3A_181] : memref<480000xi32, #tpu.memory_space<hbm>> -> memref<40xi32, #tpu.memory_space<hbm>>
        %dma_start3A_183 = tpu.memref_slice %arg3[%add3A_181] : memref<480000xi32, #tpu.memory_space<hbm>> -> memref<40xi32, #tpu.memory_space<hbm>>
        tpu.enqueue_dma source(%dma_start3A_183 : memref<40xi32, #tpu.memory_space<hbm>>) target(%arg8 : memref<40xi32, #tpu.memory_space<vmem>>) target_semaphore(%arg20 : memref<!tpu.dma_semaphore, #tpu.memory_space<semaphore_mem>>)
        %dma_start3A_184 = tpu.memref_slice %arg4[%add3A_181] : memref<480000xi32, #tpu.memory_space<hbm>> -> memref<40xi32, #tpu.memory_space<hbm>>
        %dma_start3A_185 = tpu.memref_slice %arg4[%add3A_181] : memref<480000xi32, #tpu.memory_space<hbm>> -> memref<40xi32, #tpu.memory_space<hbm>>
        tpu.enqueue_dma source(%dma_start3A_185 : memref<40xi32, #tpu.memory_space<hbm>>) target(%arg11 : memref<40xi32, #tpu.memory_space<vmem>>) target_semaphore(%arg20 : memref<!tpu.dma_semaphore, #tpu.memory_space<semaphore_mem>>)
      } else {
      }
      %mul3A_142 = arith.constant 3 : i32
      %mul3A_143 = arith.muli %mul3A_142, %scan3A_74 : i32
      %add3A_144 = arith.constant 2 : i32
      %add3A_145 = arith.addi %mul3A_143, %add3A_144 : i32
      %dma_wait3A_146 = arith.constant 0 : i32
      %dma_wait3A_147 = arith.constant 0 : i32
      %dma_wait3A_148 = tpu.memref_slice %arg2[%dma_wait3A_146, %dma_wait3A_147] : memref<160000x128xi32, #tpu.memory_space<hbm>> -> memref<160000x128xi32, #tpu.memory_space<hbm>>
      tpu.wait_indirect_dma semaphore(%arg24 : memref<!tpu.dma_semaphore, #tpu.memory_space<semaphore_mem>>) src(%dma_wait3A_148 : memref<160000x128xi32, #tpu.memory_space<hbm>>) dst(%arg15 : memref<40x128xi32, #tpu.memory_space<vmem>>)
      %dma_wait3A_149 = arith.constant 0 : i32
      %dma_wait3A_150 = arith.constant 0 : i32
      %dma_wait3A_151 = tpu.memref_slice %arg2[%dma_wait3A_149, %dma_wait3A_150] : memref<160000x128xi32, #tpu.memory_space<hbm>> -> memref<160000x128xi32, #tpu.memory_space<hbm>>
      tpu.wait_indirect_dma semaphore(%arg24 : memref<!tpu.dma_semaphore, #tpu.memory_space<semaphore_mem>>) src(%dma_wait3A_151 : memref<160000x128xi32, #tpu.memory_space<hbm>>) dst(%arg18 : memref<40x128xi32, #tpu.memory_space<vmem>>)
      %mul3A_152 = arith.constant 40 : i32
      %mul3A_153 = arith.muli %add3A_145, %mul3A_152 : i32
      %add3A_154 = arith.addi %mul3A_2, %mul3A_153 : i32
      %dma_start3A_155 = arith.constant 0 : i32
      %dma_start3A_156 = tpu.memref_slice %arg5[%add3A_154, %dma_start3A_155] : memref<480000x128xi32, #tpu.memory_space<hbm>> -> memref<40x128xi32, #tpu.memory_space<hbm>>
      %dma_start3A_157 = arith.constant 0 : i32
      %dma_start3A_158 = tpu.memref_slice %arg5[%add3A_154, %dma_start3A_157] : memref<480000x128xi32, #tpu.memory_space<hbm>> -> memref<40x128xi32, #tpu.memory_space<hbm>>
      tpu.enqueue_dma source(%arg15 : memref<40x128xi32, #tpu.memory_space<vmem>>) target(%dma_start3A_158 : memref<40x128xi32, #tpu.memory_space<hbm>>) target_semaphore(%arg27 : memref<!tpu.dma_semaphore, #tpu.memory_space<semaphore_mem>>)
      %dma_start3A_159 = arith.constant 0 : i32
      %dma_start3A_160 = tpu.memref_slice %arg6[%add3A_154, %dma_start3A_159] : memref<480000x128xi32, #tpu.memory_space<hbm>> -> memref<40x128xi32, #tpu.memory_space<hbm>>
      %dma_start3A_161 = arith.constant 0 : i32
      %dma_start3A_162 = tpu.memref_slice %arg6[%add3A_154, %dma_start3A_161] : memref<480000x128xi32, #tpu.memory_space<hbm>> -> memref<40x128xi32, #tpu.memory_space<hbm>>
      tpu.enqueue_dma source(%arg18 : memref<40x128xi32, #tpu.memory_space<vmem>>) target(%dma_start3A_162 : memref<40x128xi32, #tpu.memory_space<hbm>>) target_semaphore(%arg27 : memref<!tpu.dma_semaphore, #tpu.memory_space<semaphore_mem>>)
      %add3A_163 = arith.constant 2 : i32
      %add3A_164 = arith.addi %add3A_145, %add3A_163 : i32
      %lt3A_165 = arith.constant 375 : i32
      %lt3A_166 = arith.cmpi slt, %add3A_164, %lt3A_165 : i32
      %convert_element_type3A_167 = arith.extui %lt3A_166 : i1 to i32
      %cond3A_168 = arith.constant 0 : i32
      %cond3A_169 = arith.cmpi ne, %convert_element_type3A_167, %cond3A_168 : i32
      scf.if %cond3A_169 {
        %dma_wait3A_177 = arith.constant 0 : i32
        %dma_wait3A_178 = tpu.memref_slice %arg3[%dma_wait3A_177] : memref<480000xi32, #tpu.memory_space<hbm>> -> memref<40xi32, #tpu.memory_space<hbm>>
        %dma_wait3A_179 = arith.constant 0 : i32
        %dma_wait3A_180 = tpu.memref_slice %arg3[%dma_wait3A_179] : memref<480000xi32, #tpu.memory_space<hbm>> -> memref<40xi32, #tpu.memory_space<hbm>>
        tpu.wait_dma2 semaphore(%arg20 : memref<!tpu.dma_semaphore, #tpu.memory_space<semaphore_mem>>) src(%dma_wait3A_180 : memref<40xi32, #tpu.memory_space<hbm>>) dst(%arg8 : memref<40xi32, #tpu.memory_space<vmem>>)
        %dma_wait3A_181 = arith.constant 0 : i32
        %dma_wait3A_182 = tpu.memref_slice %arg4[%dma_wait3A_181] : memref<480000xi32, #tpu.memory_space<hbm>> -> memref<40xi32, #tpu.memory_space<hbm>>
        %dma_wait3A_183 = arith.constant 0 : i32
        %dma_wait3A_184 = tpu.memref_slice %arg4[%dma_wait3A_183] : memref<480000xi32, #tpu.memory_space<hbm>> -> memref<40xi32, #tpu.memory_space<hbm>>
        tpu.wait_dma2 semaphore(%arg20 : memref<!tpu.dma_semaphore, #tpu.memory_space<semaphore_mem>>) src(%dma_wait3A_184 : memref<40xi32, #tpu.memory_space<hbm>>) dst(%arg11 : memref<40xi32, #tpu.memory_space<vmem>>)
        %ge3A = arith.constant 1 : i32
        %ge3A_185 = arith.cmpi sge, %add3A_145, %ge3A : i32
        %convert_element_type3A_186 = arith.extui %ge3A_185 : i1 to i32
        %cond3A_187 = arith.constant 0 : i32
        %cond3A_188 = arith.cmpi ne, %convert_element_type3A_186, %cond3A_187 : i32
        scf.if %cond3A_188 {
          %dma_wait3A_197 = arith.constant 0 : i32
          %dma_wait3A_198 = arith.constant 0 : i32
          %dma_wait3A_199 = tpu.memref_slice %arg5[%dma_wait3A_197, %dma_wait3A_198] : memref<480000x128xi32, #tpu.memory_space<hbm>> -> memref<40x128xi32, #tpu.memory_space<hbm>>
          %dma_wait3A_200 = arith.constant 0 : i32
          %dma_wait3A_201 = arith.constant 0 : i32
          %dma_wait3A_202 = tpu.memref_slice %arg5[%dma_wait3A_200, %dma_wait3A_201] : memref<480000x128xi32, #tpu.memory_space<hbm>> -> memref<40x128xi32, #tpu.memory_space<hbm>>
          tpu.wait_dma2 semaphore(%arg26 : memref<!tpu.dma_semaphore, #tpu.memory_space<semaphore_mem>>) src(%arg14 : memref<40x128xi32, #tpu.memory_space<vmem>>) dst(%dma_wait3A_202 : memref<40x128xi32, #tpu.memory_space<hbm>>)
          %dma_wait3A_203 = arith.constant 0 : i32
          %dma_wait3A_204 = arith.constant 0 : i32
          %dma_wait3A_205 = tpu.memref_slice %arg6[%dma_wait3A_203, %dma_wait3A_204] : memref<480000x128xi32, #tpu.memory_space<hbm>> -> memref<40x128xi32, #tpu.memory_space<hbm>>
          %dma_wait3A_206 = arith.constant 0 : i32
          %dma_wait3A_207 = arith.constant 0 : i32
          %dma_wait3A_208 = tpu.memref_slice %arg6[%dma_wait3A_206, %dma_wait3A_207] : memref<480000x128xi32, #tpu.memory_space<hbm>> -> memref<40x128xi32, #tpu.memory_space<hbm>>
          tpu.wait_dma2 semaphore(%arg26 : memref<!tpu.dma_semaphore, #tpu.memory_space<semaphore_mem>>) src(%arg17 : memref<40x128xi32, #tpu.memory_space<vmem>>) dst(%dma_wait3A_208 : memref<40x128xi32, #tpu.memory_space<hbm>>)
        } else {
        }
        %add3A_189 = arith.constant 2 : i32
        %add3A_190 = arith.addi %add3A_145, %add3A_189 : i32
        %dma_start3A_191 = arith.constant 0 : i32
        %dma_start3A_192 = arith.constant 0 : i32
        %dma_start3A_193 = tpu.memref_slice %arg2[%dma_start3A_191, %dma_start3A_192] : memref<160000x128xi32, #tpu.memory_space<hbm>> -> memref<160000x128xi32, #tpu.memory_space<hbm>>
        tpu.enqueue_indirect_dma source(%dma_start3A_193 : memref<160000x128xi32, #tpu.memory_space<hbm>>) target(%arg14 : memref<40x128xi32, #tpu.memory_space<vmem>>) offsets(%arg11 : memref<40xi32, #tpu.memory_space<vmem>>) semaphore(%arg23 : memref<!tpu.dma_semaphore, #tpu.memory_space<semaphore_mem>>)
        %dma_start3A_194 = arith.constant 0 : i32
        %dma_start3A_195 = arith.constant 0 : i32
        %dma_start3A_196 = tpu.memref_slice %arg2[%dma_start3A_194, %dma_start3A_195] : memref<160000x128xi32, #tpu.memory_space<hbm>> -> memref<160000x128xi32, #tpu.memory_space<hbm>>
        tpu.enqueue_indirect_dma source(%dma_start3A_196 : memref<160000x128xi32, #tpu.memory_space<hbm>>) target(%arg17 : memref<40x128xi32, #tpu.memory_space<vmem>>) offsets(%arg8 : memref<40xi32, #tpu.memory_space<vmem>>) semaphore(%arg23 : memref<!tpu.dma_semaphore, #tpu.memory_space<semaphore_mem>>)
      } else {
      }
      %add3A_170 = arith.constant 3 : i32
      %add3A_171 = arith.addi %add3A_145, %add3A_170 : i32
      %lt3A_172 = arith.constant 375 : i32
      %lt3A_173 = arith.cmpi slt, %add3A_171, %lt3A_172 : i32
      %convert_element_type3A_174 = arith.extui %lt3A_173 : i1 to i32
      %cond3A_175 = arith.constant 0 : i32
      %cond3A_176 = arith.cmpi ne, %convert_element_type3A_174, %cond3A_175 : i32
      scf.if %cond3A_176 {
        %add3A_177 = arith.constant 3 : i32
        %add3A_178 = arith.addi %add3A_145, %add3A_177 : i32
        %mul3A_179 = arith.constant 40 : i32
        %mul3A_180 = arith.muli %add3A_178, %mul3A_179 : i32
        %add3A_181 = arith.addi %mul3A_2, %mul3A_180 : i32
        %dma_start3A_182 = tpu.memref_slice %arg3[%add3A_181] : memref<480000xi32, #tpu.memory_space<hbm>> -> memref<40xi32, #tpu.memory_space<hbm>>
        %dma_start3A_183 = tpu.memref_slice %arg3[%add3A_181] : memref<480000xi32, #tpu.memory_space<hbm>> -> memref<40xi32, #tpu.memory_space<hbm>>
        tpu.enqueue_dma source(%dma_start3A_183 : memref<40xi32, #tpu.memory_space<hbm>>) target(%arg9 : memref<40xi32, #tpu.memory_space<vmem>>) target_semaphore(%arg21 : memref<!tpu.dma_semaphore, #tpu.memory_space<semaphore_mem>>)
        %dma_start3A_184 = tpu.memref_slice %arg4[%add3A_181] : memref<480000xi32, #tpu.memory_space<hbm>> -> memref<40xi32, #tpu.memory_space<hbm>>
        %dma_start3A_185 = tpu.memref_slice %arg4[%add3A_181] : memref<480000xi32, #tpu.memory_space<hbm>> -> memref<40xi32, #tpu.memory_space<hbm>>
        tpu.enqueue_dma source(%dma_start3A_185 : memref<40xi32, #tpu.memory_space<hbm>>) target(%arg12 : memref<40xi32, #tpu.memory_space<vmem>>) target_semaphore(%arg21 : memref<!tpu.dma_semaphore, #tpu.memory_space<semaphore_mem>>)
      } else {
      }
    }
    %scan3A_37 = arith.constant 125 : i32
    %dma_wait3A_38 = arith.constant 0 : i32
    %dma_wait3A_39 = arith.constant 0 : i32
    %dma_wait3A_40 = tpu.memref_slice %arg5[%dma_wait3A_38, %dma_wait3A_39] : memref<480000x128xi32, #tpu.memory_space<hbm>> -> memref<40x128xi32, #tpu.memory_space<hbm>>
    %dma_wait3A_41 = arith.constant 0 : i32
    %dma_wait3A_42 = arith.constant 0 : i32
    %dma_wait3A_43 = tpu.memref_slice %arg5[%dma_wait3A_41, %dma_wait3A_42] : memref<480000x128xi32, #tpu.memory_space<hbm>> -> memref<40x128xi32, #tpu.memory_space<hbm>>
    tpu.wait_dma2 semaphore(%arg25 : memref<!tpu.dma_semaphore, #tpu.memory_space<semaphore_mem>>) src(%arg13 : memref<40x128xi32, #tpu.memory_space<vmem>>) dst(%dma_wait3A_43 : memref<40x128xi32, #tpu.memory_space<hbm>>)
    %dma_wait3A_44 = arith.constant 0 : i32
    %dma_wait3A_45 = arith.constant 0 : i32
    %dma_wait3A_46 = tpu.memref_slice %arg6[%dma_wait3A_44, %dma_wait3A_45] : memref<480000x128xi32, #tpu.memory_space<hbm>> -> memref<40x128xi32, #tpu.memory_space<hbm>>
    %dma_wait3A_47 = arith.constant 0 : i32
    %dma_wait3A_48 = arith.constant 0 : i32
    %dma_wait3A_49 = tpu.memref_slice %arg6[%dma_wait3A_47, %dma_wait3A_48] : memref<480000x128xi32, #tpu.memory_space<hbm>> -> memref<40x128xi32, #tpu.memory_space<hbm>>
    tpu.wait_dma2 semaphore(%arg25 : memref<!tpu.dma_semaphore, #tpu.memory_space<semaphore_mem>>) src(%arg16 : memref<40x128xi32, #tpu.memory_space<vmem>>) dst(%dma_wait3A_49 : memref<40x128xi32, #tpu.memory_space<hbm>>)
    %dma_wait3A_50 = arith.constant 0 : i32
    %dma_wait3A_51 = arith.constant 0 : i32
    %dma_wait3A_52 = tpu.memref_slice %arg5[%dma_wait3A_50, %dma_wait3A_51] : memref<480000x128xi32, #tpu.memory_space<hbm>> -> memref<40x128xi32, #tpu.memory_space<hbm>>
    %dma_wait3A_53 = arith.constant 0 : i32
    %dma_wait3A_54 = arith.constant 0 : i32
    %dma_wait3A_55 = tpu.memref_slice %arg5[%dma_wait3A_53, %dma_wait3A_54] : memref<480000x128xi32, #tpu.memory_space<hbm>> -> memref<40x128xi32, #tpu.memory_space<hbm>>
    tpu.wait_dma2 semaphore(%arg26 : memref<!tpu.dma_semaphore, #tpu.memory_space<semaphore_mem>>) src(%arg14 : memref<40x128xi32, #tpu.memory_space<vmem>>) dst(%dma_wait3A_55 : memref<40x128xi32, #tpu.memory_space<hbm>>)
    %dma_wait3A_56 = arith.constant 0 : i32
    %dma_wait3A_57 = arith.constant 0 : i32
    %dma_wait3A_58 = tpu.memref_slice %arg6[%dma_wait3A_56, %dma_wait3A_57] : memref<480000x128xi32, #tpu.memory_space<hbm>> -> memref<40x128xi32, #tpu.memory_space<hbm>>
    %dma_wait3A_59 = arith.constant 0 : i32
    %dma_wait3A_60 = arith.constant 0 : i32
    %dma_wait3A_61 = tpu.memref_slice %arg6[%dma_wait3A_59, %dma_wait3A_60] : memref<480000x128xi32, #tpu.memory_space<hbm>> -> memref<40x128xi32, #tpu.memory_space<hbm>>
    tpu.wait_dma2 semaphore(%arg26 : memref<!tpu.dma_semaphore, #tpu.memory_space<semaphore_mem>>) src(%arg17 : memref<40x128xi32, #tpu.memory_space<vmem>>) dst(%dma_wait3A_61 : memref<40x128xi32, #tpu.memory_space<hbm>>)
    %dma_wait3A_62 = arith.constant 0 : i32
    %dma_wait3A_63 = arith.constant 0 : i32
    %dma_wait3A_64 = tpu.memref_slice %arg5[%dma_wait3A_62, %dma_wait3A_63] : memref<480000x128xi32, #tpu.memory_space<hbm>> -> memref<40x128xi32, #tpu.memory_space<hbm>>
    %dma_wait3A_65 = arith.constant 0 : i32
    %dma_wait3A_66 = arith.constant 0 : i32
    %dma_wait3A_67 = tpu.memref_slice %arg5[%dma_wait3A_65, %dma_wait3A_66] : memref<480000x128xi32, #tpu.memory_space<hbm>> -> memref<40x128xi32, #tpu.memory_space<hbm>>
    tpu.wait_dma2 semaphore(%arg27 : memref<!tpu.dma_semaphore, #tpu.memory_space<semaphore_mem>>) src(%arg15 : memref<40x128xi32, #tpu.memory_space<vmem>>) dst(%dma_wait3A_67 : memref<40x128xi32, #tpu.memory_space<hbm>>)
    %dma_wait3A_68 = arith.constant 0 : i32
    %dma_wait3A_69 = arith.constant 0 : i32
    %dma_wait3A_70 = tpu.memref_slice %arg6[%dma_wait3A_68, %dma_wait3A_69] : memref<480000x128xi32, #tpu.memory_space<hbm>> -> memref<40x128xi32, #tpu.memory_space<hbm>>
    %dma_wait3A_71 = arith.constant 0 : i32
    %dma_wait3A_72 = arith.constant 0 : i32
    %dma_wait3A_73 = tpu.memref_slice %arg6[%dma_wait3A_71, %dma_wait3A_72] : memref<480000x128xi32, #tpu.memory_space<hbm>> -> memref<40x128xi32, #tpu.memory_space<hbm>>
    tpu.wait_dma2 semaphore(%arg27 : memref<!tpu.dma_semaphore, #tpu.memory_space<semaphore_mem>>) src(%arg18 : memref<40x128xi32, #tpu.memory_space<vmem>>) dst(%dma_wait3A_73 : memref<40x128xi32, #tpu.memory_space<hbm>>)
    return
  }
}

module attributes {stable_mosaic.version = 14 : i64} {
  func.func @_k1_body(%arg0: i32, %arg1: memref<1000x256xf32, #tpu.memory_space<vmem>>, %arg2: memref<256x256xf32, #tpu.memory_space<vmem>>, %arg3: memref<1x256xf32, #tpu.memory_space<vmem>>, %arg4: memref<256x256xf32, #tpu.memory_space<vmem>>, %arg5: memref<1x256xf32, #tpu.memory_space<vmem>>, %arg6: memref<1000x128xi32, #tpu.memory_space<vmem>>) attributes {dimension_semantics = [#tpu.dimension_semantics<arbitrary>], iteration_bounds = array<i64: 160>, scalar_prefetch = 0 : i64, scratch_operands = 0 : i64, tpu.core_type = #tpu.core_type<tc>, window_params = [{transform_indices = @transform_0, window_bounds = array<i64: 1000, 256>}, {pipeline_mode = #tpu.pipeline_mode<synchronous>, transform_indices = @transform_1, window_bounds = array<i64: 256, 256>}, {pipeline_mode = #tpu.pipeline_mode<synchronous>, transform_indices = @transform_2, window_bounds = array<i64: 1, 256>}, {pipeline_mode = #tpu.pipeline_mode<synchronous>, transform_indices = @transform_3, window_bounds = array<i64: 256, 256>}, {pipeline_mode = #tpu.pipeline_mode<synchronous>, transform_indices = @transform_4, window_bounds = array<i64: 1, 256>}, {transform_indices = @transform_5, window_bounds = array<i64: 1000, 128>}]} {
    %get3A = arith.constant 0 : index
    %get3A_0 = arith.constant 0 : index
    %get3A_1 = vector.load %arg1[%get3A, %get3A_0] : memref<1000x256xf32, #tpu.memory_space<vmem>>, vector<1000x256xf32>
    %get3A_2 = arith.constant 0 : index
    %get3A_3 = arith.constant 0 : index
    %get3A_4 = vector.load %arg2[%get3A_2, %get3A_3] : memref<256x256xf32, #tpu.memory_space<vmem>>, vector<256x256xf32>
    %dot_general3A = arith.constant dense<0.000000e+00> : vector<1000x256xf32>
    %dot_general3A_5 = tpu.matmul %get3A_1, %get3A_4, %dot_general3A {dimension_numbers = #tpu.dot_dimension_numbers<[1], [0], [0], [1], [0, 0, 1, 1], [], []>, transpose_lhs_hint = false} : vector<1000x256xf32>, vector<256x256xf32>, vector<1000x256xf32> -> vector<1000x256xf32>
    %get3A_6 = arith.constant 0 : index
    %get3A_7 = arith.constant 0 : index
    %get3A_8 = vector.load %arg3[%get3A_6, %get3A_7] : memref<1x256xf32, #tpu.memory_space<vmem>>, vector<1x256xf32>
    %add3A = vector.broadcast %get3A_8 : vector<1x256xf32> to vector<1000x256xf32>
    %add3A_9 = arith.addf %dot_general3A_5, %add3A : vector<1000x256xf32>
    %logistic3A = arith.negf %add3A_9 : vector<1000x256xf32>
    %logistic3A_10 = math.exp %logistic3A : vector<1000x256xf32>
    %logistic3A_11 = arith.constant 1.000000e+00 : f32
    %logistic3A_12 = vector.broadcast %logistic3A_11 : f32 to vector<1000x256xf32>
    %logistic3A_13 = arith.addf %logistic3A_12, %logistic3A_10 : vector<1000x256xf32>
    %logistic3A_14 = arith.divf %logistic3A_12, %logistic3A_13 : vector<1000x256xf32>
    %mul3A = arith.mulf %add3A_9, %logistic3A_14 : vector<1000x256xf32>
    %get3A_15 = arith.constant 0 : index
    %get3A_16 = arith.constant 0 : index
    %get3A_17 = vector.load %arg4[%get3A_15, %get3A_16] : memref<256x256xf32, #tpu.memory_space<vmem>>, vector<256x256xf32>
    %dot_general3A_18 = arith.constant dense<0.000000e+00> : vector<1000x256xf32>
    %dot_general3A_19 = tpu.matmul %mul3A, %get3A_17, %dot_general3A_18 {dimension_numbers = #tpu.dot_dimension_numbers<[1], [0], [0], [1], [0, 0, 1, 1], [], []>, transpose_lhs_hint = false} : vector<1000x256xf32>, vector<256x256xf32>, vector<1000x256xf32> -> vector<1000x256xf32>
    %get3A_20 = arith.constant 0 : index
    %get3A_21 = arith.constant 0 : index
    %get3A_22 = vector.load %arg5[%get3A_20, %get3A_21] : memref<1x256xf32, #tpu.memory_space<vmem>>, vector<1x256xf32>
    %add3A_23 = vector.broadcast %get3A_22 : vector<1x256xf32> to vector<1000x256xf32>
    %add3A_24 = arith.addf %dot_general3A_19, %add3A_23 : vector<1000x256xf32>
    %logistic3A_25 = arith.negf %add3A_24 : vector<1000x256xf32>
    %logistic3A_26 = math.exp %logistic3A_25 : vector<1000x256xf32>
    %logistic3A_27 = arith.constant 1.000000e+00 : f32
    %logistic3A_28 = vector.broadcast %logistic3A_27 : f32 to vector<1000x256xf32>
    %logistic3A_29 = arith.addf %logistic3A_28, %logistic3A_26 : vector<1000x256xf32>
    %logistic3A_30 = arith.divf %logistic3A_28, %logistic3A_29 : vector<1000x256xf32>
    %mul3A_31 = arith.mulf %add3A_24, %logistic3A_30 : vector<1000x256xf32>
    %slice3A = vector.extract_strided_slice %mul3A_31 {offsets = [0, 0], sizes = [1000, 128], strides = [1, 1]} : vector<1000x256xf32> to vector<1000x128xf32>
    %convert_element_type3A = arith.truncf %slice3A : vector<1000x128xf32> to vector<1000x128xbf16>
    %bitcast_convert_type3A = tpu.bitcast %convert_element_type3A : vector<1000x128xbf16> -> vector<1000x128xi16>
    %convert_element_type3A_32 = arith.extsi %bitcast_convert_type3A : vector<1000x128xi16> to vector<1000x128xi32>
    %and3A = arith.constant 65535 : i32
    %and3A_33 = vector.broadcast %and3A : i32 to vector<1000x128xi32>
    %and3A_34 = arith.andi %convert_element_type3A_32, %and3A_33 : vector<1000x128xi32>
    %slice3A_35 = vector.extract_strided_slice %mul3A_31 {offsets = [0, 128], sizes = [1000, 128], strides = [1, 1]} : vector<1000x256xf32> to vector<1000x128xf32>
    %convert_element_type3A_36 = arith.truncf %slice3A_35 : vector<1000x128xf32> to vector<1000x128xbf16>
    %bitcast_convert_type3A_37 = tpu.bitcast %convert_element_type3A_36 : vector<1000x128xbf16> -> vector<1000x128xi16>
    %convert_element_type3A_38 = arith.extsi %bitcast_convert_type3A_37 : vector<1000x128xi16> to vector<1000x128xi32>
    %shift_left3A = arith.constant 16 : i32
    %shift_left3A_39 = vector.broadcast %shift_left3A : i32 to vector<1000x128xi32>
    %shift_left3A_40 = arith.shli %convert_element_type3A_38, %shift_left3A_39 : vector<1000x128xi32>
    %or3A = arith.ori %and3A_34, %shift_left3A_40 : vector<1000x128xi32>
    %swap3A = arith.constant 0 : index
    %swap3A_41 = arith.constant 0 : index
    %swap3A_42 = vector.load %arg6[%swap3A, %swap3A_41] : memref<1000x128xi32, #tpu.memory_space<vmem>>, vector<1000x128xi32>
    tpu.vector_store %arg6[%swap3A, %swap3A_41], %or3A {strides = array<i32>} : memref<1000x128xi32, #tpu.memory_space<vmem>>, vector<1000x128xi32>,
    return
  }
  func.func @transform_0(%arg0: i32) -> (i32, i32) {
    %c0_i32 = arith.constant 0 : i32
    %c0_i32_0 = arith.constant 0 : i32
    return %arg0, %c0_i32 : i32, i32
  }
  func.func @transform_1(%arg0: i32) -> (i32, i32) {
    %c0_i32 = arith.constant 0 : i32
    %c0_i32_0 = arith.constant 0 : i32
    %c0_i32_1 = arith.constant 0 : i32
    return %c0_i32, %c0_i32_0 : i32, i32
  }
  func.func @transform_2(%arg0: i32) -> (i32, i32) {
    %c0_i32 = arith.constant 0 : i32
    %c0_i32_0 = arith.constant 0 : i32
    %c0_i32_1 = arith.constant 0 : i32
    return %c0_i32, %c0_i32_0 : i32, i32
  }
  func.func @transform_3(%arg0: i32) -> (i32, i32) {
    %c0_i32 = arith.constant 0 : i32
    %c0_i32_0 = arith.constant 0 : i32
    %c0_i32_1 = arith.constant 0 : i32
    return %c0_i32, %c0_i32_0 : i32, i32
  }
  func.func @transform_4(%arg0: i32) -> (i32, i32) {
    %c0_i32 = arith.constant 0 : i32
    %c0_i32_0 = arith.constant 0 : i32
    %c0_i32_1 = arith.constant 0 : i32
    return %c0_i32, %c0_i32_0 : i32, i32
  }
  func.func @transform_5(%arg0: i32) -> (i32, i32) {
    %c0_i32 = arith.constant 0 : i32
    %c0_i32_0 = arith.constant 0 : i32
    return %arg0, %c0_i32 : i32, i32
  }
}

module attributes {stable_mosaic.version = 14 : i64} {
  func.func @_k3_body(%arg0: i32, %arg1: memref<1000x128xi32, #tpu.memory_space<vmem>>, %arg2: memref<1000x128xi32, #tpu.memory_space<vmem>>, %arg3: memref<1000x128xf32, #tpu.memory_space<vmem>>, %arg4: memref<1000x128xf32, #tpu.memory_space<vmem>>, %arg5: memref<128x128xf32, #tpu.memory_space<vmem>>, %arg6: memref<1x128xf32, #tpu.memory_space<vmem>>, %arg7: memref<128x128xf32, #tpu.memory_space<vmem>>, %arg8: memref<1x128xf32, #tpu.memory_space<vmem>>, %arg9: memref<128x128xf32, #tpu.memory_space<vmem>>, %arg10: memref<128x128xf32, #tpu.memory_space<vmem>>, %arg11: memref<1x128xf32, #tpu.memory_space<vmem>>, %arg12: memref<128x128xf32, #tpu.memory_space<vmem>>, %arg13: memref<1000x128xf32, #tpu.memory_space<vmem>>) attributes {dimension_semantics = [#tpu.dimension_semantics<arbitrary>], iteration_bounds = array<i64: 480>, scalar_prefetch = 0 : i64, scratch_operands = 0 : i64, tpu.core_type = #tpu.core_type<tc>, window_params = [{transform_indices = @transform_0, window_bounds = array<i64: 1000, 128>}, {transform_indices = @transform_1, window_bounds = array<i64: 1000, 128>}, {transform_indices = @transform_2, window_bounds = array<i64: 1000, 128>}, {transform_indices = @transform_3, window_bounds = array<i64: 1000, 128>}, {pipeline_mode = #tpu.pipeline_mode<synchronous>, transform_indices = @transform_4, window_bounds = array<i64: 128, 128>}, {pipeline_mode = #tpu.pipeline_mode<synchronous>, transform_indices = @transform_5, window_bounds = array<i64: 1, 128>}, {pipeline_mode = #tpu.pipeline_mode<synchronous>, transform_indices = @transform_6, window_bounds = array<i64: 128, 128>}, {pipeline_mode = #tpu.pipeline_mode<synchronous>, transform_indices = @transform_7, window_bounds = array<i64: 1, 128>}, {pipeline_mode = #tpu.pipeline_mode<synchronous>, transform_indices = @transform_8, window_bounds = array<i64: 128, 128>}, {pipeline_mode = #tpu.pipeline_mode<synchronous>, transform_indices = @transform_9, window_bounds = array<i64: 128, 128>}, {pipeline_mode = #tpu.pipeline_mode<synchronous>, transform_indices = @transform_10, window_bounds = array<i64: 1, 128>}, {pipeline_mode = #tpu.pipeline_mode<synchronous>, transform_indices = @transform_11, window_bounds = array<i64: 128, 128>}, {transform_indices = @transform_12, window_bounds = array<i64: 1000, 128>}]} {
    %get3A = arith.constant 0 : index
    %get3A_0 = arith.constant 0 : index
    %get3A_1 = vector.load %arg1[%get3A, %get3A_0] : memref<1000x128xi32, #tpu.memory_space<vmem>>, vector<1000x128xi32>
    %get3A_2 = arith.constant 0 : index
    %get3A_3 = arith.constant 0 : index
    %get3A_4 = vector.load %arg2[%get3A_2, %get3A_3] : memref<1000x128xi32, #tpu.memory_space<vmem>>, vector<1000x128xi32>
    %shift_left3A = arith.constant 16 : i32
    %shift_left3A_5 = vector.broadcast %shift_left3A : i32 to vector<1000x128xi32>
    %shift_left3A_6 = arith.shli %get3A_1, %shift_left3A_5 : vector<1000x128xi32>
    %bitcast_convert_type3A = tpu.bitcast %shift_left3A_6 : vector<1000x128xi32> -> vector<1000x128xf32>
    %shift_left3A_7 = arith.constant 16 : i32
    %shift_left3A_8 = vector.broadcast %shift_left3A_7 : i32 to vector<1000x128xi32>
    %shift_left3A_9 = arith.shli %get3A_4, %shift_left3A_8 : vector<1000x128xi32>
    %bitcast_convert_type3A_10 = tpu.bitcast %shift_left3A_9 : vector<1000x128xi32> -> vector<1000x128xf32>
    %and3A = arith.constant -65536 : i32
    %and3A_11 = vector.broadcast %and3A : i32 to vector<1000x128xi32>
    %and3A_12 = arith.andi %get3A_1, %and3A_11 : vector<1000x128xi32>
    %bitcast_convert_type3A_13 = tpu.bitcast %and3A_12 : vector<1000x128xi32> -> vector<1000x128xf32>
    %and3A_14 = arith.constant -65536 : i32
    %and3A_15 = vector.broadcast %and3A_14 : i32 to vector<1000x128xi32>
    %and3A_16 = arith.andi %get3A_4, %and3A_15 : vector<1000x128xi32>
    %bitcast_convert_type3A_17 = tpu.bitcast %and3A_16 : vector<1000x128xi32> -> vector<1000x128xf32>
    %get3A_18 = arith.constant 0 : index
    %get3A_19 = arith.constant 0 : index
    %get3A_20 = vector.load %arg3[%get3A_18, %get3A_19] : memref<1000x128xf32, #tpu.memory_space<vmem>>, vector<1000x128xf32>
    %mul3A = arith.mulf %bitcast_convert_type3A, %get3A_20 : vector<1000x128xf32>
    %mul3A_21 = arith.mulf %mul3A, %bitcast_convert_type3A_10 : vector<1000x128xf32>
    %get3A_22 = arith.constant 0 : index
    %get3A_23 = arith.constant 0 : index
    %get3A_24 = vector.load %arg4[%get3A_22, %get3A_23] : memref<1000x128xf32, #tpu.memory_space<vmem>>, vector<1000x128xf32>
    %mul3A_25 = arith.mulf %bitcast_convert_type3A_13, %get3A_24 : vector<1000x128xf32>
    %mul3A_26 = arith.mulf %mul3A_25, %bitcast_convert_type3A_17 : vector<1000x128xf32>
    %get3A_27 = arith.constant 0 : index
    %get3A_28 = arith.constant 0 : index
    %get3A_29 = vector.load %arg5[%get3A_27, %get3A_28] : memref<128x128xf32, #tpu.memory_space<vmem>>, vector<128x128xf32>
    %dot_general3A = arith.constant dense<0.000000e+00> : vector<1000x128xf32>
    %dot_general3A_30 = tpu.matmul %mul3A_21, %get3A_29, %dot_general3A {dimension_numbers = #tpu.dot_dimension_numbers<[1], [0], [0], [1], [0, 0, 1, 1], [], []>, transpose_lhs_hint = false} : vector<1000x128xf32>, vector<128x128xf32>, vector<1000x128xf32> -> vector<1000x128xf32>
    %get3A_31 = arith.constant 0 : index
    %get3A_32 = arith.constant 0 : index
    %get3A_33 = vector.load %arg6[%get3A_31, %get3A_32] : memref<1x128xf32, #tpu.memory_space<vmem>>, vector<1x128xf32>
    %add3A = vector.broadcast %get3A_33 : vector<1x128xf32> to vector<1000x128xf32>
    %add3A_34 = arith.addf %dot_general3A_30, %add3A : vector<1000x128xf32>
    %logistic3A = arith.negf %add3A_34 : vector<1000x128xf32>
    %logistic3A_35 = math.exp %logistic3A : vector<1000x128xf32>
    %logistic3A_36 = arith.constant 1.000000e+00 : f32
    %logistic3A_37 = vector.broadcast %logistic3A_36 : f32 to vector<1000x128xf32>
    %logistic3A_38 = arith.addf %logistic3A_37, %logistic3A_35 : vector<1000x128xf32>
    %logistic3A_39 = arith.divf %logistic3A_37, %logistic3A_38 : vector<1000x128xf32>
    %mul3A_40 = arith.mulf %add3A_34, %logistic3A_39 : vector<1000x128xf32>
    %get3A_41 = arith.constant 0 : index
    %get3A_42 = arith.constant 0 : index
    %get3A_43 = vector.load %arg7[%get3A_41, %get3A_42] : memref<128x128xf32, #tpu.memory_space<vmem>>, vector<128x128xf32>
    %dot_general3A_44 = arith.constant dense<0.000000e+00> : vector<1000x128xf32>
    %dot_general3A_45 = tpu.matmul %mul3A_26, %get3A_43, %dot_general3A_44 {dimension_numbers = #tpu.dot_dimension_numbers<[1], [0], [0], [1], [0, 0, 1, 1], [], []>, transpose_lhs_hint = false} : vector<1000x128xf32>, vector<128x128xf32>, vector<1000x128xf32> -> vector<1000x128xf32>
    %get3A_46 = arith.constant 0 : index
    %get3A_47 = arith.constant 0 : index
    %get3A_48 = vector.load %arg8[%get3A_46, %get3A_47] : memref<1x128xf32, #tpu.memory_space<vmem>>, vector<1x128xf32>
    %add3A_49 = vector.broadcast %get3A_48 : vector<1x128xf32> to vector<1000x128xf32>
    %add3A_50 = arith.addf %dot_general3A_45, %add3A_49 : vector<1000x128xf32>
    %logistic3A_51 = arith.negf %add3A_50 : vector<1000x128xf32>
    %logistic3A_52 = math.exp %logistic3A_51 : vector<1000x128xf32>
    %logistic3A_53 = arith.constant 1.000000e+00 : f32
    %logistic3A_54 = vector.broadcast %logistic3A_53 : f32 to vector<1000x128xf32>
    %logistic3A_55 = arith.addf %logistic3A_54, %logistic3A_52 : vector<1000x128xf32>
    %logistic3A_56 = arith.divf %logistic3A_54, %logistic3A_55 : vector<1000x128xf32>
    %mul3A_57 = arith.mulf %add3A_50, %logistic3A_56 : vector<1000x128xf32>
    %get3A_58 = arith.constant 0 : index
    %get3A_59 = arith.constant 0 : index
    %get3A_60 = vector.load %arg9[%get3A_58, %get3A_59] : memref<128x128xf32, #tpu.memory_space<vmem>>, vector<128x128xf32>
    %dot_general3A_61 = arith.constant dense<0.000000e+00> : vector<1000x128xf32>
    %dot_general3A_62 = tpu.matmul %mul3A_40, %get3A_60, %dot_general3A_61 {dimension_numbers = #tpu.dot_dimension_numbers<[1], [0], [0], [1], [0, 0, 1, 1], [], []>, transpose_lhs_hint = false} : vector<1000x128xf32>, vector<128x128xf32>, vector<1000x128xf32> -> vector<1000x128xf32>
    %get3A_63 = arith.constant 0 : index
    %get3A_64 = arith.constant 0 : index
    %get3A_65 = vector.load %arg10[%get3A_63, %get3A_64] : memref<128x128xf32, #tpu.memory_space<vmem>>, vector<128x128xf32>
    %dot_general3A_66 = arith.constant dense<0.000000e+00> : vector<1000x128xf32>
    %dot_general3A_67 = tpu.matmul %mul3A_57, %get3A_65, %dot_general3A_66 {dimension_numbers = #tpu.dot_dimension_numbers<[1], [0], [0], [1], [0, 0, 1, 1], [], []>, transpose_lhs_hint = false} : vector<1000x128xf32>, vector<128x128xf32>, vector<1000x128xf32> -> vector<1000x128xf32>
    %add3A_68 = arith.addf %dot_general3A_62, %dot_general3A_67 : vector<1000x128xf32>
    %get3A_69 = arith.constant 0 : index
    %get3A_70 = arith.constant 0 : index
    %get3A_71 = vector.load %arg11[%get3A_69, %get3A_70] : memref<1x128xf32, #tpu.memory_space<vmem>>, vector<1x128xf32>
    %add3A_72 = vector.broadcast %get3A_71 : vector<1x128xf32> to vector<1000x128xf32>
    %add3A_73 = arith.addf %add3A_68, %add3A_72 : vector<1000x128xf32>
    %logistic3A_74 = arith.negf %add3A_73 : vector<1000x128xf32>
    %logistic3A_75 = math.exp %logistic3A_74 : vector<1000x128xf32>
    %logistic3A_76 = arith.constant 1.000000e+00 : f32
    %logistic3A_77 = vector.broadcast %logistic3A_76 : f32 to vector<1000x128xf32>
    %logistic3A_78 = arith.addf %logistic3A_77, %logistic3A_75 : vector<1000x128xf32>
    %logistic3A_79 = arith.divf %logistic3A_77, %logistic3A_78 : vector<1000x128xf32>
    %mul3A_80 = arith.mulf %add3A_73, %logistic3A_79 : vector<1000x128xf32>
    %get3A_81 = arith.constant 0 : index
    %get3A_82 = arith.constant 0 : index
    %get3A_83 = vector.load %arg12[%get3A_81, %get3A_82] : memref<128x128xf32, #tpu.memory_space<vmem>>, vector<128x128xf32>
    %dot_general3A_84 = arith.constant dense<0.000000e+00> : vector<1000x128xf32>
    %dot_general3A_85 = tpu.matmul %mul3A_80, %get3A_83, %dot_general3A_84 {dimension_numbers = #tpu.dot_dimension_numbers<[1], [0], [0], [1], [0, 0, 1, 1], [], []>, transpose_lhs_hint = false} : vector<1000x128xf32>, vector<128x128xf32>, vector<1000x128xf32> -> vector<1000x128xf32>
    %swap3A = arith.constant 0 : index
    %swap3A_86 = arith.constant 0 : index
    %swap3A_87 = vector.load %arg13[%swap3A, %swap3A_86] : memref<1000x128xf32, #tpu.memory_space<vmem>>, vector<1000x128xf32>
    tpu.vector_store %arg13[%swap3A, %swap3A_86], %dot_general3A_85 {strides = array<i32>} : memref<1000x128xf32, #tpu.memory_space<vmem>>, vector<1000x128xf32>,
    return
  }
  func.func @transform_0(%arg0: i32) -> (i32, i32) {
    %c0_i32 = arith.constant 0 : i32
    %c0_i32_0 = arith.constant 0 : i32
    return %arg0, %c0_i32 : i32, i32
  }
  func.func @transform_1(%arg0: i32) -> (i32, i32) {
    %c0_i32 = arith.constant 0 : i32
    %c0_i32_0 = arith.constant 0 : i32
    return %arg0, %c0_i32 : i32, i32
  }
  func.func @transform_2(%arg0: i32) -> (i32, i32) {
    %c0_i32 = arith.constant 0 : i32
    %c0_i32_0 = arith.constant 0 : i32
    return %arg0, %c0_i32 : i32, i32
  }
  func.func @transform_3(%arg0: i32) -> (i32, i32) {
    %c0_i32 = arith.constant 0 : i32
    %c0_i32_0 = arith.constant 0 : i32
    return %arg0, %c0_i32 : i32, i32
  }
  func.func @transform_4(%arg0: i32) -> (i32, i32) {
    %c0_i32 = arith.constant 0 : i32
    %c0_i32_0 = arith.constant 0 : i32
    %c0_i32_1 = arith.constant 0 : i32
    return %c0_i32, %c0_i32_0 : i32, i32
  }
  func.func @transform_5(%arg0: i32) -> (i32, i32) {
    %c0_i32 = arith.constant 0 : i32
    %c0_i32_0 = arith.constant 0 : i32
    %c0_i32_1 = arith.constant 0 : i32
    return %c0_i32, %c0_i32_0 : i32, i32
  }
  func.func @transform_6(%arg0: i32) -> (i32, i32) {
    %c0_i32 = arith.constant 0 : i32
    %c0_i32_0 = arith.constant 0 : i32
    %c0_i32_1 = arith.constant 0 : i32
    return %c0_i32, %c0_i32_0 : i32, i32
  }
  func.func @transform_7(%arg0: i32) -> (i32, i32) {
    %c0_i32 = arith.constant 0 : i32
    %c0_i32_0 = arith.constant 0 : i32
    %c0_i32_1 = arith.constant 0 : i32
    return %c0_i32, %c0_i32_0 : i32, i32
  }
  func.func @transform_8(%arg0: i32) -> (i32, i32) {
    %c0_i32 = arith.constant 0 : i32
    %c0_i32_0 = arith.constant 0 : i32
    %c0_i32_1 = arith.constant 0 : i32
    return %c0_i32, %c0_i32_0 : i32, i32
  }
  func.func @transform_9(%arg0: i32) -> (i32, i32) {
    %c0_i32 = arith.constant 0 : i32
    %c0_i32_0 = arith.constant 0 : i32
    %c0_i32_1 = arith.constant 0 : i32
    return %c0_i32, %c0_i32_0 : i32, i32
  }
  func.func @transform_10(%arg0: i32) -> (i32, i32) {
    %c0_i32 = arith.constant 0 : i32
    %c0_i32_0 = arith.constant 0 : i32
    %c0_i32_1 = arith.constant 0 : i32
    return %c0_i32, %c0_i32_0 : i32, i32
  }
  func.func @transform_11(%arg0: i32) -> (i32, i32) {
    %c0_i32 = arith.constant 0 : i32
    %c0_i32_0 = arith.constant 0 : i32
    %c0_i32_1 = arith.constant 0 : i32
    return %c0_i32, %c0_i32_0 : i32, i32
  }
  func.func @transform_12(%arg0: i32) -> (i32, i32) {
    %c0_i32 = arith.constant 0 : i32
    %c0_i32_0 = arith.constant 0 : i32
    return %arg0, %c0_i32 : i32, i32
  }
}

</mosaic_0001>

<sc_bundles>
// kernel: kernel.6.cloned.1.call-start
scs
__scs_entry_jumppad:
0x0: {  	(pc) =	sbr.rel $0x88, $3  }
0x1: {  	(tag) =	ssettag $0x0;
	lr =	simm.s32 $0x1  }
0x2: {  	[smem:$0x3F90] =	sst lr;
	_ =	strace $0xD0000000  }
0x3: {  	_ = 	snop  }
0x4: {  	_ = 	snop  }
0x5: {  	_ = 	snop  }
0x6: {  	_ = 	snop  }
0x7: {  	_ = 	snop  }
__scs_overlays_trampoline_lowered:
0x8: {  	[smem:$0x3F9F] =	sst s0  }
0x9: {  	[smem:$0x3FA0] =	sst s1  }
0xa: {  	[smem:$0x3FA1] =	sst s2  }
0xb: {  	[smem:$0x3FA2] =	sst s3  }
0xc: {  	[smem:$0x3FA3] =	sst s4  }
0xd: {  	[smem:$0x3FA4] =	sst s5  }
0xe: {  	[smem:$0x3FA5] =	sst s6  }
0xf: {  	[smem:$0x3FA6] =	sst s7  }
0x10: {  	[smem:$0x3FA7] =	sst s8  }
0x11: {  	[smem:$0x3FA8] =	sst s9;
	s0 =	simm.s32 @!p0 $0x0  }
0x12: {  	s1 =	sld [smem:$0x3F8E];
	s0 =	simm.s32 @p0 $0x1  }
0x13: {  	[smem:$0x3FA9] =	sst s0;
	s0 =	simm.s32 @!p1 $0x0  }
0x14: {  	s2 =	sld [smem:$0x3F8D];
	s0 =	simm.s32 @p1 $0x1  }
0x15: {  	[smem:$0x3FAA] =	sst s0;
	s0 =	simm.s32 @!p2 $0x0  }
0x16: {  	s3 =	sld [smem:$0x3FDB];
	s0 =	simm.s32 @p2 $0x1  }
0x17: {  	s4 =	simm.s32 $0x1BF5;
	[smem:$0x3FAC] =	sst s0  }
0x18: {  	s0 =	sld [smem:$0x3F8F];
	_ =	swait.ge [sflag:s4], $0x0  }
0x19: {  	s7 =	sld [smem:$0x3F90]  }
0x1a: {  	s8 =	sadd.s32 $0xFFFFE003, lr  }
0x1b: {  	s9 =	sadd.s32 $0xFFFFFEF7, lr;
	s5 =	simm.s32 $0xFFFFFFFF;
	p2 =	slt.u32 s8, $0xFFFFF086  }
0x1c: {  	p1 =	slt.u32 s9, $0xF7A;
	s5 =	simm.s32 @!p2 $0x0  }
0x1d: {  	s5 =	simm.s32 @p1 $0x1;
	p0 =	seq.s32 s7, s2  }
0x1e: {  	s7 =	smul.u32 @!p0 $0xF7A, s2;
	p2 =	seq.s32 @!p0 s5, $0x0  }
0x1f: {  	s9 =	smul.u32 $0xF7A, s1;
	s8 =	simm.s32 @!p0 $0x1BF5;
	p2 =	por !p2, p0  }
0x20: {  	[sflag:s8] =	ssyncset.s32 @!p0 $0xFFFFF086;
	s6 =	sadd.s32 @!p0 s3, s7;
	s7 =	simm.s32 @!p0 $0x108  }
0x21: {  	s3 =	sadd.s32 s3, s9;
	s6 =	sadd.s32 @!p0 $0x88, s6;
	s7 =	simm.s32 @p2 $0x1082  }
0x22: {  	[simem:s7], [sflag:s8] =	dma.local @!p0 [hbm:s6], $0xF7A  }
0x23: {  	s9 =	sor.u32 $0xD0000000, s2;
	s6 =	simm.s32 $0x108;
	_ =	swait.ge @!p0 [sflag:s8], $0x0  }
0x24: {  	s3 =	sadd.s32 $0x88, s3;
	s6 =	simm.s32 @!p1 $0x1082;
	[sflag:s4] =	ssyncset.s32 $0xFFFFF086  }
0x25: {  	[simem:s6], [sflag:s4] =	dma.local [hbm:s3], $0xF7A  }
0x26: {  	[smem:$0x3F90] =	sst s1;
	(tag) =	ssettag s2;
	_ =	strace s9  }
0x27: {  	s1 =	sld [smem:$0x3FA0]  }
0x28: {  	s2 =	sld [smem:$0x3FA1]  }
0x29: {  	s4 =	sld [smem:$0x3FA3]  }
0x2a: {  	p0 =	seq.s32 s5, $0x0;
	s5 =	sld [smem:$0x3FA4]  }
0x2b: {  	s6 =	sld [smem:$0x3FA5]  }
0x2c: {  	s7 =	sld [smem:$0x3FA6]  }
0x2d: {  	s3 =	simm.s32 $0x108;
	s8 =	sld [smem:$0x3FA7]  }
0x2e: {  	s3 =	simm.s32 @!p0 $0x1082;
	s9 =	sld [smem:$0x3FA8]  }
0x2f: {  	lr =	sadd.s32 s0, s3;
	s0 =	sld [smem:$0x3F9F]  }
0x30: {  	s3 =	sld [smem:$0x3FA2]  }
0x31: {  	[smem:$0x3FAB] =	sst s10  }
0x32: {  	s10 =	sld [smem:$0x3FA9];
	_ =	sdelay $0x3  }
0x33: {  	p0 =	seq.s32 s10, $0x1;
	s10 =	sld [smem:$0x3FAB];
	_ =	sdelay $0x3  }
0x34: {  	[smem:$0x3FAB] =	sst s10  }
0x35: {  	s10 =	sld [smem:$0x3FAA];
	_ =	sdelay $0x3  }
0x36: {  	p1 =	seq.s32 s10, $0x1;
	s10 =	sld [smem:$0x3FAB];
	_ =	sdelay $0x3  }
0x37: {  	[smem:$0x3FAB] =	sst s10  }
0x38: {  	s10 =	sld [smem:$0x3FAC]  }
0x39: {  	_ = 	snop;
	(pc) =	sbr.ind lr, $3  }
0x3a: {  	_ = 	snop  }
0x3b: {  	_ = 	snop  }
0x3c: {  	p2 =	seq.s32 s10, $0x1;
	s10 =	sld [smem:$0x3FAB]  }
0x3d: {  	_ =	shalt  }
0x3e: {  	_ =	shalt  }
0x3f: {  	_ =	shalt  }
0x40: {  	_ =	shalt  }
0x41: {  	_ =	shalt  }
0x42: {  	_ =	shalt  }
0x43: {  	_ =	shalt  }
0x44: {  	_ =	shalt  }
0x45: {  	_ =	shalt  }
0x46: {  	_ =	shalt  }
0x47: {  	_ =	shalt  }
0x48: {  	_ =	shalt  }
0x49: {  	_ =	shalt  }
0x4a: {  	_ =	shalt  }
0x4b: {  	_ =	shalt  }
0x4c: {  	_ =	shalt  }
0x4d: {  	_ =	shalt  }
0x4e: {  	_ =	shalt  }
0x4f: {  	_ =	shalt  }
0x50: {  	_ =	shalt  }
0x51: {  	_ =	shalt  }
0x52: {  	_ =	shalt  }
0x53: {  	_ =	shalt  }
0x54: {  	_ =	shalt  }
0x55: {  	_ =	shalt  }
0x56: {  	_ =	shalt  }
0x57: {  	_ =	shalt  }
0x58: {  	_ =	shalt  }
0x59: {  	_ =	shalt  }
0x5a: {  	_ =	shalt  }
0x5b: {  	_ =	shalt  }
0x5c: {  	_ =	shalt  }
0x5d: {  	_ =	shalt  }
0x5e: {  	_ =	shalt  }
0x5f: {  	_ =	shalt  }
0x60: {  	_ =	shalt  }
0x61: {  	_ =	shalt  }
0x62: {  	_ =	shalt  }
0x63: {  	_ =	shalt  }
0x64: {  	_ =	shalt  }
0x65: {  	_ =	shalt  }
0x66: {  	_ =	shalt  }
0x67: {  	_ =	shalt  }
0x68: {  	_ =	shalt  }
0x69: {  	_ =	shalt  }
0x6a: {  	_ =	shalt  }
0x6b: {  	_ =	shalt  }
0x6c: {  	_ =	shalt  }
0x6d: {  	_ =	shalt  }
0x6e: {  	_ =	shalt  }
0x6f: {  	_ =	shalt  }
0x70: {  	_ =	shalt  }
0x71: {  	_ =	shalt  }
0x72: {  	_ =	shalt  }
0x73: {  	_ =	shalt  }
0x74: {  	_ =	shalt  }
0x75: {  	_ =	shalt  }
0x76: {  	_ =	shalt  }
0x77: {  	_ =	shalt  }
0x78: {  	_ =	shalt  }
0x79: {  	_ =	shalt  }
0x7a: {  	_ =	shalt  }
0x7b: {  	_ =	shalt  }
0x7c: {  	_ =	shalt  }
0x7d: {  	_ =	shalt  }
0x7e: {  	_ =	shalt  }
0x7f: {  	_ =	shalt  }
0x80: {  	_ =	shalt  }
0x81: {  	_ =	shalt  }
0x82: {  	_ =	shalt  }
0x83: {  	_ =	shalt  }
0x84: {  	_ =	shalt  }
0x85: {  	_ =	shalt  }
0x86: {  	_ =	shalt  }
0x87: {  	_ =	shalt  }
.Lfunc_end0:
.L_simem_size_0:
called_computation_lowered:
.L_overlay_start_0:
0x88: {  	s2 =	sld [smem:$0x3FD9]  }
0x89: {  	s3 =	sld [smem:$0x3FFE];
	_ =	sdelay $0x1  }
0x8a: {  	s1 =	srdreg.scid  }
0x8b: {  	s0 =	sand.u32 $0x1, s1  }
0x8c: {  	s17 =	sshll.u32 s0, $0xA;
	s2 =	sadd.s32 s3, s2  }
0x8d: {  	s2 =	sadd.s32 s2, s17  }
0x8e: {  	[smem:$0x3FB7] =	sst s2  }
0x8f: {  	_ = 	snop  }
0x90: {  	s2 =	sld [smem:$0x3FC6]  }
0x91: {  	s18 =	sld [smem:$0x3FC5]  }
0x92: {  	s4 =	sld [smem:$0x3FD0];
	(tm) =	ssettm $0x1  }
0x93: {  	s5 =	sld [smem:$0x3FFB];
	_ =	sdelay $0x3  }
0x94: {  	_ =	strace s5  }
0x95: {  	s5 =	sld [smem:$0x3FFC];
	_ =	sdelay $0x3  }
0x96: {  	_ =	strace s5  }
0x97: {  	s5 =	sld [smem:$0x3FFD];
	_ =	sdelay $0x3  }
0x98: {  	_ =	strace s5  }
0x99: {  	_ =	strace $0x8FFFFFFF  }
0x9a: {  	s19 =	sld [smem:$0x3FDB];
	_ =	sdelay $0x1  }
0x9b: {  	s6 =	simm.s32 $_scs_section_size  }
0x9c: {  	s7 =	simm.s32 $_size__tile_overlayer_lowered;
	s8 =	simm.s32 $_tile_overlayer_lowered  }
0x9d: {  	s22 =	simm.s32 $0x1BFF;
	s21 =	sshll.u32 s8, $0x1;
	s5 =	sadd.s32 s6, s19  }
0x9e: {  	s9 =	simm.s32 $0x0;
	s20 =	sshll.u32 s7, $0x1;
	s7 =	sadd.s32 s21, s5  }
0x9f: {  	[timem:s9], [sflag:s22] =	dma.local [hbm:s7], s20  }
0xa0: {  	_ =	swait.ge [sflag:s22], s20  }
0xa1: {  	s6 =	ssub.s32 $0x0, s20;
	[sflag:s22] =	ssyncset.done $0x0  }
0xa2: {  	[sflag:s22] =	ssyncadd.s32 s6;
	_ =	sdelay $0x1  }
0xa3: {  	s23 =	simm.s32 $0x1B8B  }
0xa4: {  	_ =	swait.ge [sflag:s23], $0x1  }
0xa5: {  	[sflag:s23] =	ssyncset.done $0x0  }
0xa6: {  	s25 =	simm.s32 $0x1B8E;
	s24 =	sld [smem:$0x3FFE];
	[sflag:s23] =	ssyncadd.s32 $0xFFFFFFFF  }
0xa7: {  	s26 =	simm.s32 $execute0_lowered;
	[smem:$0x3FD2] =	sst s25  }
0xa8: {  	s7 =	sshll.u32 s26, $0x1;
	_ =	strace $0x80000046;
	[dreg:$0x1] =	wrdreg $0xFFFFFFFF  }
0xa9: {  	s28 =	simm.s32 $_size_execute0_lowered;
	s5 =	sadd.s32 s5, s7;
	[dreg:$0x0] =	wrdreg $0x0  }
0xaa: {  	s7 =	sshll.u32 s28, $0x1;
	[dreg:$0x2] =	wrdreg s5  }
0xab: {  	[dreg:$0x3] =	wrdreg s7  }
0xac: {  	[dreg:$0x4] =	wrdreg $0xC0  }
0xad: {  	_ =	task [dreg:s9], $0x5FFFF  }
0xae: {  	[dreg:$0x1] =	wrdreg $0xFFFFFFFF  }
0xaf: {  	[dreg:$0x0] =	wrdreg $0x60  }
0xb0: {  	[dreg:$0x2] =	wrdreg s4  }
0xb1: {  	[dreg:$0x3] =	wrdreg s2  }
0xb2: {  	[dreg:$0x4] =	wrdreg s18  }
0xb3: {  	[dreg:$0x5] =	wrdreg s24  }
0xb4: {  	[dreg:$0x6] =	wrdreg $0x9  }
0xb5: {  	_ =	task.clear_ibuf [dreg:s9], $0x7FFFF;
	_ =	strace $0x90000046  }
0xb6: {  	s29 =	simm.s32 $0x9;
	_ =	strace $0x80000048  }
0xb7: {  	_ =	swait.ge [sflag:s29], $0x1  }
0xb8: {  	[sflag:s29] =	ssyncadd.s32 $0xFFFFFFFF  }
0xb9: {  	_ =	strace $0x90000048  }
0xba: {  	_ =	sfence  }
0xbb: {  	s30 =	sld [smem:$0x0];
	_ =	sdelay $0x2  }
0xbc: {  	s31 =	sshll.u32 s1, $0xD;
	s1 =	sshrl.u32 s1, $0x2  }
0xbd: {  	s3 =	sand.u32 $0x4000, s31;
	s1 =	sadd.s32 s1, s30  }
0xbe: {  	s0 =	sor.u32 s3, s0;
	s1 =	sshll.u32 s1, $0x11  }
0xbf: {  	s0 =	sor.u32 s1, s0  }
0xc0: {  	s0 =	sadd.s32 $0x8F2B, s0  }
0xc1: {  	[sflag:s0] =	ssyncadd.remote.s32 $0x1  }
0xc2: {  	_ =	sfence.sel $0xFFFF  }
0xc3: {  	[dreg:$0x0] =	wrdreg $0xFFFFFFFF;
	(pc) =	sbr.abs _section_cstart, $3  }
0xc4: {  	[dreg:$0x1] =	wrdreg $0xFFFFFFFF  }
0xc5: {  	_ =	task.clear_ibuf [dreg:s9], $0x2FFFF;
	_ =	strace $0x9FFFFFFF  }
0xc6: {  	(tm) =	ssettm $0x7FFFFFFF  }
0xc7: {  	_ =	shalt  }
tec
execute0_lowered:
.L_overlay_start_1:
0x0: {  	(tag) =	ssettag $0x1  }
0x1: {  	s1 =	rddreg [dreg:$0x0]  }
0x2: {  	s9 =	rddreg [dreg:$0x1]  }
0x3: {  	s10 =	rddreg [dreg:$0x2]  }
0x4: {  	s0 =	rddreg [dreg:$0x3];
	s8 =	stileid.u32  }
0x5: {  	s2 =	srdreg.scid;
	s5 =	simm.s32 $0x0;
	s29 =	simm.s32 $0x1700  }
0x6: {  	s30 =	simm.s32 $0x5300;
	s31 =	simm.s32 $0x4;
	s4 =	smul.u32 $0x75300, s8  }
0x7: {  	s2 =	sand.u32 $0x1, s2;
	s3 =	sshll.u32 s8, $0x1;
	s18 =	smul.u32 $0x7530, s8  }
0x8: {  	[smem:$0x7FF] =	sst s5;
	s8 =	simm.s32 $0x6;
	s20 =	smul.u32 $0x3A98, s2  }
0x9: {  	s6 =	ssub.s32 $0x2, s2;
	s3 =	sor.u32 s2, s3;
	s2 =	smul.u32 $0x3A980, s2  }
0xa: {  	_ =	strace $0x80000047;
	s7 =	sshrl.u32 s6, $0x1;
	s3 =	smul.u32 $0x3A98, s3  }
0xb: {  	s0 =	sadd.s32 s4, s0;
	s16 =	ssub.s32 s6, s7;
	s23 =	sadd.s32 s20, s18  }
0xc: {  	s0 =	sadd.s32 s2, s0;
	s20 =	simm.s32 $0x28;
	s2 =	simm.s32 $0x2B00  }
0xd: {  	s6 =	simm.s32 $0x6700;
	s7 =	simm.s32 $0x5;
	s17 =	sshrl.u32 s3, $0x3  }
0xe: {  	s3 =	sadd.s32 $0x28, s3;
	s25 =	sadd.s32 $0xC8, s23;
	s4 =	smax.u32 s16, $0x1  }
0xf: {  	s14 =	sadd.s32 $0x2000, s0;
	s15 =	sadd.s32 $0x755000, s0;
	s26 =	sadd.s32 $0xA0, s23  }
0x10: {  	s28 =	sadd.s32 $0x78, s23;
	s0 =	simm.s32 $0x3;
	s19 =	sadd.s32 s9, s17  }
0x11: {  	s3 =	sshrl.u32 s3, $0x3;
	s11 =	sadd.s32 s10, s17;
	[dreg:$0xb] =	wrdreg s4  }
0x12: {  	s22 =	sadd.s32 $0xA, s17;
	s13 =	sshrl.u32 s25, $0x3;
	[dreg:$0xc] =	wrdreg s28  }
0x13: {  	s16 =	sshrl.u32 s26, $0x3;
	s25 =	simm.s32 $0x100;
	[dreg:$0x5] =	wrdreg s19  }
.Ltmp0:
0x14: {  	[dreg:$0x6] =	wrdreg s11;
	s21 =	sadd.s32 s9, s3;
	(pc) =	sbr.rel .LBB2_1-.Ltmp0, $4  }
0x15: {  	s26 =	simm.s32 $0x280;
	s3 =	sadd.s32 s10, s3;
	[dreg:$0x7] =	wrdreg s21  }
0x16: {  	s4 =	simm.s32 $0x0;
	s24 =	sadd.s32 s9, s22;
	[dreg:$0x8] =	wrdreg s3  }
0x17: {  	s11 =	simm.s32 $0x9;
	[dreg:$0x9] =	wrdreg s24;
	s3 =	sadd.s32 s10, s22  }
0x18: {  	s21 =	simm.s32 $0x300;
	s22 =	simm.s32 $0x3F00;
	[dreg:$0xa] =	wrdreg s3  }
.LBB2_7:
0x19: {  	s3 =	simm.s32 $0x7  }
0x1a: {  	_ =	swait.ge [sflag:s3], $0x1400  }
0x1b: {  	[sflag:s3] =	ssyncset.done $0x0  }
0x1c: {  	[sflag:s3] =	ssyncadd.s32 $0xFFFFEC00  }
0x1d: {  	_ =	swait.ge [sflag:s3], $0x1400  }
0x1e: {  	[sflag:s3] =	ssyncset.done $0x0  }
0x1f: {  	s24 =	simm.s32 $0x8;
	[sflag:s3] =	ssyncadd.s32 $0xFFFFEC00  }
0x20: {  	_ =	swait.ge [sflag:s24], $0x1400  }
0x21: {  	[sflag:s24] =	ssyncset.done $0x0  }
0x22: {  	[sflag:s24] =	ssyncadd.s32 $0xFFFFEC00  }
0x23: {  	_ =	swait.ge [sflag:s24], $0x1400  }
0x24: {  	[sflag:s24] =	ssyncset.done $0x0  }
0x25: {  	[sflag:s24] =	ssyncadd.s32 $0xFFFFEC00  }
0x26: {  	_ =	swait.ge [sflag:s11], $0x1400  }
0x27: {  	[sflag:s11] =	ssyncset.done $0x0  }
0x28: {  	[sflag:s11] =	ssyncadd.s32 $0xFFFFEC00  }
0x29: {  	_ =	swait.ge [sflag:s11], $0x1400  }
0x2a: {  	s4 =	rddreg [dreg:$0xd]  }
0x2b: {  	s28 =	rddreg [dreg:$0xb];
	s4 =	sadd.s32 $0x1, s4  }
0x2c: {  	p0 =	sne.s32 s4, s28  }
.Ltmp1:
0x2d: {  	_ = 	snop;
	(pc) =	sbr.rel @!p0 .LBB2_8-.Ltmp1, $3  }
0x2e: {  	_ =	sdelay $0x1  }
0x2f: {  	[sflag:s11] =	ssyncset.done $0x0  }
0x30: {  	[sflag:s11] =	ssyncadd.s32 $0xFFFFEC00  }
.LBB2_1:
0x31: {  	[dreg:$0xd] =	wrdreg s4  }
0x32: {  	s3 =	rddreg [dreg:$0x5];
	s28 =	simm.s32 $0xA  }
0x33: {  	[tilespmem:s5], [sflag:$0xA] =	stream.linear.gather [hbm4b:s3+s5], $0x28, $0x38;
	[tilespmem:$0x7B00] =	vst v63  }
0x34: {  	_ =	swait.ge [sflag:s28], $0x28  }
0x35: {  	[sflag:s28] =	ssyncset.done $0x0  }
0x36: {  	s9 =	simm.s32 $0x180;
	s10 =	rddreg [dreg:$0x6];
	[sflag:s28] =	ssyncadd.s32 $0xFFFFFFD8  }
0x37: {  	[tilespmem:s9], [sflag:$0xA] =	stream.linear.gather [hbm4b:s10+s5], $0x28, $0x38;
	[tilespmem:$0x7B00] =	vst v63  }
0x38: {  	_ =	swait.ge [sflag:s28], $0x28  }
0x39: {  	[sflag:s28] =	ssyncset.done $0x0  }
0x3a: {  	[sflag:s28] =	ssyncadd.s32 $0xFFFFFFD8  }
0x3b: {  	[tilespmem:s21], [sflag:$0x4] =	stream.indirect.gather [hbm4b:s1+s20], $0x80, s9, s20, $0xb8;
	[tilespmem:$0x7B00] =	vst v63  }
0x3c: {  	_ = 	snop  }
0x3d: {  	[tilespmem:s22], [sflag:$0x4] =	stream.indirect.gather [hbm4b:s1+s20], $0x80, s5, s20, $0xb8;
	[tilespmem:$0x7B00] =	vst v63  }
0x3e: {  	s17 =	simm.s32 $0x80;
	s12 =	rddreg [dreg:$0x7]  }
0x3f: {  	[tilespmem:s17], [sflag:$0x2] =	stream.linear.gather [hbm4b:s12+s5], $0x28, $0x38;
	[tilespmem:$0x7B00] =	vst v63  }
0x40: {  	s19 =	simm.s32 $0x200;
	s18 =	rddreg [dreg:$0x8]  }
0x41: {  	[tilespmem:s19], [sflag:$0x2] =	stream.linear.gather [hbm4b:s18+s5], $0x28, $0x38;
	[tilespmem:$0x7B00] =	vst v63  }
0x42: {  	s23 =	rddreg [dreg:$0x9]  }
0x43: {  	[tilespmem:s25], [sflag:$0x3] =	stream.linear.gather [hbm4b:s23+s5], $0x28, $0x38;
	[tilespmem:$0x7B00] =	vst v63  }
0x44: {  	s24 =	rddreg [dreg:$0xa];
	s28 =	simm.s32 $0x2  }
0x45: {  	[tilespmem:s26], [sflag:$0x3] =	stream.linear.gather [hbm4b:s24+s5], $0x28, $0x38;
	[tilespmem:$0x7B00] =	vst v63  }
0x46: {  	_ =	swait.ge [sflag:s28], $0x28  }
0x47: {  	[sflag:s28] =	ssyncset.done $0x0  }
0x48: {  	[sflag:s28] =	ssyncadd.s32 $0xFFFFFFD8  }
0x49: {  	_ =	swait.ge [sflag:s28], $0x28  }
0x4a: {  	[sflag:s28] =	ssyncset.done $0x0  }
0x4b: {  	[sflag:s28] =	ssyncadd.s32 $0xFFFFFFD8  }
0x4c: {  	[tilespmem:s29], [sflag:$0x5] =	stream.indirect.gather [hbm4b:s1+s20], $0x80, s19, s20, $0xb8;
	[tilespmem:$0x7B00] =	vst v63  }
.Ltmp2:
0x4d: {  	_ = 	snop;
	(pc) =	sbr.rel .LBB2_2-.Ltmp2, $4  }
0x4e: {  	s3 =	rddreg [dreg:$0x1]  }
0x4f: {  	s4 =	rddreg [dreg:$0x2]  }
0x50: {  	[tilespmem:s30], [sflag:$0x5] =	stream.indirect.gather [hbm4b:s1+s20], $0x80, s17, s20, $0xb8;
	[tilespmem:$0x7B00] =	vst v63  }
0x51: {  	s18 =	simm.s32 $0x0;
	s17 =	rddreg [dreg:$0xc]  }
.LBB2_3:
0x52: {  	[tilespmem:s2], [sflag:$0x6] =	stream.indirect.gather [hbm4b:s1+s20], $0x80, s26, s20, $0xb8;
	[tilespmem:$0x7B00] =	vst v63  }
0x53: {  	_ = 	snop  }
0x54: {  	[tilespmem:s6], [sflag:$0x6] =	stream.indirect.gather [hbm4b:s1+s20], $0x80, s25, s20, $0xb8;
	[tilespmem:$0x7B00] =	vst v63  }
.LBB2_5:
0x55: {  	s10 =	sshrl.u32 s17, $0x3;
	s12 =	rddreg [dreg:$0x1]  }
0x56: {  	s23 =	rddreg [dreg:$0x2];
	s12 =	sadd.s32 s12, s10  }
0x57: {  	[tilespmem:s5], [sflag:$0x1] =	stream.linear.gather [hbm4b:s12+s5], $0x28, $0x38;
	[tilespmem:$0x7B00] =	vst v63  }
0x58: {  	s24 =	simm.s32 $0x180;
	p0 =	por $0x0, $0x0;
	s10 =	sadd.s32 s23, s10  }
0x59: {  	[tilespmem:s24], [sflag:$0x1] =	stream.linear.gather [hbm4b:s10+s5], $0x28, $0x38;
	[tilespmem:$0x7B00] =	vst v63  }
.LBB2_6:
0x5a: {  	_ =	swait.ge [sflag:s7], $0x1400  }
0x5b: {  	[sflag:s7] =	ssyncset.done $0x0  }
0x5c: {  	[sflag:s7] =	ssyncadd.s32 $0xFFFFEC00  }
0x5d: {  	_ =	swait.ge [sflag:s7], $0x1400  }
0x5e: {  	[sflag:s7] =	ssyncset.done $0x0  }
0x5f: {  	s10 =	sadd.s32 $0x280, s28;
	[sflag:s7] =	ssyncadd.s32 $0xFFFFEC00  }
0x60: {  	[hbm4b:s10+s5] =	stream.linear.scatter [tilespmem:s29], [sflag:$0x8], $0x1400, $0x38;
	[tilespmem:$0x7B00] =	vst v63  }
0x61: {  	s24 =	sadd.s32 $0x280, s9;
	s10 =	simm.s32 @!p0 $0x1  }
0x62: {  	[hbm4b:s24+s5] =	stream.linear.scatter [tilespmem:s30], [sflag:$0x8], $0x1400, $0x38;
	[tilespmem:$0x7B00] =	vst v63  }
0x63: {  	_ =	swait.ge @!p0 [sflag:s10], $0x28  }
0x64: {  	[sflag:s10] =	ssyncset.done @!p0 $0x0  }
0x65: {  	[sflag:s10] =	ssyncadd.s32 @!p0 $0xFFFFFFD8  }
0x66: {  	_ =	swait.ge @!p0 [sflag:s10], $0x28  }
0x67: {  	[sflag:s10] =	ssyncset.done @!p0 $0x0  }
0x68: {  	[sflag:s10] =	ssyncadd.s32 @!p0 $0xFFFFFFD8;
	s10 =	simm.s32 @!p0 $0x7  }
0x69: {  	_ =	swait.ge @!p0 [sflag:s10], $0x1400  }
0x6a: {  	[sflag:s10] =	ssyncset.done @!p0 $0x0  }
0x6b: {  	[sflag:s10] =	ssyncadd.s32 @!p0 $0xFFFFEC00  }
0x6c: {  	_ =	swait.ge @!p0 [sflag:s10], $0x1400  }
0x6d: {  	s12 =	simm.s32 @!p0 $0x180;
	[sflag:s10] =	ssyncset.done @!p0 $0x0  }
0x6e: {  	s23 =	simm.s32 @!p0 $0x300;
	[sflag:s10] =	ssyncadd.s32 @!p0 $0xFFFFEC00;
	s10 =	simm.s32 @!p0 $0x28  }
0x6f: {  	[tilespmem:s23], [sflag:$0x4] =	stream.indirect.gather @!p0 [hbm4b:s1+s10], $0x80, s12, s10, $0xb8;
	[tilespmem:$0x7B00] =	vst v63  }
0x70: {  	s12 =	simm.s32 @!p0 $0x0;
	s23 =	simm.s32 @!p0 $0x3F00  }
0x71: {  	[tilespmem:s23], [sflag:$0x4] =	stream.indirect.gather @!p0 [hbm4b:s1+s10], $0x80, s12, s10, $0xb8;
	[tilespmem:$0x7B00] =	vst v63  }
0x72: {  	s24 =	simm.s32 @!p0 $0x80;
	s23 =	sadd.s32 @!p0 s3, s16  }
0x73: {  	[tilespmem:s24], [sflag:$0x2] =	stream.linear.gather @!p0 [hbm4b:s23+s12], $0x28, $0x38;
	[tilespmem:$0x7B00] =	vst v63  }
0x74: {  	s19 =	simm.s32 @!p0 $0x200;
	s23 =	sadd.s32 @!p0 s4, s16  }
0x75: {  	[tilespmem:s19], [sflag:$0x2] =	stream.linear.gather @!p0 [hbm4b:s23+s12], $0x28, $0x38;
	[tilespmem:$0x7B00] =	vst v63  }
0x76: {  	_ =	swait.ge [sflag:s8], $0x1400  }
0x77: {  	[sflag:s8] =	ssyncset.done $0x0  }
0x78: {  	[sflag:s8] =	ssyncadd.s32 $0xFFFFEC00  }
0x79: {  	_ =	swait.ge [sflag:s8], $0x1400  }
0x7a: {  	[sflag:s8] =	ssyncset.done $0x0  }
0x7b: {  	s28 =	sadd.s32 $0x500, s28;
	[sflag:s8] =	ssyncadd.s32 $0xFFFFEC00  }
0x7c: {  	[hbm4b:s28+s5] =	stream.linear.scatter [tilespmem:s2], [sflag:$0x9], $0x1400, $0x38;
	[tilespmem:$0x7B00] =	vst v63  }
0x7d: {  	s28 =	sadd.s32 $0x500, s9;
	s9 =	simm.s32 @!p0 $0x2  }
0x7e: {  	[hbm4b:s28+s5] =	stream.linear.scatter [tilespmem:s6], [sflag:$0x9], $0x1400, $0x38;
	[tilespmem:$0x7B00] =	vst v63  }
0x7f: {  	_ =	swait.ge @!p0 [sflag:s9], $0x28  }
0x80: {  	[sflag:s9] =	ssyncset.done @!p0 $0x0  }
0x81: {  	[sflag:s9] =	ssyncadd.s32 @!p0 $0xFFFFFFD8  }
0x82: {  	_ =	swait.ge @!p0 [sflag:s9], $0x28  }
0x83: {  	[sflag:s9] =	ssyncset.done @!p0 $0x0  }
0x84: {  	[sflag:s9] =	ssyncadd.s32 @!p0 $0xFFFFFFD8;
	s9 =	simm.s32 @!p0 $0x8  }
0x85: {  	_ =	swait.ge @!p0 [sflag:s9], $0x1400  }
0x86: {  	[sflag:s9] =	ssyncset.done @!p0 $0x0  }
0x87: {  	[sflag:s9] =	ssyncadd.s32 @!p0 $0xFFFFEC00  }
0x88: {  	_ =	swait.ge @!p0 [sflag:s9], $0x1400  }
0x89: {  	[sflag:s9] =	ssyncset.done @!p0 $0x0  }
0x8a: {  	[sflag:s9] =	ssyncadd.s32 @!p0 $0xFFFFEC00;
	s9 =	simm.s32 @!p0 $0x1700  }
0x8b: {  	[tilespmem:s9], [sflag:$0x5] =	stream.indirect.gather @!p0 [hbm4b:s1+s10], $0x80, s19, s10, $0xb8;
	[tilespmem:$0x7B00] =	vst v63  }
0x8c: {  	s9 =	simm.s32 @!p0 $0x5300  }
0x8d: {  	[tilespmem:s9], [sflag:$0x5] =	stream.indirect.gather @!p0 [hbm4b:s1+s10], $0x80, s24, s10, $0xb8;
	[tilespmem:$0x7B00] =	vst v63  }
0x8e: {  	s9 =	sadd.s32 @!p0 s3, s13;
	s10 =	simm.s32 @!p0 $0x100  }
0x8f: {  	[tilespmem:s10], [sflag:$0x3] =	stream.linear.gather @!p0 [hbm4b:s9+s12], $0x28, $0x38;
	[tilespmem:$0x7B00] =	vst v63  }
0x90: {  	s18 =	sadd.s32 $0x780, s18;
	s9 =	sadd.s32 @!p0 s4, s13;
	s10 =	simm.s32 @!p0 $0x280  }
0x91: {  	[tilespmem:s10], [sflag:$0x3] =	stream.linear.gather @!p0 [hbm4b:s9+s12], $0x28, $0x38;
	[tilespmem:$0x7B00] =	vst v63  }
0x92: {  	p0 =	sne.s32 s18, $0x3A980  }
.Ltmp3:
0x93: {  	_ = 	snop;
	(pc) =	sbr.rel @!p0 .LBB2_7-.Ltmp3, $2  }
0x94: {  	_ =	sdelay $0x2  }
0x95: {  	s17 =	sadd.s32 $0x78, s17;
	s3 =	sadd.s32 $0xF, s3;
	s4 =	sadd.s32 $0xF, s4  }
.LBB2_2:
0x96: {  	_ =	swait.ge [sflag:s31], $0x1400  }
0x97: {  	[sflag:s31] =	ssyncset.done $0x0  }
0x98: {  	[sflag:s31] =	ssyncadd.s32 $0xFFFFEC00  }
0x99: {  	_ =	swait.ge [sflag:s31], $0x1400  }
0x9a: {  	[sflag:s31] =	ssyncset.done $0x0  }
0x9b: {  	s28 =	sadd.s32 s18, s14;
	[sflag:s31] =	ssyncadd.s32 $0xFFFFEC00  }
0x9c: {  	[hbm4b:s28+s5] =	stream.linear.scatter [tilespmem:s21], [sflag:$0x7], $0x1400, $0x38;
	[tilespmem:$0x7B00] =	vst v63  }
0x9d: {  	s9 =	sadd.s32 s18, s15  }
0x9e: {  	[hbm4b:s9+s5] =	stream.linear.scatter [tilespmem:s22], [sflag:$0x7], $0x1400, $0x38;
	[tilespmem:$0x7B00] =	vst v63  }
0x9f: {  	p0 =	sne.s32 s18, $0x0;
	_ =	swait.ge [sflag:s0], $0x28  }
.Ltmp4:
0xa0: {  	[sflag:s0] =	ssyncset.done $0x0;
	(pc) =	sbr.rel @!p0 .LBB2_3-.Ltmp4, $4  }
0xa1: {  	[sflag:s0] =	ssyncadd.s32 $0xFFFFFFD8  }
0xa2: {  	_ =	swait.ge [sflag:s0], $0x28  }
0xa3: {  	[sflag:s0] =	ssyncset.done $0x0  }
0xa4: {  	[sflag:s0] =	ssyncadd.s32 $0xFFFFFFD8  }
0xa5: {  	_ =	swait.ge [sflag:s11], $0x1400  }
0xa6: {  	[sflag:s11] =	ssyncset.done $0x0  }
0xa7: {  	[sflag:s11] =	ssyncadd.s32 $0xFFFFEC00  }
0xa8: {  	p1 =	seq.s32 s18, $0x3A200;
	_ =	swait.ge [sflag:s11], $0x1400  }
.Ltmp5:
0xa9: {  	[sflag:s11] =	ssyncset.done $0x0;
	(pc) =	sbr.rel @p1 .LBB2_6-.Ltmp5, $4  }
.Ltmp6:
0xaa: {  	[sflag:s11] =	ssyncadd.s32 $0xFFFFEC00;
	(pc) =	sbr.rel @!p1 .LBB2_5-.Ltmp6, $4  }
0xab: {  	[tilespmem:s2], [sflag:$0x6] =	stream.indirect.gather [hbm4b:s1+s20], $0x80, s26, s20, $0xb8;
	[tilespmem:$0x7B00] =	vst v63  }
0xac: {  	p0 =	por $0x1, $0x1  }
0xad: {  	[tilespmem:s6], [sflag:$0x6] =	stream.indirect.gather [hbm4b:s1+s20], $0x80, s25, s20, $0xb8;
	[tilespmem:$0x7B00] =	vst v63  }
0xae: {  	_ = 	snop  }
.LBB2_8:
0xaf: {  	_ =	sfence.sel $0x180000  }
0xb0: {  	[bflag:$0x0] =	sbarrier.arrive $0xFFFF  }
0xb1: {  	_ =	strace $0x90000047  }
0xb2: {  	s0 =	stileid.u32;
	[bflag:$0x2] =	sbarrier.arrive $0xFFFF  }
0xb3: {  	p0 =	sne.s32 s0, $0x0;
	s0 =	rddreg [dreg:$0x4]  }
0xb4: {  	s0 =	sadd.s32 @!p0 $0x100000, s0  }
0xb5: {  	[sflag:s0] =	ssyncadd.tile.s32 @!p0 $0x1;
	_ =	shalt  }
.Lfunc_end2:
_tile_overlayer_lowered:
.L_overlay_start_2:
0xb6: {  	(tag) =	ssettag $0x2  }
0xb7: {  	s0 =	rddreg [dreg:$0x0];
	s2 =	stileid.u32  }
0xb8: {  	s1 =	rddreg [dreg:$0x1];
	p0 =	sne.s32 s2, $0x0  }
0xb9: {  	s3 =	rddreg [dreg:$0x2];
	[bflag:$0x3] =	sbarrier.arrive $0xFFFF;
	s2 =	simm.s32 @!p0 $0x1C0A  }
0xba: {  	[timem:s3], [sflag:s2] =	dma.local @!p0 [hbm:s0], s1  }
0xbb: {  	s0 =	simm.s32 @!p0 $0xA  }
0xbc: {  	_ =	swait.ge @!p0 [sflag:s0], s1  }
0xbd: {  	s1 =	ssub.s32 @!p0 $0x0, s1;
	[sflag:s0] =	ssyncset.done @!p0 $0x0  }
0xbe: {  	[sflag:s0] =	ssyncadd.s32 @!p0 s1  }
0xbf: {  	[bflag:$0x3] =	sbarrier.arrive $0xFFFF  }
0xc0: {  	_ =	shalt  }

// kernel: kernel.9.cloned.1.call-start
scs
__scs_entry_jumppad:
0x0: {  	(pc) =	sbr.rel $0x88, $3  }
0x1: {  	(tag) =	ssettag $0x0;
	lr =	simm.s32 $0x1  }
0x2: {  	[smem:$0x3F90] =	sst lr;
	_ =	strace $0xD0000000  }
0x3: {  	_ = 	snop  }
0x4: {  	_ = 	snop  }
0x5: {  	_ = 	snop  }
0x6: {  	_ = 	snop  }
0x7: {  	_ = 	snop  }
__scs_overlays_trampoline_lowered:
0x8: {  	[smem:$0x3F9F] =	sst s0  }
0x9: {  	[smem:$0x3FA0] =	sst s1  }
0xa: {  	[smem:$0x3FA1] =	sst s2  }
0xb: {  	[smem:$0x3FA2] =	sst s3  }
0xc: {  	[smem:$0x3FA3] =	sst s4  }
0xd: {  	[smem:$0x3FA4] =	sst s5  }
0xe: {  	[smem:$0x3FA5] =	sst s6  }
0xf: {  	[smem:$0x3FA6] =	sst s7  }
0x10: {  	[smem:$0x3FA7] =	sst s8  }
0x11: {  	[smem:$0x3FA8] =	sst s9;
	s0 =	simm.s32 @!p0 $0x0  }
0x12: {  	s1 =	sld [smem:$0x3F8E];
	s0 =	simm.s32 @p0 $0x1  }
0x13: {  	[smem:$0x3FA9] =	sst s0;
	s0 =	simm.s32 @!p1 $0x0  }
0x14: {  	s2 =	sld [smem:$0x3F8D];
	s0 =	simm.s32 @p1 $0x1  }
0x15: {  	[smem:$0x3FAA] =	sst s0;
	s0 =	simm.s32 @!p2 $0x0  }
0x16: {  	s3 =	sld [smem:$0x3FDB];
	s0 =	simm.s32 @p2 $0x1  }
0x17: {  	s4 =	simm.s32 $0x1BF5;
	[smem:$0x3FAC] =	sst s0  }
0x18: {  	s0 =	sld [smem:$0x3F8F];
	_ =	swait.ge [sflag:s4], $0x0  }
0x19: {  	s7 =	sld [smem:$0x3F90]  }
0x1a: {  	s8 =	sadd.s32 $0xFFFFE003, lr  }
0x1b: {  	s9 =	sadd.s32 $0xFFFFFEF7, lr;
	s5 =	simm.s32 $0xFFFFFFFF;
	p2 =	slt.u32 s8, $0xFFFFF086  }
0x1c: {  	p1 =	slt.u32 s9, $0xF7A;
	s5 =	simm.s32 @!p2 $0x0  }
0x1d: {  	s5 =	simm.s32 @p1 $0x1;
	p0 =	seq.s32 s7, s2  }
0x1e: {  	s7 =	smul.u32 @!p0 $0xF7A, s2;
	p2 =	seq.s32 @!p0 s5, $0x0  }
0x1f: {  	s9 =	smul.u32 $0xF7A, s1;
	s8 =	simm.s32 @!p0 $0x1BF5;
	p2 =	por !p2, p0  }
0x20: {  	[sflag:s8] =	ssyncset.s32 @!p0 $0xFFFFF086;
	s6 =	sadd.s32 @!p0 s3, s7;
	s7 =	simm.s32 @!p0 $0x108  }
0x21: {  	s3 =	sadd.s32 s3, s9;
	s6 =	sadd.s32 @!p0 $0x88, s6;
	s7 =	simm.s32 @p2 $0x1082  }
0x22: {  	[simem:s7], [sflag:s8] =	dma.local @!p0 [hbm:s6], $0xF7A  }
0x23: {  	s9 =	sor.u32 $0xD0000000, s2;
	s6 =	simm.s32 $0x108;
	_ =	swait.ge @!p0 [sflag:s8], $0x0  }
0x24: {  	s3 =	sadd.s32 $0x88, s3;
	s6 =	simm.s32 @!p1 $0x1082;
	[sflag:s4] =	ssyncset.s32 $0xFFFFF086  }
0x25: {  	[simem:s6], [sflag:s4] =	dma.local [hbm:s3], $0xF7A  }
0x26: {  	[smem:$0x3F90] =	sst s1;
	(tag) =	ssettag s2;
	_ =	strace s9  }
0x27: {  	s1 =	sld [smem:$0x3FA0]  }
0x28: {  	s2 =	sld [smem:$0x3FA1]  }
0x29: {  	s4 =	sld [smem:$0x3FA3]  }
0x2a: {  	p0 =	seq.s32 s5, $0x0;
	s5 =	sld [smem:$0x3FA4]  }
0x2b: {  	s6 =	sld [smem:$0x3FA5]  }
0x2c: {  	s7 =	sld [smem:$0x3FA6]  }
0x2d: {  	s3 =	simm.s32 $0x108;
	s8 =	sld [smem:$0x3FA7]  }
0x2e: {  	s3 =	simm.s32 @!p0 $0x1082;
	s9 =	sld [smem:$0x3FA8]  }
0x2f: {  	lr =	sadd.s32 s0, s3;
	s0 =	sld [smem:$0x3F9F]  }
0x30: {  	s3 =	sld [smem:$0x3FA2]  }
0x31: {  	[smem:$0x3FAB] =	sst s10  }
0x32: {  	s10 =	sld [smem:$0x3FA9];
	_ =	sdelay $0x3  }
0x33: {  	p0 =	seq.s32 s10, $0x1;
	s10 =	sld [smem:$0x3FAB];
	_ =	sdelay $0x3  }
0x34: {  	[smem:$0x3FAB] =	sst s10  }
0x35: {  	s10 =	sld [smem:$0x3FAA];
	_ =	sdelay $0x3  }
0x36: {  	p1 =	seq.s32 s10, $0x1;
	s10 =	sld [smem:$0x3FAB];
	_ =	sdelay $0x3  }
0x37: {  	[smem:$0x3FAB] =	sst s10  }
0x38: {  	s10 =	sld [smem:$0x3FAC]  }
0x39: {  	_ = 	snop;
	(pc) =	sbr.ind lr, $3  }
0x3a: {  	_ = 	snop  }
0x3b: {  	_ = 	snop  }
0x3c: {  	p2 =	seq.s32 s10, $0x1;
	s10 =	sld [smem:$0x3FAB]  }
0x3d: {  	_ =	shalt  }
0x3e: {  	_ =	shalt  }
0x3f: {  	_ =	shalt  }
0x40: {  	_ =	shalt  }
0x41: {  	_ =	shalt  }
0x42: {  	_ =	shalt  }
0x43: {  	_ =	shalt  }
0x44: {  	_ =	shalt  }
0x45: {  	_ =	shalt  }
0x46: {  	_ =	shalt  }
0x47: {  	_ =	shalt  }
0x48: {  	_ =	shalt  }
0x49: {  	_ =	shalt  }
0x4a: {  	_ =	shalt  }
0x4b: {  	_ =	shalt  }
0x4c: {  	_ =	shalt  }
0x4d: {  	_ =	shalt  }
0x4e: {  	_ =	shalt  }
0x4f: {  	_ =	shalt  }
0x50: {  	_ =	shalt  }
0x51: {  	_ =	shalt  }
0x52: {  	_ =	shalt  }
0x53: {  	_ =	shalt  }
0x54: {  	_ =	shalt  }
0x55: {  	_ =	shalt  }
0x56: {  	_ =	shalt  }
0x57: {  	_ =	shalt  }
0x58: {  	_ =	shalt  }
0x59: {  	_ =	shalt  }
0x5a: {  	_ =	shalt  }
0x5b: {  	_ =	shalt  }
0x5c: {  	_ =	shalt  }
0x5d: {  	_ =	shalt  }
0x5e: {  	_ =	shalt  }
0x5f: {  	_ =	shalt  }
0x60: {  	_ =	shalt  }
0x61: {  	_ =	shalt  }
0x62: {  	_ =	shalt  }
0x63: {  	_ =	shalt  }
0x64: {  	_ =	shalt  }
0x65: {  	_ =	shalt  }
0x66: {  	_ =	shalt  }
0x67: {  	_ =	shalt  }
0x68: {  	_ =	shalt  }
0x69: {  	_ =	shalt  }
0x6a: {  	_ =	shalt  }
0x6b: {  	_ =	shalt  }
0x6c: {  	_ =	shalt  }
0x6d: {  	_ =	shalt  }
0x6e: {  	_ =	shalt  }
0x6f: {  	_ =	shalt  }
0x70: {  	_ =	shalt  }
0x71: {  	_ =	shalt  }
0x72: {  	_ =	shalt  }
0x73: {  	_ =	shalt  }
0x74: {  	_ =	shalt  }
0x75: {  	_ =	shalt  }
0x76: {  	_ =	shalt  }
0x77: {  	_ =	shalt  }
0x78: {  	_ =	shalt  }
0x79: {  	_ =	shalt  }
0x7a: {  	_ =	shalt  }
0x7b: {  	_ =	shalt  }
0x7c: {  	_ =	shalt  }
0x7d: {  	_ =	shalt  }
0x7e: {  	_ =	shalt  }
0x7f: {  	_ =	shalt  }
0x80: {  	_ =	shalt  }
0x81: {  	_ =	shalt  }
0x82: {  	_ =	shalt  }
0x83: {  	_ =	shalt  }
0x84: {  	_ =	shalt  }
0x85: {  	_ =	shalt  }
0x86: {  	_ =	shalt  }
0x87: {  	_ =	shalt  }
.Lfunc_end0:
.L_simem_size_0:
called_computation.1_lowered:
.L_overlay_start_0:
0x88: {  	s2 =	sld [smem:$0x3FD9]  }
0x89: {  	s3 =	sld [smem:$0x3FFE];
	_ =	sdelay $0x1  }
0x8a: {  	s1 =	srdreg.scid  }
0x8b: {  	s0 =	sand.u32 $0x1, s1  }
0x8c: {  	s17 =	sshll.u32 s0, $0xA;
	s2 =	sadd.s32 s3, s2  }
0x8d: {  	s2 =	sadd.s32 s2, s17  }
0x8e: {  	[smem:$0x3FB7] =	sst s2  }
0x8f: {  	_ = 	snop  }
0x90: {  	s2 =	sld [smem:$0x3FC6]  }
0x91: {  	s18 =	sld [smem:$0x3FB9]  }
0x92: {  	s4 =	sld [smem:$0x3FD0];
	(tm) =	ssettm $0x1  }
0x93: {  	s5 =	sld [smem:$0x3FFB];
	_ =	sdelay $0x3  }
0x94: {  	_ =	strace s5  }
0x95: {  	s5 =	sld [smem:$0x3FFC];
	_ =	sdelay $0x3  }
0x96: {  	_ =	strace s5  }
0x97: {  	s5 =	sld [smem:$0x3FFD];
	_ =	sdelay $0x3  }
0x98: {  	_ =	strace s5  }
0x99: {  	_ =	strace $0x8FFFFFFF  }
0x9a: {  	s19 =	sld [smem:$0x3FDB];
	_ =	sdelay $0x1  }
0x9b: {  	s6 =	simm.s32 $_scs_section_size  }
0x9c: {  	s7 =	simm.s32 $_size__tile_overlayer_lowered;
	s8 =	simm.s32 $_tile_overlayer_lowered  }
0x9d: {  	s22 =	simm.s32 $0x1BFF;
	s21 =	sshll.u32 s8, $0x1;
	s5 =	sadd.s32 s6, s19  }
0x9e: {  	s9 =	simm.s32 $0x0;
	s20 =	sshll.u32 s7, $0x1;
	s7 =	sadd.s32 s21, s5  }
0x9f: {  	[timem:s9], [sflag:s22] =	dma.local [hbm:s7], s20  }
0xa0: {  	_ =	swait.ge [sflag:s22], s20  }
0xa1: {  	s6 =	ssub.s32 $0x0, s20;
	[sflag:s22] =	ssyncset.done $0x0  }
0xa2: {  	[sflag:s22] =	ssyncadd.s32 s6;
	_ =	sdelay $0x1  }
0xa3: {  	s23 =	simm.s32 $0x1B8B  }
0xa4: {  	_ =	swait.ge [sflag:s23], $0x1  }
0xa5: {  	[sflag:s23] =	ssyncset.done $0x0  }
0xa6: {  	s25 =	simm.s32 $0x1B8E;
	s24 =	sld [smem:$0x3FFE];
	[sflag:s23] =	ssyncadd.s32 $0xFFFFFFFF  }
0xa7: {  	s26 =	simm.s32 $execute0_lowered;
	[smem:$0x3FD2] =	sst s25  }
0xa8: {  	s7 =	sshll.u32 s26, $0x1;
	_ =	strace $0x80000049;
	[dreg:$0x1] =	wrdreg $0xFFFFFFFF  }
0xa9: {  	s28 =	simm.s32 $_size_execute0_lowered;
	s5 =	sadd.s32 s5, s7;
	[dreg:$0x0] =	wrdreg $0x0  }
0xaa: {  	s7 =	sshll.u32 s28, $0x1;
	[dreg:$0x2] =	wrdreg s5  }
0xab: {  	[dreg:$0x3] =	wrdreg s7  }
0xac: {  	[dreg:$0x4] =	wrdreg $0xC0  }
0xad: {  	_ =	task [dreg:s9], $0x5FFFF  }
0xae: {  	[dreg:$0x1] =	wrdreg $0xFFFFFFFF  }
0xaf: {  	[dreg:$0x0] =	wrdreg $0x60  }
0xb0: {  	[dreg:$0x2] =	wrdreg s24  }
0xb1: {  	[dreg:$0x3] =	wrdreg s2  }
0xb2: {  	[dreg:$0x4] =	wrdreg s18  }
0xb3: {  	[dreg:$0x5] =	wrdreg s4  }
0xb4: {  	[dreg:$0x6] =	wrdreg $0x135000  }
0xb5: {  	[dreg:$0x7] =	wrdreg $0x9  }
0xb6: {  	_ =	task.clear_ibuf [dreg:s9], $0x8FFFF;
	_ =	strace $0x90000049  }
0xb7: {  	s29 =	simm.s32 $0x9;
	_ =	strace $0x8000004B  }
0xb8: {  	_ =	swait.ge [sflag:s29], $0x1  }
0xb9: {  	[sflag:s29] =	ssyncadd.s32 $0xFFFFFFFF  }
0xba: {  	_ =	strace $0x9000004B  }
0xbb: {  	_ =	sfence  }
0xbc: {  	s30 =	sld [smem:$0x0];
	_ =	sdelay $0x2  }
0xbd: {  	s31 =	sshll.u32 s1, $0xD;
	s1 =	sshrl.u32 s1, $0x2  }
0xbe: {  	s3 =	sand.u32 $0x4000, s31;
	s1 =	sadd.s32 s1, s30  }
0xbf: {  	s0 =	sor.u32 s3, s0;
	s1 =	sshll.u32 s1, $0x11  }
0xc0: {  	s0 =	sor.u32 s1, s0  }
0xc1: {  	s0 =	sadd.s32 $0x8F2B, s0  }
0xc2: {  	[sflag:s0] =	ssyncadd.remote.s32 $0x1  }
0xc3: {  	_ =	sfence.sel $0xFFFF  }
0xc4: {  	[dreg:$0x0] =	wrdreg $0xFFFFFFFF;
	(pc) =	sbr.abs _section_cstart, $3  }
0xc5: {  	[dreg:$0x1] =	wrdreg $0xFFFFFFFF  }
0xc6: {  	_ =	task.clear_ibuf [dreg:s9], $0x2FFFF;
	_ =	strace $0x9FFFFFFF  }
0xc7: {  	(tm) =	ssettm $0x7FFFFFFF  }
tec
execute0_lowered:
.L_overlay_start_1:
0x0: {  	(tag) =	ssettag $0x1  }
0x1: {  	s7 =	rddreg [dreg:$0x0]  }
0x2: {  	s8 =	rddreg [dreg:$0x1]  }
0x3: {  	s2 =	rddreg [dreg:$0x3]  }
0x4: {  	s3 =	rddreg [dreg:$0x4];
	s0 =	simm.s32 $0x0;
	s4 =	srdreg.scid  }
0x5: {  	s15 =	simm.s32 $0x5;
	s16 =	simm.s32 $0x12D00;
	s17 =	simm.s32 $0x7580  }
0x6: {  	s1 =	simm.s32 $0x0;
	s6 =	sand.u32 $0x1, s4;
	s4 =	stileid.u32  }
0x7: {  	[smem:$0x7FF] =	sst s0;
	s7 =	sadd.s32 $0xEA8000, s7;
	s14 =	smul.u32 $0x7530, s4  }
0x8: {  	_ =	strace $0x8000004A;
	s9 =	ssub.s32 $0x2, s6;
	s11 =	smul.u32 $0x32000, s4  }
0x9: {  	s12 =	smul.u32 $0xC800, s4;
	p0 =	sne.s32 s4, $0xF;
	s10 =	sshrl.u32 s9, $0x1  }
.Ltmp0:
0xa: {  	s13 =	ssub.s32 s9, s10;
	s25 =	sshrl.u32 s14, $0x3;
	(pc) =	sbr.rel .LBB2_1-.Ltmp0, $4  }
0xb: {  	v0 =	vlaneseq.u32;
	s28 =	sshrl.u32 s11, $0x2;
	s29 =	sadd.s32 $0x7520, s14;
	s10 =	sadd.s32 $0xC8000, s3  }
0xc: {  	v1 =	vmul.u32 $0x2000, v0;
	s30 =	sshrl.u32 s12, $0x3;
	s12 =	smul.u32 $0x190, s4;
	s26 =	sadd.s32 s8, s25;
	v2 =	vmov s29  }
0xd: {  	v3 =	vimm.s32 $0x0;
	s14 =	sadd.s32 $0x10, s14;
	s31 =	smax.u32 s13, $0x1;
	[dreg:$0x6] =	wrdreg s26;
	v2 =	vshll.u32 v2, $0xD  }
0xe: {  	v5 =	vimm.s32 $0x1901;
	v4 =	vor.u32 $0x7570, v0;
	s9 =	sadd.s32 s28, s3;
	s11 =	sadd.s32 $0x258000, s30;
	[dreg:$0x7] =	wrdreg s31;
	v2 =	vor.u32 v1, v2  }
.LBB2_17:
0xf: {  	s1 =	rddreg [dreg:$0x8]  }
0x10: {  	s0 =	rddreg [dreg:$0x7];
	s1 =	sadd.s32 $0x1, s1  }
0x11: {  	p1 =	sne.s32 s1, s0  }
.Ltmp1:
0x12: {  	_ = 	snop;
	(pc) =	sbr.rel @!p1 .LBB2_18-.Ltmp1, $1  }
0x13: {  	_ =	sdelay $0x3  }
.LBB2_1:
0x14: {  	[dreg:$0x8] =	wrdreg s1  }
0x15: {  	s30 =	simm.s32 $0x0;
	s0 =	rddreg [dreg:$0x6]  }
0x16: {  	[tilespmem:s30], [sflag:$0x5] =	stream.linear.gather [hbm4b:s0+s30], $0x7530, $0x38;
	[tilespmem:$0x1FD40] =	vst v63  }
0x17: {  	_ =	swait.ge [sflag:s15], $0x7530  }
0x18: {  	[sflag:s15] =	ssyncset.done $0x0  }
0x19: {  	[sflag:s15] =	ssyncadd.s32 $0xFFFF8AD0  }
0x1a: {  	s31 =	rddreg [dreg:$0x2]  }
0x1b: {  	[tilespmem:s16], [sflag:$0x5] =	stream.linear.gather [hbm4b:s31+s30], $0x80, $0x38;
	[tilespmem:$0x1FD40] =	vst v63  }
0x1c: {  	_ =	swait.ge [sflag:s15], $0x80  }
0x1d: {  	[sflag:s15] =	ssyncset.done $0x0  }
0x1e: {  	[sflag:s15] =	ssyncadd.s32 $0xFFFFFF80  }
0x1f: {  	v6 =	vld [tilespmem:$0x12D00];
	_ =	sdelay $0x4  }
0x20: {  	[tilespmem:$0x12D80] =	vst v6  }
0x21: {  	[tilespmem:$0x12E00] =	vst v6  }
0x22: {  	[tilespmem:$0x12E80] =	vst v6  }
0x23: {  	[tilespmem:$0x12F00] =	vst v6  }
0x24: {  	[tilespmem:$0x12F80] =	vst v6  }
0x25: {  	[tilespmem:$0x13000] =	vst v6  }
0x26: {  	[tilespmem:$0x13080] =	vst v6  }
0x27: {  	[tilespmem:$0x13100] =	vst v6  }
0x28: {  	[tilespmem:$0x13180] =	vst v6  }
0x29: {  	[tilespmem:$0x13200] =	vst v6  }
0x2a: {  	v7 =	vld [tilespmem:$0x12D10];
	[tilespmem:$0x13280] =	vst v6  }
0x2b: {  	[tilespmem:$0x13300] =	vst v6  }
0x2c: {  	[tilespmem:$0x13380] =	vst v6  }
0x2d: {  	[tilespmem:$0x13400] =	vst v6  }
0x2e: {  	[tilespmem:$0x13480] =	vst v6  }
0x2f: {  	[tilespmem:$0x12D90] =	vst v7  }
0x30: {  	[tilespmem:$0x12E10] =	vst v7  }
0x31: {  	[tilespmem:$0x12E90] =	vst v7  }
0x32: {  	[tilespmem:$0x12F10] =	vst v7  }
0x33: {  	[tilespmem:$0x12F90] =	vst v7  }
0x34: {  	[tilespmem:$0x13010] =	vst v7  }
0x35: {  	[tilespmem:$0x13090] =	vst v7  }
0x36: {  	[tilespmem:$0x13110] =	vst v7  }
0x37: {  	[tilespmem:$0x13190] =	vst v7  }
0x38: {  	[tilespmem:$0x13210] =	vst v7  }
0x39: {  	[tilespmem:$0x13290] =	vst v7;
	v6 =	vld [tilespmem:$0x12D20]  }
0x3a: {  	[tilespmem:$0x13310] =	vst v7  }
0x3b: {  	[tilespmem:$0x13390] =	vst v7  }
0x3c: {  	[tilespmem:$0x13410] =	vst v7  }
0x3d: {  	[tilespmem:$0x13490] =	vst v7  }
0x3e: {  	[tilespmem:$0x12DA0] =	vst v6  }
0x3f: {  	[tilespmem:$0x12E20] =	vst v6  }
0x40: {  	[tilespmem:$0x12EA0] =	vst v6  }
0x41: {  	[tilespmem:$0x12F20] =	vst v6  }
0x42: {  	[tilespmem:$0x12FA0] =	vst v6  }
0x43: {  	[tilespmem:$0x13020] =	vst v6  }
0x44: {  	[tilespmem:$0x130A0] =	vst v6  }
0x45: {  	[tilespmem:$0x13120] =	vst v6  }
0x46: {  	[tilespmem:$0x131A0] =	vst v6  }
0x47: {  	[tilespmem:$0x13220] =	vst v6  }
0x48: {  	v7 =	vld [tilespmem:$0x12D30];
	[tilespmem:$0x132A0] =	vst v6  }
0x49: {  	[tilespmem:$0x13320] =	vst v6  }
0x4a: {  	[tilespmem:$0x133A0] =	vst v6  }
0x4b: {  	[tilespmem:$0x13420] =	vst v6  }
0x4c: {  	[tilespmem:$0x134A0] =	vst v6  }
0x4d: {  	[tilespmem:$0x12DB0] =	vst v7  }
0x4e: {  	[tilespmem:$0x12E30] =	vst v7  }
0x4f: {  	[tilespmem:$0x12EB0] =	vst v7  }
0x50: {  	[tilespmem:$0x12F30] =	vst v7  }
0x51: {  	[tilespmem:$0x12FB0] =	vst v7  }
0x52: {  	[tilespmem:$0x13030] =	vst v7  }
0x53: {  	[tilespmem:$0x130B0] =	vst v7  }
0x54: {  	[tilespmem:$0x13130] =	vst v7  }
0x55: {  	[tilespmem:$0x131B0] =	vst v7  }
0x56: {  	[tilespmem:$0x13230] =	vst v7  }
0x57: {  	[tilespmem:$0x132B0] =	vst v7;
	v6 =	vld [tilespmem:$0x12D40]  }
0x58: {  	[tilespmem:$0x13330] =	vst v7  }
0x59: {  	[tilespmem:$0x133B0] =	vst v7  }
0x5a: {  	[tilespmem:$0x13430] =	vst v7  }
0x5b: {  	[tilespmem:$0x134B0] =	vst v7  }
0x5c: {  	[tilespmem:$0x12DC0] =	vst v6  }
0x5d: {  	[tilespmem:$0x12E40] =	vst v6  }
0x5e: {  	[tilespmem:$0x12EC0] =	vst v6  }
0x5f: {  	[tilespmem:$0x12F40] =	vst v6  }
0x60: {  	[tilespmem:$0x12FC0] =	vst v6  }
0x61: {  	[tilespmem:$0x13040] =	vst v6  }
0x62: {  	[tilespmem:$0x130C0] =	vst v6  }
0x63: {  	[tilespmem:$0x13140] =	vst v6  }
0x64: {  	[tilespmem:$0x131C0] =	vst v6  }
0x65: {  	[tilespmem:$0x13240] =	vst v6  }
0x66: {  	v7 =	vld [tilespmem:$0x12D50];
	[tilespmem:$0x132C0] =	vst v6  }
0x67: {  	[tilespmem:$0x13340] =	vst v6  }
0x68: {  	[tilespmem:$0x133C0] =	vst v6  }
0x69: {  	[tilespmem:$0x13440] =	vst v6  }
0x6a: {  	[tilespmem:$0x134C0] =	vst v6  }
0x6b: {  	[tilespmem:$0x12DD0] =	vst v7  }
0x6c: {  	[tilespmem:$0x12E50] =	vst v7  }
0x6d: {  	[tilespmem:$0x12ED0] =	vst v7  }
0x6e: {  	[tilespmem:$0x12F50] =	vst v7  }
0x6f: {  	[tilespmem:$0x12FD0] =	vst v7  }
0x70: {  	[tilespmem:$0x13050] =	vst v7  }
0x71: {  	[tilespmem:$0x130D0] =	vst v7  }
0x72: {  	[tilespmem:$0x13150] =	vst v7  }
0x73: {  	[tilespmem:$0x131D0] =	vst v7  }
0x74: {  	[tilespmem:$0x13250] =	vst v7  }
0x75: {  	[tilespmem:$0x132D0] =	vst v7;
	v6 =	vld [tilespmem:$0x12D60]  }
0x76: {  	[tilespmem:$0x13350] =	vst v7  }
0x77: {  	[tilespmem:$0x133D0] =	vst v7  }
0x78: {  	[tilespmem:$0x13450] =	vst v7  }
0x79: {  	[tilespmem:$0x134D0] =	vst v7  }
0x7a: {  	[tilespmem:$0x12DE0] =	vst v6  }
0x7b: {  	[tilespmem:$0x12E60] =	vst v6  }
0x7c: {  	[tilespmem:$0x12EE0] =	vst v6  }
0x7d: {  	[tilespmem:$0x12F60] =	vst v6  }
0x7e: {  	[tilespmem:$0x12FE0] =	vst v6  }
0x7f: {  	[tilespmem:$0x13060] =	vst v6  }
0x80: {  	[tilespmem:$0x130E0] =	vst v6  }
0x81: {  	[tilespmem:$0x13160] =	vst v6  }
0x82: {  	[tilespmem:$0x131E0] =	vst v6  }
0x83: {  	[tilespmem:$0x13260] =	vst v6  }
0x84: {  	v7 =	vld [tilespmem:$0x12D70];
	[tilespmem:$0x132E0] =	vst v6  }
0x85: {  	[tilespmem:$0x13360] =	vst v6  }
0x86: {  	[tilespmem:$0x133E0] =	vst v6  }
0x87: {  	[tilespmem:$0x13460] =	vst v6  }
0x88: {  	[tilespmem:$0x134E0] =	vst v6  }
0x89: {  	[tilespmem:$0x12DF0] =	vst v7  }
0x8a: {  	[tilespmem:$0x12E70] =	vst v7  }
0x8b: {  	[tilespmem:$0x12EF0] =	vst v7  }
0x8c: {  	[tilespmem:$0x12F70] =	vst v7  }
0x8d: {  	[tilespmem:$0x12FF0] =	vst v7  }
0x8e: {  	[tilespmem:$0x13070] =	vst v7  }
0x8f: {  	[tilespmem:$0x130F0] =	vst v7  }
0x90: {  	[tilespmem:$0x13170] =	vst v7  }
0x91: {  	[tilespmem:$0x131F0] =	vst v7  }
0x92: {  	[tilespmem:$0x13270] =	vst v7  }
.Ltmp2:
0x93: {  	[tilespmem:$0x132F0] =	vst v7;
	(pc) =	sbr.rel .LBB2_2-.Ltmp2, $4  }
0x94: {  	[tilespmem:$0x13370] =	vst v7  }
0x95: {  	[tilespmem:$0x133F0] =	vst v7  }
0x96: {  	[tilespmem:$0x13470] =	vst v7  }
0x97: {  	s19 =	simm.s32 $0x0;
	[tilespmem:$0x134F0] =	vst v7  }
.LBB2_13:
0x98: {  	s0 =	sadd.s32 s12, s21  }
0x99: {  	s20 =	sshll.u32 s0, $0x4  }
.LBB2_15:
0x9a: {  	s0 =	sshll.u32 s4, $0x6  }
0x9b: {  	s1 =	sadd.s32 s2, s20;
	s5 =	sshrl.u32 s9, $0x3;
	s0 =	sor.u32 $0x1C05, s0  }
0x9c: {  	[hbm:s1], [sflag:s0] =	dma.local [spmem:s5], $0x1900  }
0x9d: {  	_ =	swait.ge [sflag:s15], $0x1900  }
0x9e: {  	[sflag:s15] =	ssyncset.done $0x0  }
0x9f: {  	[sflag:s15] =	ssyncadd.s32 $0xFFFFE700  }
.LBB2_16:
0xa0: {  	s19 =	sadd.s32 $0x1, s19  }
0xa1: {  	s0 =	sxor.u32 s19, s6  }
0xa2: {  	p1 =	sne.s32 s0, $0xD  }
.Ltmp3:
0xa3: {  	_ = 	snop;
	(pc) =	sbr.rel @!p1 .LBB2_17-.Ltmp3, $2  }
0xa4: {  	_ =	sdelay $0x1  }
0xa5: {  	[bflag:$0x0] =	sbarrier.arrive $0xFFFF;
	_ =	sdelay $0x1  }
.LBB2_2:
0xa6: {  	s20 =	sadd.s32 $0x0, s9  }
0xa7: {  	[spmem:s20] =	stream.linear.scatter [tilespmem:s16], [sflag:$0x5], $0x800, $0x38;
	[tilespmem:$0x1FD40] =	vst v63  }
0xa8: {  	s20 =	simm.s32 $0x2000;
	_ =	swait.ge [sflag:s15], $0x800  }
.LBB2_3:
0xa9: {  	s21 =	sshra.s32 s20, $0x2;
	[sflag:s15] =	ssyncset.done $0x0;
	p1 =	sne.s32 s20, $0x30000  }
.Ltmp4:
0xaa: {  	s21 =	sadd.s32 s21, s9;
	[sflag:s15] =	ssyncadd.s32 $0xFFFFF800;
	(pc) =	sbr.rel @p1 .LBB2_3-.Ltmp4, $3  }
0xab: {  	[spmem:s21] =	stream.linear.scatter [tilespmem:s16], [sflag:$0x5], $0x800, $0x38;
	[tilespmem:$0x1FD40] =	vst v63  }
0xac: {  	s20 =	sadd.s32 $0x2000, s20;
	_ =	sdelay $0x1  }
0xad: {  	_ =	swait.ge [sflag:s15], $0x800  }
0xae: {  	[sflag:s15] =	ssyncset.done $0x0  }
0xaf: {  	s20 =	simm.s32 @!p0 $0x12D00;
	[sflag:s15] =	ssyncadd.s32 $0xFFFFF800  }
0xb0: {  	[spmem:s10] =	stream.linear.scatter @!p0 [tilespmem:s20], [sflag:$0x5], $0x400, $0x38;
	[tilespmem:$0x1FD40] =	vst v63  }
0xb1: {  	s20 =	simm.s32 @!p0 $0x5  }
0xb2: {  	_ =	swait.ge @!p0 [sflag:s20], $0x400  }
0xb3: {  	[sflag:s20] =	ssyncset.done @!p0 $0x0  }
0xb4: {  	s21 =	sshll.u32 s19, $0x1;
	[sflag:s20] =	ssyncadd.s32 @!p0 $0xFFFFFC00  }
0xb5: {  	s22 =	simm.s32 $0x0;
	s20 =	sor.u32 s6, s21;
	[bflag:$0x0] =	sbarrier.arrive $0xFFFF  }
0xb6: {  	s21 =	smul.u32 $0x1900, s20;
	v8 =	vld [tilespmem:s22+$0x0];
	_ =	sdelay $0x1  }
0xb7: {  	s23 =	smin.u32 s21, $0x25800  }
0xb8: {  	s23 =	sadd.s32 $0x1900, s23  }
0xb9: {  	v6 =	vmov s21;
	v7 =	vmov s23  }
0xba: {  	vm0 =	vge.s32 v8, v6;
	vm1 =	vlt.s32 v8, v7  }
0xbb: {  	vm0 =	vmand vm0, vm1  }
0xbc: {  	v9 =	vsel vm0, $0x1, v3  }
0xbd: {  	(xrf0) =	vadd.scan.msk.s32 $0xffff, v9;
	_ =	sdelay $0x2  }
0xbe: {  	v60 =	vld [tilespmem:s22+$0x10];
	_ =	sdelay $0x2  }
0xbf: {  	v10, _, _ =	vpop (xrf0)  }
0xc0: {  	(v2sf) =	vpush v10, $0xF  }
0xc1: {  	vm15 =	vge.s32 v60, v6;
	vm2 =	vlt.s32 v60, v7  }
0xc2: {  	vm1 =	vmand vm15, vm2  }
0xc3: {  	v11 =	vsel vm1, $0x1, v3  }
0xc4: {  	(xrf0) =	vadd.scan.msk.s32 $0xffff, v11;
	_ =	sdelay $0x5  }
0xc5: {  	v11, _, _ =	vpop (xrf0)  }
0xc6: {  	(v2sf) =	vpush v11, $0xF;
	_ =	sdelay $0x3  }
0xc7: {  	s26 =	simm.s32 $0x0;
	s28 =	spop (v2sf)  }
0xc8: {  	v12 =	vmov s26;
	s29 =	sadd.s32 $0x0, s28  }
0xc9: {  	v12 =	vadd.s32 $0xFFFFFFFF, v12;
	v13 =	vmov s29  }
0xca: {  	v12 =	vbroadcast v12, $0x0;
	v13 =	vadd.s32 $0xFFFFFFFF, v13  }
0xcb: {  	v13 =	vbroadcast v13, $0x0  }
0xcc: {  	v10 =	vadd.s32 v10, v12  }
0xcd: {  	s30 =	sadd.s32 $0xFFFFFFF0, s14;
	v10 =	vsel vm0, v10, v4;
	v11 =	vadd.s32 v11, v13  }
0xce: {  	v61 =	vmov s30;
	v11 =	vsel vm1, v11, v4  }
0xcf: {  	v62 =	vmov s14;
	v12 =	vshll.u32 v61, $0xD  }
0xd0: {  	v8 =	vsub.s32 v8, v6;
	v12 =	vor.u32 v1, v12;
	v13 =	vshll.u32 v62, $0xD  }
0xd1: {  	v9 =	vsub.s32 v60, v6;
	v8 =	vor.u32 v12, v8;
	v63 =	vor.u32 v1, v13  }
0xd2: {  	s25 =	simm.s32 $0x20;
	[tilespmem:v10+s17+$0x0] =	vst.idx.msk $0xffff, v8;
	s31 =	spop (v2sf);
	v8 =	vor.u32 v63, v9  }
0xd3: {  	s24 =	simm.s32 $0x100;
	s22 =	smov.u32 s14;
	s23 =	sadd.s32 s31, s29;
	[tilespmem:v11+s17+$0x0] =	vst.idx.msk $0xffff, v8  }
.LBB2_5:
0xd4: {  	p1 =	sne.s32 s24, $0x1D400;
	v8 =	vld [tilespmem:s25+$0x0]  }
0xd5: {  	v9 =	vld [tilespmem:s25+$0x10];
	_ =	sdelay $0x3  }
0xd6: {  	vm0 =	vge.s32 v8, v6;
	vm1 =	vlt.s32 v8, v7  }
0xd7: {  	vm0 =	vmand vm0, vm1;
	vm1 =	vge.s32 v9, v6;
	vm2 =	vlt.s32 v9, v7  }
0xd8: {  	v9 =	vsub.s32 v9, v6;
	vm1 =	vmand vm1, vm2;
	v10 =	vsel vm0, $0x1, v3  }
0xd9: {  	v11 =	vsel vm1, $0x1, v3;
	(xrf0) =	vadd.scan.msk.s32 $0xffff, v10  }
0xda: {  	(xrf0) =	vadd.scan.msk.s32 $0xffff, v11;
	_ =	sdelay $0x4  }
0xdb: {  	v10, _, _ =	vpop (xrf0)  }
0xdc: {  	v11, _, _ =	vpop (xrf0);
	(v2sf) =	vpush v10, $0xF  }
0xdd: {  	(v2sf) =	vpush v11, $0xF;
	_ =	sdelay $0xd  }
0xde: {  	s25 =	spop (v2sf)  }
0xdf: {  	v12 =	vmov s23;
	s23 =	sadd.s32 s23, s25;
	s25 =	spop (v2sf)  }
0xe0: {  	v12 =	vadd.s32 $0xFFFFFFFF, v12;
	v13 =	vmov s23;
	s23 =	sadd.s32 s25, s23  }
0xe1: {  	v12 =	vbroadcast v12, $0x0;
	v13 =	vadd.s32 $0xFFFFFFFF, v13  }
0xe2: {  	v13 =	vbroadcast v13, $0x0  }
0xe3: {  	s22 =	sadd.s32 $0x20, s22;
	v10 =	vadd.s32 v10, v12  }
0xe4: {  	v10 =	vsel vm0, v10, v4;
	s25 =	sadd.s32 $0xFFFFFFF0, s22;
	v11 =	vadd.s32 v11, v13  }
0xe5: {  	v12 =	vmov s25;
	v11 =	vsel vm1, v11, v4  }
.Ltmp5:
0xe6: {  	v12 =	vshll.u32 v12, $0xD;
	v13 =	vmov s22;
	(pc) =	sbr.rel @p1 .LBB2_5-.Ltmp5, $4  }
0xe7: {  	v8 =	vsub.s32 v8, v6;
	v12 =	vor.u32 v1, v12;
	v13 =	vshll.u32 v13, $0xD  }
0xe8: {  	v8 =	vor.u32 v12, v8;
	v12 =	vor.u32 v1, v13  }
0xe9: {  	[tilespmem:v10+s17+$0x0] =	vst.idx.msk $0xffff, v8;
	v8 =	vor.u32 v12, v9  }
0xea: {  	s25 =	sshra.s32 s24, $0x2;
	s24 =	sadd.s32 $0x80, s24;
	[tilespmem:v11+s17+$0x0] =	vst.idx.msk $0xffff, v8  }
0xeb: {  	v8 =	vld [tilespmem:s25+$0x0];
	_ =	sdelay $0x4  }
0xec: {  	vm0 =	vge.s32 v8, v6;
	vm1 =	vlt.s32 v8, v7  }
0xed: {  	vm0 =	vmand vm0, vm1  }
0xee: {  	v9 =	vsel vm0, $0x1, v3  }
0xef: {  	(xrf0) =	vadd.scan.msk.s32 $0xffff, v9;
	_ =	sdelay $0x5  }
0xf0: {  	v9, _, _ =	vpop (xrf0)  }
0xf1: {  	(v2sf) =	vpush v9, $0xF;
	_ =	sdelay $0x5  }
0xf2: {  	v10 =	vld [tilespmem:s25+$0x10];
	_ =	sdelay $0x4  }
0xf3: {  	vm13 =	vge.s32 v10, v6;
	vm2 =	vlt.s32 v10, v7  }
0xf4: {  	vm1 =	vmand vm13, vm2  }
0xf5: {  	v11 =	vsel vm1, $0x1, v3  }
0xf6: {  	(xrf0) =	vadd.scan.msk.s32 $0xffff, v11  }
0xf7: {  	s24 =	spop (v2sf)  }
0xf8: {  	v54 =	vmov s23;
	s5 =	sadd.s32 s23, s24  }
0xf9: {  	v11 =	vadd.s32 $0xFFFFFFFF, v54;
	v12 =	vmov s5  }
0xfa: {  	v11 =	vbroadcast v11, $0x0;
	v12 =	vadd.s32 $0xFFFFFFFF, v12  }
0xfb: {  	v12 =	vbroadcast v12, $0x0  }
0xfc: {  	s22 =	sadd.s32 $0x20, s22;
	v9 =	vadd.s32 v9, v11;
	v13, _, _ =	vpop (xrf0)  }
0xfd: {  	s8 =	sadd.s32 $0xFFFFFFF0, s22;
	v9 =	vsel vm0, v9, v4;
	v55 =	vadd.s32 v13, v12  }
0xfe: {  	v56 =	vmov s8;
	v11 =	vsel vm1, v55, v4  }
0xff: {  	v14 =	vmov s22;
	v12 =	vshll.u32 v56, $0xD  }
0x100: {  	v14 =	vshll.u32 v14, $0xD;
	v8 =	vsub.s32 v8, v6;
	v12 =	vor.u32 v1, v12  }
0x101: {  	v57 =	vor.u32 v1, v14;
	v10 =	vsub.s32 v10, v6;
	v8 =	vor.u32 v12, v8  }
0x102: {  	v58 =	vor.u32 v57, v10;
	[tilespmem:v9+s17+$0x0] =	vst.idx.msk $0xffff, v8  }
0x103: {  	[tilespmem:v11+s17+$0x0] =	vst.idx.msk $0xffff, v58  }
0x104: {  	v8 =	vld [tilespmem:$0x7520];
	_ =	sdelay $0x4  }
0x105: {  	vm14 =	vge.s32 v8, v6;
	vm15 =	vlt.s32 v8, v7  }
0x106: {  	vm0 =	vmand vm14, vm15  }
0x107: {  	v7 =	vsel vm0, $0x1, v3  }
0x108: {  	(xrf0) =	vadd.scan.msk.s32 $0xffff, v7  }
0x109: {  	(v2sf) =	vpush v13, $0xF;
	_ =	sdelay $0x4  }
0x10a: {  	v7, _, _ =	vpop (xrf0)  }
0x10b: {  	(v2sf) =	vpush v7, $0xF;
	_ =	sdelay $0x8  }
0x10c: {  	s13 =	spop (v2sf)  }
0x10d: {  	s22 =	sadd.s32 s13, s5  }
0x10e: {  	v59 =	vmov s22  }
0x10f: {  	v9 =	vadd.s32 $0xFFFFFFFF, v59  }
0x110: {  	v9 =	vbroadcast v9, $0x0;
	_ =	sdelay $0x1  }
0x111: {  	v7 =	vadd.s32 v7, v9;
	s18 =	spop (v2sf)  }
0x112: {  	v7 =	vsel vm0, v7, v4;
	s22 =	sadd.s32 s22, s18  }
0x113: {  	v60 =	vadd.s32 s22, v0;
	s23 =	sadd.s32 $0x10, s22  }
0x114: {  	s24 =	sadd.s32 $0x20, s22;
	s25 =	sadd.s32 $0x3F, s22;
	v61 =	vadd.s32 s23, v0  }
0x115: {  	v6 =	vsub.s32 v8, v6;
	s22 =	sadd.s32 $0x30, s22;
	v62 =	vadd.s32 s24, v0;
	s26 =	sand.u32 $0x3F, s25  }
0x116: {  	v6 =	vor.u32 v2, v6;
	v63 =	vadd.s32 s22, v0;
	s28 =	sshra.s32 s25, $0x1F;
	p1 =	slt.s32 s25, $0x1;
	p2 =	sne.s32 s26, $0x0  }
0x117: {  	[tilespmem:v7+s17+$0x0] =	vst.idx.msk $0xffff, v6;
	s22 =	sshrl.u32 s28, $0x1A;
	p1 =	por !p1, !p2  }
0x118: {  	s23 =	simm.s32 $0x1;
	s22 =	sadd.s32 s22, s25;
	p1 =	por !p1, !p1;
	[tilespmem:v60+s17+$0x0] =	vst.idx.msk $0xffff, v5  }
0x119: {  	s22 =	sshra.s32 s22, $0x6;
	s23 =	simm.s32 @!p1 $0x0;
	[tilespmem:v61+s17+$0x0] =	vst.idx.msk $0xffff, v5  }
0x11a: {  	s22 =	ssub.s32 s22, s23;
	[tilespmem:v62+s17+$0x0] =	vst.idx.msk $0xffff, v5  }
0x11b: {  	p1 =	slt.s32 s22, $0x1;
	[tilespmem:v63+s17+$0x0] =	vst.idx.msk $0xffff, v5  }
0x11c: {  	v6 =	vld @!p1 [tilespmem:$0x7580];
	_ =	sdelay $0x1  }
0x11d: {  	v7 =	vld @!p1 [tilespmem:$0x7590];
	_ =	sdelay $0x1  }
0x11e: {  	v8 =	vld @!p1 [tilespmem:$0x75A0]  }
0x11f: {  	v9 =	vshrl.u32 @!p1 v6, $0xD  }
0x120: {  	v6 =	vand.u32 @!p1 $0x1FFF, v6;
	[tilespmem:$0x12B00] =	vst @!p1 v9;
	v9 =	vld @!p1 [tilespmem:$0x75B0]  }
0x121: {  	[tilespmem:$0x12C00] =	vst @!p1 v6;
	v6 =	vshrl.u32 @!p1 v7, $0xD  }
0x122: {  	[tilespmem:$0x12B10] =	vst @!p1 v6;
	v6 =	vand.u32 @!p1 $0x1FFF, v7  }
0x123: {  	[tilespmem:$0x12C10] =	vst @!p1 v6;
	v6 =	vshrl.u32 @!p1 v8, $0xD  }
0x124: {  	[tilespmem:$0x12B20] =	vst @!p1 v6;
	v6 =	vand.u32 @!p1 $0x1FFF, v8  }
0x125: {  	s29 =	sadd.s32 $0x1, s22;
	[tilespmem:$0x12C20] =	vst @!p1 v6;
	v6 =	vshrl.u32 @!p1 v9, $0xD  }
0x126: {  	p5 =	slt.s32 s22, $0x0;
	s23 =	simm.s32 @!p1 $0x40;
	s30 =	sand.u32 $0x1, s29;
	[tilespmem:$0x12B30] =	vst @!p1 v6;
	v6 =	vand.u32 @!p1 $0x1FFF, v9  }
0x127: {  	s24 =	simm.s32 @!p1 $0x12B00;
	s25 =	simm.s32 @!p1 $0xEB00;
	p6 =	seq.s32 s30, $0x1;
	[tilespmem:$0x12C30] =	vst @!p1 v6  }
0x128: {  	[tilespmem:s25], [sflag:$0x1] =	stream.indirect.gather @!p1 [hbm4b:s7+s23], $0x80, s24, s23, $0xb8;
	[tilespmem:$0x1FD40] =	vst v63  }
0x129: {  	s31 =	sshrl.u32 s29, $0x1F;
	p1 =	por !p5, !p6  }
0x12a: {  	s23 =	sadd.s32 s31, s29;
	s24 =	simm.s32 $0x1;
	p1 =	por !p1, !p1  }
0x12b: {  	s23 =	sshra.s32 s23, $0x1;
	s24 =	simm.s32 @!p1 $0x0  }
0x12c: {  	s26 =	ssub.s32 s23, s24  }
0x12d: {  	p1 =	slt.s32 s26, $0x1  }
.Ltmp6:
0x12e: {  	_ = 	snop;
	(pc) =	sbr.rel @p1 .LBB2_10-.Ltmp6, $1  }
0x12f: {  	_ =	sdelay $0x3  }
0x130: {  	p1 =	sle.s32 s22, $0x0  }
0x131: {  	s23 =	simm.s32 @!p1 $0x1  }
0x132: {  	p2 =	por @!p1 $0x1, $0x1;
	_ =	swait.ge @!p1 [sflag:s23], $0x2000  }
0x133: {  	p2 =	por p2, p1;
	[sflag:s23] =	ssyncset.done @!p1 $0x0  }
0x134: {  	s24 =	simm.s32 @!p2 $0x4;
	[sflag:s23] =	ssyncadd.s32 @!p1 $0xFFFFE000  }
0x135: {  	_ =	swait.ge @!p2 [sflag:s24], $0x2000  }
0x136: {  	p3 =	sle.s32 @!p1 s22, $0x1;
	[sflag:s24] =	ssyncset.done @!p2 $0x0  }
0x137: {  	p3 =	por p3, p1;
	s23 =	simm.s32 $0x7630;
	[sflag:s24] =	ssyncadd.s32 @!p2 $0xFFFFE000  }
0x138: {  	v6 =	vld @!p3 [tilespmem:s23+$0xFFFFFF90];
	_ =	sdelay $0x4  }
0x139: {  	v7 =	vshrl.u32 @!p3 v6, $0xD  }
0x13a: {  	s24 =	simm.s32 $0x40;
	v6 =	vand.u32 @!p3 $0x1FFF, v6;
	[tilespmem:$0x12B80] =	vst @!p3 v7  }
0x13b: {  	s25 =	sor.u32 @!p3 $0x50, s24;
	[tilespmem:$0x12C80] =	vst @!p3 v6  }
0x13c: {  	v6 =	vld @!p3 [tilespmem:s25+$0x7580];
	_ =	sdelay $0x4  }
0x13d: {  	v7 =	vshrl.u32 @!p3 v6, $0xD  }
0x13e: {  	v6 =	vand.u32 @!p3 $0x1FFF, v6;
	[tilespmem:$0x12B90] =	vst @!p3 v7  }
0x13f: {  	s25 =	sor.u32 @!p3 $0x60, s24;
	[tilespmem:$0x12C90] =	vst @!p3 v6  }
0x140: {  	v6 =	vld @!p3 [tilespmem:s25+$0x7580];
	_ =	sdelay $0x4  }
0x141: {  	v7 =	vshrl.u32 @!p3 v6, $0xD  }
0x142: {  	v6 =	vand.u32 @!p3 $0x1FFF, v6;
	[tilespmem:$0x12BA0] =	vst @!p3 v7  }
0x143: {  	s25 =	sor.u32 @!p3 $0x70, s24;
	[tilespmem:$0x12CA0] =	vst @!p3 v6  }
0x144: {  	v6 =	vld @!p3 [tilespmem:s25+$0x7580];
	_ =	sdelay $0x4  }
0x145: {  	s25 =	sadd.s32 $0xFFFFFFFF, s22;
	v7 =	vshrl.u32 @!p3 v6, $0xD  }
0x146: {  	s28 =	simm.s32 @!p3 $0x10B00;
	p2 =	sle.s32 s25, $0x0;
	v6 =	vand.u32 @!p3 $0x1FFF, v6;
	[tilespmem:$0x12BB0] =	vst @!p3 v7  }
0x147: {  	s29 =	simm.s32 @!p3 $0x40;
	s30 =	simm.s32 @!p3 $0x12B80;
	s31 =	simm.s32 @!p2 $0x2;
	[tilespmem:$0x12CB0] =	vst @!p3 v6  }
0x148: {  	[tilespmem:s28], [sflag:$0x2] =	stream.indirect.gather @!p3 [hbm4b:s7+s29], $0x80, s30, s29, $0xb8;
	[tilespmem:$0x1FD40] =	vst v63  }
0x149: {  	s28 =	simm.s32 @!p1 $0x40;
	s29 =	simm.s32 @!p1 $0x12C00;
	s30 =	simm.s32 @!p1 $0xEB00  }
0x14a: {  	[spmem:s3] =	stream.indirect.scatter.add.f32 @!p1 [tilespmem:s30], [sflag:$0x3], $0x80, s29, s28, $0xb8;
	[tilespmem:$0x1FD40] =	vst v63  }
0x14b: {  	_ =	swait.ge @!p2 [sflag:s31], $0x2000  }
0x14c: {  	[sflag:s31] =	ssyncset.done @!p2 $0x0  }
0x14d: {  	s28 =	simm.s32 @!p2 $0x3;
	[sflag:s31] =	ssyncadd.s32 @!p2 $0xFFFFE000  }
0x14e: {  	_ =	swait.ge @!p2 [sflag:s28], $0x2000  }
0x14f: {  	p1 =	sle.s32 @!p2 s22, $0x2;
	[sflag:s28] =	ssyncset.done @!p2 $0x0  }
0x150: {  	p3 =	por p1, p2;
	[sflag:s28] =	ssyncadd.s32 @!p2 $0xFFFFE000  }
0x151: {  	v6 =	vld @!p3 [tilespmem:s23+$0xFFFFFFD0];
	_ =	sdelay $0x4  }
0x152: {  	v7 =	vshrl.u32 @!p3 v6, $0xD  }
0x153: {  	v6 =	vand.u32 @!p3 $0x1FFF, v6;
	[tilespmem:$0x12B00] =	vst @!p3 v7  }
0x154: {  	[tilespmem:$0x12C00] =	vst @!p3 v6  }
0x155: {  	v6 =	vld @!p3 [tilespmem:s23+$0xFFFFFFE0];
	_ =	sdelay $0x4  }
0x156: {  	v7 =	vshrl.u32 @!p3 v6, $0xD  }
0x157: {  	v6 =	vand.u32 @!p3 $0x1FFF, v6;
	[tilespmem:$0x12B10] =	vst @!p3 v7  }
0x158: {  	[tilespmem:$0x12C10] =	vst @!p3 v6  }
0x159: {  	s26 =	sadd.s32 $0xFFFFFFFF, s26;
	v6 =	vld @!p3 [tilespmem:s23+$0xFFFFFFF0]  }
0x15a: {  	p1 =	sne.s32 s26, $0x0  }
.Ltmp7:
0x15b: {  	_ = 	snop;
	(pc) =	sbr.rel @!p1 .LBB2_9-.Ltmp7, $3  }
0x15c: {  	_ =	sdelay $0x1  }
0x15d: {  	v7 =	vshrl.u32 @!p3 v6, $0xD  }
0x15e: {  	s29 =	simm.s32 $0x76B0;
	s28 =	simm.s32 $0x0;
	v6 =	vand.u32 @!p3 $0x1FFF, v6;
	[tilespmem:$0x12B20] =	vst @!p3 v7  }
.LBB2_8:
0x15f: {  	s26 =	sadd.s32 $0xFFFFFFFF, s26;
	[tilespmem:$0x12C20] =	vst @!p3 v6;
	s28 =	sadd.s32 $0x2, s28;
	s24 =	sadd.s32 $0x80, s24  }
0x160: {  	p1 =	sne.s32 s26, $0x0;
	v6 =	vld @!p3 [tilespmem:s23+$0x0];
	s23 =	smov.u32 s29;
	_ =	sdelay $0x3  }
0x161: {  	s30 =	simm.s32 @!p2 $0x10B00  }
0x162: {  	s31 =	simm.s32 @!p3 $0xEB00;
	s0 =	simm.s32 @!p2 $0x40;
	s1 =	simm.s32 @!p2 $0x12C80;
	v7 =	vshrl.u32 @!p3 v6, $0xD;
	v6 =	vand.u32 @!p3 $0x1FFF, v6  }
0x163: {  	s5 =	simm.s32 @!p3 $0x40;
	s8 =	simm.s32 @!p3 $0x12B00;
	p4 =	sge.s32 s28, s22;
	[tilespmem:$0x12B30] =	vst @!p3 v7  }
0x164: {  	s13 =	simm.s32 @!p4 $0x1;
	p5 =	seq.s32 @!p4 s28, $0x0;
	s18 =	sadd.s32 @!p4 $0x1, s28;
	[tilespmem:$0x12C30] =	vst @!p3 v6  }
0x165: {  	[tilespmem:s31], [sflag:$0x1] =	stream.indirect.gather @!p3 [hbm4b:s7+s5], $0x80, s8, s5, $0xb8;
	[tilespmem:$0x1FD40] =	vst v63  }
0x166: {  	p5 =	por p5, p4;
	p3 =	sge.s32 @!p4 s18, s22  }
0x167: {  	[spmem:s3] =	stream.indirect.scatter.add.f32 @!p2 [tilespmem:s30], [sflag:$0x4], $0x80, s1, s0, $0xb8;
	[tilespmem:$0x1FD40] =	vst v63  }
0x168: {  	s0 =	simm.s32 @!p5 $0x4;
	_ =	swait.ge @!p4 [sflag:s13], $0x2000  }
0x169: {  	[sflag:s13] =	ssyncset.done @!p4 $0x0  }
0x16a: {  	[sflag:s13] =	ssyncadd.s32 @!p4 $0xFFFFE000  }
0x16b: {  	p3 =	por p3, p4;
	_ =	swait.ge @!p5 [sflag:s0], $0x2000  }
0x16c: {  	[sflag:s0] =	ssyncset.done @!p5 $0x0  }
0x16d: {  	[sflag:s0] =	ssyncadd.s32 @!p5 $0xFFFFE000  }
0x16e: {  	v6 =	vld @!p3 [tilespmem:s29+$0xFFFFFF90];
	_ =	sdelay $0x4  }
0x16f: {  	v7 =	vshrl.u32 @!p3 v6, $0xD;
	v6 =	vand.u32 @!p3 $0x1FFF, v6  }
0x170: {  	[tilespmem:$0x12B80] =	vst @!p3 v7  }
0x171: {  	s0 =	sor.u32 @!p3 $0x50, s24;
	[tilespmem:$0x12C80] =	vst @!p3 v6  }
0x172: {  	v6 =	vld @!p3 [tilespmem:s0+$0x7580];
	_ =	sdelay $0x4  }
0x173: {  	v7 =	vshrl.u32 @!p3 v6, $0xD;
	v6 =	vand.u32 @!p3 $0x1FFF, v6  }
0x174: {  	[tilespmem:$0x12B90] =	vst @!p3 v7  }
0x175: {  	s0 =	sor.u32 @!p3 $0x60, s24;
	[tilespmem:$0x12C90] =	vst @!p3 v6  }
0x176: {  	v6 =	vld @!p3 [tilespmem:s0+$0x7580];
	_ =	sdelay $0x4  }
0x177: {  	v7 =	vshrl.u32 @!p3 v6, $0xD;
	v6 =	vand.u32 @!p3 $0x1FFF, v6  }
0x178: {  	[tilespmem:$0x12BA0] =	vst @!p3 v7  }
0x179: {  	s0 =	sor.u32 @!p3 $0x70, s24;
	[tilespmem:$0x12CA0] =	vst @!p3 v6  }
0x17a: {  	v6 =	vld @!p3 [tilespmem:s0+$0x7580];
	_ =	sdelay $0x4  }
0x17b: {  	v7 =	vshrl.u32 @!p3 v6, $0xD;
	v6 =	vand.u32 @!p3 $0x1FFF, v6  }
0x17c: {  	p2 =	sge.s32 s28, s25;
	s0 =	simm.s32 @!p3 $0x10B00;
	[tilespmem:$0x12BB0] =	vst @!p3 v7  }
0x17d: {  	s1 =	simm.s32 @!p3 $0x40;
	s5 =	simm.s32 @!p3 $0x12B80;
	s8 =	simm.s32 @!p2 $0x2;
	[tilespmem:$0x12CB0] =	vst @!p3 v6  }
0x17e: {  	[tilespmem:s0], [sflag:$0x2] =	stream.indirect.gather @!p3 [hbm4b:s7+s1], $0x80, s5, s1, $0xb8;
	[tilespmem:$0x1FD40] =	vst v63  }
0x17f: {  	s0 =	simm.s32 @!p4 $0x40;
	s1 =	simm.s32 @!p4 $0x12C00;
	s5 =	simm.s32 @!p4 $0xEB00  }
0x180: {  	[spmem:s3] =	stream.indirect.scatter.add.f32 @!p4 [tilespmem:s5], [sflag:$0x3], $0x80, s1, s0, $0xb8;
	[tilespmem:$0x1FD40] =	vst v63  }
0x181: {  	s0 =	sadd.s32 @!p2 $0x2, s28;
	_ =	swait.ge @!p2 [sflag:s8], $0x2000  }
0x182: {  	p3 =	sge.s32 @!p2 s0, s22;
	[sflag:s8] =	ssyncset.done @!p2 $0x0  }
0x183: {  	s0 =	simm.s32 @!p2 $0x3;
	[sflag:s8] =	ssyncadd.s32 @!p2 $0xFFFFE000  }
0x184: {  	_ =	swait.ge @!p2 [sflag:s0], $0x2000  }
0x185: {  	[sflag:s0] =	ssyncset.done @!p2 $0x0  }
0x186: {  	p3 =	por p3, p2;
	[sflag:s0] =	ssyncadd.s32 @!p2 $0xFFFFE000  }
0x187: {  	v6 =	vld @!p3 [tilespmem:s29+$0xFFFFFFD0];
	_ =	sdelay $0x4  }
0x188: {  	v7 =	vshrl.u32 @!p3 v6, $0xD;
	v6 =	vand.u32 @!p3 $0x1FFF, v6  }
0x189: {  	[tilespmem:$0x12B00] =	vst @!p3 v7  }
0x18a: {  	[tilespmem:$0x12C00] =	vst @!p3 v6  }
0x18b: {  	v6 =	vld @!p3 [tilespmem:s29+$0xFFFFFFE0];
	_ =	sdelay $0x4  }
0x18c: {  	v7 =	vshrl.u32 @!p3 v6, $0xD;
	v6 =	vand.u32 @!p3 $0x1FFF, v6  }
0x18d: {  	[tilespmem:$0x12B10] =	vst @!p3 v7  }
0x18e: {  	[tilespmem:$0x12C10] =	vst @!p3 v6  }
0x18f: {  	v6 =	vld @!p3 [tilespmem:s29+$0xFFFFFFF0];
	_ =	sdelay $0x1  }
.Ltmp8:
0x190: {  	(pc) =	sbr.rel @p1 .LBB2_8-.Ltmp8, $3  }
0x191: {  	_ =	sdelay $0x1  }
0x192: {  	v7 =	vshrl.u32 @!p3 v6, $0xD;
	v6 =	vand.u32 @!p3 $0x1FFF, v6  }
0x193: {  	s29 =	sadd.s32 $0x80, s29;
	[tilespmem:$0x12B20] =	vst @!p3 v7  }
.LBB2_9:
0x194: {  	[tilespmem:$0x12C20] =	vst @!p3 v6  }
0x195: {  	v6 =	vld @!p3 [tilespmem:s23+$0x0];
	_ =	sdelay $0x4  }
0x196: {  	v7 =	vshrl.u32 @!p3 v6, $0xD  }
0x197: {  	v6 =	vand.u32 @!p3 $0x1FFF, v6;
	[tilespmem:$0x12B30] =	vst @!p3 v7  }
0x198: {  	s0 =	simm.s32 @!p3 $0xEB00;
	s1 =	simm.s32 @!p3 $0x40;
	s5 =	simm.s32 @!p3 $0x12B00;
	[tilespmem:$0x12C30] =	vst @!p3 v6  }
0x199: {  	[tilespmem:s0], [sflag:$0x1] =	stream.indirect.gather @!p3 [hbm4b:s7+s1], $0x80, s5, s1, $0xb8;
	[tilespmem:$0x1FD40] =	vst v63  }
0x19a: {  	s0 =	simm.s32 @!p2 $0x10B00;
	s1 =	simm.s32 @!p2 $0x40;
	s5 =	simm.s32 @!p2 $0x12C80  }
0x19b: {  	[spmem:s3] =	stream.indirect.scatter.add.f32 @!p2 [tilespmem:s0], [sflag:$0x4], $0x80, s5, s1, $0xb8;
	[tilespmem:$0x1FD40] =	vst v63  }
.LBB2_10:
0x19c: {  	s0 =	sand.u32 $0x1, s22  }
0x19d: {  	p1 =	seq.s32 s0, $0x1  }
0x19e: {  	p2 =	seq.s32 @!p1 s22, $0x0  }
0x19f: {  	p2 =	por p1, !p2  }
.Ltmp9:
0x1a0: {  	_ = 	snop;
	(pc) =	sbr.rel @!p2 .LBB2_12-.Ltmp9, $1  }
0x1a1: {  	_ =	sdelay $0x3  }
0x1a2: {  	s0 =	simm.s32 @!p1 $0x4  }
0x1a3: {  	s0 =	simm.s32 @p1 $0x3  }
0x1a4: {  	_ =	swait.ge [sflag:s0], $0x2000  }
0x1a5: {  	[sflag:s0] =	ssyncset.done $0x0  }
0x1a6: {  	[sflag:s0] =	ssyncadd.s32 $0xFFFFE000  }
.LBB2_12:
0x1a7: {  	p1 =	sgt.u32 s19, $0xB  }
.Ltmp10:
0x1a8: {  	_ = 	snop;
	(pc) =	sbr.rel @!p1 .LBB2_13-.Ltmp10, $2  }
0x1a9: {  	_ =	sdelay $0x1  }
0x1aa: {  	[bflag:$0x0] =	sbarrier.arrive $0xFFFF;
	_ =	sdelay $0x1  }
0x1ab: {  	p1 =	sne.s32 s20, $0x18  }
.Ltmp11:
0x1ac: {  	_ = 	snop;
	(pc) =	sbr.rel @p1 .LBB2_16-.Ltmp11, $4  }
.Ltmp12:
0x1ad: {  	_ = 	snop;
	(pc) =	sbr.rel @!p1 .LBB2_15-.Ltmp12, $4  }
0x1ae: {  	_ = 	snop  }
0x1af: {  	_ = 	snop  }
0x1b0: {  	s20 =	smov.u32 s11  }
0x1b1: {  	_ = 	snop  }
.LBB2_18:
0x1b2: {  	_ =	sfence.sel $0x180000  }
0x1b3: {  	[bflag:$0x0] =	sbarrier.arrive $0xFFFF  }
0x1b4: {  	_ =	strace $0x9000004A  }
0x1b5: {  	[bflag:$0x2] =	sbarrier.arrive $0xFFFF  }
0x1b6: {  	p0 =	sne.s32 s4, $0x0;
	s0 =	rddreg [dreg:$0x5]  }
0x1b7: {  	s0 =	sadd.s32 @!p0 $0x100000, s0  }
0x1b8: {  	[sflag:s0] =	ssyncadd.tile.s32 @!p0 $0x1;
	_ =	shalt  }
.Lfunc_end2:
_tile_overlayer_lowered:
.L_overlay_start_2:
0x1b9: {  	(tag) =	ssettag $0x2  }
0x1ba: {  	s0 =	rddreg [dreg:$0x0];
	s2 =	stileid.u32  }
0x1bb: {  	s1 =	rddreg [dreg:$0x1];
	p0 =	sne.s32 s2, $0x0  }
0x1bc: {  	s3 =	rddreg [dreg:$0x2];
	[bflag:$0x3] =	sbarrier.arrive $0xFFFF;
	s2 =	simm.s32 @!p0 $0x1C05  }
0x1bd: {  	[timem:s3], [sflag:s2] =	dma.local @!p0 [hbm:s0], s1  }
0x1be: {  	s0 =	simm.s32 @!p0 $0x5  }
0x1bf: {  	_ =	swait.ge @!p0 [sflag:s0], s1  }
0x1c0: {  	s1 =	ssub.s32 @!p0 $0x0, s1;
	[sflag:s0] =	ssyncset.done @!p0 $0x0  }
0x1c1: {  	[sflag:s0] =	ssyncadd.s32 @!p0 s1  }
0x1c2: {  	[bflag:$0x3] =	sbarrier.arrive $0xFFFF  }
0x1c3: {  	_ =	shalt  }

</sc_bundles>
